<compile_context>
chip_gen: v7x
topology: tpu7x:2x2x1
jax: 0.10.2.dev20260603
libtpu: 0.0.44.dev20260713+nightly
codegen_flags: <defaults>
</compile_context>

<pallas_src>
import functools

import jax
import jax.numpy as jnp
from jax import lax
from jax.experimental import pallas as pl
from jax.experimental.pallas import tpu as pltpu
from jax.experimental.pallas import tpu_sc as plsc

N = 10000
D = 128
D_IN = 37
E = 320000
NRES = 1000

NC, NS, L = 2, 16, 16
NCA = 1
NW = NCA * NS
NPAD = 10240
ROWS_PER_SUB = NPAD // NS

CHUNK = 128
ECH = 160
KBLK = 8
EPT = ECH * CHUNK
EPAD = NW * EPT

NRESPAD = 1024
APT = NPAD // NS
ACHUNK = 128
ACH = APT // ACHUNK

_mesh = plsc.VectorSubcoreMesh(
    core_axis_name="c", subcore_axis_name="s", num_cores=NC, num_subcores=NS)


def _zero_vmem_2d(ref, rows):
    z = jnp.zeros((L,), jnp.float32)

    def body(r, _):
        for colb in range(D // L):
            ref[r, pl.ds(colb * L, L)] = z
        return 0

    lax.fori_loop(0, rows, body, 0)


def _zero_vmem_1d(ref, n):
    z = jnp.zeros((L,), jnp.float32)

    def body(i, _):
        ref[pl.ds(i * L, L)] = z
        return 0

    lax.fori_loop(0, n // L, body, 0)


def _agg_body(with_counts, x_hbm, sidx_hbm, didx_hbm, *rest):
    if with_counts:
        (out_s, out_cnt, acc, sblk, dblk, rb, sem0, sem1,
         cntacc, ones, zb1) = rest
    else:
        out_s, acc, sblk, dblk, rb, sem0, sem1 = rest

    c = lax.axis_index("c")
    s = lax.axis_index("s")
    w = c * NS + s
    base = s * ROWS_PER_SUB
    active = c < NCA

    @pl.when(active)
    def _():
        z = jnp.zeros((L,), jnp.float32)

        def zrow(r, _):
            for colb in range(D // L):
                rb[0, r, pl.ds(colb * L, L)] = z
            return 0

        lax.fori_loop(0, CHUNK, zrow, 0)

        def zacc(k, _):
            pltpu.sync_copy(rb.at[0], acc.at[pl.ds(base + k * CHUNK, CHUNK)])
            return 0

        lax.fori_loop(0, ROWS_PER_SUB // CHUNK, zacc, 0)

        if with_counts:
            _zero_vmem_1d(zb1, ROWS_PER_SUB)
            pltpu.sync_copy(zb1, cntacc.at[pl.ds(base, ROWS_PER_SUB)])
            one = jnp.ones((L,), jnp.float32)

            def fill_ones(i, _):
                ones[pl.ds(i * L, L)] = one
                return 0

            lax.fori_loop(0, CHUNK // L, fill_ones, 0)

    plsc.subcore_barrier()

    @pl.when(active)
    def _():
        sems = (sem0, sem1)

        def blk(b, _):
            pltpu.sync_copy(sidx_hbm.at[w, pl.ds(b * KBLK, KBLK)], sblk)
            pltpu.sync_copy(didx_hbm.at[w, pl.ds(b * KBLK, KBLK)], dblk)
            pltpu.async_copy(x_hbm.at[sblk.at[0]], rb.at[0], sems[0])
            for k in range(KBLK):
                cur = k % 2
                if k + 1 < KBLK:
                    nxt = (k + 1) % 2
                    pltpu.async_copy(x_hbm.at[sblk.at[k + 1]], rb.at[nxt],
                                     sems[nxt])
                pltpu.make_async_copy(x_hbm.at[sblk.at[k]], rb.at[cur],
                                      sems[cur]).wait()
                pltpu.sync_copy(rb.at[cur], acc.at[dblk.at[k]], add=True)
                if with_counts:
                    pltpu.sync_copy(ones, cntacc.at[dblk.at[k]], add=True)
            return 0

        lax.fori_loop(0, ECH // KBLK, blk, 0)

    plsc.subcore_barrier()

    @pl.when(active)
    def _():
        pltpu.sync_copy(acc.at[pl.ds(base, ROWS_PER_SUB)],
                        out_s.at[c, pl.ds(base, ROWS_PER_SUB)])
        if with_counts:
            pltpu.sync_copy(cntacc.at[pl.ds(base, ROWS_PER_SUB)],
                            out_cnt.at[c, pl.ds(base, ROWS_PER_SUB)])


def _make_agg(with_counts):
    out_type = [jax.ShapeDtypeStruct((NCA, NPAD, D), jnp.float32)]
    scratch = [
        pltpu.VMEM_SHARED((NPAD, D), jnp.float32),
        pltpu.VMEM((KBLK, CHUNK), jnp.int32),
        pltpu.VMEM((KBLK, CHUNK), jnp.int32),
        pltpu.VMEM((2, CHUNK, D), jnp.float32),
        pltpu.SemaphoreType.DMA,
        pltpu.SemaphoreType.DMA,
    ]
    if with_counts:
        out_type.append(jax.ShapeDtypeStruct((NCA, NPAD), jnp.float32))
        scratch += [
            pltpu.VMEM_SHARED((NPAD,), jnp.float32),
            pltpu.VMEM((CHUNK,), jnp.float32),
            pltpu.VMEM((ROWS_PER_SUB,), jnp.float32),
        ]
    return pl.kernel(
        functools.partial(_agg_body, with_counts),
        out_type=tuple(out_type),
        mesh=_mesh,
        scratch_types=scratch,
    )


_agg_with_counts = _make_agg(True)
_agg_plain = _make_agg(False)


def _res_body(x_hbm, aidx_hbm, out_hbm, resacc, abuf, aidx, zbuf):
    c = lax.axis_index("c")
    s = lax.axis_index("s")

    @pl.when(c == 0)
    def _():
        _zero_vmem_2d(zbuf, 64)
        pltpu.sync_copy(zbuf, resacc.at[pl.ds(s * 64, 64)])
        pltpu.sync_copy(aidx_hbm.at[s], aidx)
        pltpu.sync_copy(x_hbm.at[pl.ds(s * APT, APT)], abuf)

    plsc.subcore_barrier()

    @pl.when(c == 0)
    def _():
        def ch(j, _):
            pltpu.sync_copy(abuf.at[pl.ds(j * ACHUNK, ACHUNK)],
                            resacc.at[aidx.at[j]], add=True)
            return 0

        lax.fori_loop(0, ACH, ch, 0)

    plsc.subcore_barrier()

    @pl.when(c == 0)
    def _():
        pltpu.sync_copy(resacc.at[pl.ds(s * 64, 64)],
                        out_hbm.at[pl.ds(s * 64, 64)])


_res_scatter = pl.kernel(
    _res_body,
    out_type=jax.ShapeDtypeStruct((NRESPAD, D), jnp.float32),
    mesh=_mesh,
    scratch_types=[
        pltpu.VMEM_SHARED((NRESPAD, D), jnp.float32),
        pltpu.VMEM((APT, D), jnp.float32),
        pltpu.VMEM((ACH, ACHUNK), jnp.int32),
        pltpu.VMEM((64, D), jnp.float32),
    ],
)



_RB = 1024


def _linear_body(x_ref, wt_ref, b_ref, o_ref):
    o_ref[:] = (jnp.dot(x_ref[:], wt_ref[:], preferred_element_type=jnp.float32)
                + b_ref[:])


def _tc_linear(x, wt, b):
    return pl.pallas_call(
        _linear_body,
        out_shape=jax.ShapeDtypeStruct((NPAD, D), jnp.float32),
        grid=(NPAD // _RB,),
        in_specs=[
            pl.BlockSpec((_RB, D), lambda i: (i, 0)),
            pl.BlockSpec((D, D), lambda i: (0, 0)),
            pl.BlockSpec((1, D), lambda i: (0, 0)),
        ],
        out_specs=pl.BlockSpec((_RB, D), lambda i: (i, 0)),
    )(x, wt, b)


def _combine_body(s_ref, cnt_ref, x_ref, wlt_ref, wrt_ref, b_ref, o_ref):
    sm = s_ref[0]
    cnt = cnt_ref[0]
    for i in range(1, NCA):
        sm = sm + s_ref[i]
        cnt = cnt + cnt_ref[i]
    agg = sm * (1.0 / jnp.maximum(cnt, 1.0))
    o_ref[:] = (jnp.dot(agg, wlt_ref[:], preferred_element_type=jnp.float32)
                + jnp.dot(x_ref[:], wrt_ref[:], preferred_element_type=jnp.float32)
                + b_ref[:])


def _tc_combine(s, cnt3, x, wlt, wrt, b):
    return pl.pallas_call(
        _combine_body,
        out_shape=jax.ShapeDtypeStruct((NPAD, D), jnp.float32),
        grid=(NPAD // _RB,),
        in_specs=[
            pl.BlockSpec((NCA, _RB, D), lambda i: (0, i, 0)),
            pl.BlockSpec((NCA, _RB, 1), lambda i: (0, i, 0)),
            pl.BlockSpec((_RB, D), lambda i: (i, 0)),
            pl.BlockSpec((D, D), lambda i: (0, 0)),
            pl.BlockSpec((D, D), lambda i: (0, 0)),
            pl.BlockSpec((1, D), lambda i: (0, 0)),
        ],
        out_specs=pl.BlockSpec((_RB, D), lambda i: (i, 0)),
    )(s, cnt3, x, wlt, wrt, b)



def kernel(resid_embedding, atom_onehot_embedding, edge_index_atom, res2atom_map,
           ln_W, ln_b, W1l, W1r, b1, W2l, W2r, b2, W3l, W3r, b3, W4l, W4r, b4):
    f32 = jnp.float32

    xin = jnp.zeros((NPAD, D), f32).at[:N, :D_IN].set(atom_onehot_embedding)
    lnWt = jnp.zeros((D, D), f32).at[:D_IN].set(ln_W.T)

    src = edge_index_atom[0].astype(jnp.int32)
    dst = edge_index_atom[1].astype(jnp.int32)
    pad_e = EPAD - E
    sidx = jnp.concatenate([src, jnp.zeros((pad_e,), jnp.int32)])
    didx = jnp.concatenate([dst, jnp.full((pad_e,), N, jnp.int32)])
    sidx = sidx.reshape(NW, ECH, CHUNK)
    didx = didx.reshape(NW, ECH, CHUNK)

    r2a = jnp.concatenate([
        res2atom_map.astype(jnp.int32),
        jnp.full((NPAD - N,), NRES, jnp.int32),
    ]).reshape(NS, ACH, ACHUNK)

    x = _tc_linear(xin, lnWt, ln_b.reshape(1, D))

    s, cnt = _agg_with_counts(x, sidx, didx)
    cnt3 = cnt.reshape(NCA, NPAD, 1)
    x = _tc_combine(s, cnt3, x, W1l.T, W1r.T, b1.reshape(1, D))

    for Wl, Wr, b in ((W2l, W2r, b2), (W3l, W3r, b3), (W4l, W4r, b4)):
        (s,) = _agg_plain(x, sidx, didx)
        x = _tc_combine(s, cnt3, x, Wl.T, Wr.T, b.reshape(1, D))

    res = _res_scatter(x, r2a)
    return res[:NRES]

# --- scband reference (transcript-rebuilt; emitter-appended) ---
"""Pipeline reference for scband-atom-model-25786983646092 (READ-ONLY COPY).

The authoritative reference and input builder live on the scoring server;
editing this copy changes nothing except your own understanding.
"""

import jax, jax.numpy as jnp
import numpy as np

N_ATOMS = 10000
N_EDGES = 320000
N_RES = 1000
D = 128
D_IN = 37


def setup_inputs(seed: int = 0) -> dict:
    key = jax.random.key(seed)
    ks = jax.random.split(key, 20)
    inp = {}
    inp["resid_embedding"] = jax.random.normal(ks[0], (N_RES, D), dtype=jnp.float32)
    inp["atom_onehot_embedding"] = jax.random.normal(ks[1], (N_ATOMS, D_IN), dtype=jnp.float32)
    inp["edge_index_atom"] = jax.random.randint(ks[2], (2, N_EDGES), 0, N_ATOMS, dtype=jnp.int64)
    inp["res2atom_map"] = jnp.sort(jax.random.randint(ks[3], (N_ATOMS,), 0, N_RES, dtype=jnp.int64))
    # nn.Linear(37, 128)
    inp["ln_W"] = jax.random.normal(ks[4], (D, D_IN), dtype=jnp.float32) * (1.0 / np.sqrt(D_IN))
    inp["ln_b"] = jax.random.normal(ks[5], (D,), dtype=jnp.float32) * 0.01
    # 4 x SAGEConv(128, 128): lin_l (neighbor agg), lin_r (root), bias
    for i in range(1, 5):
        inp[f"W{i}l"] = jax.random.normal(ks[5 + 3 * i - 2], (D, D), dtype=jnp.float32) * (1.0 / np.sqrt(D))
        inp[f"W{i}r"] = jax.random.normal(ks[5 + 3 * i - 1], (D, D), dtype=jnp.float32) * (1.0 / np.sqrt(D))
        inp[f"b{i}"] = jax.random.normal(ks[5 + 3 * i], (D,), dtype=jnp.float32) * 0.01
    return inp


def _sage_conv(x, src, dst, Wl, Wr, b, num_nodes):
    # PyG SAGEConv (aggr='mean', root_weight=True):
    # out = lin_l(mean_{j in N(i)} x_j) + lin_r(x_i) + bias
    msg = jnp.take(x, src, axis=0)
    summed = jax.ops.segment_sum(msg, dst, num_segments=num_nodes)
    cnt = jax.ops.segment_sum(jnp.ones((src.shape[0], 1), dtype=x.dtype), dst, num_segments=num_nodes)
    agg = summed / jnp.maximum(cnt, 1.0)
    return agg @ Wl.T + x @ Wr.T + b


def reference(resid_embedding, atom_onehot_embedding, edge_index_atom, res2atom_map,
              ln_W, ln_b, W1l, W1r, b1, W2l, W2r, b2, W3l, W3r, b3, W4l, W4r, b4):
    src = edge_index_atom[0]
    dst = edge_index_atom[1]
    n = atom_onehot_embedding.shape[0]
    x = atom_onehot_embedding @ ln_W.T + ln_b
    x = _sage_conv(x, src, dst, W1l, W1r, b1, n)
    x = _sage_conv(x, src, dst, W2l, W2r, b2, n)
    x = _sage_conv(x, src, dst, W3l, W3r, b3, n)
    x = _sage_conv(x, src, dst, W4l, W4r, b4, n)
    # atom2residue: scatter-add atom features into residue rows
    n_res = jnp.squeeze(resid_embedding).shape[0]
    feats_atom = jnp.zeros((n_res, x.shape[-1]), dtype=x.dtype).at[res2atom_map].add(x)
    return feats_atom

if __name__ == "__main__":
    import jax
    _d = setup_inputs()
    print(jax.jit(kernel)(*tuple(_d.values())))

</pallas_src>

<mosaic_0001>
#map = affine_map<(d0, d1) -> (0, 0)>
#map1 = affine_map<(d0, d1) -> (0, 0, 0)>
module attributes {stable_mosaic.version = 14 : i64} {
  func.func @_agg_body(%arg0: i32, %arg1: i32, %arg2: memref<10240x128xf32, #tpu.memory_space<hbm>>, %arg3: memref<16x160x128xi32, #tpu.memory_space<hbm>>, %arg4: memref<16x160x128xi32, #tpu.memory_space<hbm>>, %arg5: memref<1x10240x128xf32, #tpu.memory_space<hbm>>, %arg6: memref<10240x128xf32, #tpu.memory_space<vmem_shared>>, %arg7: memref<8x128xi32, #tpu.memory_space<vmem>>, %arg8: memref<8x128xi32, #tpu.memory_space<vmem>>, %arg9: memref<2x128x128xf32, #tpu.memory_space<vmem>>, %arg10: memref<!tpu.dma_semaphore, #tpu.memory_space<semaphore_mem>>, %arg11: memref<!tpu.dma_semaphore, #tpu.memory_space<semaphore_mem>>) attributes {dimension_semantics = [#tpu.dimension_semantics<core_parallel>, #tpu.dimension_semantics<subcore_parallel>], iteration_bounds = array<i64: 2, 16>, scalar_prefetch = 0 : i64, scratch_operands = 6 : i64, tpu.core_type = #tpu.core_type<sc_vector_subcore>, window_params = [{transform_indices = #map}, {transform_indices = #map1}, {transform_indices = #map1}, {transform_indices = #map1}]} {
    %mul3A = arith.constant 16 : i32
    %mul3A_0 = arith.muli %arg0, %mul3A : i32
    %add3A = arith.addi %mul3A_0, %arg1 : i32
    %mul3A_1 = arith.constant 640 : i32
    %mul3A_2 = arith.muli %arg1, %mul3A_1 : i32
    %lt3A = arith.constant 1 : i32
    %lt3A_3 = arith.cmpi slt, %arg0, %lt3A : i32
    %convert_element_type3A = arith.extui %lt3A_3 : i1 to i32
    %cond3A = arith.constant 0 : i32
    %cond3A_4 = arith.cmpi ne, %convert_element_type3A, %cond3A : i32
    scf.if %cond3A_4 {
      %broadcast_in_dim3A = arith.constant 0.000000e+00 : f32
      %broadcast_in_dim3A_12 = vector.broadcast %broadcast_in_dim3A : f32 to vector<16xf32>
      %scan3A = arith.constant 0 : i32
      %scan3A_13 = arith.constant 0 : i32
      %scan3A_14 = arith.constant 128 : i32
      %scan3A_15 = arith.addi %scan3A_13, %scan3A_14 : i32
      %scan3A_16 = arith.constant 1 : i32
      %scan3A_17 = scf.for %scan3A_26 = %scan3A_13 to %scan3A_15 step %scan3A_16 iter_args(%scan3A_27 = %scan3A) -> (i32)  : i32 {
        %swap3A = arith.constant 0 : i32
        %swap3A_28 = arith.index_cast %swap3A : i32 to index
        %swap3A_29 = arith.index_cast %scan3A_26 : i32 to index
        %swap3A_30 = arith.constant 0 : index
        %swap3A_31 = tpu.vector_load %arg9[%swap3A_28, %swap3A_29, %swap3A_30] {strides = array<i32>} : memref<2x128x128xf32, #tpu.memory_space<vmem>>, vector<1x1x16xf32>,
        %swap3A_32 = vector.shape_cast %swap3A_31 : vector<1x1x16xf32> to vector<16xf32>
        %swap3A_33 = vector.shape_cast %broadcast_in_dim3A_12 : vector<16xf32> to vector<1x1x16xf32>
        tpu.vector_store %arg9[%swap3A_28, %swap3A_29, %swap3A_30], %swap3A_33 {strides = array<i32>} : memref<2x128x128xf32, #tpu.memory_space<vmem>>, vector<1x1x16xf32>,
        %swap3A_34 = arith.constant 0 : i32
        %swap3A_35 = arith.index_cast %swap3A_34 : i32 to index
        %swap3A_36 = arith.index_cast %scan3A_26 : i32 to index
        %swap3A_37 = arith.constant 16 : index
        %swap3A_38 = tpu.vector_load %arg9[%swap3A_35, %swap3A_36, %swap3A_37] {strides = array<i32>} : memref<2x128x128xf32, #tpu.memory_space<vmem>>, vector<1x1x16xf32>,
        %swap3A_39 = vector.shape_cast %swap3A_38 : vector<1x1x16xf32> to vector<16xf32>
        %swap3A_40 = vector.shape_cast %broadcast_in_dim3A_12 : vector<16xf32> to vector<1x1x16xf32>
        tpu.vector_store %arg9[%swap3A_35, %swap3A_36, %swap3A_37], %swap3A_40 {strides = array<i32>} : memref<2x128x128xf32, #tpu.memory_space<vmem>>, vector<1x1x16xf32>,
        %swap3A_41 = arith.constant 0 : i32
        %swap3A_42 = arith.index_cast %swap3A_41 : i32 to index
        %swap3A_43 = arith.index_cast %scan3A_26 : i32 to index
        %swap3A_44 = arith.constant 32 : index
        %swap3A_45 = tpu.vector_load %arg9[%swap3A_42, %swap3A_43, %swap3A_44] {strides = array<i32>} : memref<2x128x128xf32, #tpu.memory_space<vmem>>, vector<1x1x16xf32>,
        %swap3A_46 = vector.shape_cast %swap3A_45 : vector<1x1x16xf32> to vector<16xf32>
        %swap3A_47 = vector.shape_cast %broadcast_in_dim3A_12 : vector<16xf32> to vector<1x1x16xf32>
        tpu.vector_store %arg9[%swap3A_42, %swap3A_43, %swap3A_44], %swap3A_47 {strides = array<i32>} : memref<2x128x128xf32, #tpu.memory_space<vmem>>, vector<1x1x16xf32>,
        %swap3A_48 = arith.constant 0 : i32
        %swap3A_49 = arith.index_cast %swap3A_48 : i32 to index
        %swap3A_50 = arith.index_cast %scan3A_26 : i32 to index
        %swap3A_51 = arith.constant 48 : index
        %swap3A_52 = tpu.vector_load %arg9[%swap3A_49, %swap3A_50, %swap3A_51] {strides = array<i32>} : memref<2x128x128xf32, #tpu.memory_space<vmem>>, vector<1x1x16xf32>,
        %swap3A_53 = vector.shape_cast %swap3A_52 : vector<1x1x16xf32> to vector<16xf32>
        %swap3A_54 = vector.shape_cast %broadcast_in_dim3A_12 : vector<16xf32> to vector<1x1x16xf32>
        tpu.vector_store %arg9[%swap3A_49, %swap3A_50, %swap3A_51], %swap3A_54 {strides = array<i32>} : memref<2x128x128xf32, #tpu.memory_space<vmem>>, vector<1x1x16xf32>,
        %swap3A_55 = arith.constant 0 : i32
        %swap3A_56 = arith.index_cast %swap3A_55 : i32 to index
        %swap3A_57 = arith.index_cast %scan3A_26 : i32 to index
        %swap3A_58 = arith.constant 64 : index
        %swap3A_59 = tpu.vector_load %arg9[%swap3A_56, %swap3A_57, %swap3A_58] {strides = array<i32>} : memref<2x128x128xf32, #tpu.memory_space<vmem>>, vector<1x1x16xf32>,
        %swap3A_60 = vector.shape_cast %swap3A_59 : vector<1x1x16xf32> to vector<16xf32>
        %swap3A_61 = vector.shape_cast %broadcast_in_dim3A_12 : vector<16xf32> to vector<1x1x16xf32>
        tpu.vector_store %arg9[%swap3A_56, %swap3A_57, %swap3A_58], %swap3A_61 {strides = array<i32>} : memref<2x128x128xf32, #tpu.memory_space<vmem>>, vector<1x1x16xf32>,
        %swap3A_62 = arith.constant 0 : i32
        %swap3A_63 = arith.index_cast %swap3A_62 : i32 to index
        %swap3A_64 = arith.index_cast %scan3A_26 : i32 to index
        %swap3A_65 = arith.constant 80 : index
        %swap3A_66 = tpu.vector_load %arg9[%swap3A_63, %swap3A_64, %swap3A_65] {strides = array<i32>} : memref<2x128x128xf32, #tpu.memory_space<vmem>>, vector<1x1x16xf32>,
        %swap3A_67 = vector.shape_cast %swap3A_66 : vector<1x1x16xf32> to vector<16xf32>
        %swap3A_68 = vector.shape_cast %broadcast_in_dim3A_12 : vector<16xf32> to vector<1x1x16xf32>
        tpu.vector_store %arg9[%swap3A_63, %swap3A_64, %swap3A_65], %swap3A_68 {strides = array<i32>} : memref<2x128x128xf32, #tpu.memory_space<vmem>>, vector<1x1x16xf32>,
        %swap3A_69 = arith.constant 0 : i32
        %swap3A_70 = arith.index_cast %swap3A_69 : i32 to index
        %swap3A_71 = arith.index_cast %scan3A_26 : i32 to index
        %swap3A_72 = arith.constant 96 : index
        %swap3A_73 = tpu.vector_load %arg9[%swap3A_70, %swap3A_71, %swap3A_72] {strides = array<i32>} : memref<2x128x128xf32, #tpu.memory_space<vmem>>, vector<1x1x16xf32>,
        %swap3A_74 = vector.shape_cast %swap3A_73 : vector<1x1x16xf32> to vector<16xf32>
        %swap3A_75 = vector.shape_cast %broadcast_in_dim3A_12 : vector<16xf32> to vector<1x1x16xf32>
        tpu.vector_store %arg9[%swap3A_70, %swap3A_71, %swap3A_72], %swap3A_75 {strides = array<i32>} : memref<2x128x128xf32, #tpu.memory_space<vmem>>, vector<1x1x16xf32>,
        %swap3A_76 = arith.constant 0 : i32
        %swap3A_77 = arith.index_cast %swap3A_76 : i32 to index
        %swap3A_78 = arith.index_cast %scan3A_26 : i32 to index
        %swap3A_79 = arith.constant 112 : index
        %swap3A_80 = tpu.vector_load %arg9[%swap3A_77, %swap3A_78, %swap3A_79] {strides = array<i32>} : memref<2x128x128xf32, #tpu.memory_space<vmem>>, vector<1x1x16xf32>,
        %swap3A_81 = vector.shape_cast %swap3A_80 : vector<1x1x16xf32> to vector<16xf32>
        %swap3A_82 = vector.shape_cast %broadcast_in_dim3A_12 : vector<16xf32> to vector<1x1x16xf32>
        tpu.vector_store %arg9[%swap3A_77, %swap3A_78, %swap3A_79], %swap3A_82 {strides = array<i32>} : memref<2x128x128xf32, #tpu.memory_space<vmem>>, vector<1x1x16xf32>,
        %scan3A_83 = arith.constant 0 : i32
        scf.yield %scan3A_83 : i32
      }
      %scan3A_18 = arith.constant 128 : i32
      %scan3A_19 = arith.constant 0 : i32
      %scan3A_20 = arith.constant 0 : i32
      %scan3A_21 = arith.constant 5 : i32
      %scan3A_22 = arith.addi %scan3A_20, %scan3A_21 : i32
      %scan3A_23 = arith.constant 1 : i32
      %scan3A_24 = scf.for %scan3A_26 = %scan3A_20 to %scan3A_22 step %scan3A_23 iter_args(%scan3A_27 = %scan3A_19) -> (i32)  : i32 {
        %mul3A_28 = arith.constant 128 : i32
        %mul3A_29 = arith.muli %scan3A_26, %mul3A_28 : i32
        %add3A_30 = arith.addi %mul3A_2, %mul3A_29 : i32
        %run_scoped3A = arith.constant 0 : i32
        "tpu.region"() ({
          %run_scoped3A_32 = tpu.sem_alloc : memref<!tpu.dma_semaphore, #tpu.memory_space<semaphore_mem>>
          %dma_start3A = arith.constant 0 : i32
          %dma_start3A_33 = arith.constant 0 : i32
          %dma_start3A_34 = tpu.memref_slice %arg9[%run_scoped3A, %dma_start3A, %dma_start3A_33] : memref<2x128x128xf32, #tpu.memory_space<vmem>> -> memref<1x128x128xf32, #tpu.memory_space<vmem>>
          %dma_start3A_35 = tpu.memref_squeeze %dma_start3A_34 : memref<1x128x128xf32, #tpu.memory_space<vmem>> -> memref<128x128xf32, #tpu.memory_space<vmem>>
          %dma_start3A_36 = arith.constant 0 : i32
          %dma_start3A_37 = tpu.memref_slice %arg6[%add3A_30, %dma_start3A_36] : memref<10240x128xf32, #tpu.memory_space<vmem_shared>> -> memref<128x128xf32, #tpu.memory_space<vmem_shared>>
          %dma_start3A_38 = arith.constant 0 : i32
          %dma_start3A_39 = tpu.memref_slice %arg6[%add3A_30, %dma_start3A_38] : memref<10240x128xf32, #tpu.memory_space<vmem_shared>> -> memref<128x128xf32, #tpu.memory_space<vmem_shared>>
          %dma_start3A_40 = arith.constant 0 : i32
          %dma_start3A_41 = arith.constant 0 : i32
          %dma_start3A_42 = tpu.memref_slice %arg9[%run_scoped3A, %dma_start3A_40, %dma_start3A_41] : memref<2x128x128xf32, #tpu.memory_space<vmem>> -> memref<1x128x128xf32, #tpu.memory_space<vmem>>
          %dma_start3A_43 = tpu.memref_squeeze %dma_start3A_42 : memref<1x128x128xf32, #tpu.memory_space<vmem>> -> memref<128x128xf32, #tpu.memory_space<vmem>>
          tpu.enqueue_dma source(%dma_start3A_43 : memref<128x128xf32, #tpu.memory_space<vmem>>) target(%dma_start3A_39 : memref<128x128xf32, #tpu.memory_space<vmem_shared>>) target_semaphore(%run_scoped3A_32 : memref<!tpu.dma_semaphore, #tpu.memory_space<semaphore_mem>>)
          %dma_wait3A = arith.constant 0 : i32
          %dma_wait3A_44 = arith.constant 0 : i32
          %dma_wait3A_45 = tpu.memref_slice %arg9[%run_scoped3A, %dma_wait3A, %dma_wait3A_44] : memref<2x128x128xf32, #tpu.memory_space<vmem>> -> memref<1x128x128xf32, #tpu.memory_space<vmem>>
          %dma_wait3A_46 = tpu.memref_squeeze %dma_wait3A_45 : memref<1x128x128xf32, #tpu.memory_space<vmem>> -> memref<128x128xf32, #tpu.memory_space<vmem>>
          %dma_wait3A_47 = arith.constant 0 : i32
          %dma_wait3A_48 = tpu.memref_slice %arg6[%add3A_30, %dma_wait3A_47] : memref<10240x128xf32, #tpu.memory_space<vmem_shared>> -> memref<128x128xf32, #tpu.memory_space<vmem_shared>>
          %dma_wait3A_49 = arith.constant 0 : i32
          %dma_wait3A_50 = tpu.memref_slice %arg6[%add3A_30, %dma_wait3A_49] : memref<10240x128xf32, #tpu.memory_space<vmem_shared>> -> memref<128x128xf32, #tpu.memory_space<vmem_shared>>
          %dma_wait3A_51 = arith.constant 0 : i32
          %dma_wait3A_52 = arith.constant 0 : i32
          %dma_wait3A_53 = tpu.memref_slice %arg9[%run_scoped3A, %dma_wait3A_51, %dma_wait3A_52] : memref<2x128x128xf32, #tpu.memory_space<vmem>> -> memref<1x128x128xf32, #tpu.memory_space<vmem>>
          %dma_wait3A_54 = tpu.memref_squeeze %dma_wait3A_53 : memref<1x128x128xf32, #tpu.memory_space<vmem>> -> memref<128x128xf32, #tpu.memory_space<vmem>>
          tpu.wait_dma2 semaphore(%run_scoped3A_32 : memref<!tpu.dma_semaphore, #tpu.memory_space<semaphore_mem>>) src(%dma_wait3A_54 : memref<128x128xf32, #tpu.memory_space<vmem>>) dst(%dma_wait3A_50 : memref<128x128xf32, #tpu.memory_space<vmem_shared>>)
          tpu.yield
        }) : () -> ()
        %scan3A_31 = arith.constant 0 : i32
        scf.yield %scan3A_31 : i32
      }
      %scan3A_25 = arith.constant 5 : i32
    } else {
    }
    %barrier3A = arith.constant 0 : index
    tpu.barrier barrier_id(%barrier3A)
    %convert_element_type3A_5 = arith.extui %lt3A_3 : i1 to i32
    %cond3A_6 = arith.constant 0 : i32
    %cond3A_7 = arith.cmpi ne, %convert_element_type3A_5, %cond3A_6 : i32
    scf.if %cond3A_7 {
      %scan3A = arith.constant 0 : i32
      %scan3A_12 = arith.constant 0 : i32
      %scan3A_13 = arith.constant 20 : i32
      %scan3A_14 = arith.addi %scan3A_12, %scan3A_13 : i32
      %scan3A_15 = arith.constant 1 : i32
      %scan3A_16 = scf.for %scan3A_18 = %scan3A_12 to %scan3A_14 step %scan3A_15 iter_args(%scan3A_19 = %scan3A) -> (i32)  : i32 {
        %mul3A_20 = arith.constant 8 : i32
        %mul3A_21 = arith.muli %scan3A_18, %mul3A_20 : i32
        "tpu.region"() ({
          %run_scoped3A_230 = tpu.sem_alloc : memref<!tpu.dma_semaphore, #tpu.memory_space<semaphore_mem>>
          %dma_start3A_231 = arith.constant 0 : i32
          %dma_start3A_232 = tpu.memref_slice %arg3[%add3A, %mul3A_21, %dma_start3A_231] : memref<16x160x128xi32, #tpu.memory_space<hbm>> -> memref<1x8x128xi32, #tpu.memory_space<hbm>>
          %dma_start3A_233 = tpu.memref_squeeze %dma_start3A_232 : memref<1x8x128xi32, #tpu.memory_space<hbm>> -> memref<8x128xi32, #tpu.memory_space<hbm>>
          %dma_start3A_234 = arith.constant 0 : i32
          %dma_start3A_235 = tpu.memref_slice %arg3[%add3A, %mul3A_21, %dma_start3A_234] : memref<16x160x128xi32, #tpu.memory_space<hbm>> -> memref<1x8x128xi32, #tpu.memory_space<hbm>>
          %dma_start3A_236 = tpu.memref_squeeze %dma_start3A_235 : memref<1x8x128xi32, #tpu.memory_space<hbm>> -> memref<8x128xi32, #tpu.memory_space<hbm>>
          tpu.enqueue_dma source(%dma_start3A_236 : memref<8x128xi32, #tpu.memory_space<hbm>>) target(%arg7 : memref<8x128xi32, #tpu.memory_space<vmem>>) target_semaphore(%run_scoped3A_230 : memref<!tpu.dma_semaphore, #tpu.memory_space<semaphore_mem>>)
          %dma_wait3A_237 = arith.constant 0 : i32
          %dma_wait3A_238 = tpu.memref_slice %arg3[%add3A, %mul3A_21, %dma_wait3A_237] : memref<16x160x128xi32, #tpu.memory_space<hbm>> -> memref<1x8x128xi32, #tpu.memory_space<hbm>>
          %dma_wait3A_239 = tpu.memref_squeeze %dma_wait3A_238 : memref<1x8x128xi32, #tpu.memory_space<hbm>> -> memref<8x128xi32, #tpu.memory_space<hbm>>
          %dma_wait3A_240 = arith.constant 0 : i32
          %dma_wait3A_241 = tpu.memref_slice %arg3[%add3A, %mul3A_21, %dma_wait3A_240] : memref<16x160x128xi32, #tpu.memory_space<hbm>> -> memref<1x8x128xi32, #tpu.memory_space<hbm>>
          %dma_wait3A_242 = tpu.memref_squeeze %dma_wait3A_241 : memref<1x8x128xi32, #tpu.memory_space<hbm>> -> memref<8x128xi32, #tpu.memory_space<hbm>>
          tpu.wait_dma2 semaphore(%run_scoped3A_230 : memref<!tpu.dma_semaphore, #tpu.memory_space<semaphore_mem>>) src(%dma_wait3A_242 : memref<8x128xi32, #tpu.memory_space<hbm>>) dst(%arg7 : memref<8x128xi32, #tpu.memory_space<vmem>>)
          tpu.yield
        }) : () -> ()
        %mul3A_22 = arith.constant 8 : i32
        %mul3A_23 = arith.muli %scan3A_18, %mul3A_22 : i32
        "tpu.region"() ({
          %run_scoped3A_230 = tpu.sem_alloc : memref<!tpu.dma_semaphore, #tpu.memory_space<semaphore_mem>>
          %dma_start3A_231 = arith.constant 0 : i32
          %dma_start3A_232 = tpu.memref_slice %arg4[%add3A, %mul3A_23, %dma_start3A_231] : memref<16x160x128xi32, #tpu.memory_space<hbm>> -> memref<1x8x128xi32, #tpu.memory_space<hbm>>
          %dma_start3A_233 = tpu.memref_squeeze %dma_start3A_232 : memref<1x8x128xi32, #tpu.memory_space<hbm>> -> memref<8x128xi32, #tpu.memory_space<hbm>>
          %dma_start3A_234 = arith.constant 0 : i32
          %dma_start3A_235 = tpu.memref_slice %arg4[%add3A, %mul3A_23, %dma_start3A_234] : memref<16x160x128xi32, #tpu.memory_space<hbm>> -> memref<1x8x128xi32, #tpu.memory_space<hbm>>
          %dma_start3A_236 = tpu.memref_squeeze %dma_start3A_235 : memref<1x8x128xi32, #tpu.memory_space<hbm>> -> memref<8x128xi32, #tpu.memory_space<hbm>>
          tpu.enqueue_dma source(%dma_start3A_236 : memref<8x128xi32, #tpu.memory_space<hbm>>) target(%arg8 : memref<8x128xi32, #tpu.memory_space<vmem>>) target_semaphore(%run_scoped3A_230 : memref<!tpu.dma_semaphore, #tpu.memory_space<semaphore_mem>>)
          %dma_wait3A_237 = arith.constant 0 : i32
          %dma_wait3A_238 = tpu.memref_slice %arg4[%add3A, %mul3A_23, %dma_wait3A_237] : memref<16x160x128xi32, #tpu.memory_space<hbm>> -> memref<1x8x128xi32, #tpu.memory_space<hbm>>
          %dma_wait3A_239 = tpu.memref_squeeze %dma_wait3A_238 : memref<1x8x128xi32, #tpu.memory_space<hbm>> -> memref<8x128xi32, #tpu.memory_space<hbm>>
          %dma_wait3A_240 = arith.constant 0 : i32
          %dma_wait3A_241 = tpu.memref_slice %arg4[%add3A, %mul3A_23, %dma_wait3A_240] : memref<16x160x128xi32, #tpu.memory_space<hbm>> -> memref<1x8x128xi32, #tpu.memory_space<hbm>>
          %dma_wait3A_242 = tpu.memref_squeeze %dma_wait3A_241 : memref<1x8x128xi32, #tpu.memory_space<hbm>> -> memref<8x128xi32, #tpu.memory_space<hbm>>
          tpu.wait_dma2 semaphore(%run_scoped3A_230 : memref<!tpu.dma_semaphore, #tpu.memory_space<semaphore_mem>>) src(%dma_wait3A_242 : memref<8x128xi32, #tpu.memory_space<hbm>>) dst(%arg8 : memref<8x128xi32, #tpu.memory_space<vmem>>)
          tpu.yield
        }) : () -> ()
        %dma_start3A = arith.constant 0 : i32
        %dma_start3A_24 = arith.constant 0 : i32
        %dma_start3A_25 = arith.constant 0 : i32
        %dma_start3A_26 = arith.constant 0 : i32
        %dma_start3A_27 = tpu.memref_slice %arg9[%dma_start3A_24, %dma_start3A_25, %dma_start3A_26] : memref<2x128x128xf32, #tpu.memory_space<vmem>> -> memref<1x128x128xf32, #tpu.memory_space<vmem>>
        %dma_start3A_28 = tpu.memref_squeeze %dma_start3A_27 : memref<1x128x128xf32, #tpu.memory_space<vmem>> -> memref<128x128xf32, #tpu.memory_space<vmem>>
        %dma_start3A_29 = arith.constant 0 : i32
        %dma_start3A_30 = tpu.memref_slice %arg7[%dma_start3A, %dma_start3A_29] : memref<8x128xi32, #tpu.memory_space<vmem>> -> memref<1x128xi32, #tpu.memory_space<vmem>>
        %dma_start3A_31 = tpu.memref_squeeze %dma_start3A_30 : memref<1x128xi32, #tpu.memory_space<vmem>> -> memref<128xi32, #tpu.memory_space<vmem>>
        %dma_start3A_32 = arith.constant 0 : i32
        %dma_start3A_33 = arith.constant 0 : i32
        %dma_start3A_34 = tpu.memref_slice %arg2[%dma_start3A_32, %dma_start3A_33] : memref<10240x128xf32, #tpu.memory_space<hbm>> -> memref<10240x128xf32, #tpu.memory_space<hbm>>
        tpu.enqueue_indirect_dma source(%dma_start3A_34 : memref<10240x128xf32, #tpu.memory_space<hbm>>) target(%dma_start3A_28 : memref<128x128xf32, #tpu.memory_space<vmem>>) offsets(%dma_start3A_31 : memref<128xi32, #tpu.memory_space<vmem>>) semaphore(%arg10 : memref<!tpu.dma_semaphore, #tpu.memory_space<semaphore_mem>>)
        %dma_start3A_35 = arith.constant 1 : i32
        %dma_start3A_36 = arith.constant 1 : i32
        %dma_start3A_37 = arith.constant 0 : i32
        %dma_start3A_38 = arith.constant 0 : i32
        %dma_start3A_39 = tpu.memref_slice %arg9[%dma_start3A_36, %dma_start3A_37, %dma_start3A_38] : memref<2x128x128xf32, #tpu.memory_space<vmem>> -> memref<1x128x128xf32, #tpu.memory_space<vmem>>
        %dma_start3A_40 = tpu.memref_squeeze %dma_start3A_39 : memref<1x128x128xf32, #tpu.memory_space<vmem>> -> memref<128x128xf32, #tpu.memory_space<vmem>>
        %dma_start3A_41 = arith.constant 0 : i32
        %dma_start3A_42 = tpu.memref_slice %arg7[%dma_start3A_35, %dma_start3A_41] : memref<8x128xi32, #tpu.memory_space<vmem>> -> memref<1x128xi32, #tpu.memory_space<vmem>>
        %dma_start3A_43 = tpu.memref_squeeze %dma_start3A_42 : memref<1x128xi32, #tpu.memory_space<vmem>> -> memref<128xi32, #tpu.memory_space<vmem>>
        %dma_start3A_44 = arith.constant 0 : i32
        %dma_start3A_45 = arith.constant 0 : i32
        %dma_start3A_46 = tpu.memref_slice %arg2[%dma_start3A_44, %dma_start3A_45] : memref<10240x128xf32, #tpu.memory_space<hbm>> -> memref<10240x128xf32, #tpu.memory_space<hbm>>
        tpu.enqueue_indirect_dma source(%dma_start3A_46 : memref<10240x128xf32, #tpu.memory_space<hbm>>) target(%dma_start3A_40 : memref<128x128xf32, #tpu.memory_space<vmem>>) offsets(%dma_start3A_43 : memref<128xi32, #tpu.memory_space<vmem>>) semaphore(%arg11 : memref<!tpu.dma_semaphore, #tpu.memory_space<semaphore_mem>>)
        %dma_wait3A = arith.constant 0 : i32
        %dma_wait3A_47 = arith.constant 0 : i32
        %dma_wait3A_48 = arith.constant 0 : i32
        %dma_wait3A_49 = arith.constant 0 : i32
        %dma_wait3A_50 = tpu.memref_slice %arg9[%dma_wait3A_47, %dma_wait3A_48, %dma_wait3A_49] : memref<2x128x128xf32, #tpu.memory_space<vmem>> -> memref<1x128x128xf32, #tpu.memory_space<vmem>>
        %dma_wait3A_51 = tpu.memref_squeeze %dma_wait3A_50 : memref<1x128x128xf32, #tpu.memory_space<vmem>> -> memref<128x128xf32, #tpu.memory_space<vmem>>
        %dma_wait3A_52 = arith.constant 0 : i32
        %dma_wait3A_53 = tpu.memref_slice %arg7[%dma_wait3A, %dma_wait3A_52] : memref<8x128xi32, #tpu.memory_space<vmem>> -> memref<1x128xi32, #tpu.memory_space<vmem>>
        %dma_wait3A_54 = tpu.memref_squeeze %dma_wait3A_53 : memref<1x128xi32, #tpu.memory_space<vmem>> -> memref<128xi32, #tpu.memory_space<vmem>>
        %dma_wait3A_55 = arith.constant 0 : i32
        %dma_wait3A_56 = arith.constant 0 : i32
        %dma_wait3A_57 = tpu.memref_slice %arg2[%dma_wait3A_55, %dma_wait3A_56] : memref<10240x128xf32, #tpu.memory_space<hbm>> -> memref<10240x128xf32, #tpu.memory_space<hbm>>
        tpu.wait_indirect_dma semaphore(%arg10 : memref<!tpu.dma_semaphore, #tpu.memory_space<semaphore_mem>>) src(%dma_wait3A_57 : memref<10240x128xf32, #tpu.memory_space<hbm>>) dst(%dma_wait3A_51 : memref<128x128xf32, #tpu.memory_space<vmem>>)
        %run_scoped3A = arith.constant 0 : i32
        %run_scoped3A_58 = arith.constant 0 : i32
        "tpu.region"() ({
          %run_scoped3A_230 = tpu.sem_alloc : memref<!tpu.dma_semaphore, #tpu.memory_space<semaphore_mem>>
          %dma_start3A_231 = arith.constant 0 : i32
          %dma_start3A_232 = arith.constant 0 : i32
          %dma_start3A_233 = tpu.memref_slice %arg9[%run_scoped3A, %dma_start3A_231, %dma_start3A_232] : memref<2x128x128xf32, #tpu.memory_space<vmem>> -> memref<1x128x128xf32, #tpu.memory_space<vmem>>
          %dma_start3A_234 = tpu.memref_squeeze %dma_start3A_233 : memref<1x128x128xf32, #tpu.memory_space<vmem>> -> memref<128x128xf32, #tpu.memory_space<vmem>>
          %dma_start3A_235 = arith.constant 0 : i32
          %dma_start3A_236 = tpu.memref_slice %arg8[%run_scoped3A_58, %dma_start3A_235] : memref<8x128xi32, #tpu.memory_space<vmem>> -> memref<1x128xi32, #tpu.memory_space<vmem>>
          %dma_start3A_237 = tpu.memref_squeeze %dma_start3A_236 : memref<1x128xi32, #tpu.memory_space<vmem>> -> memref<128xi32, #tpu.memory_space<vmem>>
          %dma_start3A_238 = arith.constant 0 : i32
          %dma_start3A_239 = arith.constant 0 : i32
          %dma_start3A_240 = tpu.memref_slice %arg6[%dma_start3A_238, %dma_start3A_239] : memref<10240x128xf32, #tpu.memory_space<vmem_shared>> -> memref<10240x128xf32, #tpu.memory_space<vmem_shared>>
          tpu.enqueue_indirect_dma source(%dma_start3A_234 : memref<128x128xf32, #tpu.memory_space<vmem>>) target(%dma_start3A_240 : memref<10240x128xf32, #tpu.memory_space<vmem_shared>>) offsets(%dma_start3A_237 : memref<128xi32, #tpu.memory_space<vmem>>) semaphore(%run_scoped3A_230 : memref<!tpu.dma_semaphore, #tpu.memory_space<semaphore_mem>>) {add = true}
          %dma_wait3A_241 = arith.constant 0 : i32
          %dma_wait3A_242 = arith.constant 0 : i32
          %dma_wait3A_243 = tpu.memref_slice %arg9[%run_scoped3A, %dma_wait3A_241, %dma_wait3A_242] : memref<2x128x128xf32, #tpu.memory_space<vmem>> -> memref<1x128x128xf32, #tpu.memory_space<vmem>>
          %dma_wait3A_244 = tpu.memref_squeeze %dma_wait3A_243 : memref<1x128x128xf32, #tpu.memory_space<vmem>> -> memref<128x128xf32, #tpu.memory_space<vmem>>
          %dma_wait3A_245 = arith.constant 0 : i32
          %dma_wait3A_246 = tpu.memref_slice %arg8[%run_scoped3A_58, %dma_wait3A_245] : memref<8x128xi32, #tpu.memory_space<vmem>> -> memref<1x128xi32, #tpu.memory_space<vmem>>
          %dma_wait3A_247 = tpu.memref_squeeze %dma_wait3A_246 : memref<1x128xi32, #tpu.memory_space<vmem>> -> memref<128xi32, #tpu.memory_space<vmem>>
          %dma_wait3A_248 = arith.constant 0 : i32
          %dma_wait3A_249 = arith.constant 0 : i32
          %dma_wait3A_250 = tpu.memref_slice %arg6[%dma_wait3A_248, %dma_wait3A_249] : memref<10240x128xf32, #tpu.memory_space<vmem_shared>> -> memref<10240x128xf32, #tpu.memory_space<vmem_shared>>
          tpu.wait_indirect_dma semaphore(%run_scoped3A_230 : memref<!tpu.dma_semaphore, #tpu.memory_space<semaphore_mem>>) src(%dma_wait3A_244 : memref<128x128xf32, #tpu.memory_space<vmem>>) dst(%dma_wait3A_250 : memref<10240x128xf32, #tpu.memory_space<vmem_shared>>)
          tpu.yield
        }) : () -> ()
        %dma_start3A_59 = arith.constant 2 : i32
        %dma_start3A_60 = arith.constant 0 : i32
        %dma_start3A_61 = arith.constant 0 : i32
        %dma_start3A_62 = arith.constant 0 : i32
        %dma_start3A_63 = tpu.memref_slice %arg9[%dma_start3A_60, %dma_start3A_61, %dma_start3A_62] : memref<2x128x128xf32, #tpu.memory_space<vmem>> -> memref<1x128x128xf32, #tpu.memory_space<vmem>>
        %dma_start3A_64 = tpu.memref_squeeze %dma_start3A_63 : memref<1x128x128xf32, #tpu.memory_space<vmem>> -> memref<128x128xf32, #tpu.memory_space<vmem>>
        %dma_start3A_65 = arith.constant 0 : i32
        %dma_start3A_66 = tpu.memref_slice %arg7[%dma_start3A_59, %dma_start3A_65] : memref<8x128xi32, #tpu.memory_space<vmem>> -> memref<1x128xi32, #tpu.memory_space<vmem>>
        %dma_start3A_67 = tpu.memref_squeeze %dma_start3A_66 : memref<1x128xi32, #tpu.memory_space<vmem>> -> memref<128xi32, #tpu.memory_space<vmem>>
        %dma_start3A_68 = arith.constant 0 : i32
        %dma_start3A_69 = arith.constant 0 : i32
        %dma_start3A_70 = tpu.memref_slice %arg2[%dma_start3A_68, %dma_start3A_69] : memref<10240x128xf32, #tpu.memory_space<hbm>> -> memref<10240x128xf32, #tpu.memory_space<hbm>>
        tpu.enqueue_indirect_dma source(%dma_start3A_70 : memref<10240x128xf32, #tpu.memory_space<hbm>>) target(%dma_start3A_64 : memref<128x128xf32, #tpu.memory_space<vmem>>) offsets(%dma_start3A_67 : memref<128xi32, #tpu.memory_space<vmem>>) semaphore(%arg10 : memref<!tpu.dma_semaphore, #tpu.memory_space<semaphore_mem>>)
        %dma_wait3A_71 = arith.constant 1 : i32
        %dma_wait3A_72 = arith.constant 1 : i32
        %dma_wait3A_73 = arith.constant 0 : i32
        %dma_wait3A_74 = arith.constant 0 : i32
        %dma_wait3A_75 = tpu.memref_slice %arg9[%dma_wait3A_72, %dma_wait3A_73, %dma_wait3A_74] : memref<2x128x128xf32, #tpu.memory_space<vmem>> -> memref<1x128x128xf32, #tpu.memory_space<vmem>>
        %dma_wait3A_76 = tpu.memref_squeeze %dma_wait3A_75 : memref<1x128x128xf32, #tpu.memory_space<vmem>> -> memref<128x128xf32, #tpu.memory_space<vmem>>
        %dma_wait3A_77 = arith.constant 0 : i32
        %dma_wait3A_78 = tpu.memref_slice %arg7[%dma_wait3A_71, %dma_wait3A_77] : memref<8x128xi32, #tpu.memory_space<vmem>> -> memref<1x128xi32, #tpu.memory_space<vmem>>
        %dma_wait3A_79 = tpu.memref_squeeze %dma_wait3A_78 : memref<1x128xi32, #tpu.memory_space<vmem>> -> memref<128xi32, #tpu.memory_space<vmem>>
        %dma_wait3A_80 = arith.constant 0 : i32
        %dma_wait3A_81 = arith.constant 0 : i32
        %dma_wait3A_82 = tpu.memref_slice %arg2[%dma_wait3A_80, %dma_wait3A_81] : memref<10240x128xf32, #tpu.memory_space<hbm>> -> memref<10240x128xf32, #tpu.memory_space<hbm>>
        tpu.wait_indirect_dma semaphore(%arg11 : memref<!tpu.dma_semaphore, #tpu.memory_space<semaphore_mem>>) src(%dma_wait3A_82 : memref<10240x128xf32, #tpu.memory_space<hbm>>) dst(%dma_wait3A_76 : memref<128x128xf32, #tpu.memory_space<vmem>>)
        %run_scoped3A_83 = arith.constant 1 : i32
        %run_scoped3A_84 = arith.constant 1 : i32
        "tpu.region"() ({
          %run_scoped3A_230 = tpu.sem_alloc : memref<!tpu.dma_semaphore, #tpu.memory_space<semaphore_mem>>
          %dma_start3A_231 = arith.constant 0 : i32
          %dma_start3A_232 = arith.constant 0 : i32
          %dma_start3A_233 = tpu.memref_slice %arg9[%run_scoped3A_83, %dma_start3A_231, %dma_start3A_232] : memref<2x128x128xf32, #tpu.memory_space<vmem>> -> memref<1x128x128xf32, #tpu.memory_space<vmem>>
          %dma_start3A_234 = tpu.memref_squeeze %dma_start3A_233 : memref<1x128x128xf32, #tpu.memory_space<vmem>> -> memref<128x128xf32, #tpu.memory_space<vmem>>
          %dma_start3A_235 = arith.constant 0 : i32
          %dma_start3A_236 = tpu.memref_slice %arg8[%run_scoped3A_84, %dma_start3A_235] : memref<8x128xi32, #tpu.memory_space<vmem>> -> memref<1x128xi32, #tpu.memory_space<vmem>>
          %dma_start3A_237 = tpu.memref_squeeze %dma_start3A_236 : memref<1x128xi32, #tpu.memory_space<vmem>> -> memref<128xi32, #tpu.memory_space<vmem>>
          %dma_start3A_238 = arith.constant 0 : i32
          %dma_start3A_239 = arith.constant 0 : i32
          %dma_start3A_240 = tpu.memref_slice %arg6[%dma_start3A_238, %dma_start3A_239] : memref<10240x128xf32, #tpu.memory_space<vmem_shared>> -> memref<10240x128xf32, #tpu.memory_space<vmem_shared>>
          tpu.enqueue_indirect_dma source(%dma_start3A_234 : memref<128x128xf32, #tpu.memory_space<vmem>>) target(%dma_start3A_240 : memref<10240x128xf32, #tpu.memory_space<vmem_shared>>) offsets(%dma_start3A_237 : memref<128xi32, #tpu.memory_space<vmem>>) semaphore(%run_scoped3A_230 : memref<!tpu.dma_semaphore, #tpu.memory_space<semaphore_mem>>) {add = true}
          %dma_wait3A_241 = arith.constant 0 : i32
          %dma_wait3A_242 = arith.constant 0 : i32
          %dma_wait3A_243 = tpu.memref_slice %arg9[%run_scoped3A_83, %dma_wait3A_241, %dma_wait3A_242] : memref<2x128x128xf32, #tpu.memory_space<vmem>> -> memref<1x128x128xf32, #tpu.memory_space<vmem>>
          %dma_wait3A_244 = tpu.memref_squeeze %dma_wait3A_243 : memref<1x128x128xf32, #tpu.memory_space<vmem>> -> memref<128x128xf32, #tpu.memory_space<vmem>>
          %dma_wait3A_245 = arith.constant 0 : i32
          %dma_wait3A_246 = tpu.memref_slice %arg8[%run_scoped3A_84, %dma_wait3A_245] : memref<8x128xi32, #tpu.memory_space<vmem>> -> memref<1x128xi32, #tpu.memory_space<vmem>>
          %dma_wait3A_247 = tpu.memref_squeeze %dma_wait3A_246 : memref<1x128xi32, #tpu.memory_space<vmem>> -> memref<128xi32, #tpu.memory_space<vmem>>
          %dma_wait3A_248 = arith.constant 0 : i32
          %dma_wait3A_249 = arith.constant 0 : i32
          %dma_wait3A_250 = tpu.memref_slice %arg6[%dma_wait3A_248, %dma_wait3A_249] : memref<10240x128xf32, #tpu.memory_space<vmem_shared>> -> memref<10240x128xf32, #tpu.memory_space<vmem_shared>>
          tpu.wait_indirect_dma semaphore(%run_scoped3A_230 : memref<!tpu.dma_semaphore, #tpu.memory_space<semaphore_mem>>) src(%dma_wait3A_244 : memref<128x128xf32, #tpu.memory_space<vmem>>) dst(%dma_wait3A_250 : memref<10240x128xf32, #tpu.memory_space<vmem_shared>>)
          tpu.yield
        }) : () -> ()
        %dma_start3A_85 = arith.constant 3 : i32
        %dma_start3A_86 = arith.constant 1 : i32
        %dma_start3A_87 = arith.constant 0 : i32
        %dma_start3A_88 = arith.constant 0 : i32
        %dma_start3A_89 = tpu.memref_slice %arg9[%dma_start3A_86, %dma_start3A_87, %dma_start3A_88] : memref<2x128x128xf32, #tpu.memory_space<vmem>> -> memref<1x128x128xf32, #tpu.memory_space<vmem>>
        %dma_start3A_90 = tpu.memref_squeeze %dma_start3A_89 : memref<1x128x128xf32, #tpu.memory_space<vmem>> -> memref<128x128xf32, #tpu.memory_space<vmem>>
        %dma_start3A_91 = arith.constant 0 : i32
        %dma_start3A_92 = tpu.memref_slice %arg7[%dma_start3A_85, %dma_start3A_91] : memref<8x128xi32, #tpu.memory_space<vmem>> -> memref<1x128xi32, #tpu.memory_space<vmem>>
        %dma_start3A_93 = tpu.memref_squeeze %dma_start3A_92 : memref<1x128xi32, #tpu.memory_space<vmem>> -> memref<128xi32, #tpu.memory_space<vmem>>
        %dma_start3A_94 = arith.constant 0 : i32
        %dma_start3A_95 = arith.constant 0 : i32
        %dma_start3A_96 = tpu.memref_slice %arg2[%dma_start3A_94, %dma_start3A_95] : memref<10240x128xf32, #tpu.memory_space<hbm>> -> memref<10240x128xf32, #tpu.memory_space<hbm>>
        tpu.enqueue_indirect_dma source(%dma_start3A_96 : memref<10240x128xf32, #tpu.memory_space<hbm>>) target(%dma_start3A_90 : memref<128x128xf32, #tpu.memory_space<vmem>>) offsets(%dma_start3A_93 : memref<128xi32, #tpu.memory_space<vmem>>) semaphore(%arg11 : memref<!tpu.dma_semaphore, #tpu.memory_space<semaphore_mem>>)
        %dma_wait3A_97 = arith.constant 2 : i32
        %dma_wait3A_98 = arith.constant 0 : i32
        %dma_wait3A_99 = arith.constant 0 : i32
        %dma_wait3A_100 = arith.constant 0 : i32
        %dma_wait3A_101 = tpu.memref_slice %arg9[%dma_wait3A_98, %dma_wait3A_99, %dma_wait3A_100] : memref<2x128x128xf32, #tpu.memory_space<vmem>> -> memref<1x128x128xf32, #tpu.memory_space<vmem>>
        %dma_wait3A_102 = tpu.memref_squeeze %dma_wait3A_101 : memref<1x128x128xf32, #tpu.memory_space<vmem>> -> memref<128x128xf32, #tpu.memory_space<vmem>>
        %dma_wait3A_103 = arith.constant 0 : i32
        %dma_wait3A_104 = tpu.memref_slice %arg7[%dma_wait3A_97, %dma_wait3A_103] : memref<8x128xi32, #tpu.memory_space<vmem>> -> memref<1x128xi32, #tpu.memory_space<vmem>>
        %dma_wait3A_105 = tpu.memref_squeeze %dma_wait3A_104 : memref<1x128xi32, #tpu.memory_space<vmem>> -> memref<128xi32, #tpu.memory_space<vmem>>
        %dma_wait3A_106 = arith.constant 0 : i32
        %dma_wait3A_107 = arith.constant 0 : i32
        %dma_wait3A_108 = tpu.memref_slice %arg2[%dma_wait3A_106, %dma_wait3A_107] : memref<10240x128xf32, #tpu.memory_space<hbm>> -> memref<10240x128xf32, #tpu.memory_space<hbm>>
        tpu.wait_indirect_dma semaphore(%arg10 : memref<!tpu.dma_semaphore, #tpu.memory_space<semaphore_mem>>) src(%dma_wait3A_108 : memref<10240x128xf32, #tpu.memory_space<hbm>>) dst(%dma_wait3A_102 : memref<128x128xf32, #tpu.memory_space<vmem>>)
        %run_scoped3A_109 = arith.constant 0 : i32
        %run_scoped3A_110 = arith.constant 2 : i32
        "tpu.region"() ({
          %run_scoped3A_230 = tpu.sem_alloc : memref<!tpu.dma_semaphore, #tpu.memory_space<semaphore_mem>>
          %dma_start3A_231 = arith.constant 0 : i32
          %dma_start3A_232 = arith.constant 0 : i32
          %dma_start3A_233 = tpu.memref_slice %arg9[%run_scoped3A_109, %dma_start3A_231, %dma_start3A_232] : memref<2x128x128xf32, #tpu.memory_space<vmem>> -> memref<1x128x128xf32, #tpu.memory_space<vmem>>
          %dma_start3A_234 = tpu.memref_squeeze %dma_start3A_233 : memref<1x128x128xf32, #tpu.memory_space<vmem>> -> memref<128x128xf32, #tpu.memory_space<vmem>>
          %dma_start3A_235 = arith.constant 0 : i32
          %dma_start3A_236 = tpu.memref_slice %arg8[%run_scoped3A_110, %dma_start3A_235] : memref<8x128xi32, #tpu.memory_space<vmem>> -> memref<1x128xi32, #tpu.memory_space<vmem>>
          %dma_start3A_237 = tpu.memref_squeeze %dma_start3A_236 : memref<1x128xi32, #tpu.memory_space<vmem>> -> memref<128xi32, #tpu.memory_space<vmem>>
          %dma_start3A_238 = arith.constant 0 : i32
          %dma_start3A_239 = arith.constant 0 : i32
          %dma_start3A_240 = tpu.memref_slice %arg6[%dma_start3A_238, %dma_start3A_239] : memref<10240x128xf32, #tpu.memory_space<vmem_shared>> -> memref<10240x128xf32, #tpu.memory_space<vmem_shared>>
          tpu.enqueue_indirect_dma source(%dma_start3A_234 : memref<128x128xf32, #tpu.memory_space<vmem>>) target(%dma_start3A_240 : memref<10240x128xf32, #tpu.memory_space<vmem_shared>>) offsets(%dma_start3A_237 : memref<128xi32, #tpu.memory_space<vmem>>) semaphore(%run_scoped3A_230 : memref<!tpu.dma_semaphore, #tpu.memory_space<semaphore_mem>>) {add = true}
          %dma_wait3A_241 = arith.constant 0 : i32
          %dma_wait3A_242 = arith.constant 0 : i32
          %dma_wait3A_243 = tpu.memref_slice %arg9[%run_scoped3A_109, %dma_wait3A_241, %dma_wait3A_242] : memref<2x128x128xf32, #tpu.memory_space<vmem>> -> memref<1x128x128xf32, #tpu.memory_space<vmem>>
          %dma_wait3A_244 = tpu.memref_squeeze %dma_wait3A_243 : memref<1x128x128xf32, #tpu.memory_space<vmem>> -> memref<128x128xf32, #tpu.memory_space<vmem>>
          %dma_wait3A_245 = arith.constant 0 : i32
          %dma_wait3A_246 = tpu.memref_slice %arg8[%run_scoped3A_110, %dma_wait3A_245] : memref<8x128xi32, #tpu.memory_space<vmem>> -> memref<1x128xi32, #tpu.memory_space<vmem>>
          %dma_wait3A_247 = tpu.memref_squeeze %dma_wait3A_246 : memref<1x128xi32, #tpu.memory_space<vmem>> -> memref<128xi32, #tpu.memory_space<vmem>>
          %dma_wait3A_248 = arith.constant 0 : i32
          %dma_wait3A_249 = arith.constant 0 : i32
          %dma_wait3A_250 = tpu.memref_slice %arg6[%dma_wait3A_248, %dma_wait3A_249] : memref<10240x128xf32, #tpu.memory_space<vmem_shared>> -> memref<10240x128xf32, #tpu.memory_space<vmem_shared>>
          tpu.wait_indirect_dma semaphore(%run_scoped3A_230 : memref<!tpu.dma_semaphore, #tpu.memory_space<semaphore_mem>>) src(%dma_wait3A_244 : memref<128x128xf32, #tpu.memory_space<vmem>>) dst(%dma_wait3A_250 : memref<10240x128xf32, #tpu.memory_space<vmem_shared>>)
          tpu.yield
        }) : () -> ()
        %dma_start3A_111 = arith.constant 4 : i32
        %dma_start3A_112 = arith.constant 0 : i32
        %dma_start3A_113 = arith.constant 0 : i32
        %dma_start3A_114 = arith.constant 0 : i32
        %dma_start3A_115 = tpu.memref_slice %arg9[%dma_start3A_112, %dma_start3A_113, %dma_start3A_114] : memref<2x128x128xf32, #tpu.memory_space<vmem>> -> memref<1x128x128xf32, #tpu.memory_space<vmem>>
        %dma_start3A_116 = tpu.memref_squeeze %dma_start3A_115 : memref<1x128x128xf32, #tpu.memory_space<vmem>> -> memref<128x128xf32, #tpu.memory_space<vmem>>
        %dma_start3A_117 = arith.constant 0 : i32
        %dma_start3A_118 = tpu.memref_slice %arg7[%dma_start3A_111, %dma_start3A_117] : memref<8x128xi32, #tpu.memory_space<vmem>> -> memref<1x128xi32, #tpu.memory_space<vmem>>
        %dma_start3A_119 = tpu.memref_squeeze %dma_start3A_118 : memref<1x128xi32, #tpu.memory_space<vmem>> -> memref<128xi32, #tpu.memory_space<vmem>>
        %dma_start3A_120 = arith.constant 0 : i32
        %dma_start3A_121 = arith.constant 0 : i32
        %dma_start3A_122 = tpu.memref_slice %arg2[%dma_start3A_120, %dma_start3A_121] : memref<10240x128xf32, #tpu.memory_space<hbm>> -> memref<10240x128xf32, #tpu.memory_space<hbm>>
        tpu.enqueue_indirect_dma source(%dma_start3A_122 : memref<10240x128xf32, #tpu.memory_space<hbm>>) target(%dma_start3A_116 : memref<128x128xf32, #tpu.memory_space<vmem>>) offsets(%dma_start3A_119 : memref<128xi32, #tpu.memory_space<vmem>>) semaphore(%arg10 : memref<!tpu.dma_semaphore, #tpu.memory_space<semaphore_mem>>)
        %dma_wait3A_123 = arith.constant 3 : i32
        %dma_wait3A_124 = arith.constant 1 : i32
        %dma_wait3A_125 = arith.constant 0 : i32
        %dma_wait3A_126 = arith.constant 0 : i32
        %dma_wait3A_127 = tpu.memref_slice %arg9[%dma_wait3A_124, %dma_wait3A_125, %dma_wait3A_126] : memref<2x128x128xf32, #tpu.memory_space<vmem>> -> memref<1x128x128xf32, #tpu.memory_space<vmem>>
        %dma_wait3A_128 = tpu.memref_squeeze %dma_wait3A_127 : memref<1x128x128xf32, #tpu.memory_space<vmem>> -> memref<128x128xf32, #tpu.memory_space<vmem>>
        %dma_wait3A_129 = arith.constant 0 : i32
        %dma_wait3A_130 = tpu.memref_slice %arg7[%dma_wait3A_123, %dma_wait3A_129] : memref<8x128xi32, #tpu.memory_space<vmem>> -> memref<1x128xi32, #tpu.memory_space<vmem>>
        %dma_wait3A_131 = tpu.memref_squeeze %dma_wait3A_130 : memref<1x128xi32, #tpu.memory_space<vmem>> -> memref<128xi32, #tpu.memory_space<vmem>>
        %dma_wait3A_132 = arith.constant 0 : i32
        %dma_wait3A_133 = arith.constant 0 : i32
        %dma_wait3A_134 = tpu.memref_slice %arg2[%dma_wait3A_132, %dma_wait3A_133] : memref<10240x128xf32, #tpu.memory_space<hbm>> -> memref<10240x128xf32, #tpu.memory_space<hbm>>
        tpu.wait_indirect_dma semaphore(%arg11 : memref<!tpu.dma_semaphore, #tpu.memory_space<semaphore_mem>>) src(%dma_wait3A_134 : memref<10240x128xf32, #tpu.memory_space<hbm>>) dst(%dma_wait3A_128 : memref<128x128xf32, #tpu.memory_space<vmem>>)
        %run_scoped3A_135 = arith.constant 1 : i32
        %run_scoped3A_136 = arith.constant 3 : i32
        "tpu.region"() ({
          %run_scoped3A_230 = tpu.sem_alloc : memref<!tpu.dma_semaphore, #tpu.memory_space<semaphore_mem>>
          %dma_start3A_231 = arith.constant 0 : i32
          %dma_start3A_232 = arith.constant 0 : i32
          %dma_start3A_233 = tpu.memref_slice %arg9[%run_scoped3A_135, %dma_start3A_231, %dma_start3A_232] : memref<2x128x128xf32, #tpu.memory_space<vmem>> -> memref<1x128x128xf32, #tpu.memory_space<vmem>>
          %dma_start3A_234 = tpu.memref_squeeze %dma_start3A_233 : memref<1x128x128xf32, #tpu.memory_space<vmem>> -> memref<128x128xf32, #tpu.memory_space<vmem>>
          %dma_start3A_235 = arith.constant 0 : i32
          %dma_start3A_236 = tpu.memref_slice %arg8[%run_scoped3A_136, %dma_start3A_235] : memref<8x128xi32, #tpu.memory_space<vmem>> -> memref<1x128xi32, #tpu.memory_space<vmem>>
          %dma_start3A_237 = tpu.memref_squeeze %dma_start3A_236 : memref<1x128xi32, #tpu.memory_space<vmem>> -> memref<128xi32, #tpu.memory_space<vmem>>
          %dma_start3A_238 = arith.constant 0 : i32
          %dma_start3A_239 = arith.constant 0 : i32
          %dma_start3A_240 = tpu.memref_slice %arg6[%dma_start3A_238, %dma_start3A_239] : memref<10240x128xf32, #tpu.memory_space<vmem_shared>> -> memref<10240x128xf32, #tpu.memory_space<vmem_shared>>
          tpu.enqueue_indirect_dma source(%dma_start3A_234 : memref<128x128xf32, #tpu.memory_space<vmem>>) target(%dma_start3A_240 : memref<10240x128xf32, #tpu.memory_space<vmem_shared>>) offsets(%dma_start3A_237 : memref<128xi32, #tpu.memory_space<vmem>>) semaphore(%run_scoped3A_230 : memref<!tpu.dma_semaphore, #tpu.memory_space<semaphore_mem>>) {add = true}
          %dma_wait3A_241 = arith.constant 0 : i32
          %dma_wait3A_242 = arith.constant 0 : i32
          %dma_wait3A_243 = tpu.memref_slice %arg9[%run_scoped3A_135, %dma_wait3A_241, %dma_wait3A_242] : memref<2x128x128xf32, #tpu.memory_space<vmem>> -> memref<1x128x128xf32, #tpu.memory_space<vmem>>
          %dma_wait3A_244 = tpu.memref_squeeze %dma_wait3A_243 : memref<1x128x128xf32, #tpu.memory_space<vmem>> -> memref<128x128xf32, #tpu.memory_space<vmem>>
          %dma_wait3A_245 = arith.constant 0 : i32
          %dma_wait3A_246 = tpu.memref_slice %arg8[%run_scoped3A_136, %dma_wait3A_245] : memref<8x128xi32, #tpu.memory_space<vmem>> -> memref<1x128xi32, #tpu.memory_space<vmem>>
          %dma_wait3A_247 = tpu.memref_squeeze %dma_wait3A_246 : memref<1x128xi32, #tpu.memory_space<vmem>> -> memref<128xi32, #tpu.memory_space<vmem>>
          %dma_wait3A_248 = arith.constant 0 : i32
          %dma_wait3A_249 = arith.constant 0 : i32
          %dma_wait3A_250 = tpu.memref_slice %arg6[%dma_wait3A_248, %dma_wait3A_249] : memref<10240x128xf32, #tpu.memory_space<vmem_shared>> -> memref<10240x128xf32, #tpu.memory_space<vmem_shared>>
          tpu.wait_indirect_dma semaphore(%run_scoped3A_230 : memref<!tpu.dma_semaphore, #tpu.memory_space<semaphore_mem>>) src(%dma_wait3A_244 : memref<128x128xf32, #tpu.memory_space<vmem>>) dst(%dma_wait3A_250 : memref<10240x128xf32, #tpu.memory_space<vmem_shared>>)
          tpu.yield
        }) : () -> ()
        %dma_start3A_137 = arith.constant 5 : i32
        %dma_start3A_138 = arith.constant 1 : i32
        %dma_start3A_139 = arith.constant 0 : i32
        %dma_start3A_140 = arith.constant 0 : i32
        %dma_start3A_141 = tpu.memref_slice %arg9[%dma_start3A_138, %dma_start3A_139, %dma_start3A_140] : memref<2x128x128xf32, #tpu.memory_space<vmem>> -> memref<1x128x128xf32, #tpu.memory_space<vmem>>
        %dma_start3A_142 = tpu.memref_squeeze %dma_start3A_141 : memref<1x128x128xf32, #tpu.memory_space<vmem>> -> memref<128x128xf32, #tpu.memory_space<vmem>>
        %dma_start3A_143 = arith.constant 0 : i32
        %dma_start3A_144 = tpu.memref_slice %arg7[%dma_start3A_137, %dma_start3A_143] : memref<8x128xi32, #tpu.memory_space<vmem>> -> memref<1x128xi32, #tpu.memory_space<vmem>>
        %dma_start3A_145 = tpu.memref_squeeze %dma_start3A_144 : memref<1x128xi32, #tpu.memory_space<vmem>> -> memref<128xi32, #tpu.memory_space<vmem>>
        %dma_start3A_146 = arith.constant 0 : i32
        %dma_start3A_147 = arith.constant 0 : i32
        %dma_start3A_148 = tpu.memref_slice %arg2[%dma_start3A_146, %dma_start3A_147] : memref<10240x128xf32, #tpu.memory_space<hbm>> -> memref<10240x128xf32, #tpu.memory_space<hbm>>
        tpu.enqueue_indirect_dma source(%dma_start3A_148 : memref<10240x128xf32, #tpu.memory_space<hbm>>) target(%dma_start3A_142 : memref<128x128xf32, #tpu.memory_space<vmem>>) offsets(%dma_start3A_145 : memref<128xi32, #tpu.memory_space<vmem>>) semaphore(%arg11 : memref<!tpu.dma_semaphore, #tpu.memory_space<semaphore_mem>>)
        %dma_wait3A_149 = arith.constant 4 : i32
        %dma_wait3A_150 = arith.constant 0 : i32
        %dma_wait3A_151 = arith.constant 0 : i32
        %dma_wait3A_152 = arith.constant 0 : i32
        %dma_wait3A_153 = tpu.memref_slice %arg9[%dma_wait3A_150, %dma_wait3A_151, %dma_wait3A_152] : memref<2x128x128xf32, #tpu.memory_space<vmem>> -> memref<1x128x128xf32, #tpu.memory_space<vmem>>
        %dma_wait3A_154 = tpu.memref_squeeze %dma_wait3A_153 : memref<1x128x128xf32, #tpu.memory_space<vmem>> -> memref<128x128xf32, #tpu.memory_space<vmem>>
        %dma_wait3A_155 = arith.constant 0 : i32
        %dma_wait3A_156 = tpu.memref_slice %arg7[%dma_wait3A_149, %dma_wait3A_155] : memref<8x128xi32, #tpu.memory_space<vmem>> -> memref<1x128xi32, #tpu.memory_space<vmem>>
        %dma_wait3A_157 = tpu.memref_squeeze %dma_wait3A_156 : memref<1x128xi32, #tpu.memory_space<vmem>> -> memref<128xi32, #tpu.memory_space<vmem>>
        %dma_wait3A_158 = arith.constant 0 : i32
        %dma_wait3A_159 = arith.constant 0 : i32
        %dma_wait3A_160 = tpu.memref_slice %arg2[%dma_wait3A_158, %dma_wait3A_159] : memref<10240x128xf32, #tpu.memory_space<hbm>> -> memref<10240x128xf32, #tpu.memory_space<hbm>>
        tpu.wait_indirect_dma semaphore(%arg10 : memref<!tpu.dma_semaphore, #tpu.memory_space<semaphore_mem>>) src(%dma_wait3A_160 : memref<10240x128xf32, #tpu.memory_space<hbm>>) dst(%dma_wait3A_154 : memref<128x128xf32, #tpu.memory_space<vmem>>)
        %run_scoped3A_161 = arith.constant 0 : i32
        %run_scoped3A_162 = arith.constant 4 : i32
        "tpu.region"() ({
          %run_scoped3A_230 = tpu.sem_alloc : memref<!tpu.dma_semaphore, #tpu.memory_space<semaphore_mem>>
          %dma_start3A_231 = arith.constant 0 : i32
          %dma_start3A_232 = arith.constant 0 : i32
          %dma_start3A_233 = tpu.memref_slice %arg9[%run_scoped3A_161, %dma_start3A_231, %dma_start3A_232] : memref<2x128x128xf32, #tpu.memory_space<vmem>> -> memref<1x128x128xf32, #tpu.memory_space<vmem>>
          %dma_start3A_234 = tpu.memref_squeeze %dma_start3A_233 : memref<1x128x128xf32, #tpu.memory_space<vmem>> -> memref<128x128xf32, #tpu.memory_space<vmem>>
          %dma_start3A_235 = arith.constant 0 : i32
          %dma_start3A_236 = tpu.memref_slice %arg8[%run_scoped3A_162, %dma_start3A_235] : memref<8x128xi32, #tpu.memory_space<vmem>> -> memref<1x128xi32, #tpu.memory_space<vmem>>
          %dma_start3A_237 = tpu.memref_squeeze %dma_start3A_236 : memref<1x128xi32, #tpu.memory_space<vmem>> -> memref<128xi32, #tpu.memory_space<vmem>>
          %dma_start3A_238 = arith.constant 0 : i32
          %dma_start3A_239 = arith.constant 0 : i32
          %dma_start3A_240 = tpu.memref_slice %arg6[%dma_start3A_238, %dma_start3A_239] : memref<10240x128xf32, #tpu.memory_space<vmem_shared>> -> memref<10240x128xf32, #tpu.memory_space<vmem_shared>>
          tpu.enqueue_indirect_dma source(%dma_start3A_234 : memref<128x128xf32, #tpu.memory_space<vmem>>) target(%dma_start3A_240 : memref<10240x128xf32, #tpu.memory_space<vmem_shared>>) offsets(%dma_start3A_237 : memref<128xi32, #tpu.memory_space<vmem>>) semaphore(%run_scoped3A_230 : memref<!tpu.dma_semaphore, #tpu.memory_space<semaphore_mem>>) {add = true}
          %dma_wait3A_241 = arith.constant 0 : i32
          %dma_wait3A_242 = arith.constant 0 : i32
          %dma_wait3A_243 = tpu.memref_slice %arg9[%run_scoped3A_161, %dma_wait3A_241, %dma_wait3A_242] : memref<2x128x128xf32, #tpu.memory_space<vmem>> -> memref<1x128x128xf32, #tpu.memory_space<vmem>>
          %dma_wait3A_244 = tpu.memref_squeeze %dma_wait3A_243 : memref<1x128x128xf32, #tpu.memory_space<vmem>> -> memref<128x128xf32, #tpu.memory_space<vmem>>
          %dma_wait3A_245 = arith.constant 0 : i32
          %dma_wait3A_246 = tpu.memref_slice %arg8[%run_scoped3A_162, %dma_wait3A_245] : memref<8x128xi32, #tpu.memory_space<vmem>> -> memref<1x128xi32, #tpu.memory_space<vmem>>
          %dma_wait3A_247 = tpu.memref_squeeze %dma_wait3A_246 : memref<1x128xi32, #tpu.memory_space<vmem>> -> memref<128xi32, #tpu.memory_space<vmem>>
          %dma_wait3A_248 = arith.constant 0 : i32
          %dma_wait3A_249 = arith.constant 0 : i32
          %dma_wait3A_250 = tpu.memref_slice %arg6[%dma_wait3A_248, %dma_wait3A_249] : memref<10240x128xf32, #tpu.memory_space<vmem_shared>> -> memref<10240x128xf32, #tpu.memory_space<vmem_shared>>
          tpu.wait_indirect_dma semaphore(%run_scoped3A_230 : memref<!tpu.dma_semaphore, #tpu.memory_space<semaphore_mem>>) src(%dma_wait3A_244 : memref<128x128xf32, #tpu.memory_space<vmem>>) dst(%dma_wait3A_250 : memref<10240x128xf32, #tpu.memory_space<vmem_shared>>)
          tpu.yield
        }) : () -> ()
        %dma_start3A_163 = arith.constant 6 : i32
        %dma_start3A_164 = arith.constant 0 : i32
        %dma_start3A_165 = arith.constant 0 : i32
        %dma_start3A_166 = arith.constant 0 : i32
        %dma_start3A_167 = tpu.memref_slice %arg9[%dma_start3A_164, %dma_start3A_165, %dma_start3A_166] : memref<2x128x128xf32, #tpu.memory_space<vmem>> -> memref<1x128x128xf32, #tpu.memory_space<vmem>>
        %dma_start3A_168 = tpu.memref_squeeze %dma_start3A_167 : memref<1x128x128xf32, #tpu.memory_space<vmem>> -> memref<128x128xf32, #tpu.memory_space<vmem>>
        %dma_start3A_169 = arith.constant 0 : i32
        %dma_start3A_170 = tpu.memref_slice %arg7[%dma_start3A_163, %dma_start3A_169] : memref<8x128xi32, #tpu.memory_space<vmem>> -> memref<1x128xi32, #tpu.memory_space<vmem>>
        %dma_start3A_171 = tpu.memref_squeeze %dma_start3A_170 : memref<1x128xi32, #tpu.memory_space<vmem>> -> memref<128xi32, #tpu.memory_space<vmem>>
        %dma_start3A_172 = arith.constant 0 : i32
        %dma_start3A_173 = arith.constant 0 : i32
        %dma_start3A_174 = tpu.memref_slice %arg2[%dma_start3A_172, %dma_start3A_173] : memref<10240x128xf32, #tpu.memory_space<hbm>> -> memref<10240x128xf32, #tpu.memory_space<hbm>>
        tpu.enqueue_indirect_dma source(%dma_start3A_174 : memref<10240x128xf32, #tpu.memory_space<hbm>>) target(%dma_start3A_168 : memref<128x128xf32, #tpu.memory_space<vmem>>) offsets(%dma_start3A_171 : memref<128xi32, #tpu.memory_space<vmem>>) semaphore(%arg10 : memref<!tpu.dma_semaphore, #tpu.memory_space<semaphore_mem>>)
        %dma_wait3A_175 = arith.constant 5 : i32
        %dma_wait3A_176 = arith.constant 1 : i32
        %dma_wait3A_177 = arith.constant 0 : i32
        %dma_wait3A_178 = arith.constant 0 : i32
        %dma_wait3A_179 = tpu.memref_slice %arg9[%dma_wait3A_176, %dma_wait3A_177, %dma_wait3A_178] : memref<2x128x128xf32, #tpu.memory_space<vmem>> -> memref<1x128x128xf32, #tpu.memory_space<vmem>>
        %dma_wait3A_180 = tpu.memref_squeeze %dma_wait3A_179 : memref<1x128x128xf32, #tpu.memory_space<vmem>> -> memref<128x128xf32, #tpu.memory_space<vmem>>
        %dma_wait3A_181 = arith.constant 0 : i32
        %dma_wait3A_182 = tpu.memref_slice %arg7[%dma_wait3A_175, %dma_wait3A_181] : memref<8x128xi32, #tpu.memory_space<vmem>> -> memref<1x128xi32, #tpu.memory_space<vmem>>
        %dma_wait3A_183 = tpu.memref_squeeze %dma_wait3A_182 : memref<1x128xi32, #tpu.memory_space<vmem>> -> memref<128xi32, #tpu.memory_space<vmem>>
        %dma_wait3A_184 = arith.constant 0 : i32
        %dma_wait3A_185 = arith.constant 0 : i32
        %dma_wait3A_186 = tpu.memref_slice %arg2[%dma_wait3A_184, %dma_wait3A_185] : memref<10240x128xf32, #tpu.memory_space<hbm>> -> memref<10240x128xf32, #tpu.memory_space<hbm>>
        tpu.wait_indirect_dma semaphore(%arg11 : memref<!tpu.dma_semaphore, #tpu.memory_space<semaphore_mem>>) src(%dma_wait3A_186 : memref<10240x128xf32, #tpu.memory_space<hbm>>) dst(%dma_wait3A_180 : memref<128x128xf32, #tpu.memory_space<vmem>>)
        %run_scoped3A_187 = arith.constant 1 : i32
        %run_scoped3A_188 = arith.constant 5 : i32
        "tpu.region"() ({
          %run_scoped3A_230 = tpu.sem_alloc : memref<!tpu.dma_semaphore, #tpu.memory_space<semaphore_mem>>
          %dma_start3A_231 = arith.constant 0 : i32
          %dma_start3A_232 = arith.constant 0 : i32
          %dma_start3A_233 = tpu.memref_slice %arg9[%run_scoped3A_187, %dma_start3A_231, %dma_start3A_232] : memref<2x128x128xf32, #tpu.memory_space<vmem>> -> memref<1x128x128xf32, #tpu.memory_space<vmem>>
          %dma_start3A_234 = tpu.memref_squeeze %dma_start3A_233 : memref<1x128x128xf32, #tpu.memory_space<vmem>> -> memref<128x128xf32, #tpu.memory_space<vmem>>
          %dma_start3A_235 = arith.constant 0 : i32
          %dma_start3A_236 = tpu.memref_slice %arg8[%run_scoped3A_188, %dma_start3A_235] : memref<8x128xi32, #tpu.memory_space<vmem>> -> memref<1x128xi32, #tpu.memory_space<vmem>>
          %dma_start3A_237 = tpu.memref_squeeze %dma_start3A_236 : memref<1x128xi32, #tpu.memory_space<vmem>> -> memref<128xi32, #tpu.memory_space<vmem>>
          %dma_start3A_238 = arith.constant 0 : i32
          %dma_start3A_239 = arith.constant 0 : i32
          %dma_start3A_240 = tpu.memref_slice %arg6[%dma_start3A_238, %dma_start3A_239] : memref<10240x128xf32, #tpu.memory_space<vmem_shared>> -> memref<10240x128xf32, #tpu.memory_space<vmem_shared>>
          tpu.enqueue_indirect_dma source(%dma_start3A_234 : memref<128x128xf32, #tpu.memory_space<vmem>>) target(%dma_start3A_240 : memref<10240x128xf32, #tpu.memory_space<vmem_shared>>) offsets(%dma_start3A_237 : memref<128xi32, #tpu.memory_space<vmem>>) semaphore(%run_scoped3A_230 : memref<!tpu.dma_semaphore, #tpu.memory_space<semaphore_mem>>) {add = true}
          %dma_wait3A_241 = arith.constant 0 : i32
          %dma_wait3A_242 = arith.constant 0 : i32
          %dma_wait3A_243 = tpu.memref_slice %arg9[%run_scoped3A_187, %dma_wait3A_241, %dma_wait3A_242] : memref<2x128x128xf32, #tpu.memory_space<vmem>> -> memref<1x128x128xf32, #tpu.memory_space<vmem>>
          %dma_wait3A_244 = tpu.memref_squeeze %dma_wait3A_243 : memref<1x128x128xf32, #tpu.memory_space<vmem>> -> memref<128x128xf32, #tpu.memory_space<vmem>>
          %dma_wait3A_245 = arith.constant 0 : i32
          %dma_wait3A_246 = tpu.memref_slice %arg8[%run_scoped3A_188, %dma_wait3A_245] : memref<8x128xi32, #tpu.memory_space<vmem>> -> memref<1x128xi32, #tpu.memory_space<vmem>>
          %dma_wait3A_247 = tpu.memref_squeeze %dma_wait3A_246 : memref<1x128xi32, #tpu.memory_space<vmem>> -> memref<128xi32, #tpu.memory_space<vmem>>
          %dma_wait3A_248 = arith.constant 0 : i32
          %dma_wait3A_249 = arith.constant 0 : i32
          %dma_wait3A_250 = tpu.memref_slice %arg6[%dma_wait3A_248, %dma_wait3A_249] : memref<10240x128xf32, #tpu.memory_space<vmem_shared>> -> memref<10240x128xf32, #tpu.memory_space<vmem_shared>>
          tpu.wait_indirect_dma semaphore(%run_scoped3A_230 : memref<!tpu.dma_semaphore, #tpu.memory_space<semaphore_mem>>) src(%dma_wait3A_244 : memref<128x128xf32, #tpu.memory_space<vmem>>) dst(%dma_wait3A_250 : memref<10240x128xf32, #tpu.memory_space<vmem_shared>>)
          tpu.yield
        }) : () -> ()
        %dma_start3A_189 = arith.constant 7 : i32
        %dma_start3A_190 = arith.constant 1 : i32
        %dma_start3A_191 = arith.constant 0 : i32
        %dma_start3A_192 = arith.constant 0 : i32
        %dma_start3A_193 = tpu.memref_slice %arg9[%dma_start3A_190, %dma_start3A_191, %dma_start3A_192] : memref<2x128x128xf32, #tpu.memory_space<vmem>> -> memref<1x128x128xf32, #tpu.memory_space<vmem>>
        %dma_start3A_194 = tpu.memref_squeeze %dma_start3A_193 : memref<1x128x128xf32, #tpu.memory_space<vmem>> -> memref<128x128xf32, #tpu.memory_space<vmem>>
        %dma_start3A_195 = arith.constant 0 : i32
        %dma_start3A_196 = tpu.memref_slice %arg7[%dma_start3A_189, %dma_start3A_195] : memref<8x128xi32, #tpu.memory_space<vmem>> -> memref<1x128xi32, #tpu.memory_space<vmem>>
        %dma_start3A_197 = tpu.memref_squeeze %dma_start3A_196 : memref<1x128xi32, #tpu.memory_space<vmem>> -> memref<128xi32, #tpu.memory_space<vmem>>
        %dma_start3A_198 = arith.constant 0 : i32
        %dma_start3A_199 = arith.constant 0 : i32
        %dma_start3A_200 = tpu.memref_slice %arg2[%dma_start3A_198, %dma_start3A_199] : memref<10240x128xf32, #tpu.memory_space<hbm>> -> memref<10240x128xf32, #tpu.memory_space<hbm>>
        tpu.enqueue_indirect_dma source(%dma_start3A_200 : memref<10240x128xf32, #tpu.memory_space<hbm>>) target(%dma_start3A_194 : memref<128x128xf32, #tpu.memory_space<vmem>>) offsets(%dma_start3A_197 : memref<128xi32, #tpu.memory_space<vmem>>) semaphore(%arg11 : memref<!tpu.dma_semaphore, #tpu.memory_space<semaphore_mem>>)
        %dma_wait3A_201 = arith.constant 6 : i32
        %dma_wait3A_202 = arith.constant 0 : i32
        %dma_wait3A_203 = arith.constant 0 : i32
        %dma_wait3A_204 = arith.constant 0 : i32
        %dma_wait3A_205 = tpu.memref_slice %arg9[%dma_wait3A_202, %dma_wait3A_203, %dma_wait3A_204] : memref<2x128x128xf32, #tpu.memory_space<vmem>> -> memref<1x128x128xf32, #tpu.memory_space<vmem>>
        %dma_wait3A_206 = tpu.memref_squeeze %dma_wait3A_205 : memref<1x128x128xf32, #tpu.memory_space<vmem>> -> memref<128x128xf32, #tpu.memory_space<vmem>>
        %dma_wait3A_207 = arith.constant 0 : i32
        %dma_wait3A_208 = tpu.memref_slice %arg7[%dma_wait3A_201, %dma_wait3A_207] : memref<8x128xi32, #tpu.memory_space<vmem>> -> memref<1x128xi32, #tpu.memory_space<vmem>>
        %dma_wait3A_209 = tpu.memref_squeeze %dma_wait3A_208 : memref<1x128xi32, #tpu.memory_space<vmem>> -> memref<128xi32, #tpu.memory_space<vmem>>
        %dma_wait3A_210 = arith.constant 0 : i32
        %dma_wait3A_211 = arith.constant 0 : i32
        %dma_wait3A_212 = tpu.memref_slice %arg2[%dma_wait3A_210, %dma_wait3A_211] : memref<10240x128xf32, #tpu.memory_space<hbm>> -> memref<10240x128xf32, #tpu.memory_space<hbm>>
        tpu.wait_indirect_dma semaphore(%arg10 : memref<!tpu.dma_semaphore, #tpu.memory_space<semaphore_mem>>) src(%dma_wait3A_212 : memref<10240x128xf32, #tpu.memory_space<hbm>>) dst(%dma_wait3A_206 : memref<128x128xf32, #tpu.memory_space<vmem>>)
        %run_scoped3A_213 = arith.constant 0 : i32
        %run_scoped3A_214 = arith.constant 6 : i32
        "tpu.region"() ({
          %run_scoped3A_230 = tpu.sem_alloc : memref<!tpu.dma_semaphore, #tpu.memory_space<semaphore_mem>>
          %dma_start3A_231 = arith.constant 0 : i32
          %dma_start3A_232 = arith.constant 0 : i32
          %dma_start3A_233 = tpu.memref_slice %arg9[%run_scoped3A_213, %dma_start3A_231, %dma_start3A_232] : memref<2x128x128xf32, #tpu.memory_space<vmem>> -> memref<1x128x128xf32, #tpu.memory_space<vmem>>
          %dma_start3A_234 = tpu.memref_squeeze %dma_start3A_233 : memref<1x128x128xf32, #tpu.memory_space<vmem>> -> memref<128x128xf32, #tpu.memory_space<vmem>>
          %dma_start3A_235 = arith.constant 0 : i32
          %dma_start3A_236 = tpu.memref_slice %arg8[%run_scoped3A_214, %dma_start3A_235] : memref<8x128xi32, #tpu.memory_space<vmem>> -> memref<1x128xi32, #tpu.memory_space<vmem>>
          %dma_start3A_237 = tpu.memref_squeeze %dma_start3A_236 : memref<1x128xi32, #tpu.memory_space<vmem>> -> memref<128xi32, #tpu.memory_space<vmem>>
          %dma_start3A_238 = arith.constant 0 : i32
          %dma_start3A_239 = arith.constant 0 : i32
          %dma_start3A_240 = tpu.memref_slice %arg6[%dma_start3A_238, %dma_start3A_239] : memref<10240x128xf32, #tpu.memory_space<vmem_shared>> -> memref<10240x128xf32, #tpu.memory_space<vmem_shared>>
          tpu.enqueue_indirect_dma source(%dma_start3A_234 : memref<128x128xf32, #tpu.memory_space<vmem>>) target(%dma_start3A_240 : memref<10240x128xf32, #tpu.memory_space<vmem_shared>>) offsets(%dma_start3A_237 : memref<128xi32, #tpu.memory_space<vmem>>) semaphore(%run_scoped3A_230 : memref<!tpu.dma_semaphore, #tpu.memory_space<semaphore_mem>>) {add = true}
          %dma_wait3A_241 = arith.constant 0 : i32
          %dma_wait3A_242 = arith.constant 0 : i32
          %dma_wait3A_243 = tpu.memref_slice %arg9[%run_scoped3A_213, %dma_wait3A_241, %dma_wait3A_242] : memref<2x128x128xf32, #tpu.memory_space<vmem>> -> memref<1x128x128xf32, #tpu.memory_space<vmem>>
          %dma_wait3A_244 = tpu.memref_squeeze %dma_wait3A_243 : memref<1x128x128xf32, #tpu.memory_space<vmem>> -> memref<128x128xf32, #tpu.memory_space<vmem>>
          %dma_wait3A_245 = arith.constant 0 : i32
          %dma_wait3A_246 = tpu.memref_slice %arg8[%run_scoped3A_214, %dma_wait3A_245] : memref<8x128xi32, #tpu.memory_space<vmem>> -> memref<1x128xi32, #tpu.memory_space<vmem>>
          %dma_wait3A_247 = tpu.memref_squeeze %dma_wait3A_246 : memref<1x128xi32, #tpu.memory_space<vmem>> -> memref<128xi32, #tpu.memory_space<vmem>>
          %dma_wait3A_248 = arith.constant 0 : i32
          %dma_wait3A_249 = arith.constant 0 : i32
          %dma_wait3A_250 = tpu.memref_slice %arg6[%dma_wait3A_248, %dma_wait3A_249] : memref<10240x128xf32, #tpu.memory_space<vmem_shared>> -> memref<10240x128xf32, #tpu.memory_space<vmem_shared>>
          tpu.wait_indirect_dma semaphore(%run_scoped3A_230 : memref<!tpu.dma_semaphore, #tpu.memory_space<semaphore_mem>>) src(%dma_wait3A_244 : memref<128x128xf32, #tpu.memory_space<vmem>>) dst(%dma_wait3A_250 : memref<10240x128xf32, #tpu.memory_space<vmem_shared>>)
          tpu.yield
        }) : () -> ()
        %dma_wait3A_215 = arith.constant 7 : i32
        %dma_wait3A_216 = arith.constant 1 : i32
        %dma_wait3A_217 = arith.constant 0 : i32
        %dma_wait3A_218 = arith.constant 0 : i32
        %dma_wait3A_219 = tpu.memref_slice %arg9[%dma_wait3A_216, %dma_wait3A_217, %dma_wait3A_218] : memref<2x128x128xf32, #tpu.memory_space<vmem>> -> memref<1x128x128xf32, #tpu.memory_space<vmem>>
        %dma_wait3A_220 = tpu.memref_squeeze %dma_wait3A_219 : memref<1x128x128xf32, #tpu.memory_space<vmem>> -> memref<128x128xf32, #tpu.memory_space<vmem>>
        %dma_wait3A_221 = arith.constant 0 : i32
        %dma_wait3A_222 = tpu.memref_slice %arg7[%dma_wait3A_215, %dma_wait3A_221] : memref<8x128xi32, #tpu.memory_space<vmem>> -> memref<1x128xi32, #tpu.memory_space<vmem>>
        %dma_wait3A_223 = tpu.memref_squeeze %dma_wait3A_222 : memref<1x128xi32, #tpu.memory_space<vmem>> -> memref<128xi32, #tpu.memory_space<vmem>>
        %dma_wait3A_224 = arith.constant 0 : i32
        %dma_wait3A_225 = arith.constant 0 : i32
        %dma_wait3A_226 = tpu.memref_slice %arg2[%dma_wait3A_224, %dma_wait3A_225] : memref<10240x128xf32, #tpu.memory_space<hbm>> -> memref<10240x128xf32, #tpu.memory_space<hbm>>
        tpu.wait_indirect_dma semaphore(%arg11 : memref<!tpu.dma_semaphore, #tpu.memory_space<semaphore_mem>>) src(%dma_wait3A_226 : memref<10240x128xf32, #tpu.memory_space<hbm>>) dst(%dma_wait3A_220 : memref<128x128xf32, #tpu.memory_space<vmem>>)
        %run_scoped3A_227 = arith.constant 1 : i32
        %run_scoped3A_228 = arith.constant 7 : i32
        "tpu.region"() ({
          %run_scoped3A_230 = tpu.sem_alloc : memref<!tpu.dma_semaphore, #tpu.memory_space<semaphore_mem>>
          %dma_start3A_231 = arith.constant 0 : i32
          %dma_start3A_232 = arith.constant 0 : i32
          %dma_start3A_233 = tpu.memref_slice %arg9[%run_scoped3A_227, %dma_start3A_231, %dma_start3A_232] : memref<2x128x128xf32, #tpu.memory_space<vmem>> -> memref<1x128x128xf32, #tpu.memory_space<vmem>>
          %dma_start3A_234 = tpu.memref_squeeze %dma_start3A_233 : memref<1x128x128xf32, #tpu.memory_space<vmem>> -> memref<128x128xf32, #tpu.memory_space<vmem>>
          %dma_start3A_235 = arith.constant 0 : i32
          %dma_start3A_236 = tpu.memref_slice %arg8[%run_scoped3A_228, %dma_start3A_235] : memref<8x128xi32, #tpu.memory_space<vmem>> -> memref<1x128xi32, #tpu.memory_space<vmem>>
          %dma_start3A_237 = tpu.memref_squeeze %dma_start3A_236 : memref<1x128xi32, #tpu.memory_space<vmem>> -> memref<128xi32, #tpu.memory_space<vmem>>
          %dma_start3A_238 = arith.constant 0 : i32
          %dma_start3A_239 = arith.constant 0 : i32
          %dma_start3A_240 = tpu.memref_slice %arg6[%dma_start3A_238, %dma_start3A_239] : memref<10240x128xf32, #tpu.memory_space<vmem_shared>> -> memref<10240x128xf32, #tpu.memory_space<vmem_shared>>
          tpu.enqueue_indirect_dma source(%dma_start3A_234 : memref<128x128xf32, #tpu.memory_space<vmem>>) target(%dma_start3A_240 : memref<10240x128xf32, #tpu.memory_space<vmem_shared>>) offsets(%dma_start3A_237 : memref<128xi32, #tpu.memory_space<vmem>>) semaphore(%run_scoped3A_230 : memref<!tpu.dma_semaphore, #tpu.memory_space<semaphore_mem>>) {add = true}
          %dma_wait3A_241 = arith.constant 0 : i32
          %dma_wait3A_242 = arith.constant 0 : i32
          %dma_wait3A_243 = tpu.memref_slice %arg9[%run_scoped3A_227, %dma_wait3A_241, %dma_wait3A_242] : memref<2x128x128xf32, #tpu.memory_space<vmem>> -> memref<1x128x128xf32, #tpu.memory_space<vmem>>
          %dma_wait3A_244 = tpu.memref_squeeze %dma_wait3A_243 : memref<1x128x128xf32, #tpu.memory_space<vmem>> -> memref<128x128xf32, #tpu.memory_space<vmem>>
          %dma_wait3A_245 = arith.constant 0 : i32
          %dma_wait3A_246 = tpu.memref_slice %arg8[%run_scoped3A_228, %dma_wait3A_245] : memref<8x128xi32, #tpu.memory_space<vmem>> -> memref<1x128xi32, #tpu.memory_space<vmem>>
          %dma_wait3A_247 = tpu.memref_squeeze %dma_wait3A_246 : memref<1x128xi32, #tpu.memory_space<vmem>> -> memref<128xi32, #tpu.memory_space<vmem>>
          %dma_wait3A_248 = arith.constant 0 : i32
          %dma_wait3A_249 = arith.constant 0 : i32
          %dma_wait3A_250 = tpu.memref_slice %arg6[%dma_wait3A_248, %dma_wait3A_249] : memref<10240x128xf32, #tpu.memory_space<vmem_shared>> -> memref<10240x128xf32, #tpu.memory_space<vmem_shared>>
          tpu.wait_indirect_dma semaphore(%run_scoped3A_230 : memref<!tpu.dma_semaphore, #tpu.memory_space<semaphore_mem>>) src(%dma_wait3A_244 : memref<128x128xf32, #tpu.memory_space<vmem>>) dst(%dma_wait3A_250 : memref<10240x128xf32, #tpu.memory_space<vmem_shared>>)
          tpu.yield
        }) : () -> ()
        %scan3A_229 = arith.constant 0 : i32
        scf.yield %scan3A_229 : i32
      }
      %scan3A_17 = arith.constant 20 : i32
    } else {
    }
    %barrier3A_8 = arith.constant 0 : index
    tpu.barrier barrier_id(%barrier3A_8)
    %convert_element_type3A_9 = arith.extui %lt3A_3 : i1 to i32
    %cond3A_10 = arith.constant 0 : i32
    %cond3A_11 = arith.cmpi ne, %convert_element_type3A_9, %cond3A_10 : i32
    scf.if %cond3A_11 {
      "tpu.region"() ({
        %run_scoped3A = tpu.sem_alloc : memref<!tpu.dma_semaphore, #tpu.memory_space<semaphore_mem>>
        %dma_start3A = arith.constant 0 : i32
        %dma_start3A_12 = tpu.memref_slice %arg5[%arg0, %mul3A_2, %dma_start3A] : memref<1x10240x128xf32, #tpu.memory_space<hbm>> -> memref<1x640x128xf32, #tpu.memory_space<hbm>>
        %dma_start3A_13 = tpu.memref_squeeze %dma_start3A_12 : memref<1x640x128xf32, #tpu.memory_space<hbm>> -> memref<640x128xf32, #tpu.memory_space<hbm>>
        %dma_start3A_14 = arith.constant 0 : i32
        %dma_start3A_15 = tpu.memref_slice %arg6[%mul3A_2, %dma_start3A_14] : memref<10240x128xf32, #tpu.memory_space<vmem_shared>> -> memref<640x128xf32, #tpu.memory_space<vmem_shared>>
        tpu.enqueue_dma source(%dma_start3A_15 : memref<640x128xf32, #tpu.memory_space<vmem_shared>>) target(%dma_start3A_13 : memref<640x128xf32, #tpu.memory_space<hbm>>) target_semaphore(%run_scoped3A : memref<!tpu.dma_semaphore, #tpu.memory_space<semaphore_mem>>)
        %dma_wait3A = arith.constant 0 : i32
        %dma_wait3A_16 = tpu.memref_slice %arg5[%arg0, %mul3A_2, %dma_wait3A] : memref<1x10240x128xf32, #tpu.memory_space<hbm>> -> memref<1x640x128xf32, #tpu.memory_space<hbm>>
        %dma_wait3A_17 = tpu.memref_squeeze %dma_wait3A_16 : memref<1x640x128xf32, #tpu.memory_space<hbm>> -> memref<640x128xf32, #tpu.memory_space<hbm>>
        %dma_wait3A_18 = arith.constant 0 : i32
        %dma_wait3A_19 = tpu.memref_slice %arg6[%mul3A_2, %dma_wait3A_18] : memref<10240x128xf32, #tpu.memory_space<vmem_shared>> -> memref<640x128xf32, #tpu.memory_space<vmem_shared>>
        tpu.wait_dma2 semaphore(%run_scoped3A : memref<!tpu.dma_semaphore, #tpu.memory_space<semaphore_mem>>) src(%dma_wait3A_19 : memref<640x128xf32, #tpu.memory_space<vmem_shared>>) dst(%dma_wait3A_17 : memref<640x128xf32, #tpu.memory_space<hbm>>)
        tpu.yield
      }) : () -> ()
    } else {
    }
    return
  }
}

#map = affine_map<(d0, d1) -> (0, 0)>
#map1 = affine_map<(d0, d1) -> (0, 0, 0)>
module attributes {stable_mosaic.version = 14 : i64} {
  func.func @_agg_body(%arg0: i32, %arg1: i32, %arg2: memref<10240x128xf32, #tpu.memory_space<hbm>>, %arg3: memref<16x160x128xi32, #tpu.memory_space<hbm>>, %arg4: memref<16x160x128xi32, #tpu.memory_space<hbm>>, %arg5: memref<1x10240x128xf32, #tpu.memory_space<hbm>>, %arg6: memref<10240x128xf32, #tpu.memory_space<vmem_shared>>, %arg7: memref<8x128xi32, #tpu.memory_space<vmem>>, %arg8: memref<8x128xi32, #tpu.memory_space<vmem>>, %arg9: memref<2x128x128xf32, #tpu.memory_space<vmem>>, %arg10: memref<!tpu.dma_semaphore, #tpu.memory_space<semaphore_mem>>, %arg11: memref<!tpu.dma_semaphore, #tpu.memory_space<semaphore_mem>>) attributes {dimension_semantics = [#tpu.dimension_semantics<core_parallel>, #tpu.dimension_semantics<subcore_parallel>], iteration_bounds = array<i64: 2, 16>, scalar_prefetch = 0 : i64, scratch_operands = 6 : i64, tpu.core_type = #tpu.core_type<sc_vector_subcore>, window_params = [{transform_indices = #map}, {transform_indices = #map1}, {transform_indices = #map1}, {transform_indices = #map1}]} {
    %mul3A = arith.constant 16 : i32
    %mul3A_0 = arith.muli %arg0, %mul3A : i32
    %add3A = arith.addi %mul3A_0, %arg1 : i32
    %mul3A_1 = arith.constant 640 : i32
    %mul3A_2 = arith.muli %arg1, %mul3A_1 : i32
    %lt3A = arith.constant 1 : i32
    %lt3A_3 = arith.cmpi slt, %arg0, %lt3A : i32
    %convert_element_type3A = arith.extui %lt3A_3 : i1 to i32
    %cond3A = arith.constant 0 : i32
    %cond3A_4 = arith.cmpi ne, %convert_element_type3A, %cond3A : i32
    scf.if %cond3A_4 {
      %broadcast_in_dim3A = arith.constant 0.000000e+00 : f32
      %broadcast_in_dim3A_12 = vector.broadcast %broadcast_in_dim3A : f32 to vector<16xf32>
      %scan3A = arith.constant 0 : i32
      %scan3A_13 = arith.constant 0 : i32
      %scan3A_14 = arith.constant 128 : i32
      %scan3A_15 = arith.addi %scan3A_13, %scan3A_14 : i32
      %scan3A_16 = arith.constant 1 : i32
      %scan3A_17 = scf.for %scan3A_26 = %scan3A_13 to %scan3A_15 step %scan3A_16 iter_args(%scan3A_27 = %scan3A) -> (i32)  : i32 {
        %swap3A = arith.constant 0 : i32
        %swap3A_28 = arith.index_cast %swap3A : i32 to index
        %swap3A_29 = arith.index_cast %scan3A_26 : i32 to index
        %swap3A_30 = arith.constant 0 : index
        %swap3A_31 = tpu.vector_load %arg9[%swap3A_28, %swap3A_29, %swap3A_30] {strides = array<i32>} : memref<2x128x128xf32, #tpu.memory_space<vmem>>, vector<1x1x16xf32>,
        %swap3A_32 = vector.shape_cast %swap3A_31 : vector<1x1x16xf32> to vector<16xf32>
        %swap3A_33 = vector.shape_cast %broadcast_in_dim3A_12 : vector<16xf32> to vector<1x1x16xf32>
        tpu.vector_store %arg9[%swap3A_28, %swap3A_29, %swap3A_30], %swap3A_33 {strides = array<i32>} : memref<2x128x128xf32, #tpu.memory_space<vmem>>, vector<1x1x16xf32>,
        %swap3A_34 = arith.constant 0 : i32
        %swap3A_35 = arith.index_cast %swap3A_34 : i32 to index
        %swap3A_36 = arith.index_cast %scan3A_26 : i32 to index
        %swap3A_37 = arith.constant 16 : index
        %swap3A_38 = tpu.vector_load %arg9[%swap3A_35, %swap3A_36, %swap3A_37] {strides = array<i32>} : memref<2x128x128xf32, #tpu.memory_space<vmem>>, vector<1x1x16xf32>,
        %swap3A_39 = vector.shape_cast %swap3A_38 : vector<1x1x16xf32> to vector<16xf32>
        %swap3A_40 = vector.shape_cast %broadcast_in_dim3A_12 : vector<16xf32> to vector<1x1x16xf32>
        tpu.vector_store %arg9[%swap3A_35, %swap3A_36, %swap3A_37], %swap3A_40 {strides = array<i32>} : memref<2x128x128xf32, #tpu.memory_space<vmem>>, vector<1x1x16xf32>,
        %swap3A_41 = arith.constant 0 : i32
        %swap3A_42 = arith.index_cast %swap3A_41 : i32 to index
        %swap3A_43 = arith.index_cast %scan3A_26 : i32 to index
        %swap3A_44 = arith.constant 32 : index
        %swap3A_45 = tpu.vector_load %arg9[%swap3A_42, %swap3A_43, %swap3A_44] {strides = array<i32>} : memref<2x128x128xf32, #tpu.memory_space<vmem>>, vector<1x1x16xf32>,
        %swap3A_46 = vector.shape_cast %swap3A_45 : vector<1x1x16xf32> to vector<16xf32>
        %swap3A_47 = vector.shape_cast %broadcast_in_dim3A_12 : vector<16xf32> to vector<1x1x16xf32>
        tpu.vector_store %arg9[%swap3A_42, %swap3A_43, %swap3A_44], %swap3A_47 {strides = array<i32>} : memref<2x128x128xf32, #tpu.memory_space<vmem>>, vector<1x1x16xf32>,
        %swap3A_48 = arith.constant 0 : i32
        %swap3A_49 = arith.index_cast %swap3A_48 : i32 to index
        %swap3A_50 = arith.index_cast %scan3A_26 : i32 to index
        %swap3A_51 = arith.constant 48 : index
        %swap3A_52 = tpu.vector_load %arg9[%swap3A_49, %swap3A_50, %swap3A_51] {strides = array<i32>} : memref<2x128x128xf32, #tpu.memory_space<vmem>>, vector<1x1x16xf32>,
        %swap3A_53 = vector.shape_cast %swap3A_52 : vector<1x1x16xf32> to vector<16xf32>
        %swap3A_54 = vector.shape_cast %broadcast_in_dim3A_12 : vector<16xf32> to vector<1x1x16xf32>
        tpu.vector_store %arg9[%swap3A_49, %swap3A_50, %swap3A_51], %swap3A_54 {strides = array<i32>} : memref<2x128x128xf32, #tpu.memory_space<vmem>>, vector<1x1x16xf32>,
        %swap3A_55 = arith.constant 0 : i32
        %swap3A_56 = arith.index_cast %swap3A_55 : i32 to index
        %swap3A_57 = arith.index_cast %scan3A_26 : i32 to index
        %swap3A_58 = arith.constant 64 : index
        %swap3A_59 = tpu.vector_load %arg9[%swap3A_56, %swap3A_57, %swap3A_58] {strides = array<i32>} : memref<2x128x128xf32, #tpu.memory_space<vmem>>, vector<1x1x16xf32>,
        %swap3A_60 = vector.shape_cast %swap3A_59 : vector<1x1x16xf32> to vector<16xf32>
        %swap3A_61 = vector.shape_cast %broadcast_in_dim3A_12 : vector<16xf32> to vector<1x1x16xf32>
        tpu.vector_store %arg9[%swap3A_56, %swap3A_57, %swap3A_58], %swap3A_61 {strides = array<i32>} : memref<2x128x128xf32, #tpu.memory_space<vmem>>, vector<1x1x16xf32>,
        %swap3A_62 = arith.constant 0 : i32
        %swap3A_63 = arith.index_cast %swap3A_62 : i32 to index
        %swap3A_64 = arith.index_cast %scan3A_26 : i32 to index
        %swap3A_65 = arith.constant 80 : index
        %swap3A_66 = tpu.vector_load %arg9[%swap3A_63, %swap3A_64, %swap3A_65] {strides = array<i32>} : memref<2x128x128xf32, #tpu.memory_space<vmem>>, vector<1x1x16xf32>,
        %swap3A_67 = vector.shape_cast %swap3A_66 : vector<1x1x16xf32> to vector<16xf32>
        %swap3A_68 = vector.shape_cast %broadcast_in_dim3A_12 : vector<16xf32> to vector<1x1x16xf32>
        tpu.vector_store %arg9[%swap3A_63, %swap3A_64, %swap3A_65], %swap3A_68 {strides = array<i32>} : memref<2x128x128xf32, #tpu.memory_space<vmem>>, vector<1x1x16xf32>,
        %swap3A_69 = arith.constant 0 : i32
        %swap3A_70 = arith.index_cast %swap3A_69 : i32 to index
        %swap3A_71 = arith.index_cast %scan3A_26 : i32 to index
        %swap3A_72 = arith.constant 96 : index
        %swap3A_73 = tpu.vector_load %arg9[%swap3A_70, %swap3A_71, %swap3A_72] {strides = array<i32>} : memref<2x128x128xf32, #tpu.memory_space<vmem>>, vector<1x1x16xf32>,
        %swap3A_74 = vector.shape_cast %swap3A_73 : vector<1x1x16xf32> to vector<16xf32>
        %swap3A_75 = vector.shape_cast %broadcast_in_dim3A_12 : vector<16xf32> to vector<1x1x16xf32>
        tpu.vector_store %arg9[%swap3A_70, %swap3A_71, %swap3A_72], %swap3A_75 {strides = array<i32>} : memref<2x128x128xf32, #tpu.memory_space<vmem>>, vector<1x1x16xf32>,
        %swap3A_76 = arith.constant 0 : i32
        %swap3A_77 = arith.index_cast %swap3A_76 : i32 to index
        %swap3A_78 = arith.index_cast %scan3A_26 : i32 to index
        %swap3A_79 = arith.constant 112 : index
        %swap3A_80 = tpu.vector_load %arg9[%swap3A_77, %swap3A_78, %swap3A_79] {strides = array<i32>} : memref<2x128x128xf32, #tpu.memory_space<vmem>>, vector<1x1x16xf32>,
        %swap3A_81 = vector.shape_cast %swap3A_80 : vector<1x1x16xf32> to vector<16xf32>
        %swap3A_82 = vector.shape_cast %broadcast_in_dim3A_12 : vector<16xf32> to vector<1x1x16xf32>
        tpu.vector_store %arg9[%swap3A_77, %swap3A_78, %swap3A_79], %swap3A_82 {strides = array<i32>} : memref<2x128x128xf32, #tpu.memory_space<vmem>>, vector<1x1x16xf32>,
        %scan3A_83 = arith.constant 0 : i32
        scf.yield %scan3A_83 : i32
      }
      %scan3A_18 = arith.constant 128 : i32
      %scan3A_19 = arith.constant 0 : i32
      %scan3A_20 = arith.constant 0 : i32
      %scan3A_21 = arith.constant 5 : i32
      %scan3A_22 = arith.addi %scan3A_20, %scan3A_21 : i32
      %scan3A_23 = arith.constant 1 : i32
      %scan3A_24 = scf.for %scan3A_26 = %scan3A_20 to %scan3A_22 step %scan3A_23 iter_args(%scan3A_27 = %scan3A_19) -> (i32)  : i32 {
        %mul3A_28 = arith.constant 128 : i32
        %mul3A_29 = arith.muli %scan3A_26, %mul3A_28 : i32
        %add3A_30 = arith.addi %mul3A_2, %mul3A_29 : i32
        %run_scoped3A = arith.constant 0 : i32
        "tpu.region"() ({
          %run_scoped3A_32 = tpu.sem_alloc : memref<!tpu.dma_semaphore, #tpu.memory_space<semaphore_mem>>
          %dma_start3A = arith.constant 0 : i32
          %dma_start3A_33 = arith.constant 0 : i32
          %dma_start3A_34 = tpu.memref_slice %arg9[%run_scoped3A, %dma_start3A, %dma_start3A_33] : memref<2x128x128xf32, #tpu.memory_space<vmem>> -> memref<1x128x128xf32, #tpu.memory_space<vmem>>
          %dma_start3A_35 = tpu.memref_squeeze %dma_start3A_34 : memref<1x128x128xf32, #tpu.memory_space<vmem>> -> memref<128x128xf32, #tpu.memory_space<vmem>>
          %dma_start3A_36 = arith.constant 0 : i32
          %dma_start3A_37 = tpu.memref_slice %arg6[%add3A_30, %dma_start3A_36] : memref<10240x128xf32, #tpu.memory_space<vmem_shared>> -> memref<128x128xf32, #tpu.memory_space<vmem_shared>>
          %dma_start3A_38 = arith.constant 0 : i32
          %dma_start3A_39 = tpu.memref_slice %arg6[%add3A_30, %dma_start3A_38] : memref<10240x128xf32, #tpu.memory_space<vmem_shared>> -> memref<128x128xf32, #tpu.memory_space<vmem_shared>>
          %dma_start3A_40 = arith.constant 0 : i32
          %dma_start3A_41 = arith.constant 0 : i32
          %dma_start3A_42 = tpu.memref_slice %arg9[%run_scoped3A, %dma_start3A_40, %dma_start3A_41] : memref<2x128x128xf32, #tpu.memory_space<vmem>> -> memref<1x128x128xf32, #tpu.memory_space<vmem>>
          %dma_start3A_43 = tpu.memref_squeeze %dma_start3A_42 : memref<1x128x128xf32, #tpu.memory_space<vmem>> -> memref<128x128xf32, #tpu.memory_space<vmem>>
          tpu.enqueue_dma source(%dma_start3A_43 : memref<128x128xf32, #tpu.memory_space<vmem>>) target(%dma_start3A_39 : memref<128x128xf32, #tpu.memory_space<vmem_shared>>) target_semaphore(%run_scoped3A_32 : memref<!tpu.dma_semaphore, #tpu.memory_space<semaphore_mem>>)
          %dma_wait3A = arith.constant 0 : i32
          %dma_wait3A_44 = arith.constant 0 : i32
          %dma_wait3A_45 = tpu.memref_slice %arg9[%run_scoped3A, %dma_wait3A, %dma_wait3A_44] : memref<2x128x128xf32, #tpu.memory_space<vmem>> -> memref<1x128x128xf32, #tpu.memory_space<vmem>>
          %dma_wait3A_46 = tpu.memref_squeeze %dma_wait3A_45 : memref<1x128x128xf32, #tpu.memory_space<vmem>> -> memref<128x128xf32, #tpu.memory_space<vmem>>
          %dma_wait3A_47 = arith.constant 0 : i32
          %dma_wait3A_48 = tpu.memref_slice %arg6[%add3A_30, %dma_wait3A_47] : memref<10240x128xf32, #tpu.memory_space<vmem_shared>> -> memref<128x128xf32, #tpu.memory_space<vmem_shared>>
          %dma_wait3A_49 = arith.constant 0 : i32
          %dma_wait3A_50 = tpu.memref_slice %arg6[%add3A_30, %dma_wait3A_49] : memref<10240x128xf32, #tpu.memory_space<vmem_shared>> -> memref<128x128xf32, #tpu.memory_space<vmem_shared>>
          %dma_wait3A_51 = arith.constant 0 : i32
          %dma_wait3A_52 = arith.constant 0 : i32
          %dma_wait3A_53 = tpu.memref_slice %arg9[%run_scoped3A, %dma_wait3A_51, %dma_wait3A_52] : memref<2x128x128xf32, #tpu.memory_space<vmem>> -> memref<1x128x128xf32, #tpu.memory_space<vmem>>
          %dma_wait3A_54 = tpu.memref_squeeze %dma_wait3A_53 : memref<1x128x128xf32, #tpu.memory_space<vmem>> -> memref<128x128xf32, #tpu.memory_space<vmem>>
          tpu.wait_dma2 semaphore(%run_scoped3A_32 : memref<!tpu.dma_semaphore, #tpu.memory_space<semaphore_mem>>) src(%dma_wait3A_54 : memref<128x128xf32, #tpu.memory_space<vmem>>) dst(%dma_wait3A_50 : memref<128x128xf32, #tpu.memory_space<vmem_shared>>)
          tpu.yield
        }) : () -> ()
        %scan3A_31 = arith.constant 0 : i32
        scf.yield %scan3A_31 : i32
      }
      %scan3A_25 = arith.constant 5 : i32
    } else {
    }
    %barrier3A = arith.constant 0 : index
    tpu.barrier barrier_id(%barrier3A)
    %convert_element_type3A_5 = arith.extui %lt3A_3 : i1 to i32
    %cond3A_6 = arith.constant 0 : i32
    %cond3A_7 = arith.cmpi ne, %convert_element_type3A_5, %cond3A_6 : i32
    scf.if %cond3A_7 {
      %scan3A = arith.constant 0 : i32
      %scan3A_12 = arith.constant 0 : i32
      %scan3A_13 = arith.constant 20 : i32
      %scan3A_14 = arith.addi %scan3A_12, %scan3A_13 : i32
      %scan3A_15 = arith.constant 1 : i32
      %scan3A_16 = scf.for %scan3A_18 = %scan3A_12 to %scan3A_14 step %scan3A_15 iter_args(%scan3A_19 = %scan3A) -> (i32)  : i32 {
        %mul3A_20 = arith.constant 8 : i32
        %mul3A_21 = arith.muli %scan3A_18, %mul3A_20 : i32
        "tpu.region"() ({
          %run_scoped3A_230 = tpu.sem_alloc : memref<!tpu.dma_semaphore, #tpu.memory_space<semaphore_mem>>
          %dma_start3A_231 = arith.constant 0 : i32
          %dma_start3A_232 = tpu.memref_slice %arg3[%add3A, %mul3A_21, %dma_start3A_231] : memref<16x160x128xi32, #tpu.memory_space<hbm>> -> memref<1x8x128xi32, #tpu.memory_space<hbm>>
          %dma_start3A_233 = tpu.memref_squeeze %dma_start3A_232 : memref<1x8x128xi32, #tpu.memory_space<hbm>> -> memref<8x128xi32, #tpu.memory_space<hbm>>
          %dma_start3A_234 = arith.constant 0 : i32
          %dma_start3A_235 = tpu.memref_slice %arg3[%add3A, %mul3A_21, %dma_start3A_234] : memref<16x160x128xi32, #tpu.memory_space<hbm>> -> memref<1x8x128xi32, #tpu.memory_space<hbm>>
          %dma_start3A_236 = tpu.memref_squeeze %dma_start3A_235 : memref<1x8x128xi32, #tpu.memory_space<hbm>> -> memref<8x128xi32, #tpu.memory_space<hbm>>
          tpu.enqueue_dma source(%dma_start3A_236 : memref<8x128xi32, #tpu.memory_space<hbm>>) target(%arg7 : memref<8x128xi32, #tpu.memory_space<vmem>>) target_semaphore(%run_scoped3A_230 : memref<!tpu.dma_semaphore, #tpu.memory_space<semaphore_mem>>)
          %dma_wait3A_237 = arith.constant 0 : i32
          %dma_wait3A_238 = tpu.memref_slice %arg3[%add3A, %mul3A_21, %dma_wait3A_237] : memref<16x160x128xi32, #tpu.memory_space<hbm>> -> memref<1x8x128xi32, #tpu.memory_space<hbm>>
          %dma_wait3A_239 = tpu.memref_squeeze %dma_wait3A_238 : memref<1x8x128xi32, #tpu.memory_space<hbm>> -> memref<8x128xi32, #tpu.memory_space<hbm>>
          %dma_wait3A_240 = arith.constant 0 : i32
          %dma_wait3A_241 = tpu.memref_slice %arg3[%add3A, %mul3A_21, %dma_wait3A_240] : memref<16x160x128xi32, #tpu.memory_space<hbm>> -> memref<1x8x128xi32, #tpu.memory_space<hbm>>
          %dma_wait3A_242 = tpu.memref_squeeze %dma_wait3A_241 : memref<1x8x128xi32, #tpu.memory_space<hbm>> -> memref<8x128xi32, #tpu.memory_space<hbm>>
          tpu.wait_dma2 semaphore(%run_scoped3A_230 : memref<!tpu.dma_semaphore, #tpu.memory_space<semaphore_mem>>) src(%dma_wait3A_242 : memref<8x128xi32, #tpu.memory_space<hbm>>) dst(%arg7 : memref<8x128xi32, #tpu.memory_space<vmem>>)
          tpu.yield
        }) : () -> ()
        %mul3A_22 = arith.constant 8 : i32
        %mul3A_23 = arith.muli %scan3A_18, %mul3A_22 : i32
        "tpu.region"() ({
          %run_scoped3A_230 = tpu.sem_alloc : memref<!tpu.dma_semaphore, #tpu.memory_space<semaphore_mem>>
          %dma_start3A_231 = arith.constant 0 : i32
          %dma_start3A_232 = tpu.memref_slice %arg4[%add3A, %mul3A_23, %dma_start3A_231] : memref<16x160x128xi32, #tpu.memory_space<hbm>> -> memref<1x8x128xi32, #tpu.memory_space<hbm>>
          %dma_start3A_233 = tpu.memref_squeeze %dma_start3A_232 : memref<1x8x128xi32, #tpu.memory_space<hbm>> -> memref<8x128xi32, #tpu.memory_space<hbm>>
          %dma_start3A_234 = arith.constant 0 : i32
          %dma_start3A_235 = tpu.memref_slice %arg4[%add3A, %mul3A_23, %dma_start3A_234] : memref<16x160x128xi32, #tpu.memory_space<hbm>> -> memref<1x8x128xi32, #tpu.memory_space<hbm>>
          %dma_start3A_236 = tpu.memref_squeeze %dma_start3A_235 : memref<1x8x128xi32, #tpu.memory_space<hbm>> -> memref<8x128xi32, #tpu.memory_space<hbm>>
          tpu.enqueue_dma source(%dma_start3A_236 : memref<8x128xi32, #tpu.memory_space<hbm>>) target(%arg8 : memref<8x128xi32, #tpu.memory_space<vmem>>) target_semaphore(%run_scoped3A_230 : memref<!tpu.dma_semaphore, #tpu.memory_space<semaphore_mem>>)
          %dma_wait3A_237 = arith.constant 0 : i32
          %dma_wait3A_238 = tpu.memref_slice %arg4[%add3A, %mul3A_23, %dma_wait3A_237] : memref<16x160x128xi32, #tpu.memory_space<hbm>> -> memref<1x8x128xi32, #tpu.memory_space<hbm>>
          %dma_wait3A_239 = tpu.memref_squeeze %dma_wait3A_238 : memref<1x8x128xi32, #tpu.memory_space<hbm>> -> memref<8x128xi32, #tpu.memory_space<hbm>>
          %dma_wait3A_240 = arith.constant 0 : i32
          %dma_wait3A_241 = tpu.memref_slice %arg4[%add3A, %mul3A_23, %dma_wait3A_240] : memref<16x160x128xi32, #tpu.memory_space<hbm>> -> memref<1x8x128xi32, #tpu.memory_space<hbm>>
          %dma_wait3A_242 = tpu.memref_squeeze %dma_wait3A_241 : memref<1x8x128xi32, #tpu.memory_space<hbm>> -> memref<8x128xi32, #tpu.memory_space<hbm>>
          tpu.wait_dma2 semaphore(%run_scoped3A_230 : memref<!tpu.dma_semaphore, #tpu.memory_space<semaphore_mem>>) src(%dma_wait3A_242 : memref<8x128xi32, #tpu.memory_space<hbm>>) dst(%arg8 : memref<8x128xi32, #tpu.memory_space<vmem>>)
          tpu.yield
        }) : () -> ()
        %dma_start3A = arith.constant 0 : i32
        %dma_start3A_24 = arith.constant 0 : i32
        %dma_start3A_25 = arith.constant 0 : i32
        %dma_start3A_26 = arith.constant 0 : i32
        %dma_start3A_27 = tpu.memref_slice %arg9[%dma_start3A_24, %dma_start3A_25, %dma_start3A_26] : memref<2x128x128xf32, #tpu.memory_space<vmem>> -> memref<1x128x128xf32, #tpu.memory_space<vmem>>
        %dma_start3A_28 = tpu.memref_squeeze %dma_start3A_27 : memref<1x128x128xf32, #tpu.memory_space<vmem>> -> memref<128x128xf32, #tpu.memory_space<vmem>>
        %dma_start3A_29 = arith.constant 0 : i32
        %dma_start3A_30 = tpu.memref_slice %arg7[%dma_start3A, %dma_start3A_29] : memref<8x128xi32, #tpu.memory_space<vmem>> -> memref<1x128xi32, #tpu.memory_space<vmem>>
        %dma_start3A_31 = tpu.memref_squeeze %dma_start3A_30 : memref<1x128xi32, #tpu.memory_space<vmem>> -> memref<128xi32, #tpu.memory_space<vmem>>
        %dma_start3A_32 = arith.constant 0 : i32
        %dma_start3A_33 = arith.constant 0 : i32
        %dma_start3A_34 = tpu.memref_slice %arg2[%dma_start3A_32, %dma_start3A_33] : memref<10240x128xf32, #tpu.memory_space<hbm>> -> memref<10240x128xf32, #tpu.memory_space<hbm>>
        tpu.enqueue_indirect_dma source(%dma_start3A_34 : memref<10240x128xf32, #tpu.memory_space<hbm>>) target(%dma_start3A_28 : memref<128x128xf32, #tpu.memory_space<vmem>>) offsets(%dma_start3A_31 : memref<128xi32, #tpu.memory_space<vmem>>) semaphore(%arg10 : memref<!tpu.dma_semaphore, #tpu.memory_space<semaphore_mem>>)
        %dma_start3A_35 = arith.constant 1 : i32
        %dma_start3A_36 = arith.constant 1 : i32
        %dma_start3A_37 = arith.constant 0 : i32
        %dma_start3A_38 = arith.constant 0 : i32
        %dma_start3A_39 = tpu.memref_slice %arg9[%dma_start3A_36, %dma_start3A_37, %dma_start3A_38] : memref<2x128x128xf32, #tpu.memory_space<vmem>> -> memref<1x128x128xf32, #tpu.memory_space<vmem>>
        %dma_start3A_40 = tpu.memref_squeeze %dma_start3A_39 : memref<1x128x128xf32, #tpu.memory_space<vmem>> -> memref<128x128xf32, #tpu.memory_space<vmem>>
        %dma_start3A_41 = arith.constant 0 : i32
        %dma_start3A_42 = tpu.memref_slice %arg7[%dma_start3A_35, %dma_start3A_41] : memref<8x128xi32, #tpu.memory_space<vmem>> -> memref<1x128xi32, #tpu.memory_space<vmem>>
        %dma_start3A_43 = tpu.memref_squeeze %dma_start3A_42 : memref<1x128xi32, #tpu.memory_space<vmem>> -> memref<128xi32, #tpu.memory_space<vmem>>
        %dma_start3A_44 = arith.constant 0 : i32
        %dma_start3A_45 = arith.constant 0 : i32
        %dma_start3A_46 = tpu.memref_slice %arg2[%dma_start3A_44, %dma_start3A_45] : memref<10240x128xf32, #tpu.memory_space<hbm>> -> memref<10240x128xf32, #tpu.memory_space<hbm>>
        tpu.enqueue_indirect_dma source(%dma_start3A_46 : memref<10240x128xf32, #tpu.memory_space<hbm>>) target(%dma_start3A_40 : memref<128x128xf32, #tpu.memory_space<vmem>>) offsets(%dma_start3A_43 : memref<128xi32, #tpu.memory_space<vmem>>) semaphore(%arg11 : memref<!tpu.dma_semaphore, #tpu.memory_space<semaphore_mem>>)
        %dma_wait3A = arith.constant 0 : i32
        %dma_wait3A_47 = arith.constant 0 : i32
        %dma_wait3A_48 = arith.constant 0 : i32
        %dma_wait3A_49 = arith.constant 0 : i32
        %dma_wait3A_50 = tpu.memref_slice %arg9[%dma_wait3A_47, %dma_wait3A_48, %dma_wait3A_49] : memref<2x128x128xf32, #tpu.memory_space<vmem>> -> memref<1x128x128xf32, #tpu.memory_space<vmem>>
        %dma_wait3A_51 = tpu.memref_squeeze %dma_wait3A_50 : memref<1x128x128xf32, #tpu.memory_space<vmem>> -> memref<128x128xf32, #tpu.memory_space<vmem>>
        %dma_wait3A_52 = arith.constant 0 : i32
        %dma_wait3A_53 = tpu.memref_slice %arg7[%dma_wait3A, %dma_wait3A_52] : memref<8x128xi32, #tpu.memory_space<vmem>> -> memref<1x128xi32, #tpu.memory_space<vmem>>
        %dma_wait3A_54 = tpu.memref_squeeze %dma_wait3A_53 : memref<1x128xi32, #tpu.memory_space<vmem>> -> memref<128xi32, #tpu.memory_space<vmem>>
        %dma_wait3A_55 = arith.constant 0 : i32
        %dma_wait3A_56 = arith.constant 0 : i32
        %dma_wait3A_57 = tpu.memref_slice %arg2[%dma_wait3A_55, %dma_wait3A_56] : memref<10240x128xf32, #tpu.memory_space<hbm>> -> memref<10240x128xf32, #tpu.memory_space<hbm>>
        tpu.wait_indirect_dma semaphore(%arg10 : memref<!tpu.dma_semaphore, #tpu.memory_space<semaphore_mem>>) src(%dma_wait3A_57 : memref<10240x128xf32, #tpu.memory_space<hbm>>) dst(%dma_wait3A_51 : memref<128x128xf32, #tpu.memory_space<vmem>>)
        %run_scoped3A = arith.constant 0 : i32
        %run_scoped3A_58 = arith.constant 0 : i32
        "tpu.region"() ({
          %run_scoped3A_230 = tpu.sem_alloc : memref<!tpu.dma_semaphore, #tpu.memory_space<semaphore_mem>>
          %dma_start3A_231 = arith.constant 0 : i32
          %dma_start3A_232 = arith.constant 0 : i32
          %dma_start3A_233 = tpu.memref_slice %arg9[%run_scoped3A, %dma_start3A_231, %dma_start3A_232] : memref<2x128x128xf32, #tpu.memory_space<vmem>> -> memref<1x128x128xf32, #tpu.memory_space<vmem>>
          %dma_start3A_234 = tpu.memref_squeeze %dma_start3A_233 : memref<1x128x128xf32, #tpu.memory_space<vmem>> -> memref<128x128xf32, #tpu.memory_space<vmem>>
          %dma_start3A_235 = arith.constant 0 : i32
          %dma_start3A_236 = tpu.memref_slice %arg8[%run_scoped3A_58, %dma_start3A_235] : memref<8x128xi32, #tpu.memory_space<vmem>> -> memref<1x128xi32, #tpu.memory_space<vmem>>
          %dma_start3A_237 = tpu.memref_squeeze %dma_start3A_236 : memref<1x128xi32, #tpu.memory_space<vmem>> -> memref<128xi32, #tpu.memory_space<vmem>>
          %dma_start3A_238 = arith.constant 0 : i32
          %dma_start3A_239 = arith.constant 0 : i32
          %dma_start3A_240 = tpu.memref_slice %arg6[%dma_start3A_238, %dma_start3A_239] : memref<10240x128xf32, #tpu.memory_space<vmem_shared>> -> memref<10240x128xf32, #tpu.memory_space<vmem_shared>>
          tpu.enqueue_indirect_dma source(%dma_start3A_234 : memref<128x128xf32, #tpu.memory_space<vmem>>) target(%dma_start3A_240 : memref<10240x128xf32, #tpu.memory_space<vmem_shared>>) offsets(%dma_start3A_237 : memref<128xi32, #tpu.memory_space<vmem>>) semaphore(%run_scoped3A_230 : memref<!tpu.dma_semaphore, #tpu.memory_space<semaphore_mem>>) {add = true}
          %dma_wait3A_241 = arith.constant 0 : i32
          %dma_wait3A_242 = arith.constant 0 : i32
          %dma_wait3A_243 = tpu.memref_slice %arg9[%run_scoped3A, %dma_wait3A_241, %dma_wait3A_242] : memref<2x128x128xf32, #tpu.memory_space<vmem>> -> memref<1x128x128xf32, #tpu.memory_space<vmem>>
          %dma_wait3A_244 = tpu.memref_squeeze %dma_wait3A_243 : memref<1x128x128xf32, #tpu.memory_space<vmem>> -> memref<128x128xf32, #tpu.memory_space<vmem>>
          %dma_wait3A_245 = arith.constant 0 : i32
          %dma_wait3A_246 = tpu.memref_slice %arg8[%run_scoped3A_58, %dma_wait3A_245] : memref<8x128xi32, #tpu.memory_space<vmem>> -> memref<1x128xi32, #tpu.memory_space<vmem>>
          %dma_wait3A_247 = tpu.memref_squeeze %dma_wait3A_246 : memref<1x128xi32, #tpu.memory_space<vmem>> -> memref<128xi32, #tpu.memory_space<vmem>>
          %dma_wait3A_248 = arith.constant 0 : i32
          %dma_wait3A_249 = arith.constant 0 : i32
          %dma_wait3A_250 = tpu.memref_slice %arg6[%dma_wait3A_248, %dma_wait3A_249] : memref<10240x128xf32, #tpu.memory_space<vmem_shared>> -> memref<10240x128xf32, #tpu.memory_space<vmem_shared>>
          tpu.wait_indirect_dma semaphore(%run_scoped3A_230 : memref<!tpu.dma_semaphore, #tpu.memory_space<semaphore_mem>>) src(%dma_wait3A_244 : memref<128x128xf32, #tpu.memory_space<vmem>>) dst(%dma_wait3A_250 : memref<10240x128xf32, #tpu.memory_space<vmem_shared>>)
          tpu.yield
        }) : () -> ()
        %dma_start3A_59 = arith.constant 2 : i32
        %dma_start3A_60 = arith.constant 0 : i32
        %dma_start3A_61 = arith.constant 0 : i32
        %dma_start3A_62 = arith.constant 0 : i32
        %dma_start3A_63 = tpu.memref_slice %arg9[%dma_start3A_60, %dma_start3A_61, %dma_start3A_62] : memref<2x128x128xf32, #tpu.memory_space<vmem>> -> memref<1x128x128xf32, #tpu.memory_space<vmem>>
        %dma_start3A_64 = tpu.memref_squeeze %dma_start3A_63 : memref<1x128x128xf32, #tpu.memory_space<vmem>> -> memref<128x128xf32, #tpu.memory_space<vmem>>
        %dma_start3A_65 = arith.constant 0 : i32
        %dma_start3A_66 = tpu.memref_slice %arg7[%dma_start3A_59, %dma_start3A_65] : memref<8x128xi32, #tpu.memory_space<vmem>> -> memref<1x128xi32, #tpu.memory_space<vmem>>
        %dma_start3A_67 = tpu.memref_squeeze %dma_start3A_66 : memref<1x128xi32, #tpu.memory_space<vmem>> -> memref<128xi32, #tpu.memory_space<vmem>>
        %dma_start3A_68 = arith.constant 0 : i32
        %dma_start3A_69 = arith.constant 0 : i32
        %dma_start3A_70 = tpu.memref_slice %arg2[%dma_start3A_68, %dma_start3A_69] : memref<10240x128xf32, #tpu.memory_space<hbm>> -> memref<10240x128xf32, #tpu.memory_space<hbm>>
        tpu.enqueue_indirect_dma source(%dma_start3A_70 : memref<10240x128xf32, #tpu.memory_space<hbm>>) target(%dma_start3A_64 : memref<128x128xf32, #tpu.memory_space<vmem>>) offsets(%dma_start3A_67 : memref<128xi32, #tpu.memory_space<vmem>>) semaphore(%arg10 : memref<!tpu.dma_semaphore, #tpu.memory_space<semaphore_mem>>)
        %dma_wait3A_71 = arith.constant 1 : i32
        %dma_wait3A_72 = arith.constant 1 : i32
        %dma_wait3A_73 = arith.constant 0 : i32
        %dma_wait3A_74 = arith.constant 0 : i32
        %dma_wait3A_75 = tpu.memref_slice %arg9[%dma_wait3A_72, %dma_wait3A_73, %dma_wait3A_74] : memref<2x128x128xf32, #tpu.memory_space<vmem>> -> memref<1x128x128xf32, #tpu.memory_space<vmem>>
        %dma_wait3A_76 = tpu.memref_squeeze %dma_wait3A_75 : memref<1x128x128xf32, #tpu.memory_space<vmem>> -> memref<128x128xf32, #tpu.memory_space<vmem>>
        %dma_wait3A_77 = arith.constant 0 : i32
        %dma_wait3A_78 = tpu.memref_slice %arg7[%dma_wait3A_71, %dma_wait3A_77] : memref<8x128xi32, #tpu.memory_space<vmem>> -> memref<1x128xi32, #tpu.memory_space<vmem>>
        %dma_wait3A_79 = tpu.memref_squeeze %dma_wait3A_78 : memref<1x128xi32, #tpu.memory_space<vmem>> -> memref<128xi32, #tpu.memory_space<vmem>>
        %dma_wait3A_80 = arith.constant 0 : i32
        %dma_wait3A_81 = arith.constant 0 : i32
        %dma_wait3A_82 = tpu.memref_slice %arg2[%dma_wait3A_80, %dma_wait3A_81] : memref<10240x128xf32, #tpu.memory_space<hbm>> -> memref<10240x128xf32, #tpu.memory_space<hbm>>
        tpu.wait_indirect_dma semaphore(%arg11 : memref<!tpu.dma_semaphore, #tpu.memory_space<semaphore_mem>>) src(%dma_wait3A_82 : memref<10240x128xf32, #tpu.memory_space<hbm>>) dst(%dma_wait3A_76 : memref<128x128xf32, #tpu.memory_space<vmem>>)
        %run_scoped3A_83 = arith.constant 1 : i32
        %run_scoped3A_84 = arith.constant 1 : i32
        "tpu.region"() ({
          %run_scoped3A_230 = tpu.sem_alloc : memref<!tpu.dma_semaphore, #tpu.memory_space<semaphore_mem>>
          %dma_start3A_231 = arith.constant 0 : i32
          %dma_start3A_232 = arith.constant 0 : i32
          %dma_start3A_233 = tpu.memref_slice %arg9[%run_scoped3A_83, %dma_start3A_231, %dma_start3A_232] : memref<2x128x128xf32, #tpu.memory_space<vmem>> -> memref<1x128x128xf32, #tpu.memory_space<vmem>>
          %dma_start3A_234 = tpu.memref_squeeze %dma_start3A_233 : memref<1x128x128xf32, #tpu.memory_space<vmem>> -> memref<128x128xf32, #tpu.memory_space<vmem>>
          %dma_start3A_235 = arith.constant 0 : i32
          %dma_start3A_236 = tpu.memref_slice %arg8[%run_scoped3A_84, %dma_start3A_235] : memref<8x128xi32, #tpu.memory_space<vmem>> -> memref<1x128xi32, #tpu.memory_space<vmem>>
          %dma_start3A_237 = tpu.memref_squeeze %dma_start3A_236 : memref<1x128xi32, #tpu.memory_space<vmem>> -> memref<128xi32, #tpu.memory_space<vmem>>
          %dma_start3A_238 = arith.constant 0 : i32
          %dma_start3A_239 = arith.constant 0 : i32
          %dma_start3A_240 = tpu.memref_slice %arg6[%dma_start3A_238, %dma_start3A_239] : memref<10240x128xf32, #tpu.memory_space<vmem_shared>> -> memref<10240x128xf32, #tpu.memory_space<vmem_shared>>
          tpu.enqueue_indirect_dma source(%dma_start3A_234 : memref<128x128xf32, #tpu.memory_space<vmem>>) target(%dma_start3A_240 : memref<10240x128xf32, #tpu.memory_space<vmem_shared>>) offsets(%dma_start3A_237 : memref<128xi32, #tpu.memory_space<vmem>>) semaphore(%run_scoped3A_230 : memref<!tpu.dma_semaphore, #tpu.memory_space<semaphore_mem>>) {add = true}
          %dma_wait3A_241 = arith.constant 0 : i32
          %dma_wait3A_242 = arith.constant 0 : i32
          %dma_wait3A_243 = tpu.memref_slice %arg9[%run_scoped3A_83, %dma_wait3A_241, %dma_wait3A_242] : memref<2x128x128xf32, #tpu.memory_space<vmem>> -> memref<1x128x128xf32, #tpu.memory_space<vmem>>
          %dma_wait3A_244 = tpu.memref_squeeze %dma_wait3A_243 : memref<1x128x128xf32, #tpu.memory_space<vmem>> -> memref<128x128xf32, #tpu.memory_space<vmem>>
          %dma_wait3A_245 = arith.constant 0 : i32
          %dma_wait3A_246 = tpu.memref_slice %arg8[%run_scoped3A_84, %dma_wait3A_245] : memref<8x128xi32, #tpu.memory_space<vmem>> -> memref<1x128xi32, #tpu.memory_space<vmem>>
          %dma_wait3A_247 = tpu.memref_squeeze %dma_wait3A_246 : memref<1x128xi32, #tpu.memory_space<vmem>> -> memref<128xi32, #tpu.memory_space<vmem>>
          %dma_wait3A_248 = arith.constant 0 : i32
          %dma_wait3A_249 = arith.constant 0 : i32
          %dma_wait3A_250 = tpu.memref_slice %arg6[%dma_wait3A_248, %dma_wait3A_249] : memref<10240x128xf32, #tpu.memory_space<vmem_shared>> -> memref<10240x128xf32, #tpu.memory_space<vmem_shared>>
          tpu.wait_indirect_dma semaphore(%run_scoped3A_230 : memref<!tpu.dma_semaphore, #tpu.memory_space<semaphore_mem>>) src(%dma_wait3A_244 : memref<128x128xf32, #tpu.memory_space<vmem>>) dst(%dma_wait3A_250 : memref<10240x128xf32, #tpu.memory_space<vmem_shared>>)
          tpu.yield
        }) : () -> ()
        %dma_start3A_85 = arith.constant 3 : i32
        %dma_start3A_86 = arith.constant 1 : i32
        %dma_start3A_87 = arith.constant 0 : i32
        %dma_start3A_88 = arith.constant 0 : i32
        %dma_start3A_89 = tpu.memref_slice %arg9[%dma_start3A_86, %dma_start3A_87, %dma_start3A_88] : memref<2x128x128xf32, #tpu.memory_space<vmem>> -> memref<1x128x128xf32, #tpu.memory_space<vmem>>
        %dma_start3A_90 = tpu.memref_squeeze %dma_start3A_89 : memref<1x128x128xf32, #tpu.memory_space<vmem>> -> memref<128x128xf32, #tpu.memory_space<vmem>>
        %dma_start3A_91 = arith.constant 0 : i32
        %dma_start3A_92 = tpu.memref_slice %arg7[%dma_start3A_85, %dma_start3A_91] : memref<8x128xi32, #tpu.memory_space<vmem>> -> memref<1x128xi32, #tpu.memory_space<vmem>>
        %dma_start3A_93 = tpu.memref_squeeze %dma_start3A_92 : memref<1x128xi32, #tpu.memory_space<vmem>> -> memref<128xi32, #tpu.memory_space<vmem>>
        %dma_start3A_94 = arith.constant 0 : i32
        %dma_start3A_95 = arith.constant 0 : i32
        %dma_start3A_96 = tpu.memref_slice %arg2[%dma_start3A_94, %dma_start3A_95] : memref<10240x128xf32, #tpu.memory_space<hbm>> -> memref<10240x128xf32, #tpu.memory_space<hbm>>
        tpu.enqueue_indirect_dma source(%dma_start3A_96 : memref<10240x128xf32, #tpu.memory_space<hbm>>) target(%dma_start3A_90 : memref<128x128xf32, #tpu.memory_space<vmem>>) offsets(%dma_start3A_93 : memref<128xi32, #tpu.memory_space<vmem>>) semaphore(%arg11 : memref<!tpu.dma_semaphore, #tpu.memory_space<semaphore_mem>>)
        %dma_wait3A_97 = arith.constant 2 : i32
        %dma_wait3A_98 = arith.constant 0 : i32
        %dma_wait3A_99 = arith.constant 0 : i32
        %dma_wait3A_100 = arith.constant 0 : i32
        %dma_wait3A_101 = tpu.memref_slice %arg9[%dma_wait3A_98, %dma_wait3A_99, %dma_wait3A_100] : memref<2x128x128xf32, #tpu.memory_space<vmem>> -> memref<1x128x128xf32, #tpu.memory_space<vmem>>
        %dma_wait3A_102 = tpu.memref_squeeze %dma_wait3A_101 : memref<1x128x128xf32, #tpu.memory_space<vmem>> -> memref<128x128xf32, #tpu.memory_space<vmem>>
        %dma_wait3A_103 = arith.constant 0 : i32
        %dma_wait3A_104 = tpu.memref_slice %arg7[%dma_wait3A_97, %dma_wait3A_103] : memref<8x128xi32, #tpu.memory_space<vmem>> -> memref<1x128xi32, #tpu.memory_space<vmem>>
        %dma_wait3A_105 = tpu.memref_squeeze %dma_wait3A_104 : memref<1x128xi32, #tpu.memory_space<vmem>> -> memref<128xi32, #tpu.memory_space<vmem>>
        %dma_wait3A_106 = arith.constant 0 : i32
        %dma_wait3A_107 = arith.constant 0 : i32
        %dma_wait3A_108 = tpu.memref_slice %arg2[%dma_wait3A_106, %dma_wait3A_107] : memref<10240x128xf32, #tpu.memory_space<hbm>> -> memref<10240x128xf32, #tpu.memory_space<hbm>>
        tpu.wait_indirect_dma semaphore(%arg10 : memref<!tpu.dma_semaphore, #tpu.memory_space<semaphore_mem>>) src(%dma_wait3A_108 : memref<10240x128xf32, #tpu.memory_space<hbm>>) dst(%dma_wait3A_102 : memref<128x128xf32, #tpu.memory_space<vmem>>)
        %run_scoped3A_109 = arith.constant 0 : i32
        %run_scoped3A_110 = arith.constant 2 : i32
        "tpu.region"() ({
          %run_scoped3A_230 = tpu.sem_alloc : memref<!tpu.dma_semaphore, #tpu.memory_space<semaphore_mem>>
          %dma_start3A_231 = arith.constant 0 : i32
          %dma_start3A_232 = arith.constant 0 : i32
          %dma_start3A_233 = tpu.memref_slice %arg9[%run_scoped3A_109, %dma_start3A_231, %dma_start3A_232] : memref<2x128x128xf32, #tpu.memory_space<vmem>> -> memref<1x128x128xf32, #tpu.memory_space<vmem>>
          %dma_start3A_234 = tpu.memref_squeeze %dma_start3A_233 : memref<1x128x128xf32, #tpu.memory_space<vmem>> -> memref<128x128xf32, #tpu.memory_space<vmem>>
          %dma_start3A_235 = arith.constant 0 : i32
          %dma_start3A_236 = tpu.memref_slice %arg8[%run_scoped3A_110, %dma_start3A_235] : memref<8x128xi32, #tpu.memory_space<vmem>> -> memref<1x128xi32, #tpu.memory_space<vmem>>
          %dma_start3A_237 = tpu.memref_squeeze %dma_start3A_236 : memref<1x128xi32, #tpu.memory_space<vmem>> -> memref<128xi32, #tpu.memory_space<vmem>>
          %dma_start3A_238 = arith.constant 0 : i32
          %dma_start3A_239 = arith.constant 0 : i32
          %dma_start3A_240 = tpu.memref_slice %arg6[%dma_start3A_238, %dma_start3A_239] : memref<10240x128xf32, #tpu.memory_space<vmem_shared>> -> memref<10240x128xf32, #tpu.memory_space<vmem_shared>>
          tpu.enqueue_indirect_dma source(%dma_start3A_234 : memref<128x128xf32, #tpu.memory_space<vmem>>) target(%dma_start3A_240 : memref<10240x128xf32, #tpu.memory_space<vmem_shared>>) offsets(%dma_start3A_237 : memref<128xi32, #tpu.memory_space<vmem>>) semaphore(%run_scoped3A_230 : memref<!tpu.dma_semaphore, #tpu.memory_space<semaphore_mem>>) {add = true}
          %dma_wait3A_241 = arith.constant 0 : i32
          %dma_wait3A_242 = arith.constant 0 : i32
          %dma_wait3A_243 = tpu.memref_slice %arg9[%run_scoped3A_109, %dma_wait3A_241, %dma_wait3A_242] : memref<2x128x128xf32, #tpu.memory_space<vmem>> -> memref<1x128x128xf32, #tpu.memory_space<vmem>>
          %dma_wait3A_244 = tpu.memref_squeeze %dma_wait3A_243 : memref<1x128x128xf32, #tpu.memory_space<vmem>> -> memref<128x128xf32, #tpu.memory_space<vmem>>
          %dma_wait3A_245 = arith.constant 0 : i32
          %dma_wait3A_246 = tpu.memref_slice %arg8[%run_scoped3A_110, %dma_wait3A_245] : memref<8x128xi32, #tpu.memory_space<vmem>> -> memref<1x128xi32, #tpu.memory_space<vmem>>
          %dma_wait3A_247 = tpu.memref_squeeze %dma_wait3A_246 : memref<1x128xi32, #tpu.memory_space<vmem>> -> memref<128xi32, #tpu.memory_space<vmem>>
          %dma_wait3A_248 = arith.constant 0 : i32
          %dma_wait3A_249 = arith.constant 0 : i32
          %dma_wait3A_250 = tpu.memref_slice %arg6[%dma_wait3A_248, %dma_wait3A_249] : memref<10240x128xf32, #tpu.memory_space<vmem_shared>> -> memref<10240x128xf32, #tpu.memory_space<vmem_shared>>
          tpu.wait_indirect_dma semaphore(%run_scoped3A_230 : memref<!tpu.dma_semaphore, #tpu.memory_space<semaphore_mem>>) src(%dma_wait3A_244 : memref<128x128xf32, #tpu.memory_space<vmem>>) dst(%dma_wait3A_250 : memref<10240x128xf32, #tpu.memory_space<vmem_shared>>)
          tpu.yield
        }) : () -> ()
        %dma_start3A_111 = arith.constant 4 : i32
        %dma_start3A_112 = arith.constant 0 : i32
        %dma_start3A_113 = arith.constant 0 : i32
        %dma_start3A_114 = arith.constant 0 : i32
        %dma_start3A_115 = tpu.memref_slice %arg9[%dma_start3A_112, %dma_start3A_113, %dma_start3A_114] : memref<2x128x128xf32, #tpu.memory_space<vmem>> -> memref<1x128x128xf32, #tpu.memory_space<vmem>>
        %dma_start3A_116 = tpu.memref_squeeze %dma_start3A_115 : memref<1x128x128xf32, #tpu.memory_space<vmem>> -> memref<128x128xf32, #tpu.memory_space<vmem>>
        %dma_start3A_117 = arith.constant 0 : i32
        %dma_start3A_118 = tpu.memref_slice %arg7[%dma_start3A_111, %dma_start3A_117] : memref<8x128xi32, #tpu.memory_space<vmem>> -> memref<1x128xi32, #tpu.memory_space<vmem>>
        %dma_start3A_119 = tpu.memref_squeeze %dma_start3A_118 : memref<1x128xi32, #tpu.memory_space<vmem>> -> memref<128xi32, #tpu.memory_space<vmem>>
        %dma_start3A_120 = arith.constant 0 : i32
        %dma_start3A_121 = arith.constant 0 : i32
        %dma_start3A_122 = tpu.memref_slice %arg2[%dma_start3A_120, %dma_start3A_121] : memref<10240x128xf32, #tpu.memory_space<hbm>> -> memref<10240x128xf32, #tpu.memory_space<hbm>>
        tpu.enqueue_indirect_dma source(%dma_start3A_122 : memref<10240x128xf32, #tpu.memory_space<hbm>>) target(%dma_start3A_116 : memref<128x128xf32, #tpu.memory_space<vmem>>) offsets(%dma_start3A_119 : memref<128xi32, #tpu.memory_space<vmem>>) semaphore(%arg10 : memref<!tpu.dma_semaphore, #tpu.memory_space<semaphore_mem>>)
        %dma_wait3A_123 = arith.constant 3 : i32
        %dma_wait3A_124 = arith.constant 1 : i32
        %dma_wait3A_125 = arith.constant 0 : i32
        %dma_wait3A_126 = arith.constant 0 : i32
        %dma_wait3A_127 = tpu.memref_slice %arg9[%dma_wait3A_124, %dma_wait3A_125, %dma_wait3A_126] : memref<2x128x128xf32, #tpu.memory_space<vmem>> -> memref<1x128x128xf32, #tpu.memory_space<vmem>>
        %dma_wait3A_128 = tpu.memref_squeeze %dma_wait3A_127 : memref<1x128x128xf32, #tpu.memory_space<vmem>> -> memref<128x128xf32, #tpu.memory_space<vmem>>
        %dma_wait3A_129 = arith.constant 0 : i32
        %dma_wait3A_130 = tpu.memref_slice %arg7[%dma_wait3A_123, %dma_wait3A_129] : memref<8x128xi32, #tpu.memory_space<vmem>> -> memref<1x128xi32, #tpu.memory_space<vmem>>
        %dma_wait3A_131 = tpu.memref_squeeze %dma_wait3A_130 : memref<1x128xi32, #tpu.memory_space<vmem>> -> memref<128xi32, #tpu.memory_space<vmem>>
        %dma_wait3A_132 = arith.constant 0 : i32
        %dma_wait3A_133 = arith.constant 0 : i32
        %dma_wait3A_134 = tpu.memref_slice %arg2[%dma_wait3A_132, %dma_wait3A_133] : memref<10240x128xf32, #tpu.memory_space<hbm>> -> memref<10240x128xf32, #tpu.memory_space<hbm>>
        tpu.wait_indirect_dma semaphore(%arg11 : memref<!tpu.dma_semaphore, #tpu.memory_space<semaphore_mem>>) src(%dma_wait3A_134 : memref<10240x128xf32, #tpu.memory_space<hbm>>) dst(%dma_wait3A_128 : memref<128x128xf32, #tpu.memory_space<vmem>>)
        %run_scoped3A_135 = arith.constant 1 : i32
        %run_scoped3A_136 = arith.constant 3 : i32
        "tpu.region"() ({
          %run_scoped3A_230 = tpu.sem_alloc : memref<!tpu.dma_semaphore, #tpu.memory_space<semaphore_mem>>
          %dma_start3A_231 = arith.constant 0 : i32
          %dma_start3A_232 = arith.constant 0 : i32
          %dma_start3A_233 = tpu.memref_slice %arg9[%run_scoped3A_135, %dma_start3A_231, %dma_start3A_232] : memref<2x128x128xf32, #tpu.memory_space<vmem>> -> memref<1x128x128xf32, #tpu.memory_space<vmem>>
          %dma_start3A_234 = tpu.memref_squeeze %dma_start3A_233 : memref<1x128x128xf32, #tpu.memory_space<vmem>> -> memref<128x128xf32, #tpu.memory_space<vmem>>
          %dma_start3A_235 = arith.constant 0 : i32
          %dma_start3A_236 = tpu.memref_slice %arg8[%run_scoped3A_136, %dma_start3A_235] : memref<8x128xi32, #tpu.memory_space<vmem>> -> memref<1x128xi32, #tpu.memory_space<vmem>>
          %dma_start3A_237 = tpu.memref_squeeze %dma_start3A_236 : memref<1x128xi32, #tpu.memory_space<vmem>> -> memref<128xi32, #tpu.memory_space<vmem>>
          %dma_start3A_238 = arith.constant 0 : i32
          %dma_start3A_239 = arith.constant 0 : i32
          %dma_start3A_240 = tpu.memref_slice %arg6[%dma_start3A_238, %dma_start3A_239] : memref<10240x128xf32, #tpu.memory_space<vmem_shared>> -> memref<10240x128xf32, #tpu.memory_space<vmem_shared>>
          tpu.enqueue_indirect_dma source(%dma_start3A_234 : memref<128x128xf32, #tpu.memory_space<vmem>>) target(%dma_start3A_240 : memref<10240x128xf32, #tpu.memory_space<vmem_shared>>) offsets(%dma_start3A_237 : memref<128xi32, #tpu.memory_space<vmem>>) semaphore(%run_scoped3A_230 : memref<!tpu.dma_semaphore, #tpu.memory_space<semaphore_mem>>) {add = true}
          %dma_wait3A_241 = arith.constant 0 : i32
          %dma_wait3A_242 = arith.constant 0 : i32
          %dma_wait3A_243 = tpu.memref_slice %arg9[%run_scoped3A_135, %dma_wait3A_241, %dma_wait3A_242] : memref<2x128x128xf32, #tpu.memory_space<vmem>> -> memref<1x128x128xf32, #tpu.memory_space<vmem>>
          %dma_wait3A_244 = tpu.memref_squeeze %dma_wait3A_243 : memref<1x128x128xf32, #tpu.memory_space<vmem>> -> memref<128x128xf32, #tpu.memory_space<vmem>>
          %dma_wait3A_245 = arith.constant 0 : i32
          %dma_wait3A_246 = tpu.memref_slice %arg8[%run_scoped3A_136, %dma_wait3A_245] : memref<8x128xi32, #tpu.memory_space<vmem>> -> memref<1x128xi32, #tpu.memory_space<vmem>>
          %dma_wait3A_247 = tpu.memref_squeeze %dma_wait3A_246 : memref<1x128xi32, #tpu.memory_space<vmem>> -> memref<128xi32, #tpu.memory_space<vmem>>
          %dma_wait3A_248 = arith.constant 0 : i32
          %dma_wait3A_249 = arith.constant 0 : i32
          %dma_wait3A_250 = tpu.memref_slice %arg6[%dma_wait3A_248, %dma_wait3A_249] : memref<10240x128xf32, #tpu.memory_space<vmem_shared>> -> memref<10240x128xf32, #tpu.memory_space<vmem_shared>>
          tpu.wait_indirect_dma semaphore(%run_scoped3A_230 : memref<!tpu.dma_semaphore, #tpu.memory_space<semaphore_mem>>) src(%dma_wait3A_244 : memref<128x128xf32, #tpu.memory_space<vmem>>) dst(%dma_wait3A_250 : memref<10240x128xf32, #tpu.memory_space<vmem_shared>>)
          tpu.yield
        }) : () -> ()
        %dma_start3A_137 = arith.constant 5 : i32
        %dma_start3A_138 = arith.constant 1 : i32
        %dma_start3A_139 = arith.constant 0 : i32
        %dma_start3A_140 = arith.constant 0 : i32
        %dma_start3A_141 = tpu.memref_slice %arg9[%dma_start3A_138, %dma_start3A_139, %dma_start3A_140] : memref<2x128x128xf32, #tpu.memory_space<vmem>> -> memref<1x128x128xf32, #tpu.memory_space<vmem>>
        %dma_start3A_142 = tpu.memref_squeeze %dma_start3A_141 : memref<1x128x128xf32, #tpu.memory_space<vmem>> -> memref<128x128xf32, #tpu.memory_space<vmem>>
        %dma_start3A_143 = arith.constant 0 : i32
        %dma_start3A_144 = tpu.memref_slice %arg7[%dma_start3A_137, %dma_start3A_143] : memref<8x128xi32, #tpu.memory_space<vmem>> -> memref<1x128xi32, #tpu.memory_space<vmem>>
        %dma_start3A_145 = tpu.memref_squeeze %dma_start3A_144 : memref<1x128xi32, #tpu.memory_space<vmem>> -> memref<128xi32, #tpu.memory_space<vmem>>
        %dma_start3A_146 = arith.constant 0 : i32
        %dma_start3A_147 = arith.constant 0 : i32
        %dma_start3A_148 = tpu.memref_slice %arg2[%dma_start3A_146, %dma_start3A_147] : memref<10240x128xf32, #tpu.memory_space<hbm>> -> memref<10240x128xf32, #tpu.memory_space<hbm>>
        tpu.enqueue_indirect_dma source(%dma_start3A_148 : memref<10240x128xf32, #tpu.memory_space<hbm>>) target(%dma_start3A_142 : memref<128x128xf32, #tpu.memory_space<vmem>>) offsets(%dma_start3A_145 : memref<128xi32, #tpu.memory_space<vmem>>) semaphore(%arg11 : memref<!tpu.dma_semaphore, #tpu.memory_space<semaphore_mem>>)
        %dma_wait3A_149 = arith.constant 4 : i32
        %dma_wait3A_150 = arith.constant 0 : i32
        %dma_wait3A_151 = arith.constant 0 : i32
        %dma_wait3A_152 = arith.constant 0 : i32
        %dma_wait3A_153 = tpu.memref_slice %arg9[%dma_wait3A_150, %dma_wait3A_151, %dma_wait3A_152] : memref<2x128x128xf32, #tpu.memory_space<vmem>> -> memref<1x128x128xf32, #tpu.memory_space<vmem>>
        %dma_wait3A_154 = tpu.memref_squeeze %dma_wait3A_153 : memref<1x128x128xf32, #tpu.memory_space<vmem>> -> memref<128x128xf32, #tpu.memory_space<vmem>>
        %dma_wait3A_155 = arith.constant 0 : i32
        %dma_wait3A_156 = tpu.memref_slice %arg7[%dma_wait3A_149, %dma_wait3A_155] : memref<8x128xi32, #tpu.memory_space<vmem>> -> memref<1x128xi32, #tpu.memory_space<vmem>>
        %dma_wait3A_157 = tpu.memref_squeeze %dma_wait3A_156 : memref<1x128xi32, #tpu.memory_space<vmem>> -> memref<128xi32, #tpu.memory_space<vmem>>
        %dma_wait3A_158 = arith.constant 0 : i32
        %dma_wait3A_159 = arith.constant 0 : i32
        %dma_wait3A_160 = tpu.memref_slice %arg2[%dma_wait3A_158, %dma_wait3A_159] : memref<10240x128xf32, #tpu.memory_space<hbm>> -> memref<10240x128xf32, #tpu.memory_space<hbm>>
        tpu.wait_indirect_dma semaphore(%arg10 : memref<!tpu.dma_semaphore, #tpu.memory_space<semaphore_mem>>) src(%dma_wait3A_160 : memref<10240x128xf32, #tpu.memory_space<hbm>>) dst(%dma_wait3A_154 : memref<128x128xf32, #tpu.memory_space<vmem>>)
        %run_scoped3A_161 = arith.constant 0 : i32
        %run_scoped3A_162 = arith.constant 4 : i32
        "tpu.region"() ({
          %run_scoped3A_230 = tpu.sem_alloc : memref<!tpu.dma_semaphore, #tpu.memory_space<semaphore_mem>>
          %dma_start3A_231 = arith.constant 0 : i32
          %dma_start3A_232 = arith.constant 0 : i32
          %dma_start3A_233 = tpu.memref_slice %arg9[%run_scoped3A_161, %dma_start3A_231, %dma_start3A_232] : memref<2x128x128xf32, #tpu.memory_space<vmem>> -> memref<1x128x128xf32, #tpu.memory_space<vmem>>
          %dma_start3A_234 = tpu.memref_squeeze %dma_start3A_233 : memref<1x128x128xf32, #tpu.memory_space<vmem>> -> memref<128x128xf32, #tpu.memory_space<vmem>>
          %dma_start3A_235 = arith.constant 0 : i32
          %dma_start3A_236 = tpu.memref_slice %arg8[%run_scoped3A_162, %dma_start3A_235] : memref<8x128xi32, #tpu.memory_space<vmem>> -> memref<1x128xi32, #tpu.memory_space<vmem>>
          %dma_start3A_237 = tpu.memref_squeeze %dma_start3A_236 : memref<1x128xi32, #tpu.memory_space<vmem>> -> memref<128xi32, #tpu.memory_space<vmem>>
          %dma_start3A_238 = arith.constant 0 : i32
          %dma_start3A_239 = arith.constant 0 : i32
          %dma_start3A_240 = tpu.memref_slice %arg6[%dma_start3A_238, %dma_start3A_239] : memref<10240x128xf32, #tpu.memory_space<vmem_shared>> -> memref<10240x128xf32, #tpu.memory_space<vmem_shared>>
          tpu.enqueue_indirect_dma source(%dma_start3A_234 : memref<128x128xf32, #tpu.memory_space<vmem>>) target(%dma_start3A_240 : memref<10240x128xf32, #tpu.memory_space<vmem_shared>>) offsets(%dma_start3A_237 : memref<128xi32, #tpu.memory_space<vmem>>) semaphore(%run_scoped3A_230 : memref<!tpu.dma_semaphore, #tpu.memory_space<semaphore_mem>>) {add = true}
          %dma_wait3A_241 = arith.constant 0 : i32
          %dma_wait3A_242 = arith.constant 0 : i32
          %dma_wait3A_243 = tpu.memref_slice %arg9[%run_scoped3A_161, %dma_wait3A_241, %dma_wait3A_242] : memref<2x128x128xf32, #tpu.memory_space<vmem>> -> memref<1x128x128xf32, #tpu.memory_space<vmem>>
          %dma_wait3A_244 = tpu.memref_squeeze %dma_wait3A_243 : memref<1x128x128xf32, #tpu.memory_space<vmem>> -> memref<128x128xf32, #tpu.memory_space<vmem>>
          %dma_wait3A_245 = arith.constant 0 : i32
          %dma_wait3A_246 = tpu.memref_slice %arg8[%run_scoped3A_162, %dma_wait3A_245] : memref<8x128xi32, #tpu.memory_space<vmem>> -> memref<1x128xi32, #tpu.memory_space<vmem>>
          %dma_wait3A_247 = tpu.memref_squeeze %dma_wait3A_246 : memref<1x128xi32, #tpu.memory_space<vmem>> -> memref<128xi32, #tpu.memory_space<vmem>>
          %dma_wait3A_248 = arith.constant 0 : i32
          %dma_wait3A_249 = arith.constant 0 : i32
          %dma_wait3A_250 = tpu.memref_slice %arg6[%dma_wait3A_248, %dma_wait3A_249] : memref<10240x128xf32, #tpu.memory_space<vmem_shared>> -> memref<10240x128xf32, #tpu.memory_space<vmem_shared>>
          tpu.wait_indirect_dma semaphore(%run_scoped3A_230 : memref<!tpu.dma_semaphore, #tpu.memory_space<semaphore_mem>>) src(%dma_wait3A_244 : memref<128x128xf32, #tpu.memory_space<vmem>>) dst(%dma_wait3A_250 : memref<10240x128xf32, #tpu.memory_space<vmem_shared>>)
          tpu.yield
        }) : () -> ()
        %dma_start3A_163 = arith.constant 6 : i32
        %dma_start3A_164 = arith.constant 0 : i32
        %dma_start3A_165 = arith.constant 0 : i32
        %dma_start3A_166 = arith.constant 0 : i32
        %dma_start3A_167 = tpu.memref_slice %arg9[%dma_start3A_164, %dma_start3A_165, %dma_start3A_166] : memref<2x128x128xf32, #tpu.memory_space<vmem>> -> memref<1x128x128xf32, #tpu.memory_space<vmem>>
        %dma_start3A_168 = tpu.memref_squeeze %dma_start3A_167 : memref<1x128x128xf32, #tpu.memory_space<vmem>> -> memref<128x128xf32, #tpu.memory_space<vmem>>
        %dma_start3A_169 = arith.constant 0 : i32
        %dma_start3A_170 = tpu.memref_slice %arg7[%dma_start3A_163, %dma_start3A_169] : memref<8x128xi32, #tpu.memory_space<vmem>> -> memref<1x128xi32, #tpu.memory_space<vmem>>
        %dma_start3A_171 = tpu.memref_squeeze %dma_start3A_170 : memref<1x128xi32, #tpu.memory_space<vmem>> -> memref<128xi32, #tpu.memory_space<vmem>>
        %dma_start3A_172 = arith.constant 0 : i32
        %dma_start3A_173 = arith.constant 0 : i32
        %dma_start3A_174 = tpu.memref_slice %arg2[%dma_start3A_172, %dma_start3A_173] : memref<10240x128xf32, #tpu.memory_space<hbm>> -> memref<10240x128xf32, #tpu.memory_space<hbm>>
        tpu.enqueue_indirect_dma source(%dma_start3A_174 : memref<10240x128xf32, #tpu.memory_space<hbm>>) target(%dma_start3A_168 : memref<128x128xf32, #tpu.memory_space<vmem>>) offsets(%dma_start3A_171 : memref<128xi32, #tpu.memory_space<vmem>>) semaphore(%arg10 : memref<!tpu.dma_semaphore, #tpu.memory_space<semaphore_mem>>)
        %dma_wait3A_175 = arith.constant 5 : i32
        %dma_wait3A_176 = arith.constant 1 : i32
        %dma_wait3A_177 = arith.constant 0 : i32
        %dma_wait3A_178 = arith.constant 0 : i32
        %dma_wait3A_179 = tpu.memref_slice %arg9[%dma_wait3A_176, %dma_wait3A_177, %dma_wait3A_178] : memref<2x128x128xf32, #tpu.memory_space<vmem>> -> memref<1x128x128xf32, #tpu.memory_space<vmem>>
        %dma_wait3A_180 = tpu.memref_squeeze %dma_wait3A_179 : memref<1x128x128xf32, #tpu.memory_space<vmem>> -> memref<128x128xf32, #tpu.memory_space<vmem>>
        %dma_wait3A_181 = arith.constant 0 : i32
        %dma_wait3A_182 = tpu.memref_slice %arg7[%dma_wait3A_175, %dma_wait3A_181] : memref<8x128xi32, #tpu.memory_space<vmem>> -> memref<1x128xi32, #tpu.memory_space<vmem>>
        %dma_wait3A_183 = tpu.memref_squeeze %dma_wait3A_182 : memref<1x128xi32, #tpu.memory_space<vmem>> -> memref<128xi32, #tpu.memory_space<vmem>>
        %dma_wait3A_184 = arith.constant 0 : i32
        %dma_wait3A_185 = arith.constant 0 : i32
        %dma_wait3A_186 = tpu.memref_slice %arg2[%dma_wait3A_184, %dma_wait3A_185] : memref<10240x128xf32, #tpu.memory_space<hbm>> -> memref<10240x128xf32, #tpu.memory_space<hbm>>
        tpu.wait_indirect_dma semaphore(%arg11 : memref<!tpu.dma_semaphore, #tpu.memory_space<semaphore_mem>>) src(%dma_wait3A_186 : memref<10240x128xf32, #tpu.memory_space<hbm>>) dst(%dma_wait3A_180 : memref<128x128xf32, #tpu.memory_space<vmem>>)
        %run_scoped3A_187 = arith.constant 1 : i32
        %run_scoped3A_188 = arith.constant 5 : i32
        "tpu.region"() ({
          %run_scoped3A_230 = tpu.sem_alloc : memref<!tpu.dma_semaphore, #tpu.memory_space<semaphore_mem>>
          %dma_start3A_231 = arith.constant 0 : i32
          %dma_start3A_232 = arith.constant 0 : i32
          %dma_start3A_233 = tpu.memref_slice %arg9[%run_scoped3A_187, %dma_start3A_231, %dma_start3A_232] : memref<2x128x128xf32, #tpu.memory_space<vmem>> -> memref<1x128x128xf32, #tpu.memory_space<vmem>>
          %dma_start3A_234 = tpu.memref_squeeze %dma_start3A_233 : memref<1x128x128xf32, #tpu.memory_space<vmem>> -> memref<128x128xf32, #tpu.memory_space<vmem>>
          %dma_start3A_235 = arith.constant 0 : i32
          %dma_start3A_236 = tpu.memref_slice %arg8[%run_scoped3A_188, %dma_start3A_235] : memref<8x128xi32, #tpu.memory_space<vmem>> -> memref<1x128xi32, #tpu.memory_space<vmem>>
          %dma_start3A_237 = tpu.memref_squeeze %dma_start3A_236 : memref<1x128xi32, #tpu.memory_space<vmem>> -> memref<128xi32, #tpu.memory_space<vmem>>
          %dma_start3A_238 = arith.constant 0 : i32
          %dma_start3A_239 = arith.constant 0 : i32
          %dma_start3A_240 = tpu.memref_slice %arg6[%dma_start3A_238, %dma_start3A_239] : memref<10240x128xf32, #tpu.memory_space<vmem_shared>> -> memref<10240x128xf32, #tpu.memory_space<vmem_shared>>
          tpu.enqueue_indirect_dma source(%dma_start3A_234 : memref<128x128xf32, #tpu.memory_space<vmem>>) target(%dma_start3A_240 : memref<10240x128xf32, #tpu.memory_space<vmem_shared>>) offsets(%dma_start3A_237 : memref<128xi32, #tpu.memory_space<vmem>>) semaphore(%run_scoped3A_230 : memref<!tpu.dma_semaphore, #tpu.memory_space<semaphore_mem>>) {add = true}
          %dma_wait3A_241 = arith.constant 0 : i32
          %dma_wait3A_242 = arith.constant 0 : i32
          %dma_wait3A_243 = tpu.memref_slice %arg9[%run_scoped3A_187, %dma_wait3A_241, %dma_wait3A_242] : memref<2x128x128xf32, #tpu.memory_space<vmem>> -> memref<1x128x128xf32, #tpu.memory_space<vmem>>
          %dma_wait3A_244 = tpu.memref_squeeze %dma_wait3A_243 : memref<1x128x128xf32, #tpu.memory_space<vmem>> -> memref<128x128xf32, #tpu.memory_space<vmem>>
          %dma_wait3A_245 = arith.constant 0 : i32
          %dma_wait3A_246 = tpu.memref_slice %arg8[%run_scoped3A_188, %dma_wait3A_245] : memref<8x128xi32, #tpu.memory_space<vmem>> -> memref<1x128xi32, #tpu.memory_space<vmem>>
          %dma_wait3A_247 = tpu.memref_squeeze %dma_wait3A_246 : memref<1x128xi32, #tpu.memory_space<vmem>> -> memref<128xi32, #tpu.memory_space<vmem>>
          %dma_wait3A_248 = arith.constant 0 : i32
          %dma_wait3A_249 = arith.constant 0 : i32
          %dma_wait3A_250 = tpu.memref_slice %arg6[%dma_wait3A_248, %dma_wait3A_249] : memref<10240x128xf32, #tpu.memory_space<vmem_shared>> -> memref<10240x128xf32, #tpu.memory_space<vmem_shared>>
          tpu.wait_indirect_dma semaphore(%run_scoped3A_230 : memref<!tpu.dma_semaphore, #tpu.memory_space<semaphore_mem>>) src(%dma_wait3A_244 : memref<128x128xf32, #tpu.memory_space<vmem>>) dst(%dma_wait3A_250 : memref<10240x128xf32, #tpu.memory_space<vmem_shared>>)
          tpu.yield
        }) : () -> ()
        %dma_start3A_189 = arith.constant 7 : i32
        %dma_start3A_190 = arith.constant 1 : i32
        %dma_start3A_191 = arith.constant 0 : i32
        %dma_start3A_192 = arith.constant 0 : i32
        %dma_start3A_193 = tpu.memref_slice %arg9[%dma_start3A_190, %dma_start3A_191, %dma_start3A_192] : memref<2x128x128xf32, #tpu.memory_space<vmem>> -> memref<1x128x128xf32, #tpu.memory_space<vmem>>
        %dma_start3A_194 = tpu.memref_squeeze %dma_start3A_193 : memref<1x128x128xf32, #tpu.memory_space<vmem>> -> memref<128x128xf32, #tpu.memory_space<vmem>>
        %dma_start3A_195 = arith.constant 0 : i32
        %dma_start3A_196 = tpu.memref_slice %arg7[%dma_start3A_189, %dma_start3A_195] : memref<8x128xi32, #tpu.memory_space<vmem>> -> memref<1x128xi32, #tpu.memory_space<vmem>>
        %dma_start3A_197 = tpu.memref_squeeze %dma_start3A_196 : memref<1x128xi32, #tpu.memory_space<vmem>> -> memref<128xi32, #tpu.memory_space<vmem>>
        %dma_start3A_198 = arith.constant 0 : i32
        %dma_start3A_199 = arith.constant 0 : i32
        %dma_start3A_200 = tpu.memref_slice %arg2[%dma_start3A_198, %dma_start3A_199] : memref<10240x128xf32, #tpu.memory_space<hbm>> -> memref<10240x128xf32, #tpu.memory_space<hbm>>
        tpu.enqueue_indirect_dma source(%dma_start3A_200 : memref<10240x128xf32, #tpu.memory_space<hbm>>) target(%dma_start3A_194 : memref<128x128xf32, #tpu.memory_space<vmem>>) offsets(%dma_start3A_197 : memref<128xi32, #tpu.memory_space<vmem>>) semaphore(%arg11 : memref<!tpu.dma_semaphore, #tpu.memory_space<semaphore_mem>>)
        %dma_wait3A_201 = arith.constant 6 : i32
        %dma_wait3A_202 = arith.constant 0 : i32
        %dma_wait3A_203 = arith.constant 0 : i32
        %dma_wait3A_204 = arith.constant 0 : i32
        %dma_wait3A_205 = tpu.memref_slice %arg9[%dma_wait3A_202, %dma_wait3A_203, %dma_wait3A_204] : memref<2x128x128xf32, #tpu.memory_space<vmem>> -> memref<1x128x128xf32, #tpu.memory_space<vmem>>
        %dma_wait3A_206 = tpu.memref_squeeze %dma_wait3A_205 : memref<1x128x128xf32, #tpu.memory_space<vmem>> -> memref<128x128xf32, #tpu.memory_space<vmem>>
        %dma_wait3A_207 = arith.constant 0 : i32
        %dma_wait3A_208 = tpu.memref_slice %arg7[%dma_wait3A_201, %dma_wait3A_207] : memref<8x128xi32, #tpu.memory_space<vmem>> -> memref<1x128xi32, #tpu.memory_space<vmem>>
        %dma_wait3A_209 = tpu.memref_squeeze %dma_wait3A_208 : memref<1x128xi32, #tpu.memory_space<vmem>> -> memref<128xi32, #tpu.memory_space<vmem>>
        %dma_wait3A_210 = arith.constant 0 : i32
        %dma_wait3A_211 = arith.constant 0 : i32
        %dma_wait3A_212 = tpu.memref_slice %arg2[%dma_wait3A_210, %dma_wait3A_211] : memref<10240x128xf32, #tpu.memory_space<hbm>> -> memref<10240x128xf32, #tpu.memory_space<hbm>>
        tpu.wait_indirect_dma semaphore(%arg10 : memref<!tpu.dma_semaphore, #tpu.memory_space<semaphore_mem>>) src(%dma_wait3A_212 : memref<10240x128xf32, #tpu.memory_space<hbm>>) dst(%dma_wait3A_206 : memref<128x128xf32, #tpu.memory_space<vmem>>)
        %run_scoped3A_213 = arith.constant 0 : i32
        %run_scoped3A_214 = arith.constant 6 : i32
        "tpu.region"() ({
          %run_scoped3A_230 = tpu.sem_alloc : memref<!tpu.dma_semaphore, #tpu.memory_space<semaphore_mem>>
          %dma_start3A_231 = arith.constant 0 : i32
          %dma_start3A_232 = arith.constant 0 : i32
          %dma_start3A_233 = tpu.memref_slice %arg9[%run_scoped3A_213, %dma_start3A_231, %dma_start3A_232] : memref<2x128x128xf32, #tpu.memory_space<vmem>> -> memref<1x128x128xf32, #tpu.memory_space<vmem>>
          %dma_start3A_234 = tpu.memref_squeeze %dma_start3A_233 : memref<1x128x128xf32, #tpu.memory_space<vmem>> -> memref<128x128xf32, #tpu.memory_space<vmem>>
          %dma_start3A_235 = arith.constant 0 : i32
          %dma_start3A_236 = tpu.memref_slice %arg8[%run_scoped3A_214, %dma_start3A_235] : memref<8x128xi32, #tpu.memory_space<vmem>> -> memref<1x128xi32, #tpu.memory_space<vmem>>
          %dma_start3A_237 = tpu.memref_squeeze %dma_start3A_236 : memref<1x128xi32, #tpu.memory_space<vmem>> -> memref<128xi32, #tpu.memory_space<vmem>>
          %dma_start3A_238 = arith.constant 0 : i32
          %dma_start3A_239 = arith.constant 0 : i32
          %dma_start3A_240 = tpu.memref_slice %arg6[%dma_start3A_238, %dma_start3A_239] : memref<10240x128xf32, #tpu.memory_space<vmem_shared>> -> memref<10240x128xf32, #tpu.memory_space<vmem_shared>>
          tpu.enqueue_indirect_dma source(%dma_start3A_234 : memref<128x128xf32, #tpu.memory_space<vmem>>) target(%dma_start3A_240 : memref<10240x128xf32, #tpu.memory_space<vmem_shared>>) offsets(%dma_start3A_237 : memref<128xi32, #tpu.memory_space<vmem>>) semaphore(%run_scoped3A_230 : memref<!tpu.dma_semaphore, #tpu.memory_space<semaphore_mem>>) {add = true}
          %dma_wait3A_241 = arith.constant 0 : i32
          %dma_wait3A_242 = arith.constant 0 : i32
          %dma_wait3A_243 = tpu.memref_slice %arg9[%run_scoped3A_213, %dma_wait3A_241, %dma_wait3A_242] : memref<2x128x128xf32, #tpu.memory_space<vmem>> -> memref<1x128x128xf32, #tpu.memory_space<vmem>>
          %dma_wait3A_244 = tpu.memref_squeeze %dma_wait3A_243 : memref<1x128x128xf32, #tpu.memory_space<vmem>> -> memref<128x128xf32, #tpu.memory_space<vmem>>
          %dma_wait3A_245 = arith.constant 0 : i32
          %dma_wait3A_246 = tpu.memref_slice %arg8[%run_scoped3A_214, %dma_wait3A_245] : memref<8x128xi32, #tpu.memory_space<vmem>> -> memref<1x128xi32, #tpu.memory_space<vmem>>
          %dma_wait3A_247 = tpu.memref_squeeze %dma_wait3A_246 : memref<1x128xi32, #tpu.memory_space<vmem>> -> memref<128xi32, #tpu.memory_space<vmem>>
          %dma_wait3A_248 = arith.constant 0 : i32
          %dma_wait3A_249 = arith.constant 0 : i32
          %dma_wait3A_250 = tpu.memref_slice %arg6[%dma_wait3A_248, %dma_wait3A_249] : memref<10240x128xf32, #tpu.memory_space<vmem_shared>> -> memref<10240x128xf32, #tpu.memory_space<vmem_shared>>
          tpu.wait_indirect_dma semaphore(%run_scoped3A_230 : memref<!tpu.dma_semaphore, #tpu.memory_space<semaphore_mem>>) src(%dma_wait3A_244 : memref<128x128xf32, #tpu.memory_space<vmem>>) dst(%dma_wait3A_250 : memref<10240x128xf32, #tpu.memory_space<vmem_shared>>)
          tpu.yield
        }) : () -> ()
        %dma_wait3A_215 = arith.constant 7 : i32
        %dma_wait3A_216 = arith.constant 1 : i32
        %dma_wait3A_217 = arith.constant 0 : i32
        %dma_wait3A_218 = arith.constant 0 : i32
        %dma_wait3A_219 = tpu.memref_slice %arg9[%dma_wait3A_216, %dma_wait3A_217, %dma_wait3A_218] : memref<2x128x128xf32, #tpu.memory_space<vmem>> -> memref<1x128x128xf32, #tpu.memory_space<vmem>>
        %dma_wait3A_220 = tpu.memref_squeeze %dma_wait3A_219 : memref<1x128x128xf32, #tpu.memory_space<vmem>> -> memref<128x128xf32, #tpu.memory_space<vmem>>
        %dma_wait3A_221 = arith.constant 0 : i32
        %dma_wait3A_222 = tpu.memref_slice %arg7[%dma_wait3A_215, %dma_wait3A_221] : memref<8x128xi32, #tpu.memory_space<vmem>> -> memref<1x128xi32, #tpu.memory_space<vmem>>
        %dma_wait3A_223 = tpu.memref_squeeze %dma_wait3A_222 : memref<1x128xi32, #tpu.memory_space<vmem>> -> memref<128xi32, #tpu.memory_space<vmem>>
        %dma_wait3A_224 = arith.constant 0 : i32
        %dma_wait3A_225 = arith.constant 0 : i32
        %dma_wait3A_226 = tpu.memref_slice %arg2[%dma_wait3A_224, %dma_wait3A_225] : memref<10240x128xf32, #tpu.memory_space<hbm>> -> memref<10240x128xf32, #tpu.memory_space<hbm>>
        tpu.wait_indirect_dma semaphore(%arg11 : memref<!tpu.dma_semaphore, #tpu.memory_space<semaphore_mem>>) src(%dma_wait3A_226 : memref<10240x128xf32, #tpu.memory_space<hbm>>) dst(%dma_wait3A_220 : memref<128x128xf32, #tpu.memory_space<vmem>>)
        %run_scoped3A_227 = arith.constant 1 : i32
        %run_scoped3A_228 = arith.constant 7 : i32
        "tpu.region"() ({
          %run_scoped3A_230 = tpu.sem_alloc : memref<!tpu.dma_semaphore, #tpu.memory_space<semaphore_mem>>
          %dma_start3A_231 = arith.constant 0 : i32
          %dma_start3A_232 = arith.constant 0 : i32
          %dma_start3A_233 = tpu.memref_slice %arg9[%run_scoped3A_227, %dma_start3A_231, %dma_start3A_232] : memref<2x128x128xf32, #tpu.memory_space<vmem>> -> memref<1x128x128xf32, #tpu.memory_space<vmem>>
          %dma_start3A_234 = tpu.memref_squeeze %dma_start3A_233 : memref<1x128x128xf32, #tpu.memory_space<vmem>> -> memref<128x128xf32, #tpu.memory_space<vmem>>
          %dma_start3A_235 = arith.constant 0 : i32
          %dma_start3A_236 = tpu.memref_slice %arg8[%run_scoped3A_228, %dma_start3A_235] : memref<8x128xi32, #tpu.memory_space<vmem>> -> memref<1x128xi32, #tpu.memory_space<vmem>>
          %dma_start3A_237 = tpu.memref_squeeze %dma_start3A_236 : memref<1x128xi32, #tpu.memory_space<vmem>> -> memref<128xi32, #tpu.memory_space<vmem>>
          %dma_start3A_238 = arith.constant 0 : i32
          %dma_start3A_239 = arith.constant 0 : i32
          %dma_start3A_240 = tpu.memref_slice %arg6[%dma_start3A_238, %dma_start3A_239] : memref<10240x128xf32, #tpu.memory_space<vmem_shared>> -> memref<10240x128xf32, #tpu.memory_space<vmem_shared>>
          tpu.enqueue_indirect_dma source(%dma_start3A_234 : memref<128x128xf32, #tpu.memory_space<vmem>>) target(%dma_start3A_240 : memref<10240x128xf32, #tpu.memory_space<vmem_shared>>) offsets(%dma_start3A_237 : memref<128xi32, #tpu.memory_space<vmem>>) semaphore(%run_scoped3A_230 : memref<!tpu.dma_semaphore, #tpu.memory_space<semaphore_mem>>) {add = true}
          %dma_wait3A_241 = arith.constant 0 : i32
          %dma_wait3A_242 = arith.constant 0 : i32
          %dma_wait3A_243 = tpu.memref_slice %arg9[%run_scoped3A_227, %dma_wait3A_241, %dma_wait3A_242] : memref<2x128x128xf32, #tpu.memory_space<vmem>> -> memref<1x128x128xf32, #tpu.memory_space<vmem>>
          %dma_wait3A_244 = tpu.memref_squeeze %dma_wait3A_243 : memref<1x128x128xf32, #tpu.memory_space<vmem>> -> memref<128x128xf32, #tpu.memory_space<vmem>>
          %dma_wait3A_245 = arith.constant 0 : i32
          %dma_wait3A_246 = tpu.memref_slice %arg8[%run_scoped3A_228, %dma_wait3A_245] : memref<8x128xi32, #tpu.memory_space<vmem>> -> memref<1x128xi32, #tpu.memory_space<vmem>>
          %dma_wait3A_247 = tpu.memref_squeeze %dma_wait3A_246 : memref<1x128xi32, #tpu.memory_space<vmem>> -> memref<128xi32, #tpu.memory_space<vmem>>
          %dma_wait3A_248 = arith.constant 0 : i32
          %dma_wait3A_249 = arith.constant 0 : i32
          %dma_wait3A_250 = tpu.memref_slice %arg6[%dma_wait3A_248, %dma_wait3A_249] : memref<10240x128xf32, #tpu.memory_space<vmem_shared>> -> memref<10240x128xf32, #tpu.memory_space<vmem_shared>>
          tpu.wait_indirect_dma semaphore(%run_scoped3A_230 : memref<!tpu.dma_semaphore, #tpu.memory_space<semaphore_mem>>) src(%dma_wait3A_244 : memref<128x128xf32, #tpu.memory_space<vmem>>) dst(%dma_wait3A_250 : memref<10240x128xf32, #tpu.memory_space<vmem_shared>>)
          tpu.yield
        }) : () -> ()
        %scan3A_229 = arith.constant 0 : i32
        scf.yield %scan3A_229 : i32
      }
      %scan3A_17 = arith.constant 20 : i32
    } else {
    }
    %barrier3A_8 = arith.constant 0 : index
    tpu.barrier barrier_id(%barrier3A_8)
    %convert_element_type3A_9 = arith.extui %lt3A_3 : i1 to i32
    %cond3A_10 = arith.constant 0 : i32
    %cond3A_11 = arith.cmpi ne, %convert_element_type3A_9, %cond3A_10 : i32
    scf.if %cond3A_11 {
      "tpu.region"() ({
        %run_scoped3A = tpu.sem_alloc : memref<!tpu.dma_semaphore, #tpu.memory_space<semaphore_mem>>
        %dma_start3A = arith.constant 0 : i32
        %dma_start3A_12 = tpu.memref_slice %arg5[%arg0, %mul3A_2, %dma_start3A] : memref<1x10240x128xf32, #tpu.memory_space<hbm>> -> memref<1x640x128xf32, #tpu.memory_space<hbm>>
        %dma_start3A_13 = tpu.memref_squeeze %dma_start3A_12 : memref<1x640x128xf32, #tpu.memory_space<hbm>> -> memref<640x128xf32, #tpu.memory_space<hbm>>
        %dma_start3A_14 = arith.constant 0 : i32
        %dma_start3A_15 = tpu.memref_slice %arg6[%mul3A_2, %dma_start3A_14] : memref<10240x128xf32, #tpu.memory_space<vmem_shared>> -> memref<640x128xf32, #tpu.memory_space<vmem_shared>>
        tpu.enqueue_dma source(%dma_start3A_15 : memref<640x128xf32, #tpu.memory_space<vmem_shared>>) target(%dma_start3A_13 : memref<640x128xf32, #tpu.memory_space<hbm>>) target_semaphore(%run_scoped3A : memref<!tpu.dma_semaphore, #tpu.memory_space<semaphore_mem>>)
        %dma_wait3A = arith.constant 0 : i32
        %dma_wait3A_16 = tpu.memref_slice %arg5[%arg0, %mul3A_2, %dma_wait3A] : memref<1x10240x128xf32, #tpu.memory_space<hbm>> -> memref<1x640x128xf32, #tpu.memory_space<hbm>>
        %dma_wait3A_17 = tpu.memref_squeeze %dma_wait3A_16 : memref<1x640x128xf32, #tpu.memory_space<hbm>> -> memref<640x128xf32, #tpu.memory_space<hbm>>
        %dma_wait3A_18 = arith.constant 0 : i32
        %dma_wait3A_19 = tpu.memref_slice %arg6[%mul3A_2, %dma_wait3A_18] : memref<10240x128xf32, #tpu.memory_space<vmem_shared>> -> memref<640x128xf32, #tpu.memory_space<vmem_shared>>
        tpu.wait_dma2 semaphore(%run_scoped3A : memref<!tpu.dma_semaphore, #tpu.memory_space<semaphore_mem>>) src(%dma_wait3A_19 : memref<640x128xf32, #tpu.memory_space<vmem_shared>>) dst(%dma_wait3A_17 : memref<640x128xf32, #tpu.memory_space<hbm>>)
        tpu.yield
      }) : () -> ()
    } else {
    }
    return
  }
}

#map = affine_map<(d0, d1) -> (0, 0)>
#map1 = affine_map<(d0, d1) -> (0, 0, 0)>
module attributes {stable_mosaic.version = 14 : i64} {
  func.func @_agg_body(%arg0: i32, %arg1: i32, %arg2: memref<10240x128xf32, #tpu.memory_space<hbm>>, %arg3: memref<16x160x128xi32, #tpu.memory_space<hbm>>, %arg4: memref<16x160x128xi32, #tpu.memory_space<hbm>>, %arg5: memref<1x10240x128xf32, #tpu.memory_space<hbm>>, %arg6: memref<1x10240xf32, #tpu.memory_space<hbm>>, %arg7: memref<10240x128xf32, #tpu.memory_space<vmem_shared>>, %arg8: memref<8x128xi32, #tpu.memory_space<vmem>>, %arg9: memref<8x128xi32, #tpu.memory_space<vmem>>, %arg10: memref<2x128x128xf32, #tpu.memory_space<vmem>>, %arg11: memref<!tpu.dma_semaphore, #tpu.memory_space<semaphore_mem>>, %arg12: memref<!tpu.dma_semaphore, #tpu.memory_space<semaphore_mem>>, %arg13: memref<10240xf32, #tpu.memory_space<vmem_shared>>, %arg14: memref<128xf32, #tpu.memory_space<vmem>>, %arg15: memref<640xf32, #tpu.memory_space<vmem>>) attributes {dimension_semantics = [#tpu.dimension_semantics<core_parallel>, #tpu.dimension_semantics<subcore_parallel>], iteration_bounds = array<i64: 2, 16>, scalar_prefetch = 0 : i64, scratch_operands = 9 : i64, tpu.core_type = #tpu.core_type<sc_vector_subcore>, window_params = [{transform_indices = #map}, {transform_indices = #map1}, {transform_indices = #map1}, {transform_indices = #map1}, {transform_indices = #map}]} {
    %mul3A = arith.constant 16 : i32
    %mul3A_0 = arith.muli %arg0, %mul3A : i32
    %add3A = arith.addi %mul3A_0, %arg1 : i32
    %mul3A_1 = arith.constant 640 : i32
    %mul3A_2 = arith.muli %arg1, %mul3A_1 : i32
    %lt3A = arith.constant 1 : i32
    %lt3A_3 = arith.cmpi slt, %arg0, %lt3A : i32
    %convert_element_type3A = arith.extui %lt3A_3 : i1 to i32
    %cond3A = arith.constant 0 : i32
    %cond3A_4 = arith.cmpi ne, %convert_element_type3A, %cond3A : i32
    scf.if %cond3A_4 {
      %broadcast_in_dim3A = arith.constant 0.000000e+00 : f32
      %broadcast_in_dim3A_12 = vector.broadcast %broadcast_in_dim3A : f32 to vector<16xf32>
      %scan3A = arith.constant 0 : i32
      %scan3A_13 = arith.constant 0 : i32
      %scan3A_14 = arith.constant 128 : i32
      %scan3A_15 = arith.addi %scan3A_13, %scan3A_14 : i32
      %scan3A_16 = arith.constant 1 : i32
      %scan3A_17 = scf.for %scan3A_44 = %scan3A_13 to %scan3A_15 step %scan3A_16 iter_args(%scan3A_45 = %scan3A) -> (i32)  : i32 {
        %swap3A = arith.constant 0 : i32
        %swap3A_46 = arith.index_cast %swap3A : i32 to index
        %swap3A_47 = arith.index_cast %scan3A_44 : i32 to index
        %swap3A_48 = arith.constant 0 : index
        %swap3A_49 = tpu.vector_load %arg10[%swap3A_46, %swap3A_47, %swap3A_48] {strides = array<i32>} : memref<2x128x128xf32, #tpu.memory_space<vmem>>, vector<1x1x16xf32>,
        %swap3A_50 = vector.shape_cast %swap3A_49 : vector<1x1x16xf32> to vector<16xf32>
        %swap3A_51 = vector.shape_cast %broadcast_in_dim3A_12 : vector<16xf32> to vector<1x1x16xf32>
        tpu.vector_store %arg10[%swap3A_46, %swap3A_47, %swap3A_48], %swap3A_51 {strides = array<i32>} : memref<2x128x128xf32, #tpu.memory_space<vmem>>, vector<1x1x16xf32>,
        %swap3A_52 = arith.constant 0 : i32
        %swap3A_53 = arith.index_cast %swap3A_52 : i32 to index
        %swap3A_54 = arith.index_cast %scan3A_44 : i32 to index
        %swap3A_55 = arith.constant 16 : index
        %swap3A_56 = tpu.vector_load %arg10[%swap3A_53, %swap3A_54, %swap3A_55] {strides = array<i32>} : memref<2x128x128xf32, #tpu.memory_space<vmem>>, vector<1x1x16xf32>,
        %swap3A_57 = vector.shape_cast %swap3A_56 : vector<1x1x16xf32> to vector<16xf32>
        %swap3A_58 = vector.shape_cast %broadcast_in_dim3A_12 : vector<16xf32> to vector<1x1x16xf32>
        tpu.vector_store %arg10[%swap3A_53, %swap3A_54, %swap3A_55], %swap3A_58 {strides = array<i32>} : memref<2x128x128xf32, #tpu.memory_space<vmem>>, vector<1x1x16xf32>,
        %swap3A_59 = arith.constant 0 : i32
        %swap3A_60 = arith.index_cast %swap3A_59 : i32 to index
        %swap3A_61 = arith.index_cast %scan3A_44 : i32 to index
        %swap3A_62 = arith.constant 32 : index
        %swap3A_63 = tpu.vector_load %arg10[%swap3A_60, %swap3A_61, %swap3A_62] {strides = array<i32>} : memref<2x128x128xf32, #tpu.memory_space<vmem>>, vector<1x1x16xf32>,
        %swap3A_64 = vector.shape_cast %swap3A_63 : vector<1x1x16xf32> to vector<16xf32>
        %swap3A_65 = vector.shape_cast %broadcast_in_dim3A_12 : vector<16xf32> to vector<1x1x16xf32>
        tpu.vector_store %arg10[%swap3A_60, %swap3A_61, %swap3A_62], %swap3A_65 {strides = array<i32>} : memref<2x128x128xf32, #tpu.memory_space<vmem>>, vector<1x1x16xf32>,
        %swap3A_66 = arith.constant 0 : i32
        %swap3A_67 = arith.index_cast %swap3A_66 : i32 to index
        %swap3A_68 = arith.index_cast %scan3A_44 : i32 to index
        %swap3A_69 = arith.constant 48 : index
        %swap3A_70 = tpu.vector_load %arg10[%swap3A_67, %swap3A_68, %swap3A_69] {strides = array<i32>} : memref<2x128x128xf32, #tpu.memory_space<vmem>>, vector<1x1x16xf32>,
        %swap3A_71 = vector.shape_cast %swap3A_70 : vector<1x1x16xf32> to vector<16xf32>
        %swap3A_72 = vector.shape_cast %broadcast_in_dim3A_12 : vector<16xf32> to vector<1x1x16xf32>
        tpu.vector_store %arg10[%swap3A_67, %swap3A_68, %swap3A_69], %swap3A_72 {strides = array<i32>} : memref<2x128x128xf32, #tpu.memory_space<vmem>>, vector<1x1x16xf32>,
        %swap3A_73 = arith.constant 0 : i32
        %swap3A_74 = arith.index_cast %swap3A_73 : i32 to index
        %swap3A_75 = arith.index_cast %scan3A_44 : i32 to index
        %swap3A_76 = arith.constant 64 : index
        %swap3A_77 = tpu.vector_load %arg10[%swap3A_74, %swap3A_75, %swap3A_76] {strides = array<i32>} : memref<2x128x128xf32, #tpu.memory_space<vmem>>, vector<1x1x16xf32>,
        %swap3A_78 = vector.shape_cast %swap3A_77 : vector<1x1x16xf32> to vector<16xf32>
        %swap3A_79 = vector.shape_cast %broadcast_in_dim3A_12 : vector<16xf32> to vector<1x1x16xf32>
        tpu.vector_store %arg10[%swap3A_74, %swap3A_75, %swap3A_76], %swap3A_79 {strides = array<i32>} : memref<2x128x128xf32, #tpu.memory_space<vmem>>, vector<1x1x16xf32>,
        %swap3A_80 = arith.constant 0 : i32
        %swap3A_81 = arith.index_cast %swap3A_80 : i32 to index
        %swap3A_82 = arith.index_cast %scan3A_44 : i32 to index
        %swap3A_83 = arith.constant 80 : index
        %swap3A_84 = tpu.vector_load %arg10[%swap3A_81, %swap3A_82, %swap3A_83] {strides = array<i32>} : memref<2x128x128xf32, #tpu.memory_space<vmem>>, vector<1x1x16xf32>,
        %swap3A_85 = vector.shape_cast %swap3A_84 : vector<1x1x16xf32> to vector<16xf32>
        %swap3A_86 = vector.shape_cast %broadcast_in_dim3A_12 : vector<16xf32> to vector<1x1x16xf32>
        tpu.vector_store %arg10[%swap3A_81, %swap3A_82, %swap3A_83], %swap3A_86 {strides = array<i32>} : memref<2x128x128xf32, #tpu.memory_space<vmem>>, vector<1x1x16xf32>,
        %swap3A_87 = arith.constant 0 : i32
        %swap3A_88 = arith.index_cast %swap3A_87 : i32 to index
        %swap3A_89 = arith.index_cast %scan3A_44 : i32 to index
        %swap3A_90 = arith.constant 96 : index
        %swap3A_91 = tpu.vector_load %arg10[%swap3A_88, %swap3A_89, %swap3A_90] {strides = array<i32>} : memref<2x128x128xf32, #tpu.memory_space<vmem>>, vector<1x1x16xf32>,
        %swap3A_92 = vector.shape_cast %swap3A_91 : vector<1x1x16xf32> to vector<16xf32>
        %swap3A_93 = vector.shape_cast %broadcast_in_dim3A_12 : vector<16xf32> to vector<1x1x16xf32>
        tpu.vector_store %arg10[%swap3A_88, %swap3A_89, %swap3A_90], %swap3A_93 {strides = array<i32>} : memref<2x128x128xf32, #tpu.memory_space<vmem>>, vector<1x1x16xf32>,
        %swap3A_94 = arith.constant 0 : i32
        %swap3A_95 = arith.index_cast %swap3A_94 : i32 to index
        %swap3A_96 = arith.index_cast %scan3A_44 : i32 to index
        %swap3A_97 = arith.constant 112 : index
        %swap3A_98 = tpu.vector_load %arg10[%swap3A_95, %swap3A_96, %swap3A_97] {strides = array<i32>} : memref<2x128x128xf32, #tpu.memory_space<vmem>>, vector<1x1x16xf32>,
        %swap3A_99 = vector.shape_cast %swap3A_98 : vector<1x1x16xf32> to vector<16xf32>
        %swap3A_100 = vector.shape_cast %broadcast_in_dim3A_12 : vector<16xf32> to vector<1x1x16xf32>
        tpu.vector_store %arg10[%swap3A_95, %swap3A_96, %swap3A_97], %swap3A_100 {strides = array<i32>} : memref<2x128x128xf32, #tpu.memory_space<vmem>>, vector<1x1x16xf32>,
        %scan3A_101 = arith.constant 0 : i32
        scf.yield %scan3A_101 : i32
      }
      %scan3A_18 = arith.constant 128 : i32
      %scan3A_19 = arith.constant 0 : i32
      %scan3A_20 = arith.constant 0 : i32
      %scan3A_21 = arith.constant 5 : i32
      %scan3A_22 = arith.addi %scan3A_20, %scan3A_21 : i32
      %scan3A_23 = arith.constant 1 : i32
      %scan3A_24 = scf.for %scan3A_44 = %scan3A_20 to %scan3A_22 step %scan3A_23 iter_args(%scan3A_45 = %scan3A_19) -> (i32)  : i32 {
        %mul3A_46 = arith.constant 128 : i32
        %mul3A_47 = arith.muli %scan3A_44, %mul3A_46 : i32
        %add3A_48 = arith.addi %mul3A_2, %mul3A_47 : i32
        %run_scoped3A = arith.constant 0 : i32
        "tpu.region"() ({
          %run_scoped3A_50 = tpu.sem_alloc : memref<!tpu.dma_semaphore, #tpu.memory_space<semaphore_mem>>
          %dma_start3A = arith.constant 0 : i32
          %dma_start3A_51 = arith.constant 0 : i32
          %dma_start3A_52 = tpu.memref_slice %arg10[%run_scoped3A, %dma_start3A, %dma_start3A_51] : memref<2x128x128xf32, #tpu.memory_space<vmem>> -> memref<1x128x128xf32, #tpu.memory_space<vmem>>
          %dma_start3A_53 = tpu.memref_squeeze %dma_start3A_52 : memref<1x128x128xf32, #tpu.memory_space<vmem>> -> memref<128x128xf32, #tpu.memory_space<vmem>>
          %dma_start3A_54 = arith.constant 0 : i32
          %dma_start3A_55 = tpu.memref_slice %arg7[%add3A_48, %dma_start3A_54] : memref<10240x128xf32, #tpu.memory_space<vmem_shared>> -> memref<128x128xf32, #tpu.memory_space<vmem_shared>>
          %dma_start3A_56 = arith.constant 0 : i32
          %dma_start3A_57 = tpu.memref_slice %arg7[%add3A_48, %dma_start3A_56] : memref<10240x128xf32, #tpu.memory_space<vmem_shared>> -> memref<128x128xf32, #tpu.memory_space<vmem_shared>>
          %dma_start3A_58 = arith.constant 0 : i32
          %dma_start3A_59 = arith.constant 0 : i32
          %dma_start3A_60 = tpu.memref_slice %arg10[%run_scoped3A, %dma_start3A_58, %dma_start3A_59] : memref<2x128x128xf32, #tpu.memory_space<vmem>> -> memref<1x128x128xf32, #tpu.memory_space<vmem>>
          %dma_start3A_61 = tpu.memref_squeeze %dma_start3A_60 : memref<1x128x128xf32, #tpu.memory_space<vmem>> -> memref<128x128xf32, #tpu.memory_space<vmem>>
          tpu.enqueue_dma source(%dma_start3A_61 : memref<128x128xf32, #tpu.memory_space<vmem>>) target(%dma_start3A_57 : memref<128x128xf32, #tpu.memory_space<vmem_shared>>) target_semaphore(%run_scoped3A_50 : memref<!tpu.dma_semaphore, #tpu.memory_space<semaphore_mem>>)
          %dma_wait3A = arith.constant 0 : i32
          %dma_wait3A_62 = arith.constant 0 : i32
          %dma_wait3A_63 = tpu.memref_slice %arg10[%run_scoped3A, %dma_wait3A, %dma_wait3A_62] : memref<2x128x128xf32, #tpu.memory_space<vmem>> -> memref<1x128x128xf32, #tpu.memory_space<vmem>>
          %dma_wait3A_64 = tpu.memref_squeeze %dma_wait3A_63 : memref<1x128x128xf32, #tpu.memory_space<vmem>> -> memref<128x128xf32, #tpu.memory_space<vmem>>
          %dma_wait3A_65 = arith.constant 0 : i32
          %dma_wait3A_66 = tpu.memref_slice %arg7[%add3A_48, %dma_wait3A_65] : memref<10240x128xf32, #tpu.memory_space<vmem_shared>> -> memref<128x128xf32, #tpu.memory_space<vmem_shared>>
          %dma_wait3A_67 = arith.constant 0 : i32
          %dma_wait3A_68 = tpu.memref_slice %arg7[%add3A_48, %dma_wait3A_67] : memref<10240x128xf32, #tpu.memory_space<vmem_shared>> -> memref<128x128xf32, #tpu.memory_space<vmem_shared>>
          %dma_wait3A_69 = arith.constant 0 : i32
          %dma_wait3A_70 = arith.constant 0 : i32
          %dma_wait3A_71 = tpu.memref_slice %arg10[%run_scoped3A, %dma_wait3A_69, %dma_wait3A_70] : memref<2x128x128xf32, #tpu.memory_space<vmem>> -> memref<1x128x128xf32, #tpu.memory_space<vmem>>
          %dma_wait3A_72 = tpu.memref_squeeze %dma_wait3A_71 : memref<1x128x128xf32, #tpu.memory_space<vmem>> -> memref<128x128xf32, #tpu.memory_space<vmem>>
          tpu.wait_dma2 semaphore(%run_scoped3A_50 : memref<!tpu.dma_semaphore, #tpu.memory_space<semaphore_mem>>) src(%dma_wait3A_72 : memref<128x128xf32, #tpu.memory_space<vmem>>) dst(%dma_wait3A_68 : memref<128x128xf32, #tpu.memory_space<vmem_shared>>)
          tpu.yield
        }) : () -> ()
        %scan3A_49 = arith.constant 0 : i32
        scf.yield %scan3A_49 : i32
      }
      %scan3A_25 = arith.constant 5 : i32
      %broadcast_in_dim3A_26 = arith.constant 0.000000e+00 : f32
      %broadcast_in_dim3A_27 = vector.broadcast %broadcast_in_dim3A_26 : f32 to vector<16xf32>
      %scan3A_28 = arith.constant 0 : i32
      %scan3A_29 = arith.constant 0 : i32
      %scan3A_30 = arith.constant 40 : i32
      %scan3A_31 = arith.addi %scan3A_29, %scan3A_30 : i32
      %scan3A_32 = arith.constant 1 : i32
      %scan3A_33 = scf.for %scan3A_44 = %scan3A_29 to %scan3A_31 step %scan3A_32 iter_args(%scan3A_45 = %scan3A_28) -> (i32)  : i32 {
        %mul3A_46 = arith.constant 16 : i32
        %mul3A_47 = arith.muli %scan3A_44, %mul3A_46 : i32
        %swap3A = arith.index_cast %mul3A_47 : i32 to index
        %swap3A_48 = tpu.vector_load %arg15[%swap3A] {strides = array<i32>} : memref<640xf32, #tpu.memory_space<vmem>>, vector<16xf32>,
        %swap3A_49 = vector.shape_cast %swap3A_48 : vector<16xf32> to vector<16xf32>
        %swap3A_50 = vector.shape_cast %broadcast_in_dim3A_27 : vector<16xf32> to vector<16xf32>
        tpu.vector_store %arg15[%swap3A], %swap3A_50 {strides = array<i32>} : memref<640xf32, #tpu.memory_space<vmem>>, vector<16xf32>,
        %scan3A_51 = arith.constant 0 : i32
        scf.yield %scan3A_51 : i32
      }
      %scan3A_34 = arith.constant 40 : i32
      "tpu.region"() ({
        %run_scoped3A = tpu.sem_alloc : memref<!tpu.dma_semaphore, #tpu.memory_space<semaphore_mem>>
        %dma_start3A = tpu.memref_slice %arg13[%mul3A_2] : memref<10240xf32, #tpu.memory_space<vmem_shared>> -> memref<640xf32, #tpu.memory_space<vmem_shared>>
        %dma_start3A_44 = tpu.memref_slice %arg13[%mul3A_2] : memref<10240xf32, #tpu.memory_space<vmem_shared>> -> memref<640xf32, #tpu.memory_space<vmem_shared>>
        tpu.enqueue_dma source(%arg15 : memref<640xf32, #tpu.memory_space<vmem>>) target(%dma_start3A_44 : memref<640xf32, #tpu.memory_space<vmem_shared>>) target_semaphore(%run_scoped3A : memref<!tpu.dma_semaphore, #tpu.memory_space<semaphore_mem>>)
        %dma_wait3A = tpu.memref_slice %arg13[%mul3A_2] : memref<10240xf32, #tpu.memory_space<vmem_shared>> -> memref<640xf32, #tpu.memory_space<vmem_shared>>
        %dma_wait3A_45 = tpu.memref_slice %arg13[%mul3A_2] : memref<10240xf32, #tpu.memory_space<vmem_shared>> -> memref<640xf32, #tpu.memory_space<vmem_shared>>
        tpu.wait_dma2 semaphore(%run_scoped3A : memref<!tpu.dma_semaphore, #tpu.memory_space<semaphore_mem>>) src(%arg15 : memref<640xf32, #tpu.memory_space<vmem>>) dst(%dma_wait3A_45 : memref<640xf32, #tpu.memory_space<vmem_shared>>)
        tpu.yield
      }) : () -> ()
      %broadcast_in_dim3A_35 = arith.constant 1.000000e+00 : f32
      %broadcast_in_dim3A_36 = vector.broadcast %broadcast_in_dim3A_35 : f32 to vector<16xf32>
      %scan3A_37 = arith.constant 0 : i32
      %scan3A_38 = arith.constant 0 : i32
      %scan3A_39 = arith.constant 8 : i32
      %scan3A_40 = arith.addi %scan3A_38, %scan3A_39 : i32
      %scan3A_41 = arith.constant 1 : i32
      %scan3A_42 = scf.for %scan3A_44 = %scan3A_38 to %scan3A_40 step %scan3A_41 iter_args(%scan3A_45 = %scan3A_37) -> (i32)  : i32 {
        %mul3A_46 = arith.constant 16 : i32
        %mul3A_47 = arith.muli %scan3A_44, %mul3A_46 : i32
        %swap3A = arith.index_cast %mul3A_47 : i32 to index
        %swap3A_48 = tpu.vector_load %arg14[%swap3A] {strides = array<i32>} : memref<128xf32, #tpu.memory_space<vmem>>, vector<16xf32>,
        %swap3A_49 = vector.shape_cast %swap3A_48 : vector<16xf32> to vector<16xf32>
        %swap3A_50 = vector.shape_cast %broadcast_in_dim3A_36 : vector<16xf32> to vector<16xf32>
        tpu.vector_store %arg14[%swap3A], %swap3A_50 {strides = array<i32>} : memref<128xf32, #tpu.memory_space<vmem>>, vector<16xf32>,
        %scan3A_51 = arith.constant 0 : i32
        scf.yield %scan3A_51 : i32
      }
      %scan3A_43 = arith.constant 8 : i32
    } else {
    }
    %barrier3A = arith.constant 0 : index
    tpu.barrier barrier_id(%barrier3A)
    %convert_element_type3A_5 = arith.extui %lt3A_3 : i1 to i32
    %cond3A_6 = arith.constant 0 : i32
    %cond3A_7 = arith.cmpi ne, %convert_element_type3A_5, %cond3A_6 : i32
    scf.if %cond3A_7 {
      %scan3A = arith.constant 0 : i32
      %scan3A_12 = arith.constant 0 : i32
      %scan3A_13 = arith.constant 20 : i32
      %scan3A_14 = arith.addi %scan3A_12, %scan3A_13 : i32
      %scan3A_15 = arith.constant 1 : i32
      %scan3A_16 = scf.for %scan3A_18 = %scan3A_12 to %scan3A_14 step %scan3A_15 iter_args(%scan3A_19 = %scan3A) -> (i32)  : i32 {
        %mul3A_20 = arith.constant 8 : i32
        %mul3A_21 = arith.muli %scan3A_18, %mul3A_20 : i32
        "tpu.region"() ({
          %run_scoped3A_238 = tpu.sem_alloc : memref<!tpu.dma_semaphore, #tpu.memory_space<semaphore_mem>>
          %dma_start3A_239 = arith.constant 0 : i32
          %dma_start3A_240 = tpu.memref_slice %arg3[%add3A, %mul3A_21, %dma_start3A_239] : memref<16x160x128xi32, #tpu.memory_space<hbm>> -> memref<1x8x128xi32, #tpu.memory_space<hbm>>
          %dma_start3A_241 = tpu.memref_squeeze %dma_start3A_240 : memref<1x8x128xi32, #tpu.memory_space<hbm>> -> memref<8x128xi32, #tpu.memory_space<hbm>>
          %dma_start3A_242 = arith.constant 0 : i32
          %dma_start3A_243 = tpu.memref_slice %arg3[%add3A, %mul3A_21, %dma_start3A_242] : memref<16x160x128xi32, #tpu.memory_space<hbm>> -> memref<1x8x128xi32, #tpu.memory_space<hbm>>
          %dma_start3A_244 = tpu.memref_squeeze %dma_start3A_243 : memref<1x8x128xi32, #tpu.memory_space<hbm>> -> memref<8x128xi32, #tpu.memory_space<hbm>>
          tpu.enqueue_dma source(%dma_start3A_244 : memref<8x128xi32, #tpu.memory_space<hbm>>) target(%arg8 : memref<8x128xi32, #tpu.memory_space<vmem>>) target_semaphore(%run_scoped3A_238 : memref<!tpu.dma_semaphore, #tpu.memory_space<semaphore_mem>>)
          %dma_wait3A_245 = arith.constant 0 : i32
          %dma_wait3A_246 = tpu.memref_slice %arg3[%add3A, %mul3A_21, %dma_wait3A_245] : memref<16x160x128xi32, #tpu.memory_space<hbm>> -> memref<1x8x128xi32, #tpu.memory_space<hbm>>
          %dma_wait3A_247 = tpu.memref_squeeze %dma_wait3A_246 : memref<1x8x128xi32, #tpu.memory_space<hbm>> -> memref<8x128xi32, #tpu.memory_space<hbm>>
          %dma_wait3A_248 = arith.constant 0 : i32
          %dma_wait3A_249 = tpu.memref_slice %arg3[%add3A, %mul3A_21, %dma_wait3A_248] : memref<16x160x128xi32, #tpu.memory_space<hbm>> -> memref<1x8x128xi32, #tpu.memory_space<hbm>>
          %dma_wait3A_250 = tpu.memref_squeeze %dma_wait3A_249 : memref<1x8x128xi32, #tpu.memory_space<hbm>> -> memref<8x128xi32, #tpu.memory_space<hbm>>
          tpu.wait_dma2 semaphore(%run_scoped3A_238 : memref<!tpu.dma_semaphore, #tpu.memory_space<semaphore_mem>>) src(%dma_wait3A_250 : memref<8x128xi32, #tpu.memory_space<hbm>>) dst(%arg8 : memref<8x128xi32, #tpu.memory_space<vmem>>)
          tpu.yield
        }) : () -> ()
        %mul3A_22 = arith.constant 8 : i32
        %mul3A_23 = arith.muli %scan3A_18, %mul3A_22 : i32
        "tpu.region"() ({
          %run_scoped3A_238 = tpu.sem_alloc : memref<!tpu.dma_semaphore, #tpu.memory_space<semaphore_mem>>
          %dma_start3A_239 = arith.constant 0 : i32
          %dma_start3A_240 = tpu.memref_slice %arg4[%add3A, %mul3A_23, %dma_start3A_239] : memref<16x160x128xi32, #tpu.memory_space<hbm>> -> memref<1x8x128xi32, #tpu.memory_space<hbm>>
          %dma_start3A_241 = tpu.memref_squeeze %dma_start3A_240 : memref<1x8x128xi32, #tpu.memory_space<hbm>> -> memref<8x128xi32, #tpu.memory_space<hbm>>
          %dma_start3A_242 = arith.constant 0 : i32
          %dma_start3A_243 = tpu.memref_slice %arg4[%add3A, %mul3A_23, %dma_start3A_242] : memref<16x160x128xi32, #tpu.memory_space<hbm>> -> memref<1x8x128xi32, #tpu.memory_space<hbm>>
          %dma_start3A_244 = tpu.memref_squeeze %dma_start3A_243 : memref<1x8x128xi32, #tpu.memory_space<hbm>> -> memref<8x128xi32, #tpu.memory_space<hbm>>
          tpu.enqueue_dma source(%dma_start3A_244 : memref<8x128xi32, #tpu.memory_space<hbm>>) target(%arg9 : memref<8x128xi32, #tpu.memory_space<vmem>>) target_semaphore(%run_scoped3A_238 : memref<!tpu.dma_semaphore, #tpu.memory_space<semaphore_mem>>)
          %dma_wait3A_245 = arith.constant 0 : i32
          %dma_wait3A_246 = tpu.memref_slice %arg4[%add3A, %mul3A_23, %dma_wait3A_245] : memref<16x160x128xi32, #tpu.memory_space<hbm>> -> memref<1x8x128xi32, #tpu.memory_space<hbm>>
          %dma_wait3A_247 = tpu.memref_squeeze %dma_wait3A_246 : memref<1x8x128xi32, #tpu.memory_space<hbm>> -> memref<8x128xi32, #tpu.memory_space<hbm>>
          %dma_wait3A_248 = arith.constant 0 : i32
          %dma_wait3A_249 = tpu.memref_slice %arg4[%add3A, %mul3A_23, %dma_wait3A_248] : memref<16x160x128xi32, #tpu.memory_space<hbm>> -> memref<1x8x128xi32, #tpu.memory_space<hbm>>
          %dma_wait3A_250 = tpu.memref_squeeze %dma_wait3A_249 : memref<1x8x128xi32, #tpu.memory_space<hbm>> -> memref<8x128xi32, #tpu.memory_space<hbm>>
          tpu.wait_dma2 semaphore(%run_scoped3A_238 : memref<!tpu.dma_semaphore, #tpu.memory_space<semaphore_mem>>) src(%dma_wait3A_250 : memref<8x128xi32, #tpu.memory_space<hbm>>) dst(%arg9 : memref<8x128xi32, #tpu.memory_space<vmem>>)
          tpu.yield
        }) : () -> ()
        %dma_start3A = arith.constant 0 : i32
        %dma_start3A_24 = arith.constant 0 : i32
        %dma_start3A_25 = arith.constant 0 : i32
        %dma_start3A_26 = arith.constant 0 : i32
        %dma_start3A_27 = tpu.memref_slice %arg10[%dma_start3A_24, %dma_start3A_25, %dma_start3A_26] : memref<2x128x128xf32, #tpu.memory_space<vmem>> -> memref<1x128x128xf32, #tpu.memory_space<vmem>>
        %dma_start3A_28 = tpu.memref_squeeze %dma_start3A_27 : memref<1x128x128xf32, #tpu.memory_space<vmem>> -> memref<128x128xf32, #tpu.memory_space<vmem>>
        %dma_start3A_29 = arith.constant 0 : i32
        %dma_start3A_30 = tpu.memref_slice %arg8[%dma_start3A, %dma_start3A_29] : memref<8x128xi32, #tpu.memory_space<vmem>> -> memref<1x128xi32, #tpu.memory_space<vmem>>
        %dma_start3A_31 = tpu.memref_squeeze %dma_start3A_30 : memref<1x128xi32, #tpu.memory_space<vmem>> -> memref<128xi32, #tpu.memory_space<vmem>>
        %dma_start3A_32 = arith.constant 0 : i32
        %dma_start3A_33 = arith.constant 0 : i32
        %dma_start3A_34 = tpu.memref_slice %arg2[%dma_start3A_32, %dma_start3A_33] : memref<10240x128xf32, #tpu.memory_space<hbm>> -> memref<10240x128xf32, #tpu.memory_space<hbm>>
        tpu.enqueue_indirect_dma source(%dma_start3A_34 : memref<10240x128xf32, #tpu.memory_space<hbm>>) target(%dma_start3A_28 : memref<128x128xf32, #tpu.memory_space<vmem>>) offsets(%dma_start3A_31 : memref<128xi32, #tpu.memory_space<vmem>>) semaphore(%arg11 : memref<!tpu.dma_semaphore, #tpu.memory_space<semaphore_mem>>)
        %dma_start3A_35 = arith.constant 1 : i32
        %dma_start3A_36 = arith.constant 1 : i32
        %dma_start3A_37 = arith.constant 0 : i32
        %dma_start3A_38 = arith.constant 0 : i32
        %dma_start3A_39 = tpu.memref_slice %arg10[%dma_start3A_36, %dma_start3A_37, %dma_start3A_38] : memref<2x128x128xf32, #tpu.memory_space<vmem>> -> memref<1x128x128xf32, #tpu.memory_space<vmem>>
        %dma_start3A_40 = tpu.memref_squeeze %dma_start3A_39 : memref<1x128x128xf32, #tpu.memory_space<vmem>> -> memref<128x128xf32, #tpu.memory_space<vmem>>
        %dma_start3A_41 = arith.constant 0 : i32
        %dma_start3A_42 = tpu.memref_slice %arg8[%dma_start3A_35, %dma_start3A_41] : memref<8x128xi32, #tpu.memory_space<vmem>> -> memref<1x128xi32, #tpu.memory_space<vmem>>
        %dma_start3A_43 = tpu.memref_squeeze %dma_start3A_42 : memref<1x128xi32, #tpu.memory_space<vmem>> -> memref<128xi32, #tpu.memory_space<vmem>>
        %dma_start3A_44 = arith.constant 0 : i32
        %dma_start3A_45 = arith.constant 0 : i32
        %dma_start3A_46 = tpu.memref_slice %arg2[%dma_start3A_44, %dma_start3A_45] : memref<10240x128xf32, #tpu.memory_space<hbm>> -> memref<10240x128xf32, #tpu.memory_space<hbm>>
        tpu.enqueue_indirect_dma source(%dma_start3A_46 : memref<10240x128xf32, #tpu.memory_space<hbm>>) target(%dma_start3A_40 : memref<128x128xf32, #tpu.memory_space<vmem>>) offsets(%dma_start3A_43 : memref<128xi32, #tpu.memory_space<vmem>>) semaphore(%arg12 : memref<!tpu.dma_semaphore, #tpu.memory_space<semaphore_mem>>)
        %dma_wait3A = arith.constant 0 : i32
        %dma_wait3A_47 = arith.constant 0 : i32
        %dma_wait3A_48 = arith.constant 0 : i32
        %dma_wait3A_49 = arith.constant 0 : i32
        %dma_wait3A_50 = tpu.memref_slice %arg10[%dma_wait3A_47, %dma_wait3A_48, %dma_wait3A_49] : memref<2x128x128xf32, #tpu.memory_space<vmem>> -> memref<1x128x128xf32, #tpu.memory_space<vmem>>
        %dma_wait3A_51 = tpu.memref_squeeze %dma_wait3A_50 : memref<1x128x128xf32, #tpu.memory_space<vmem>> -> memref<128x128xf32, #tpu.memory_space<vmem>>
        %dma_wait3A_52 = arith.constant 0 : i32
        %dma_wait3A_53 = tpu.memref_slice %arg8[%dma_wait3A, %dma_wait3A_52] : memref<8x128xi32, #tpu.memory_space<vmem>> -> memref<1x128xi32, #tpu.memory_space<vmem>>
        %dma_wait3A_54 = tpu.memref_squeeze %dma_wait3A_53 : memref<1x128xi32, #tpu.memory_space<vmem>> -> memref<128xi32, #tpu.memory_space<vmem>>
        %dma_wait3A_55 = arith.constant 0 : i32
        %dma_wait3A_56 = arith.constant 0 : i32
        %dma_wait3A_57 = tpu.memref_slice %arg2[%dma_wait3A_55, %dma_wait3A_56] : memref<10240x128xf32, #tpu.memory_space<hbm>> -> memref<10240x128xf32, #tpu.memory_space<hbm>>
        tpu.wait_indirect_dma semaphore(%arg11 : memref<!tpu.dma_semaphore, #tpu.memory_space<semaphore_mem>>) src(%dma_wait3A_57 : memref<10240x128xf32, #tpu.memory_space<hbm>>) dst(%dma_wait3A_51 : memref<128x128xf32, #tpu.memory_space<vmem>>)
        %run_scoped3A = arith.constant 0 : i32
        %run_scoped3A_58 = arith.constant 0 : i32
        "tpu.region"() ({
          %run_scoped3A_238 = tpu.sem_alloc : memref<!tpu.dma_semaphore, #tpu.memory_space<semaphore_mem>>
          %dma_start3A_239 = arith.constant 0 : i32
          %dma_start3A_240 = arith.constant 0 : i32
          %dma_start3A_241 = tpu.memref_slice %arg10[%run_scoped3A, %dma_start3A_239, %dma_start3A_240] : memref<2x128x128xf32, #tpu.memory_space<vmem>> -> memref<1x128x128xf32, #tpu.memory_space<vmem>>
          %dma_start3A_242 = tpu.memref_squeeze %dma_start3A_241 : memref<1x128x128xf32, #tpu.memory_space<vmem>> -> memref<128x128xf32, #tpu.memory_space<vmem>>
          %dma_start3A_243 = arith.constant 0 : i32
          %dma_start3A_244 = tpu.memref_slice %arg9[%run_scoped3A_58, %dma_start3A_243] : memref<8x128xi32, #tpu.memory_space<vmem>> -> memref<1x128xi32, #tpu.memory_space<vmem>>
          %dma_start3A_245 = tpu.memref_squeeze %dma_start3A_244 : memref<1x128xi32, #tpu.memory_space<vmem>> -> memref<128xi32, #tpu.memory_space<vmem>>
          %dma_start3A_246 = arith.constant 0 : i32
          %dma_start3A_247 = arith.constant 0 : i32
          %dma_start3A_248 = tpu.memref_slice %arg7[%dma_start3A_246, %dma_start3A_247] : memref<10240x128xf32, #tpu.memory_space<vmem_shared>> -> memref<10240x128xf32, #tpu.memory_space<vmem_shared>>
          tpu.enqueue_indirect_dma source(%dma_start3A_242 : memref<128x128xf32, #tpu.memory_space<vmem>>) target(%dma_start3A_248 : memref<10240x128xf32, #tpu.memory_space<vmem_shared>>) offsets(%dma_start3A_245 : memref<128xi32, #tpu.memory_space<vmem>>) semaphore(%run_scoped3A_238 : memref<!tpu.dma_semaphore, #tpu.memory_space<semaphore_mem>>) {add = true}
          %dma_wait3A_249 = arith.constant 0 : i32
          %dma_wait3A_250 = arith.constant 0 : i32
          %dma_wait3A_251 = tpu.memref_slice %arg10[%run_scoped3A, %dma_wait3A_249, %dma_wait3A_250] : memref<2x128x128xf32, #tpu.memory_space<vmem>> -> memref<1x128x128xf32, #tpu.memory_space<vmem>>
          %dma_wait3A_252 = tpu.memref_squeeze %dma_wait3A_251 : memref<1x128x128xf32, #tpu.memory_space<vmem>> -> memref<128x128xf32, #tpu.memory_space<vmem>>
          %dma_wait3A_253 = arith.constant 0 : i32
          %dma_wait3A_254 = tpu.memref_slice %arg9[%run_scoped3A_58, %dma_wait3A_253] : memref<8x128xi32, #tpu.memory_space<vmem>> -> memref<1x128xi32, #tpu.memory_space<vmem>>
          %dma_wait3A_255 = tpu.memref_squeeze %dma_wait3A_254 : memref<1x128xi32, #tpu.memory_space<vmem>> -> memref<128xi32, #tpu.memory_space<vmem>>
          %dma_wait3A_256 = arith.constant 0 : i32
          %dma_wait3A_257 = arith.constant 0 : i32
          %dma_wait3A_258 = tpu.memref_slice %arg7[%dma_wait3A_256, %dma_wait3A_257] : memref<10240x128xf32, #tpu.memory_space<vmem_shared>> -> memref<10240x128xf32, #tpu.memory_space<vmem_shared>>
          tpu.wait_indirect_dma semaphore(%run_scoped3A_238 : memref<!tpu.dma_semaphore, #tpu.memory_space<semaphore_mem>>) src(%dma_wait3A_252 : memref<128x128xf32, #tpu.memory_space<vmem>>) dst(%dma_wait3A_258 : memref<10240x128xf32, #tpu.memory_space<vmem_shared>>)
          tpu.yield
        }) : () -> ()
        %run_scoped3A_59 = arith.constant 0 : i32
        "tpu.region"() ({
          %run_scoped3A_238 = tpu.sem_alloc : memref<!tpu.dma_semaphore, #tpu.memory_space<semaphore_mem>>
          %dma_start3A_239 = arith.constant 0 : i32
          %dma_start3A_240 = tpu.memref_slice %arg9[%run_scoped3A_59, %dma_start3A_239] : memref<8x128xi32, #tpu.memory_space<vmem>> -> memref<1x128xi32, #tpu.memory_space<vmem>>
          %dma_start3A_241 = tpu.memref_squeeze %dma_start3A_240 : memref<1x128xi32, #tpu.memory_space<vmem>> -> memref<128xi32, #tpu.memory_space<vmem>>
          %dma_start3A_242 = arith.constant 0 : i32
          %dma_start3A_243 = tpu.memref_slice %arg13[%dma_start3A_242] : memref<10240xf32, #tpu.memory_space<vmem_shared>> -> memref<10240xf32, #tpu.memory_space<vmem_shared>>
          tpu.enqueue_indirect_dma source(%arg14 : memref<128xf32, #tpu.memory_space<vmem>>) target(%dma_start3A_243 : memref<10240xf32, #tpu.memory_space<vmem_shared>>) offsets(%dma_start3A_241 : memref<128xi32, #tpu.memory_space<vmem>>) semaphore(%run_scoped3A_238 : memref<!tpu.dma_semaphore, #tpu.memory_space<semaphore_mem>>) {add = true}
          %dma_wait3A_244 = arith.constant 0 : i32
          %dma_wait3A_245 = tpu.memref_slice %arg9[%run_scoped3A_59, %dma_wait3A_244] : memref<8x128xi32, #tpu.memory_space<vmem>> -> memref<1x128xi32, #tpu.memory_space<vmem>>
          %dma_wait3A_246 = tpu.memref_squeeze %dma_wait3A_245 : memref<1x128xi32, #tpu.memory_space<vmem>> -> memref<128xi32, #tpu.memory_space<vmem>>
          %dma_wait3A_247 = arith.constant 0 : i32
          %dma_wait3A_248 = tpu.memref_slice %arg13[%dma_wait3A_247] : memref<10240xf32, #tpu.memory_space<vmem_shared>> -> memref<10240xf32, #tpu.memory_space<vmem_shared>>
          tpu.wait_indirect_dma semaphore(%run_scoped3A_238 : memref<!tpu.dma_semaphore, #tpu.memory_space<semaphore_mem>>) src(%arg14 : memref<128xf32, #tpu.memory_space<vmem>>) dst(%dma_wait3A_248 : memref<10240xf32, #tpu.memory_space<vmem_shared>>)
          tpu.yield
        }) : () -> ()
        %dma_start3A_60 = arith.constant 2 : i32
        %dma_start3A_61 = arith.constant 0 : i32
        %dma_start3A_62 = arith.constant 0 : i32
        %dma_start3A_63 = arith.constant 0 : i32
        %dma_start3A_64 = tpu.memref_slice %arg10[%dma_start3A_61, %dma_start3A_62, %dma_start3A_63] : memref<2x128x128xf32, #tpu.memory_space<vmem>> -> memref<1x128x128xf32, #tpu.memory_space<vmem>>
        %dma_start3A_65 = tpu.memref_squeeze %dma_start3A_64 : memref<1x128x128xf32, #tpu.memory_space<vmem>> -> memref<128x128xf32, #tpu.memory_space<vmem>>
        %dma_start3A_66 = arith.constant 0 : i32
        %dma_start3A_67 = tpu.memref_slice %arg8[%dma_start3A_60, %dma_start3A_66] : memref<8x128xi32, #tpu.memory_space<vmem>> -> memref<1x128xi32, #tpu.memory_space<vmem>>
        %dma_start3A_68 = tpu.memref_squeeze %dma_start3A_67 : memref<1x128xi32, #tpu.memory_space<vmem>> -> memref<128xi32, #tpu.memory_space<vmem>>
        %dma_start3A_69 = arith.constant 0 : i32
        %dma_start3A_70 = arith.constant 0 : i32
        %dma_start3A_71 = tpu.memref_slice %arg2[%dma_start3A_69, %dma_start3A_70] : memref<10240x128xf32, #tpu.memory_space<hbm>> -> memref<10240x128xf32, #tpu.memory_space<hbm>>
        tpu.enqueue_indirect_dma source(%dma_start3A_71 : memref<10240x128xf32, #tpu.memory_space<hbm>>) target(%dma_start3A_65 : memref<128x128xf32, #tpu.memory_space<vmem>>) offsets(%dma_start3A_68 : memref<128xi32, #tpu.memory_space<vmem>>) semaphore(%arg11 : memref<!tpu.dma_semaphore, #tpu.memory_space<semaphore_mem>>)
        %dma_wait3A_72 = arith.constant 1 : i32
        %dma_wait3A_73 = arith.constant 1 : i32
        %dma_wait3A_74 = arith.constant 0 : i32
        %dma_wait3A_75 = arith.constant 0 : i32
        %dma_wait3A_76 = tpu.memref_slice %arg10[%dma_wait3A_73, %dma_wait3A_74, %dma_wait3A_75] : memref<2x128x128xf32, #tpu.memory_space<vmem>> -> memref<1x128x128xf32, #tpu.memory_space<vmem>>
        %dma_wait3A_77 = tpu.memref_squeeze %dma_wait3A_76 : memref<1x128x128xf32, #tpu.memory_space<vmem>> -> memref<128x128xf32, #tpu.memory_space<vmem>>
        %dma_wait3A_78 = arith.constant 0 : i32
        %dma_wait3A_79 = tpu.memref_slice %arg8[%dma_wait3A_72, %dma_wait3A_78] : memref<8x128xi32, #tpu.memory_space<vmem>> -> memref<1x128xi32, #tpu.memory_space<vmem>>
        %dma_wait3A_80 = tpu.memref_squeeze %dma_wait3A_79 : memref<1x128xi32, #tpu.memory_space<vmem>> -> memref<128xi32, #tpu.memory_space<vmem>>
        %dma_wait3A_81 = arith.constant 0 : i32
        %dma_wait3A_82 = arith.constant 0 : i32
        %dma_wait3A_83 = tpu.memref_slice %arg2[%dma_wait3A_81, %dma_wait3A_82] : memref<10240x128xf32, #tpu.memory_space<hbm>> -> memref<10240x128xf32, #tpu.memory_space<hbm>>
        tpu.wait_indirect_dma semaphore(%arg12 : memref<!tpu.dma_semaphore, #tpu.memory_space<semaphore_mem>>) src(%dma_wait3A_83 : memref<10240x128xf32, #tpu.memory_space<hbm>>) dst(%dma_wait3A_77 : memref<128x128xf32, #tpu.memory_space<vmem>>)
        %run_scoped3A_84 = arith.constant 1 : i32
        %run_scoped3A_85 = arith.constant 1 : i32
        "tpu.region"() ({
          %run_scoped3A_238 = tpu.sem_alloc : memref<!tpu.dma_semaphore, #tpu.memory_space<semaphore_mem>>
          %dma_start3A_239 = arith.constant 0 : i32
          %dma_start3A_240 = arith.constant 0 : i32
          %dma_start3A_241 = tpu.memref_slice %arg10[%run_scoped3A_84, %dma_start3A_239, %dma_start3A_240] : memref<2x128x128xf32, #tpu.memory_space<vmem>> -> memref<1x128x128xf32, #tpu.memory_space<vmem>>
          %dma_start3A_242 = tpu.memref_squeeze %dma_start3A_241 : memref<1x128x128xf32, #tpu.memory_space<vmem>> -> memref<128x128xf32, #tpu.memory_space<vmem>>
          %dma_start3A_243 = arith.constant 0 : i32
          %dma_start3A_244 = tpu.memref_slice %arg9[%run_scoped3A_85, %dma_start3A_243] : memref<8x128xi32, #tpu.memory_space<vmem>> -> memref<1x128xi32, #tpu.memory_space<vmem>>
          %dma_start3A_245 = tpu.memref_squeeze %dma_start3A_244 : memref<1x128xi32, #tpu.memory_space<vmem>> -> memref<128xi32, #tpu.memory_space<vmem>>
          %dma_start3A_246 = arith.constant 0 : i32
          %dma_start3A_247 = arith.constant 0 : i32
          %dma_start3A_248 = tpu.memref_slice %arg7[%dma_start3A_246, %dma_start3A_247] : memref<10240x128xf32, #tpu.memory_space<vmem_shared>> -> memref<10240x128xf32, #tpu.memory_space<vmem_shared>>
          tpu.enqueue_indirect_dma source(%dma_start3A_242 : memref<128x128xf32, #tpu.memory_space<vmem>>) target(%dma_start3A_248 : memref<10240x128xf32, #tpu.memory_space<vmem_shared>>) offsets(%dma_start3A_245 : memref<128xi32, #tpu.memory_space<vmem>>) semaphore(%run_scoped3A_238 : memref<!tpu.dma_semaphore, #tpu.memory_space<semaphore_mem>>) {add = true}
          %dma_wait3A_249 = arith.constant 0 : i32
          %dma_wait3A_250 = arith.constant 0 : i32
          %dma_wait3A_251 = tpu.memref_slice %arg10[%run_scoped3A_84, %dma_wait3A_249, %dma_wait3A_250] : memref<2x128x128xf32, #tpu.memory_space<vmem>> -> memref<1x128x128xf32, #tpu.memory_space<vmem>>
          %dma_wait3A_252 = tpu.memref_squeeze %dma_wait3A_251 : memref<1x128x128xf32, #tpu.memory_space<vmem>> -> memref<128x128xf32, #tpu.memory_space<vmem>>
          %dma_wait3A_253 = arith.constant 0 : i32
          %dma_wait3A_254 = tpu.memref_slice %arg9[%run_scoped3A_85, %dma_wait3A_253] : memref<8x128xi32, #tpu.memory_space<vmem>> -> memref<1x128xi32, #tpu.memory_space<vmem>>
          %dma_wait3A_255 = tpu.memref_squeeze %dma_wait3A_254 : memref<1x128xi32, #tpu.memory_space<vmem>> -> memref<128xi32, #tpu.memory_space<vmem>>
          %dma_wait3A_256 = arith.constant 0 : i32
          %dma_wait3A_257 = arith.constant 0 : i32
          %dma_wait3A_258 = tpu.memref_slice %arg7[%dma_wait3A_256, %dma_wait3A_257] : memref<10240x128xf32, #tpu.memory_space<vmem_shared>> -> memref<10240x128xf32, #tpu.memory_space<vmem_shared>>
          tpu.wait_indirect_dma semaphore(%run_scoped3A_238 : memref<!tpu.dma_semaphore, #tpu.memory_space<semaphore_mem>>) src(%dma_wait3A_252 : memref<128x128xf32, #tpu.memory_space<vmem>>) dst(%dma_wait3A_258 : memref<10240x128xf32, #tpu.memory_space<vmem_shared>>)
          tpu.yield
        }) : () -> ()
        %run_scoped3A_86 = arith.constant 1 : i32
        "tpu.region"() ({
          %run_scoped3A_238 = tpu.sem_alloc : memref<!tpu.dma_semaphore, #tpu.memory_space<semaphore_mem>>
          %dma_start3A_239 = arith.constant 0 : i32
          %dma_start3A_240 = tpu.memref_slice %arg9[%run_scoped3A_86, %dma_start3A_239] : memref<8x128xi32, #tpu.memory_space<vmem>> -> memref<1x128xi32, #tpu.memory_space<vmem>>
          %dma_start3A_241 = tpu.memref_squeeze %dma_start3A_240 : memref<1x128xi32, #tpu.memory_space<vmem>> -> memref<128xi32, #tpu.memory_space<vmem>>
          %dma_start3A_242 = arith.constant 0 : i32
          %dma_start3A_243 = tpu.memref_slice %arg13[%dma_start3A_242] : memref<10240xf32, #tpu.memory_space<vmem_shared>> -> memref<10240xf32, #tpu.memory_space<vmem_shared>>
          tpu.enqueue_indirect_dma source(%arg14 : memref<128xf32, #tpu.memory_space<vmem>>) target(%dma_start3A_243 : memref<10240xf32, #tpu.memory_space<vmem_shared>>) offsets(%dma_start3A_241 : memref<128xi32, #tpu.memory_space<vmem>>) semaphore(%run_scoped3A_238 : memref<!tpu.dma_semaphore, #tpu.memory_space<semaphore_mem>>) {add = true}
          %dma_wait3A_244 = arith.constant 0 : i32
          %dma_wait3A_245 = tpu.memref_slice %arg9[%run_scoped3A_86, %dma_wait3A_244] : memref<8x128xi32, #tpu.memory_space<vmem>> -> memref<1x128xi32, #tpu.memory_space<vmem>>
          %dma_wait3A_246 = tpu.memref_squeeze %dma_wait3A_245 : memref<1x128xi32, #tpu.memory_space<vmem>> -> memref<128xi32, #tpu.memory_space<vmem>>
          %dma_wait3A_247 = arith.constant 0 : i32
          %dma_wait3A_248 = tpu.memref_slice %arg13[%dma_wait3A_247] : memref<10240xf32, #tpu.memory_space<vmem_shared>> -> memref<10240xf32, #tpu.memory_space<vmem_shared>>
          tpu.wait_indirect_dma semaphore(%run_scoped3A_238 : memref<!tpu.dma_semaphore, #tpu.memory_space<semaphore_mem>>) src(%arg14 : memref<128xf32, #tpu.memory_space<vmem>>) dst(%dma_wait3A_248 : memref<10240xf32, #tpu.memory_space<vmem_shared>>)
          tpu.yield
        }) : () -> ()
        %dma_start3A_87 = arith.constant 3 : i32
        %dma_start3A_88 = arith.constant 1 : i32
        %dma_start3A_89 = arith.constant 0 : i32
        %dma_start3A_90 = arith.constant 0 : i32
        %dma_start3A_91 = tpu.memref_slice %arg10[%dma_start3A_88, %dma_start3A_89, %dma_start3A_90] : memref<2x128x128xf32, #tpu.memory_space<vmem>> -> memref<1x128x128xf32, #tpu.memory_space<vmem>>
        %dma_start3A_92 = tpu.memref_squeeze %dma_start3A_91 : memref<1x128x128xf32, #tpu.memory_space<vmem>> -> memref<128x128xf32, #tpu.memory_space<vmem>>
        %dma_start3A_93 = arith.constant 0 : i32
        %dma_start3A_94 = tpu.memref_slice %arg8[%dma_start3A_87, %dma_start3A_93] : memref<8x128xi32, #tpu.memory_space<vmem>> -> memref<1x128xi32, #tpu.memory_space<vmem>>
        %dma_start3A_95 = tpu.memref_squeeze %dma_start3A_94 : memref<1x128xi32, #tpu.memory_space<vmem>> -> memref<128xi32, #tpu.memory_space<vmem>>
        %dma_start3A_96 = arith.constant 0 : i32
        %dma_start3A_97 = arith.constant 0 : i32
        %dma_start3A_98 = tpu.memref_slice %arg2[%dma_start3A_96, %dma_start3A_97] : memref<10240x128xf32, #tpu.memory_space<hbm>> -> memref<10240x128xf32, #tpu.memory_space<hbm>>
        tpu.enqueue_indirect_dma source(%dma_start3A_98 : memref<10240x128xf32, #tpu.memory_space<hbm>>) target(%dma_start3A_92 : memref<128x128xf32, #tpu.memory_space<vmem>>) offsets(%dma_start3A_95 : memref<128xi32, #tpu.memory_space<vmem>>) semaphore(%arg12 : memref<!tpu.dma_semaphore, #tpu.memory_space<semaphore_mem>>)
        %dma_wait3A_99 = arith.constant 2 : i32
        %dma_wait3A_100 = arith.constant 0 : i32
        %dma_wait3A_101 = arith.constant 0 : i32
        %dma_wait3A_102 = arith.constant 0 : i32
        %dma_wait3A_103 = tpu.memref_slice %arg10[%dma_wait3A_100, %dma_wait3A_101, %dma_wait3A_102] : memref<2x128x128xf32, #tpu.memory_space<vmem>> -> memref<1x128x128xf32, #tpu.memory_space<vmem>>
        %dma_wait3A_104 = tpu.memref_squeeze %dma_wait3A_103 : memref<1x128x128xf32, #tpu.memory_space<vmem>> -> memref<128x128xf32, #tpu.memory_space<vmem>>
        %dma_wait3A_105 = arith.constant 0 : i32
        %dma_wait3A_106 = tpu.memref_slice %arg8[%dma_wait3A_99, %dma_wait3A_105] : memref<8x128xi32, #tpu.memory_space<vmem>> -> memref<1x128xi32, #tpu.memory_space<vmem>>
        %dma_wait3A_107 = tpu.memref_squeeze %dma_wait3A_106 : memref<1x128xi32, #tpu.memory_space<vmem>> -> memref<128xi32, #tpu.memory_space<vmem>>
        %dma_wait3A_108 = arith.constant 0 : i32
        %dma_wait3A_109 = arith.constant 0 : i32
        %dma_wait3A_110 = tpu.memref_slice %arg2[%dma_wait3A_108, %dma_wait3A_109] : memref<10240x128xf32, #tpu.memory_space<hbm>> -> memref<10240x128xf32, #tpu.memory_space<hbm>>
        tpu.wait_indirect_dma semaphore(%arg11 : memref<!tpu.dma_semaphore, #tpu.memory_space<semaphore_mem>>) src(%dma_wait3A_110 : memref<10240x128xf32, #tpu.memory_space<hbm>>) dst(%dma_wait3A_104 : memref<128x128xf32, #tpu.memory_space<vmem>>)
        %run_scoped3A_111 = arith.constant 0 : i32
        %run_scoped3A_112 = arith.constant 2 : i32
        "tpu.region"() ({
          %run_scoped3A_238 = tpu.sem_alloc : memref<!tpu.dma_semaphore, #tpu.memory_space<semaphore_mem>>
          %dma_start3A_239 = arith.constant 0 : i32
          %dma_start3A_240 = arith.constant 0 : i32
          %dma_start3A_241 = tpu.memref_slice %arg10[%run_scoped3A_111, %dma_start3A_239, %dma_start3A_240] : memref<2x128x128xf32, #tpu.memory_space<vmem>> -> memref<1x128x128xf32, #tpu.memory_space<vmem>>
          %dma_start3A_242 = tpu.memref_squeeze %dma_start3A_241 : memref<1x128x128xf32, #tpu.memory_space<vmem>> -> memref<128x128xf32, #tpu.memory_space<vmem>>
          %dma_start3A_243 = arith.constant 0 : i32
          %dma_start3A_244 = tpu.memref_slice %arg9[%run_scoped3A_112, %dma_start3A_243] : memref<8x128xi32, #tpu.memory_space<vmem>> -> memref<1x128xi32, #tpu.memory_space<vmem>>
          %dma_start3A_245 = tpu.memref_squeeze %dma_start3A_244 : memref<1x128xi32, #tpu.memory_space<vmem>> -> memref<128xi32, #tpu.memory_space<vmem>>
          %dma_start3A_246 = arith.constant 0 : i32
          %dma_start3A_247 = arith.constant 0 : i32
          %dma_start3A_248 = tpu.memref_slice %arg7[%dma_start3A_246, %dma_start3A_247] : memref<10240x128xf32, #tpu.memory_space<vmem_shared>> -> memref<10240x128xf32, #tpu.memory_space<vmem_shared>>
          tpu.enqueue_indirect_dma source(%dma_start3A_242 : memref<128x128xf32, #tpu.memory_space<vmem>>) target(%dma_start3A_248 : memref<10240x128xf32, #tpu.memory_space<vmem_shared>>) offsets(%dma_start3A_245 : memref<128xi32, #tpu.memory_space<vmem>>) semaphore(%run_scoped3A_238 : memref<!tpu.dma_semaphore, #tpu.memory_space<semaphore_mem>>) {add = true}
          %dma_wait3A_249 = arith.constant 0 : i32
          %dma_wait3A_250 = arith.constant 0 : i32
          %dma_wait3A_251 = tpu.memref_slice %arg10[%run_scoped3A_111, %dma_wait3A_249, %dma_wait3A_250] : memref<2x128x128xf32, #tpu.memory_space<vmem>> -> memref<1x128x128xf32, #tpu.memory_space<vmem>>
          %dma_wait3A_252 = tpu.memref_squeeze %dma_wait3A_251 : memref<1x128x128xf32, #tpu.memory_space<vmem>> -> memref<128x128xf32, #tpu.memory_space<vmem>>
          %dma_wait3A_253 = arith.constant 0 : i32
          %dma_wait3A_254 = tpu.memref_slice %arg9[%run_scoped3A_112, %dma_wait3A_253] : memref<8x128xi32, #tpu.memory_space<vmem>> -> memref<1x128xi32, #tpu.memory_space<vmem>>
          %dma_wait3A_255 = tpu.memref_squeeze %dma_wait3A_254 : memref<1x128xi32, #tpu.memory_space<vmem>> -> memref<128xi32, #tpu.memory_space<vmem>>
          %dma_wait3A_256 = arith.constant 0 : i32
          %dma_wait3A_257 = arith.constant 0 : i32
          %dma_wait3A_258 = tpu.memref_slice %arg7[%dma_wait3A_256, %dma_wait3A_257] : memref<10240x128xf32, #tpu.memory_space<vmem_shared>> -> memref<10240x128xf32, #tpu.memory_space<vmem_shared>>
          tpu.wait_indirect_dma semaphore(%run_scoped3A_238 : memref<!tpu.dma_semaphore, #tpu.memory_space<semaphore_mem>>) src(%dma_wait3A_252 : memref<128x128xf32, #tpu.memory_space<vmem>>) dst(%dma_wait3A_258 : memref<10240x128xf32, #tpu.memory_space<vmem_shared>>)
          tpu.yield
        }) : () -> ()
        %run_scoped3A_113 = arith.constant 2 : i32
        "tpu.region"() ({
          %run_scoped3A_238 = tpu.sem_alloc : memref<!tpu.dma_semaphore, #tpu.memory_space<semaphore_mem>>
          %dma_start3A_239 = arith.constant 0 : i32
          %dma_start3A_240 = tpu.memref_slice %arg9[%run_scoped3A_113, %dma_start3A_239] : memref<8x128xi32, #tpu.memory_space<vmem>> -> memref<1x128xi32, #tpu.memory_space<vmem>>
          %dma_start3A_241 = tpu.memref_squeeze %dma_start3A_240 : memref<1x128xi32, #tpu.memory_space<vmem>> -> memref<128xi32, #tpu.memory_space<vmem>>
          %dma_start3A_242 = arith.constant 0 : i32
          %dma_start3A_243 = tpu.memref_slice %arg13[%dma_start3A_242] : memref<10240xf32, #tpu.memory_space<vmem_shared>> -> memref<10240xf32, #tpu.memory_space<vmem_shared>>
          tpu.enqueue_indirect_dma source(%arg14 : memref<128xf32, #tpu.memory_space<vmem>>) target(%dma_start3A_243 : memref<10240xf32, #tpu.memory_space<vmem_shared>>) offsets(%dma_start3A_241 : memref<128xi32, #tpu.memory_space<vmem>>) semaphore(%run_scoped3A_238 : memref<!tpu.dma_semaphore, #tpu.memory_space<semaphore_mem>>) {add = true}
          %dma_wait3A_244 = arith.constant 0 : i32
          %dma_wait3A_245 = tpu.memref_slice %arg9[%run_scoped3A_113, %dma_wait3A_244] : memref<8x128xi32, #tpu.memory_space<vmem>> -> memref<1x128xi32, #tpu.memory_space<vmem>>
          %dma_wait3A_246 = tpu.memref_squeeze %dma_wait3A_245 : memref<1x128xi32, #tpu.memory_space<vmem>> -> memref<128xi32, #tpu.memory_space<vmem>>
          %dma_wait3A_247 = arith.constant 0 : i32
          %dma_wait3A_248 = tpu.memref_slice %arg13[%dma_wait3A_247] : memref<10240xf32, #tpu.memory_space<vmem_shared>> -> memref<10240xf32, #tpu.memory_space<vmem_shared>>
          tpu.wait_indirect_dma semaphore(%run_scoped3A_238 : memref<!tpu.dma_semaphore, #tpu.memory_space<semaphore_mem>>) src(%arg14 : memref<128xf32, #tpu.memory_space<vmem>>) dst(%dma_wait3A_248 : memref<10240xf32, #tpu.memory_space<vmem_shared>>)
          tpu.yield
        }) : () -> ()
        %dma_start3A_114 = arith.constant 4 : i32
        %dma_start3A_115 = arith.constant 0 : i32
        %dma_start3A_116 = arith.constant 0 : i32
        %dma_start3A_117 = arith.constant 0 : i32
        %dma_start3A_118 = tpu.memref_slice %arg10[%dma_start3A_115, %dma_start3A_116, %dma_start3A_117] : memref<2x128x128xf32, #tpu.memory_space<vmem>> -> memref<1x128x128xf32, #tpu.memory_space<vmem>>
        %dma_start3A_119 = tpu.memref_squeeze %dma_start3A_118 : memref<1x128x128xf32, #tpu.memory_space<vmem>> -> memref<128x128xf32, #tpu.memory_space<vmem>>
        %dma_start3A_120 = arith.constant 0 : i32
        %dma_start3A_121 = tpu.memref_slice %arg8[%dma_start3A_114, %dma_start3A_120] : memref<8x128xi32, #tpu.memory_space<vmem>> -> memref<1x128xi32, #tpu.memory_space<vmem>>
        %dma_start3A_122 = tpu.memref_squeeze %dma_start3A_121 : memref<1x128xi32, #tpu.memory_space<vmem>> -> memref<128xi32, #tpu.memory_space<vmem>>
        %dma_start3A_123 = arith.constant 0 : i32
        %dma_start3A_124 = arith.constant 0 : i32
        %dma_start3A_125 = tpu.memref_slice %arg2[%dma_start3A_123, %dma_start3A_124] : memref<10240x128xf32, #tpu.memory_space<hbm>> -> memref<10240x128xf32, #tpu.memory_space<hbm>>
        tpu.enqueue_indirect_dma source(%dma_start3A_125 : memref<10240x128xf32, #tpu.memory_space<hbm>>) target(%dma_start3A_119 : memref<128x128xf32, #tpu.memory_space<vmem>>) offsets(%dma_start3A_122 : memref<128xi32, #tpu.memory_space<vmem>>) semaphore(%arg11 : memref<!tpu.dma_semaphore, #tpu.memory_space<semaphore_mem>>)
        %dma_wait3A_126 = arith.constant 3 : i32
        %dma_wait3A_127 = arith.constant 1 : i32
        %dma_wait3A_128 = arith.constant 0 : i32
        %dma_wait3A_129 = arith.constant 0 : i32
        %dma_wait3A_130 = tpu.memref_slice %arg10[%dma_wait3A_127, %dma_wait3A_128, %dma_wait3A_129] : memref<2x128x128xf32, #tpu.memory_space<vmem>> -> memref<1x128x128xf32, #tpu.memory_space<vmem>>
        %dma_wait3A_131 = tpu.memref_squeeze %dma_wait3A_130 : memref<1x128x128xf32, #tpu.memory_space<vmem>> -> memref<128x128xf32, #tpu.memory_space<vmem>>
        %dma_wait3A_132 = arith.constant 0 : i32
        %dma_wait3A_133 = tpu.memref_slice %arg8[%dma_wait3A_126, %dma_wait3A_132] : memref<8x128xi32, #tpu.memory_space<vmem>> -> memref<1x128xi32, #tpu.memory_space<vmem>>
        %dma_wait3A_134 = tpu.memref_squeeze %dma_wait3A_133 : memref<1x128xi32, #tpu.memory_space<vmem>> -> memref<128xi32, #tpu.memory_space<vmem>>
        %dma_wait3A_135 = arith.constant 0 : i32
        %dma_wait3A_136 = arith.constant 0 : i32
        %dma_wait3A_137 = tpu.memref_slice %arg2[%dma_wait3A_135, %dma_wait3A_136] : memref<10240x128xf32, #tpu.memory_space<hbm>> -> memref<10240x128xf32, #tpu.memory_space<hbm>>
        tpu.wait_indirect_dma semaphore(%arg12 : memref<!tpu.dma_semaphore, #tpu.memory_space<semaphore_mem>>) src(%dma_wait3A_137 : memref<10240x128xf32, #tpu.memory_space<hbm>>) dst(%dma_wait3A_131 : memref<128x128xf32, #tpu.memory_space<vmem>>)
        %run_scoped3A_138 = arith.constant 1 : i32
        %run_scoped3A_139 = arith.constant 3 : i32
        "tpu.region"() ({
          %run_scoped3A_238 = tpu.sem_alloc : memref<!tpu.dma_semaphore, #tpu.memory_space<semaphore_mem>>
          %dma_start3A_239 = arith.constant 0 : i32
          %dma_start3A_240 = arith.constant 0 : i32
          %dma_start3A_241 = tpu.memref_slice %arg10[%run_scoped3A_138, %dma_start3A_239, %dma_start3A_240] : memref<2x128x128xf32, #tpu.memory_space<vmem>> -> memref<1x128x128xf32, #tpu.memory_space<vmem>>
          %dma_start3A_242 = tpu.memref_squeeze %dma_start3A_241 : memref<1x128x128xf32, #tpu.memory_space<vmem>> -> memref<128x128xf32, #tpu.memory_space<vmem>>
          %dma_start3A_243 = arith.constant 0 : i32
          %dma_start3A_244 = tpu.memref_slice %arg9[%run_scoped3A_139, %dma_start3A_243] : memref<8x128xi32, #tpu.memory_space<vmem>> -> memref<1x128xi32, #tpu.memory_space<vmem>>
          %dma_start3A_245 = tpu.memref_squeeze %dma_start3A_244 : memref<1x128xi32, #tpu.memory_space<vmem>> -> memref<128xi32, #tpu.memory_space<vmem>>
          %dma_start3A_246 = arith.constant 0 : i32
          %dma_start3A_247 = arith.constant 0 : i32
          %dma_start3A_248 = tpu.memref_slice %arg7[%dma_start3A_246, %dma_start3A_247] : memref<10240x128xf32, #tpu.memory_space<vmem_shared>> -> memref<10240x128xf32, #tpu.memory_space<vmem_shared>>
          tpu.enqueue_indirect_dma source(%dma_start3A_242 : memref<128x128xf32, #tpu.memory_space<vmem>>) target(%dma_start3A_248 : memref<10240x128xf32, #tpu.memory_space<vmem_shared>>) offsets(%dma_start3A_245 : memref<128xi32, #tpu.memory_space<vmem>>) semaphore(%run_scoped3A_238 : memref<!tpu.dma_semaphore, #tpu.memory_space<semaphore_mem>>) {add = true}
          %dma_wait3A_249 = arith.constant 0 : i32
          %dma_wait3A_250 = arith.constant 0 : i32
          %dma_wait3A_251 = tpu.memref_slice %arg10[%run_scoped3A_138, %dma_wait3A_249, %dma_wait3A_250] : memref<2x128x128xf32, #tpu.memory_space<vmem>> -> memref<1x128x128xf32, #tpu.memory_space<vmem>>
          %dma_wait3A_252 = tpu.memref_squeeze %dma_wait3A_251 : memref<1x128x128xf32, #tpu.memory_space<vmem>> -> memref<128x128xf32, #tpu.memory_space<vmem>>
          %dma_wait3A_253 = arith.constant 0 : i32
          %dma_wait3A_254 = tpu.memref_slice %arg9[%run_scoped3A_139, %dma_wait3A_253] : memref<8x128xi32, #tpu.memory_space<vmem>> -> memref<1x128xi32, #tpu.memory_space<vmem>>
          %dma_wait3A_255 = tpu.memref_squeeze %dma_wait3A_254 : memref<1x128xi32, #tpu.memory_space<vmem>> -> memref<128xi32, #tpu.memory_space<vmem>>
          %dma_wait3A_256 = arith.constant 0 : i32
          %dma_wait3A_257 = arith.constant 0 : i32
          %dma_wait3A_258 = tpu.memref_slice %arg7[%dma_wait3A_256, %dma_wait3A_257] : memref<10240x128xf32, #tpu.memory_space<vmem_shared>> -> memref<10240x128xf32, #tpu.memory_space<vmem_shared>>
          tpu.wait_indirect_dma semaphore(%run_scoped3A_238 : memref<!tpu.dma_semaphore, #tpu.memory_space<semaphore_mem>>) src(%dma_wait3A_252 : memref<128x128xf32, #tpu.memory_space<vmem>>) dst(%dma_wait3A_258 : memref<10240x128xf32, #tpu.memory_space<vmem_shared>>)
          tpu.yield
        }) : () -> ()
        %run_scoped3A_140 = arith.constant 3 : i32
        "tpu.region"() ({
          %run_scoped3A_238 = tpu.sem_alloc : memref<!tpu.dma_semaphore, #tpu.memory_space<semaphore_mem>>
          %dma_start3A_239 = arith.constant 0 : i32
          %dma_start3A_240 = tpu.memref_slice %arg9[%run_scoped3A_140, %dma_start3A_239] : memref<8x128xi32, #tpu.memory_space<vmem>> -> memref<1x128xi32, #tpu.memory_space<vmem>>
          %dma_start3A_241 = tpu.memref_squeeze %dma_start3A_240 : memref<1x128xi32, #tpu.memory_space<vmem>> -> memref<128xi32, #tpu.memory_space<vmem>>
          %dma_start3A_242 = arith.constant 0 : i32
          %dma_start3A_243 = tpu.memref_slice %arg13[%dma_start3A_242] : memref<10240xf32, #tpu.memory_space<vmem_shared>> -> memref<10240xf32, #tpu.memory_space<vmem_shared>>
          tpu.enqueue_indirect_dma source(%arg14 : memref<128xf32, #tpu.memory_space<vmem>>) target(%dma_start3A_243 : memref<10240xf32, #tpu.memory_space<vmem_shared>>) offsets(%dma_start3A_241 : memref<128xi32, #tpu.memory_space<vmem>>) semaphore(%run_scoped3A_238 : memref<!tpu.dma_semaphore, #tpu.memory_space<semaphore_mem>>) {add = true}
          %dma_wait3A_244 = arith.constant 0 : i32
          %dma_wait3A_245 = tpu.memref_slice %arg9[%run_scoped3A_140, %dma_wait3A_244] : memref<8x128xi32, #tpu.memory_space<vmem>> -> memref<1x128xi32, #tpu.memory_space<vmem>>
          %dma_wait3A_246 = tpu.memref_squeeze %dma_wait3A_245 : memref<1x128xi32, #tpu.memory_space<vmem>> -> memref<128xi32, #tpu.memory_space<vmem>>
          %dma_wait3A_247 = arith.constant 0 : i32
          %dma_wait3A_248 = tpu.memref_slice %arg13[%dma_wait3A_247] : memref<10240xf32, #tpu.memory_space<vmem_shared>> -> memref<10240xf32, #tpu.memory_space<vmem_shared>>
          tpu.wait_indirect_dma semaphore(%run_scoped3A_238 : memref<!tpu.dma_semaphore, #tpu.memory_space<semaphore_mem>>) src(%arg14 : memref<128xf32, #tpu.memory_space<vmem>>) dst(%dma_wait3A_248 : memref<10240xf32, #tpu.memory_space<vmem_shared>>)
          tpu.yield
        }) : () -> ()
        %dma_start3A_141 = arith.constant 5 : i32
        %dma_start3A_142 = arith.constant 1 : i32
        %dma_start3A_143 = arith.constant 0 : i32
        %dma_start3A_144 = arith.constant 0 : i32
        %dma_start3A_145 = tpu.memref_slice %arg10[%dma_start3A_142, %dma_start3A_143, %dma_start3A_144] : memref<2x128x128xf32, #tpu.memory_space<vmem>> -> memref<1x128x128xf32, #tpu.memory_space<vmem>>
        %dma_start3A_146 = tpu.memref_squeeze %dma_start3A_145 : memref<1x128x128xf32, #tpu.memory_space<vmem>> -> memref<128x128xf32, #tpu.memory_space<vmem>>
        %dma_start3A_147 = arith.constant 0 : i32
        %dma_start3A_148 = tpu.memref_slice %arg8[%dma_start3A_141, %dma_start3A_147] : memref<8x128xi32, #tpu.memory_space<vmem>> -> memref<1x128xi32, #tpu.memory_space<vmem>>
        %dma_start3A_149 = tpu.memref_squeeze %dma_start3A_148 : memref<1x128xi32, #tpu.memory_space<vmem>> -> memref<128xi32, #tpu.memory_space<vmem>>
        %dma_start3A_150 = arith.constant 0 : i32
        %dma_start3A_151 = arith.constant 0 : i32
        %dma_start3A_152 = tpu.memref_slice %arg2[%dma_start3A_150, %dma_start3A_151] : memref<10240x128xf32, #tpu.memory_space<hbm>> -> memref<10240x128xf32, #tpu.memory_space<hbm>>
        tpu.enqueue_indirect_dma source(%dma_start3A_152 : memref<10240x128xf32, #tpu.memory_space<hbm>>) target(%dma_start3A_146 : memref<128x128xf32, #tpu.memory_space<vmem>>) offsets(%dma_start3A_149 : memref<128xi32, #tpu.memory_space<vmem>>) semaphore(%arg12 : memref<!tpu.dma_semaphore, #tpu.memory_space<semaphore_mem>>)
        %dma_wait3A_153 = arith.constant 4 : i32
        %dma_wait3A_154 = arith.constant 0 : i32
        %dma_wait3A_155 = arith.constant 0 : i32
        %dma_wait3A_156 = arith.constant 0 : i32
        %dma_wait3A_157 = tpu.memref_slice %arg10[%dma_wait3A_154, %dma_wait3A_155, %dma_wait3A_156] : memref<2x128x128xf32, #tpu.memory_space<vmem>> -> memref<1x128x128xf32, #tpu.memory_space<vmem>>
        %dma_wait3A_158 = tpu.memref_squeeze %dma_wait3A_157 : memref<1x128x128xf32, #tpu.memory_space<vmem>> -> memref<128x128xf32, #tpu.memory_space<vmem>>
        %dma_wait3A_159 = arith.constant 0 : i32
        %dma_wait3A_160 = tpu.memref_slice %arg8[%dma_wait3A_153, %dma_wait3A_159] : memref<8x128xi32, #tpu.memory_space<vmem>> -> memref<1x128xi32, #tpu.memory_space<vmem>>
        %dma_wait3A_161 = tpu.memref_squeeze %dma_wait3A_160 : memref<1x128xi32, #tpu.memory_space<vmem>> -> memref<128xi32, #tpu.memory_space<vmem>>
        %dma_wait3A_162 = arith.constant 0 : i32
        %dma_wait3A_163 = arith.constant 0 : i32
        %dma_wait3A_164 = tpu.memref_slice %arg2[%dma_wait3A_162, %dma_wait3A_163] : memref<10240x128xf32, #tpu.memory_space<hbm>> -> memref<10240x128xf32, #tpu.memory_space<hbm>>
        tpu.wait_indirect_dma semaphore(%arg11 : memref<!tpu.dma_semaphore, #tpu.memory_space<semaphore_mem>>) src(%dma_wait3A_164 : memref<10240x128xf32, #tpu.memory_space<hbm>>) dst(%dma_wait3A_158 : memref<128x128xf32, #tpu.memory_space<vmem>>)
        %run_scoped3A_165 = arith.constant 0 : i32
        %run_scoped3A_166 = arith.constant 4 : i32
        "tpu.region"() ({
          %run_scoped3A_238 = tpu.sem_alloc : memref<!tpu.dma_semaphore, #tpu.memory_space<semaphore_mem>>
          %dma_start3A_239 = arith.constant 0 : i32
          %dma_start3A_240 = arith.constant 0 : i32
          %dma_start3A_241 = tpu.memref_slice %arg10[%run_scoped3A_165, %dma_start3A_239, %dma_start3A_240] : memref<2x128x128xf32, #tpu.memory_space<vmem>> -> memref<1x128x128xf32, #tpu.memory_space<vmem>>
          %dma_start3A_242 = tpu.memref_squeeze %dma_start3A_241 : memref<1x128x128xf32, #tpu.memory_space<vmem>> -> memref<128x128xf32, #tpu.memory_space<vmem>>
          %dma_start3A_243 = arith.constant 0 : i32
          %dma_start3A_244 = tpu.memref_slice %arg9[%run_scoped3A_166, %dma_start3A_243] : memref<8x128xi32, #tpu.memory_space<vmem>> -> memref<1x128xi32, #tpu.memory_space<vmem>>
          %dma_start3A_245 = tpu.memref_squeeze %dma_start3A_244 : memref<1x128xi32, #tpu.memory_space<vmem>> -> memref<128xi32, #tpu.memory_space<vmem>>
          %dma_start3A_246 = arith.constant 0 : i32
          %dma_start3A_247 = arith.constant 0 : i32
          %dma_start3A_248 = tpu.memref_slice %arg7[%dma_start3A_246, %dma_start3A_247] : memref<10240x128xf32, #tpu.memory_space<vmem_shared>> -> memref<10240x128xf32, #tpu.memory_space<vmem_shared>>
          tpu.enqueue_indirect_dma source(%dma_start3A_242 : memref<128x128xf32, #tpu.memory_space<vmem>>) target(%dma_start3A_248 : memref<10240x128xf32, #tpu.memory_space<vmem_shared>>) offsets(%dma_start3A_245 : memref<128xi32, #tpu.memory_space<vmem>>) semaphore(%run_scoped3A_238 : memref<!tpu.dma_semaphore, #tpu.memory_space<semaphore_mem>>) {add = true}
          %dma_wait3A_249 = arith.constant 0 : i32
          %dma_wait3A_250 = arith.constant 0 : i32
          %dma_wait3A_251 = tpu.memref_slice %arg10[%run_scoped3A_165, %dma_wait3A_249, %dma_wait3A_250] : memref<2x128x128xf32, #tpu.memory_space<vmem>> -> memref<1x128x128xf32, #tpu.memory_space<vmem>>
          %dma_wait3A_252 = tpu.memref_squeeze %dma_wait3A_251 : memref<1x128x128xf32, #tpu.memory_space<vmem>> -> memref<128x128xf32, #tpu.memory_space<vmem>>
          %dma_wait3A_253 = arith.constant 0 : i32
          %dma_wait3A_254 = tpu.memref_slice %arg9[%run_scoped3A_166, %dma_wait3A_253] : memref<8x128xi32, #tpu.memory_space<vmem>> -> memref<1x128xi32, #tpu.memory_space<vmem>>
          %dma_wait3A_255 = tpu.memref_squeeze %dma_wait3A_254 : memref<1x128xi32, #tpu.memory_space<vmem>> -> memref<128xi32, #tpu.memory_space<vmem>>
          %dma_wait3A_256 = arith.constant 0 : i32
          %dma_wait3A_257 = arith.constant 0 : i32
          %dma_wait3A_258 = tpu.memref_slice %arg7[%dma_wait3A_256, %dma_wait3A_257] : memref<10240x128xf32, #tpu.memory_space<vmem_shared>> -> memref<10240x128xf32, #tpu.memory_space<vmem_shared>>
          tpu.wait_indirect_dma semaphore(%run_scoped3A_238 : memref<!tpu.dma_semaphore, #tpu.memory_space<semaphore_mem>>) src(%dma_wait3A_252 : memref<128x128xf32, #tpu.memory_space<vmem>>) dst(%dma_wait3A_258 : memref<10240x128xf32, #tpu.memory_space<vmem_shared>>)
          tpu.yield
        }) : () -> ()
        %run_scoped3A_167 = arith.constant 4 : i32
        "tpu.region"() ({
          %run_scoped3A_238 = tpu.sem_alloc : memref<!tpu.dma_semaphore, #tpu.memory_space<semaphore_mem>>
          %dma_start3A_239 = arith.constant 0 : i32
          %dma_start3A_240 = tpu.memref_slice %arg9[%run_scoped3A_167, %dma_start3A_239] : memref<8x128xi32, #tpu.memory_space<vmem>> -> memref<1x128xi32, #tpu.memory_space<vmem>>
          %dma_start3A_241 = tpu.memref_squeeze %dma_start3A_240 : memref<1x128xi32, #tpu.memory_space<vmem>> -> memref<128xi32, #tpu.memory_space<vmem>>
          %dma_start3A_242 = arith.constant 0 : i32
          %dma_start3A_243 = tpu.memref_slice %arg13[%dma_start3A_242] : memref<10240xf32, #tpu.memory_space<vmem_shared>> -> memref<10240xf32, #tpu.memory_space<vmem_shared>>
          tpu.enqueue_indirect_dma source(%arg14 : memref<128xf32, #tpu.memory_space<vmem>>) target(%dma_start3A_243 : memref<10240xf32, #tpu.memory_space<vmem_shared>>) offsets(%dma_start3A_241 : memref<128xi32, #tpu.memory_space<vmem>>) semaphore(%run_scoped3A_238 : memref<!tpu.dma_semaphore, #tpu.memory_space<semaphore_mem>>) {add = true}
          %dma_wait3A_244 = arith.constant 0 : i32
          %dma_wait3A_245 = tpu.memref_slice %arg9[%run_scoped3A_167, %dma_wait3A_244] : memref<8x128xi32, #tpu.memory_space<vmem>> -> memref<1x128xi32, #tpu.memory_space<vmem>>
          %dma_wait3A_246 = tpu.memref_squeeze %dma_wait3A_245 : memref<1x128xi32, #tpu.memory_space<vmem>> -> memref<128xi32, #tpu.memory_space<vmem>>
          %dma_wait3A_247 = arith.constant 0 : i32
          %dma_wait3A_248 = tpu.memref_slice %arg13[%dma_wait3A_247] : memref<10240xf32, #tpu.memory_space<vmem_shared>> -> memref<10240xf32, #tpu.memory_space<vmem_shared>>
          tpu.wait_indirect_dma semaphore(%run_scoped3A_238 : memref<!tpu.dma_semaphore, #tpu.memory_space<semaphore_mem>>) src(%arg14 : memref<128xf32, #tpu.memory_space<vmem>>) dst(%dma_wait3A_248 : memref<10240xf32, #tpu.memory_space<vmem_shared>>)
          tpu.yield
        }) : () -> ()
        %dma_start3A_168 = arith.constant 6 : i32
        %dma_start3A_169 = arith.constant 0 : i32
        %dma_start3A_170 = arith.constant 0 : i32
        %dma_start3A_171 = arith.constant 0 : i32
        %dma_start3A_172 = tpu.memref_slice %arg10[%dma_start3A_169, %dma_start3A_170, %dma_start3A_171] : memref<2x128x128xf32, #tpu.memory_space<vmem>> -> memref<1x128x128xf32, #tpu.memory_space<vmem>>
        %dma_start3A_173 = tpu.memref_squeeze %dma_start3A_172 : memref<1x128x128xf32, #tpu.memory_space<vmem>> -> memref<128x128xf32, #tpu.memory_space<vmem>>
        %dma_start3A_174 = arith.constant 0 : i32
        %dma_start3A_175 = tpu.memref_slice %arg8[%dma_start3A_168, %dma_start3A_174] : memref<8x128xi32, #tpu.memory_space<vmem>> -> memref<1x128xi32, #tpu.memory_space<vmem>>
        %dma_start3A_176 = tpu.memref_squeeze %dma_start3A_175 : memref<1x128xi32, #tpu.memory_space<vmem>> -> memref<128xi32, #tpu.memory_space<vmem>>
        %dma_start3A_177 = arith.constant 0 : i32
        %dma_start3A_178 = arith.constant 0 : i32
        %dma_start3A_179 = tpu.memref_slice %arg2[%dma_start3A_177, %dma_start3A_178] : memref<10240x128xf32, #tpu.memory_space<hbm>> -> memref<10240x128xf32, #tpu.memory_space<hbm>>
        tpu.enqueue_indirect_dma source(%dma_start3A_179 : memref<10240x128xf32, #tpu.memory_space<hbm>>) target(%dma_start3A_173 : memref<128x128xf32, #tpu.memory_space<vmem>>) offsets(%dma_start3A_176 : memref<128xi32, #tpu.memory_space<vmem>>) semaphore(%arg11 : memref<!tpu.dma_semaphore, #tpu.memory_space<semaphore_mem>>)
        %dma_wait3A_180 = arith.constant 5 : i32
        %dma_wait3A_181 = arith.constant 1 : i32
        %dma_wait3A_182 = arith.constant 0 : i32
        %dma_wait3A_183 = arith.constant 0 : i32
        %dma_wait3A_184 = tpu.memref_slice %arg10[%dma_wait3A_181, %dma_wait3A_182, %dma_wait3A_183] : memref<2x128x128xf32, #tpu.memory_space<vmem>> -> memref<1x128x128xf32, #tpu.memory_space<vmem>>
        %dma_wait3A_185 = tpu.memref_squeeze %dma_wait3A_184 : memref<1x128x128xf32, #tpu.memory_space<vmem>> -> memref<128x128xf32, #tpu.memory_space<vmem>>
        %dma_wait3A_186 = arith.constant 0 : i32
        %dma_wait3A_187 = tpu.memref_slice %arg8[%dma_wait3A_180, %dma_wait3A_186] : memref<8x128xi32, #tpu.memory_space<vmem>> -> memref<1x128xi32, #tpu.memory_space<vmem>>
        %dma_wait3A_188 = tpu.memref_squeeze %dma_wait3A_187 : memref<1x128xi32, #tpu.memory_space<vmem>> -> memref<128xi32, #tpu.memory_space<vmem>>
        %dma_wait3A_189 = arith.constant 0 : i32
        %dma_wait3A_190 = arith.constant 0 : i32
        %dma_wait3A_191 = tpu.memref_slice %arg2[%dma_wait3A_189, %dma_wait3A_190] : memref<10240x128xf32, #tpu.memory_space<hbm>> -> memref<10240x128xf32, #tpu.memory_space<hbm>>
        tpu.wait_indirect_dma semaphore(%arg12 : memref<!tpu.dma_semaphore, #tpu.memory_space<semaphore_mem>>) src(%dma_wait3A_191 : memref<10240x128xf32, #tpu.memory_space<hbm>>) dst(%dma_wait3A_185 : memref<128x128xf32, #tpu.memory_space<vmem>>)
        %run_scoped3A_192 = arith.constant 1 : i32
        %run_scoped3A_193 = arith.constant 5 : i32
        "tpu.region"() ({
          %run_scoped3A_238 = tpu.sem_alloc : memref<!tpu.dma_semaphore, #tpu.memory_space<semaphore_mem>>
          %dma_start3A_239 = arith.constant 0 : i32
          %dma_start3A_240 = arith.constant 0 : i32
          %dma_start3A_241 = tpu.memref_slice %arg10[%run_scoped3A_192, %dma_start3A_239, %dma_start3A_240] : memref<2x128x128xf32, #tpu.memory_space<vmem>> -> memref<1x128x128xf32, #tpu.memory_space<vmem>>
          %dma_start3A_242 = tpu.memref_squeeze %dma_start3A_241 : memref<1x128x128xf32, #tpu.memory_space<vmem>> -> memref<128x128xf32, #tpu.memory_space<vmem>>
          %dma_start3A_243 = arith.constant 0 : i32
          %dma_start3A_244 = tpu.memref_slice %arg9[%run_scoped3A_193, %dma_start3A_243] : memref<8x128xi32, #tpu.memory_space<vmem>> -> memref<1x128xi32, #tpu.memory_space<vmem>>
          %dma_start3A_245 = tpu.memref_squeeze %dma_start3A_244 : memref<1x128xi32, #tpu.memory_space<vmem>> -> memref<128xi32, #tpu.memory_space<vmem>>
          %dma_start3A_246 = arith.constant 0 : i32
          %dma_start3A_247 = arith.constant 0 : i32
          %dma_start3A_248 = tpu.memref_slice %arg7[%dma_start3A_246, %dma_start3A_247] : memref<10240x128xf32, #tpu.memory_space<vmem_shared>> -> memref<10240x128xf32, #tpu.memory_space<vmem_shared>>
          tpu.enqueue_indirect_dma source(%dma_start3A_242 : memref<128x128xf32, #tpu.memory_space<vmem>>) target(%dma_start3A_248 : memref<10240x128xf32, #tpu.memory_space<vmem_shared>>) offsets(%dma_start3A_245 : memref<128xi32, #tpu.memory_space<vmem>>) semaphore(%run_scoped3A_238 : memref<!tpu.dma_semaphore, #tpu.memory_space<semaphore_mem>>) {add = true}
          %dma_wait3A_249 = arith.constant 0 : i32
          %dma_wait3A_250 = arith.constant 0 : i32
          %dma_wait3A_251 = tpu.memref_slice %arg10[%run_scoped3A_192, %dma_wait3A_249, %dma_wait3A_250] : memref<2x128x128xf32, #tpu.memory_space<vmem>> -> memref<1x128x128xf32, #tpu.memory_space<vmem>>
          %dma_wait3A_252 = tpu.memref_squeeze %dma_wait3A_251 : memref<1x128x128xf32, #tpu.memory_space<vmem>> -> memref<128x128xf32, #tpu.memory_space<vmem>>
          %dma_wait3A_253 = arith.constant 0 : i32
          %dma_wait3A_254 = tpu.memref_slice %arg9[%run_scoped3A_193, %dma_wait3A_253] : memref<8x128xi32, #tpu.memory_space<vmem>> -> memref<1x128xi32, #tpu.memory_space<vmem>>
          %dma_wait3A_255 = tpu.memref_squeeze %dma_wait3A_254 : memref<1x128xi32, #tpu.memory_space<vmem>> -> memref<128xi32, #tpu.memory_space<vmem>>
          %dma_wait3A_256 = arith.constant 0 : i32
          %dma_wait3A_257 = arith.constant 0 : i32
          %dma_wait3A_258 = tpu.memref_slice %arg7[%dma_wait3A_256, %dma_wait3A_257] : memref<10240x128xf32, #tpu.memory_space<vmem_shared>> -> memref<10240x128xf32, #tpu.memory_space<vmem_shared>>
          tpu.wait_indirect_dma semaphore(%run_scoped3A_238 : memref<!tpu.dma_semaphore, #tpu.memory_space<semaphore_mem>>) src(%dma_wait3A_252 : memref<128x128xf32, #tpu.memory_space<vmem>>) dst(%dma_wait3A_258 : memref<10240x128xf32, #tpu.memory_space<vmem_shared>>)
          tpu.yield
        }) : () -> ()
        %run_scoped3A_194 = arith.constant 5 : i32
        "tpu.region"() ({
          %run_scoped3A_238 = tpu.sem_alloc : memref<!tpu.dma_semaphore, #tpu.memory_space<semaphore_mem>>
          %dma_start3A_239 = arith.constant 0 : i32
          %dma_start3A_240 = tpu.memref_slice %arg9[%run_scoped3A_194, %dma_start3A_239] : memref<8x128xi32, #tpu.memory_space<vmem>> -> memref<1x128xi32, #tpu.memory_space<vmem>>
          %dma_start3A_241 = tpu.memref_squeeze %dma_start3A_240 : memref<1x128xi32, #tpu.memory_space<vmem>> -> memref<128xi32, #tpu.memory_space<vmem>>
          %dma_start3A_242 = arith.constant 0 : i32
          %dma_start3A_243 = tpu.memref_slice %arg13[%dma_start3A_242] : memref<10240xf32, #tpu.memory_space<vmem_shared>> -> memref<10240xf32, #tpu.memory_space<vmem_shared>>
          tpu.enqueue_indirect_dma source(%arg14 : memref<128xf32, #tpu.memory_space<vmem>>) target(%dma_start3A_243 : memref<10240xf32, #tpu.memory_space<vmem_shared>>) offsets(%dma_start3A_241 : memref<128xi32, #tpu.memory_space<vmem>>) semaphore(%run_scoped3A_238 : memref<!tpu.dma_semaphore, #tpu.memory_space<semaphore_mem>>) {add = true}
          %dma_wait3A_244 = arith.constant 0 : i32
          %dma_wait3A_245 = tpu.memref_slice %arg9[%run_scoped3A_194, %dma_wait3A_244] : memref<8x128xi32, #tpu.memory_space<vmem>> -> memref<1x128xi32, #tpu.memory_space<vmem>>
          %dma_wait3A_246 = tpu.memref_squeeze %dma_wait3A_245 : memref<1x128xi32, #tpu.memory_space<vmem>> -> memref<128xi32, #tpu.memory_space<vmem>>
          %dma_wait3A_247 = arith.constant 0 : i32
          %dma_wait3A_248 = tpu.memref_slice %arg13[%dma_wait3A_247] : memref<10240xf32, #tpu.memory_space<vmem_shared>> -> memref<10240xf32, #tpu.memory_space<vmem_shared>>
          tpu.wait_indirect_dma semaphore(%run_scoped3A_238 : memref<!tpu.dma_semaphore, #tpu.memory_space<semaphore_mem>>) src(%arg14 : memref<128xf32, #tpu.memory_space<vmem>>) dst(%dma_wait3A_248 : memref<10240xf32, #tpu.memory_space<vmem_shared>>)
          tpu.yield
        }) : () -> ()
        %dma_start3A_195 = arith.constant 7 : i32
        %dma_start3A_196 = arith.constant 1 : i32
        %dma_start3A_197 = arith.constant 0 : i32
        %dma_start3A_198 = arith.constant 0 : i32
        %dma_start3A_199 = tpu.memref_slice %arg10[%dma_start3A_196, %dma_start3A_197, %dma_start3A_198] : memref<2x128x128xf32, #tpu.memory_space<vmem>> -> memref<1x128x128xf32, #tpu.memory_space<vmem>>
        %dma_start3A_200 = tpu.memref_squeeze %dma_start3A_199 : memref<1x128x128xf32, #tpu.memory_space<vmem>> -> memref<128x128xf32, #tpu.memory_space<vmem>>
        %dma_start3A_201 = arith.constant 0 : i32
        %dma_start3A_202 = tpu.memref_slice %arg8[%dma_start3A_195, %dma_start3A_201] : memref<8x128xi32, #tpu.memory_space<vmem>> -> memref<1x128xi32, #tpu.memory_space<vmem>>
        %dma_start3A_203 = tpu.memref_squeeze %dma_start3A_202 : memref<1x128xi32, #tpu.memory_space<vmem>> -> memref<128xi32, #tpu.memory_space<vmem>>
        %dma_start3A_204 = arith.constant 0 : i32
        %dma_start3A_205 = arith.constant 0 : i32
        %dma_start3A_206 = tpu.memref_slice %arg2[%dma_start3A_204, %dma_start3A_205] : memref<10240x128xf32, #tpu.memory_space<hbm>> -> memref<10240x128xf32, #tpu.memory_space<hbm>>
        tpu.enqueue_indirect_dma source(%dma_start3A_206 : memref<10240x128xf32, #tpu.memory_space<hbm>>) target(%dma_start3A_200 : memref<128x128xf32, #tpu.memory_space<vmem>>) offsets(%dma_start3A_203 : memref<128xi32, #tpu.memory_space<vmem>>) semaphore(%arg12 : memref<!tpu.dma_semaphore, #tpu.memory_space<semaphore_mem>>)
        %dma_wait3A_207 = arith.constant 6 : i32
        %dma_wait3A_208 = arith.constant 0 : i32
        %dma_wait3A_209 = arith.constant 0 : i32
        %dma_wait3A_210 = arith.constant 0 : i32
        %dma_wait3A_211 = tpu.memref_slice %arg10[%dma_wait3A_208, %dma_wait3A_209, %dma_wait3A_210] : memref<2x128x128xf32, #tpu.memory_space<vmem>> -> memref<1x128x128xf32, #tpu.memory_space<vmem>>
        %dma_wait3A_212 = tpu.memref_squeeze %dma_wait3A_211 : memref<1x128x128xf32, #tpu.memory_space<vmem>> -> memref<128x128xf32, #tpu.memory_space<vmem>>
        %dma_wait3A_213 = arith.constant 0 : i32
        %dma_wait3A_214 = tpu.memref_slice %arg8[%dma_wait3A_207, %dma_wait3A_213] : memref<8x128xi32, #tpu.memory_space<vmem>> -> memref<1x128xi32, #tpu.memory_space<vmem>>
        %dma_wait3A_215 = tpu.memref_squeeze %dma_wait3A_214 : memref<1x128xi32, #tpu.memory_space<vmem>> -> memref<128xi32, #tpu.memory_space<vmem>>
        %dma_wait3A_216 = arith.constant 0 : i32
        %dma_wait3A_217 = arith.constant 0 : i32
        %dma_wait3A_218 = tpu.memref_slice %arg2[%dma_wait3A_216, %dma_wait3A_217] : memref<10240x128xf32, #tpu.memory_space<hbm>> -> memref<10240x128xf32, #tpu.memory_space<hbm>>
        tpu.wait_indirect_dma semaphore(%arg11 : memref<!tpu.dma_semaphore, #tpu.memory_space<semaphore_mem>>) src(%dma_wait3A_218 : memref<10240x128xf32, #tpu.memory_space<hbm>>) dst(%dma_wait3A_212 : memref<128x128xf32, #tpu.memory_space<vmem>>)
        %run_scoped3A_219 = arith.constant 0 : i32
        %run_scoped3A_220 = arith.constant 6 : i32
        "tpu.region"() ({
          %run_scoped3A_238 = tpu.sem_alloc : memref<!tpu.dma_semaphore, #tpu.memory_space<semaphore_mem>>
          %dma_start3A_239 = arith.constant 0 : i32
          %dma_start3A_240 = arith.constant 0 : i32
          %dma_start3A_241 = tpu.memref_slice %arg10[%run_scoped3A_219, %dma_start3A_239, %dma_start3A_240] : memref<2x128x128xf32, #tpu.memory_space<vmem>> -> memref<1x128x128xf32, #tpu.memory_space<vmem>>
          %dma_start3A_242 = tpu.memref_squeeze %dma_start3A_241 : memref<1x128x128xf32, #tpu.memory_space<vmem>> -> memref<128x128xf32, #tpu.memory_space<vmem>>
          %dma_start3A_243 = arith.constant 0 : i32
          %dma_start3A_244 = tpu.memref_slice %arg9[%run_scoped3A_220, %dma_start3A_243] : memref<8x128xi32, #tpu.memory_space<vmem>> -> memref<1x128xi32, #tpu.memory_space<vmem>>
          %dma_start3A_245 = tpu.memref_squeeze %dma_start3A_244 : memref<1x128xi32, #tpu.memory_space<vmem>> -> memref<128xi32, #tpu.memory_space<vmem>>
          %dma_start3A_246 = arith.constant 0 : i32
          %dma_start3A_247 = arith.constant 0 : i32
          %dma_start3A_248 = tpu.memref_slice %arg7[%dma_start3A_246, %dma_start3A_247] : memref<10240x128xf32, #tpu.memory_space<vmem_shared>> -> memref<10240x128xf32, #tpu.memory_space<vmem_shared>>
          tpu.enqueue_indirect_dma source(%dma_start3A_242 : memref<128x128xf32, #tpu.memory_space<vmem>>) target(%dma_start3A_248 : memref<10240x128xf32, #tpu.memory_space<vmem_shared>>) offsets(%dma_start3A_245 : memref<128xi32, #tpu.memory_space<vmem>>) semaphore(%run_scoped3A_238 : memref<!tpu.dma_semaphore, #tpu.memory_space<semaphore_mem>>) {add = true}
          %dma_wait3A_249 = arith.constant 0 : i32
          %dma_wait3A_250 = arith.constant 0 : i32
          %dma_wait3A_251 = tpu.memref_slice %arg10[%run_scoped3A_219, %dma_wait3A_249, %dma_wait3A_250] : memref<2x128x128xf32, #tpu.memory_space<vmem>> -> memref<1x128x128xf32, #tpu.memory_space<vmem>>
          %dma_wait3A_252 = tpu.memref_squeeze %dma_wait3A_251 : memref<1x128x128xf32, #tpu.memory_space<vmem>> -> memref<128x128xf32, #tpu.memory_space<vmem>>
          %dma_wait3A_253 = arith.constant 0 : i32
          %dma_wait3A_254 = tpu.memref_slice %arg9[%run_scoped3A_220, %dma_wait3A_253] : memref<8x128xi32, #tpu.memory_space<vmem>> -> memref<1x128xi32, #tpu.memory_space<vmem>>
          %dma_wait3A_255 = tpu.memref_squeeze %dma_wait3A_254 : memref<1x128xi32, #tpu.memory_space<vmem>> -> memref<128xi32, #tpu.memory_space<vmem>>
          %dma_wait3A_256 = arith.constant 0 : i32
          %dma_wait3A_257 = arith.constant 0 : i32
          %dma_wait3A_258 = tpu.memref_slice %arg7[%dma_wait3A_256, %dma_wait3A_257] : memref<10240x128xf32, #tpu.memory_space<vmem_shared>> -> memref<10240x128xf32, #tpu.memory_space<vmem_shared>>
          tpu.wait_indirect_dma semaphore(%run_scoped3A_238 : memref<!tpu.dma_semaphore, #tpu.memory_space<semaphore_mem>>) src(%dma_wait3A_252 : memref<128x128xf32, #tpu.memory_space<vmem>>) dst(%dma_wait3A_258 : memref<10240x128xf32, #tpu.memory_space<vmem_shared>>)
          tpu.yield
        }) : () -> ()
        %run_scoped3A_221 = arith.constant 6 : i32
        "tpu.region"() ({
          %run_scoped3A_238 = tpu.sem_alloc : memref<!tpu.dma_semaphore, #tpu.memory_space<semaphore_mem>>
          %dma_start3A_239 = arith.constant 0 : i32
          %dma_start3A_240 = tpu.memref_slice %arg9[%run_scoped3A_221, %dma_start3A_239] : memref<8x128xi32, #tpu.memory_space<vmem>> -> memref<1x128xi32, #tpu.memory_space<vmem>>
          %dma_start3A_241 = tpu.memref_squeeze %dma_start3A_240 : memref<1x128xi32, #tpu.memory_space<vmem>> -> memref<128xi32, #tpu.memory_space<vmem>>
          %dma_start3A_242 = arith.constant 0 : i32
          %dma_start3A_243 = tpu.memref_slice %arg13[%dma_start3A_242] : memref<10240xf32, #tpu.memory_space<vmem_shared>> -> memref<10240xf32, #tpu.memory_space<vmem_shared>>
          tpu.enqueue_indirect_dma source(%arg14 : memref<128xf32, #tpu.memory_space<vmem>>) target(%dma_start3A_243 : memref<10240xf32, #tpu.memory_space<vmem_shared>>) offsets(%dma_start3A_241 : memref<128xi32, #tpu.memory_space<vmem>>) semaphore(%run_scoped3A_238 : memref<!tpu.dma_semaphore, #tpu.memory_space<semaphore_mem>>) {add = true}
          %dma_wait3A_244 = arith.constant 0 : i32
          %dma_wait3A_245 = tpu.memref_slice %arg9[%run_scoped3A_221, %dma_wait3A_244] : memref<8x128xi32, #tpu.memory_space<vmem>> -> memref<1x128xi32, #tpu.memory_space<vmem>>
          %dma_wait3A_246 = tpu.memref_squeeze %dma_wait3A_245 : memref<1x128xi32, #tpu.memory_space<vmem>> -> memref<128xi32, #tpu.memory_space<vmem>>
          %dma_wait3A_247 = arith.constant 0 : i32
          %dma_wait3A_248 = tpu.memref_slice %arg13[%dma_wait3A_247] : memref<10240xf32, #tpu.memory_space<vmem_shared>> -> memref<10240xf32, #tpu.memory_space<vmem_shared>>
          tpu.wait_indirect_dma semaphore(%run_scoped3A_238 : memref<!tpu.dma_semaphore, #tpu.memory_space<semaphore_mem>>) src(%arg14 : memref<128xf32, #tpu.memory_space<vmem>>) dst(%dma_wait3A_248 : memref<10240xf32, #tpu.memory_space<vmem_shared>>)
          tpu.yield
        }) : () -> ()
        %dma_wait3A_222 = arith.constant 7 : i32
        %dma_wait3A_223 = arith.constant 1 : i32
        %dma_wait3A_224 = arith.constant 0 : i32
        %dma_wait3A_225 = arith.constant 0 : i32
        %dma_wait3A_226 = tpu.memref_slice %arg10[%dma_wait3A_223, %dma_wait3A_224, %dma_wait3A_225] : memref<2x128x128xf32, #tpu.memory_space<vmem>> -> memref<1x128x128xf32, #tpu.memory_space<vmem>>
        %dma_wait3A_227 = tpu.memref_squeeze %dma_wait3A_226 : memref<1x128x128xf32, #tpu.memory_space<vmem>> -> memref<128x128xf32, #tpu.memory_space<vmem>>
        %dma_wait3A_228 = arith.constant 0 : i32
        %dma_wait3A_229 = tpu.memref_slice %arg8[%dma_wait3A_222, %dma_wait3A_228] : memref<8x128xi32, #tpu.memory_space<vmem>> -> memref<1x128xi32, #tpu.memory_space<vmem>>
        %dma_wait3A_230 = tpu.memref_squeeze %dma_wait3A_229 : memref<1x128xi32, #tpu.memory_space<vmem>> -> memref<128xi32, #tpu.memory_space<vmem>>
        %dma_wait3A_231 = arith.constant 0 : i32
        %dma_wait3A_232 = arith.constant 0 : i32
        %dma_wait3A_233 = tpu.memref_slice %arg2[%dma_wait3A_231, %dma_wait3A_232] : memref<10240x128xf32, #tpu.memory_space<hbm>> -> memref<10240x128xf32, #tpu.memory_space<hbm>>
        tpu.wait_indirect_dma semaphore(%arg12 : memref<!tpu.dma_semaphore, #tpu.memory_space<semaphore_mem>>) src(%dma_wait3A_233 : memref<10240x128xf32, #tpu.memory_space<hbm>>) dst(%dma_wait3A_227 : memref<128x128xf32, #tpu.memory_space<vmem>>)
        %run_scoped3A_234 = arith.constant 1 : i32
        %run_scoped3A_235 = arith.constant 7 : i32
        "tpu.region"() ({
          %run_scoped3A_238 = tpu.sem_alloc : memref<!tpu.dma_semaphore, #tpu.memory_space<semaphore_mem>>
          %dma_start3A_239 = arith.constant 0 : i32
          %dma_start3A_240 = arith.constant 0 : i32
          %dma_start3A_241 = tpu.memref_slice %arg10[%run_scoped3A_234, %dma_start3A_239, %dma_start3A_240] : memref<2x128x128xf32, #tpu.memory_space<vmem>> -> memref<1x128x128xf32, #tpu.memory_space<vmem>>
          %dma_start3A_242 = tpu.memref_squeeze %dma_start3A_241 : memref<1x128x128xf32, #tpu.memory_space<vmem>> -> memref<128x128xf32, #tpu.memory_space<vmem>>
          %dma_start3A_243 = arith.constant 0 : i32
          %dma_start3A_244 = tpu.memref_slice %arg9[%run_scoped3A_235, %dma_start3A_243] : memref<8x128xi32, #tpu.memory_space<vmem>> -> memref<1x128xi32, #tpu.memory_space<vmem>>
          %dma_start3A_245 = tpu.memref_squeeze %dma_start3A_244 : memref<1x128xi32, #tpu.memory_space<vmem>> -> memref<128xi32, #tpu.memory_space<vmem>>
          %dma_start3A_246 = arith.constant 0 : i32
          %dma_start3A_247 = arith.constant 0 : i32
          %dma_start3A_248 = tpu.memref_slice %arg7[%dma_start3A_246, %dma_start3A_247] : memref<10240x128xf32, #tpu.memory_space<vmem_shared>> -> memref<10240x128xf32, #tpu.memory_space<vmem_shared>>
          tpu.enqueue_indirect_dma source(%dma_start3A_242 : memref<128x128xf32, #tpu.memory_space<vmem>>) target(%dma_start3A_248 : memref<10240x128xf32, #tpu.memory_space<vmem_shared>>) offsets(%dma_start3A_245 : memref<128xi32, #tpu.memory_space<vmem>>) semaphore(%run_scoped3A_238 : memref<!tpu.dma_semaphore, #tpu.memory_space<semaphore_mem>>) {add = true}
          %dma_wait3A_249 = arith.constant 0 : i32
          %dma_wait3A_250 = arith.constant 0 : i32
          %dma_wait3A_251 = tpu.memref_slice %arg10[%run_scoped3A_234, %dma_wait3A_249, %dma_wait3A_250] : memref<2x128x128xf32, #tpu.memory_space<vmem>> -> memref<1x128x128xf32, #tpu.memory_space<vmem>>
          %dma_wait3A_252 = tpu.memref_squeeze %dma_wait3A_251 : memref<1x128x128xf32, #tpu.memory_space<vmem>> -> memref<128x128xf32, #tpu.memory_space<vmem>>
          %dma_wait3A_253 = arith.constant 0 : i32
          %dma_wait3A_254 = tpu.memref_slice %arg9[%run_scoped3A_235, %dma_wait3A_253] : memref<8x128xi32, #tpu.memory_space<vmem>> -> memref<1x128xi32, #tpu.memory_space<vmem>>
          %dma_wait3A_255 = tpu.memref_squeeze %dma_wait3A_254 : memref<1x128xi32, #tpu.memory_space<vmem>> -> memref<128xi32, #tpu.memory_space<vmem>>
          %dma_wait3A_256 = arith.constant 0 : i32
          %dma_wait3A_257 = arith.constant 0 : i32
          %dma_wait3A_258 = tpu.memref_slice %arg7[%dma_wait3A_256, %dma_wait3A_257] : memref<10240x128xf32, #tpu.memory_space<vmem_shared>> -> memref<10240x128xf32, #tpu.memory_space<vmem_shared>>
          tpu.wait_indirect_dma semaphore(%run_scoped3A_238 : memref<!tpu.dma_semaphore, #tpu.memory_space<semaphore_mem>>) src(%dma_wait3A_252 : memref<128x128xf32, #tpu.memory_space<vmem>>) dst(%dma_wait3A_258 : memref<10240x128xf32, #tpu.memory_space<vmem_shared>>)
          tpu.yield
        }) : () -> ()
        %run_scoped3A_236 = arith.constant 7 : i32
        "tpu.region"() ({
          %run_scoped3A_238 = tpu.sem_alloc : memref<!tpu.dma_semaphore, #tpu.memory_space<semaphore_mem>>
          %dma_start3A_239 = arith.constant 0 : i32
          %dma_start3A_240 = tpu.memref_slice %arg9[%run_scoped3A_236, %dma_start3A_239] : memref<8x128xi32, #tpu.memory_space<vmem>> -> memref<1x128xi32, #tpu.memory_space<vmem>>
          %dma_start3A_241 = tpu.memref_squeeze %dma_start3A_240 : memref<1x128xi32, #tpu.memory_space<vmem>> -> memref<128xi32, #tpu.memory_space<vmem>>
          %dma_start3A_242 = arith.constant 0 : i32
          %dma_start3A_243 = tpu.memref_slice %arg13[%dma_start3A_242] : memref<10240xf32, #tpu.memory_space<vmem_shared>> -> memref<10240xf32, #tpu.memory_space<vmem_shared>>
          tpu.enqueue_indirect_dma source(%arg14 : memref<128xf32, #tpu.memory_space<vmem>>) target(%dma_start3A_243 : memref<10240xf32, #tpu.memory_space<vmem_shared>>) offsets(%dma_start3A_241 : memref<128xi32, #tpu.memory_space<vmem>>) semaphore(%run_scoped3A_238 : memref<!tpu.dma_semaphore, #tpu.memory_space<semaphore_mem>>) {add = true}
          %dma_wait3A_244 = arith.constant 0 : i32
          %dma_wait3A_245 = tpu.memref_slice %arg9[%run_scoped3A_236, %dma_wait3A_244] : memref<8x128xi32, #tpu.memory_space<vmem>> -> memref<1x128xi32, #tpu.memory_space<vmem>>
          %dma_wait3A_246 = tpu.memref_squeeze %dma_wait3A_245 : memref<1x128xi32, #tpu.memory_space<vmem>> -> memref<128xi32, #tpu.memory_space<vmem>>
          %dma_wait3A_247 = arith.constant 0 : i32
          %dma_wait3A_248 = tpu.memref_slice %arg13[%dma_wait3A_247] : memref<10240xf32, #tpu.memory_space<vmem_shared>> -> memref<10240xf32, #tpu.memory_space<vmem_shared>>
          tpu.wait_indirect_dma semaphore(%run_scoped3A_238 : memref<!tpu.dma_semaphore, #tpu.memory_space<semaphore_mem>>) src(%arg14 : memref<128xf32, #tpu.memory_space<vmem>>) dst(%dma_wait3A_248 : memref<10240xf32, #tpu.memory_space<vmem_shared>>)
          tpu.yield
        }) : () -> ()
        %scan3A_237 = arith.constant 0 : i32
        scf.yield %scan3A_237 : i32
      }
      %scan3A_17 = arith.constant 20 : i32
    } else {
    }
    %barrier3A_8 = arith.constant 0 : index
    tpu.barrier barrier_id(%barrier3A_8)
    %convert_element_type3A_9 = arith.extui %lt3A_3 : i1 to i32
    %cond3A_10 = arith.constant 0 : i32
    %cond3A_11 = arith.cmpi ne, %convert_element_type3A_9, %cond3A_10 : i32
    scf.if %cond3A_11 {
      "tpu.region"() ({
        %run_scoped3A = tpu.sem_alloc : memref<!tpu.dma_semaphore, #tpu.memory_space<semaphore_mem>>
        %dma_start3A = arith.constant 0 : i32
        %dma_start3A_12 = tpu.memref_slice %arg5[%arg0, %mul3A_2, %dma_start3A] : memref<1x10240x128xf32, #tpu.memory_space<hbm>> -> memref<1x640x128xf32, #tpu.memory_space<hbm>>
        %dma_start3A_13 = tpu.memref_squeeze %dma_start3A_12 : memref<1x640x128xf32, #tpu.memory_space<hbm>> -> memref<640x128xf32, #tpu.memory_space<hbm>>
        %dma_start3A_14 = arith.constant 0 : i32
        %dma_start3A_15 = tpu.memref_slice %arg7[%mul3A_2, %dma_start3A_14] : memref<10240x128xf32, #tpu.memory_space<vmem_shared>> -> memref<640x128xf32, #tpu.memory_space<vmem_shared>>
        tpu.enqueue_dma source(%dma_start3A_15 : memref<640x128xf32, #tpu.memory_space<vmem_shared>>) target(%dma_start3A_13 : memref<640x128xf32, #tpu.memory_space<hbm>>) target_semaphore(%run_scoped3A : memref<!tpu.dma_semaphore, #tpu.memory_space<semaphore_mem>>)
        %dma_wait3A = arith.constant 0 : i32
        %dma_wait3A_16 = tpu.memref_slice %arg5[%arg0, %mul3A_2, %dma_wait3A] : memref<1x10240x128xf32, #tpu.memory_space<hbm>> -> memref<1x640x128xf32, #tpu.memory_space<hbm>>
        %dma_wait3A_17 = tpu.memref_squeeze %dma_wait3A_16 : memref<1x640x128xf32, #tpu.memory_space<hbm>> -> memref<640x128xf32, #tpu.memory_space<hbm>>
        %dma_wait3A_18 = arith.constant 0 : i32
        %dma_wait3A_19 = tpu.memref_slice %arg7[%mul3A_2, %dma_wait3A_18] : memref<10240x128xf32, #tpu.memory_space<vmem_shared>> -> memref<640x128xf32, #tpu.memory_space<vmem_shared>>
        tpu.wait_dma2 semaphore(%run_scoped3A : memref<!tpu.dma_semaphore, #tpu.memory_space<semaphore_mem>>) src(%dma_wait3A_19 : memref<640x128xf32, #tpu.memory_space<vmem_shared>>) dst(%dma_wait3A_17 : memref<640x128xf32, #tpu.memory_space<hbm>>)
        tpu.yield
      }) : () -> ()
      "tpu.region"() ({
        %run_scoped3A = tpu.sem_alloc : memref<!tpu.dma_semaphore, #tpu.memory_space<semaphore_mem>>
        %dma_start3A = tpu.memref_slice %arg6[%arg0, %mul3A_2] : memref<1x10240xf32, #tpu.memory_space<hbm>> -> memref<1x640xf32, #tpu.memory_space<hbm>>
        %dma_start3A_12 = tpu.memref_squeeze %dma_start3A : memref<1x640xf32, #tpu.memory_space<hbm>> -> memref<640xf32, #tpu.memory_space<hbm>>
        %dma_start3A_13 = tpu.memref_slice %arg13[%mul3A_2] : memref<10240xf32, #tpu.memory_space<vmem_shared>> -> memref<640xf32, #tpu.memory_space<vmem_shared>>
        tpu.enqueue_dma source(%dma_start3A_13 : memref<640xf32, #tpu.memory_space<vmem_shared>>) target(%dma_start3A_12 : memref<640xf32, #tpu.memory_space<hbm>>) target_semaphore(%run_scoped3A : memref<!tpu.dma_semaphore, #tpu.memory_space<semaphore_mem>>)
        %dma_wait3A = tpu.memref_slice %arg6[%arg0, %mul3A_2] : memref<1x10240xf32, #tpu.memory_space<hbm>> -> memref<1x640xf32, #tpu.memory_space<hbm>>
        %dma_wait3A_14 = tpu.memref_squeeze %dma_wait3A : memref<1x640xf32, #tpu.memory_space<hbm>> -> memref<640xf32, #tpu.memory_space<hbm>>
        %dma_wait3A_15 = tpu.memref_slice %arg13[%mul3A_2] : memref<10240xf32, #tpu.memory_space<vmem_shared>> -> memref<640xf32, #tpu.memory_space<vmem_shared>>
        tpu.wait_dma2 semaphore(%run_scoped3A : memref<!tpu.dma_semaphore, #tpu.memory_space<semaphore_mem>>) src(%dma_wait3A_15 : memref<640xf32, #tpu.memory_space<vmem_shared>>) dst(%dma_wait3A_14 : memref<640xf32, #tpu.memory_space<hbm>>)
        tpu.yield
      }) : () -> ()
    } else {
    }
    return
  }
}

#map = affine_map<(d0, d1) -> (0, 0)>
#map1 = affine_map<(d0, d1) -> (0, 0, 0)>
module attributes {stable_mosaic.version = 14 : i64} {
  func.func @_agg_body(%arg0: i32, %arg1: i32, %arg2: memref<10240x128xf32, #tpu.memory_space<hbm>>, %arg3: memref<16x160x128xi32, #tpu.memory_space<hbm>>, %arg4: memref<16x160x128xi32, #tpu.memory_space<hbm>>, %arg5: memref<1x10240x128xf32, #tpu.memory_space<hbm>>, %arg6: memref<10240x128xf32, #tpu.memory_space<vmem_shared>>, %arg7: memref<8x128xi32, #tpu.memory_space<vmem>>, %arg8: memref<8x128xi32, #tpu.memory_space<vmem>>, %arg9: memref<2x128x128xf32, #tpu.memory_space<vmem>>, %arg10: memref<!tpu.dma_semaphore, #tpu.memory_space<semaphore_mem>>, %arg11: memref<!tpu.dma_semaphore, #tpu.memory_space<semaphore_mem>>) attributes {dimension_semantics = [#tpu.dimension_semantics<core_parallel>, #tpu.dimension_semantics<subcore_parallel>], iteration_bounds = array<i64: 2, 16>, scalar_prefetch = 0 : i64, scratch_operands = 6 : i64, tpu.core_type = #tpu.core_type<sc_vector_subcore>, window_params = [{transform_indices = #map}, {transform_indices = #map1}, {transform_indices = #map1}, {transform_indices = #map1}]} {
    %mul3A = arith.constant 16 : i32
    %mul3A_0 = arith.muli %arg0, %mul3A : i32
    %add3A = arith.addi %mul3A_0, %arg1 : i32
    %mul3A_1 = arith.constant 640 : i32
    %mul3A_2 = arith.muli %arg1, %mul3A_1 : i32
    %lt3A = arith.constant 1 : i32
    %lt3A_3 = arith.cmpi slt, %arg0, %lt3A : i32
    %convert_element_type3A = arith.extui %lt3A_3 : i1 to i32
    %cond3A = arith.constant 0 : i32
    %cond3A_4 = arith.cmpi ne, %convert_element_type3A, %cond3A : i32
    scf.if %cond3A_4 {
      %broadcast_in_dim3A = arith.constant 0.000000e+00 : f32
      %broadcast_in_dim3A_12 = vector.broadcast %broadcast_in_dim3A : f32 to vector<16xf32>
      %scan3A = arith.constant 0 : i32
      %scan3A_13 = arith.constant 0 : i32
      %scan3A_14 = arith.constant 128 : i32
      %scan3A_15 = arith.addi %scan3A_13, %scan3A_14 : i32
      %scan3A_16 = arith.constant 1 : i32
      %scan3A_17 = scf.for %scan3A_26 = %scan3A_13 to %scan3A_15 step %scan3A_16 iter_args(%scan3A_27 = %scan3A) -> (i32)  : i32 {
        %swap3A = arith.constant 0 : i32
        %swap3A_28 = arith.index_cast %swap3A : i32 to index
        %swap3A_29 = arith.index_cast %scan3A_26 : i32 to index
        %swap3A_30 = arith.constant 0 : index
        %swap3A_31 = tpu.vector_load %arg9[%swap3A_28, %swap3A_29, %swap3A_30] {strides = array<i32>} : memref<2x128x128xf32, #tpu.memory_space<vmem>>, vector<1x1x16xf32>,
        %swap3A_32 = vector.shape_cast %swap3A_31 : vector<1x1x16xf32> to vector<16xf32>
        %swap3A_33 = vector.shape_cast %broadcast_in_dim3A_12 : vector<16xf32> to vector<1x1x16xf32>
        tpu.vector_store %arg9[%swap3A_28, %swap3A_29, %swap3A_30], %swap3A_33 {strides = array<i32>} : memref<2x128x128xf32, #tpu.memory_space<vmem>>, vector<1x1x16xf32>,
        %swap3A_34 = arith.constant 0 : i32
        %swap3A_35 = arith.index_cast %swap3A_34 : i32 to index
        %swap3A_36 = arith.index_cast %scan3A_26 : i32 to index
        %swap3A_37 = arith.constant 16 : index
        %swap3A_38 = tpu.vector_load %arg9[%swap3A_35, %swap3A_36, %swap3A_37] {strides = array<i32>} : memref<2x128x128xf32, #tpu.memory_space<vmem>>, vector<1x1x16xf32>,
        %swap3A_39 = vector.shape_cast %swap3A_38 : vector<1x1x16xf32> to vector<16xf32>
        %swap3A_40 = vector.shape_cast %broadcast_in_dim3A_12 : vector<16xf32> to vector<1x1x16xf32>
        tpu.vector_store %arg9[%swap3A_35, %swap3A_36, %swap3A_37], %swap3A_40 {strides = array<i32>} : memref<2x128x128xf32, #tpu.memory_space<vmem>>, vector<1x1x16xf32>,
        %swap3A_41 = arith.constant 0 : i32
        %swap3A_42 = arith.index_cast %swap3A_41 : i32 to index
        %swap3A_43 = arith.index_cast %scan3A_26 : i32 to index
        %swap3A_44 = arith.constant 32 : index
        %swap3A_45 = tpu.vector_load %arg9[%swap3A_42, %swap3A_43, %swap3A_44] {strides = array<i32>} : memref<2x128x128xf32, #tpu.memory_space<vmem>>, vector<1x1x16xf32>,
        %swap3A_46 = vector.shape_cast %swap3A_45 : vector<1x1x16xf32> to vector<16xf32>
        %swap3A_47 = vector.shape_cast %broadcast_in_dim3A_12 : vector<16xf32> to vector<1x1x16xf32>
        tpu.vector_store %arg9[%swap3A_42, %swap3A_43, %swap3A_44], %swap3A_47 {strides = array<i32>} : memref<2x128x128xf32, #tpu.memory_space<vmem>>, vector<1x1x16xf32>,
        %swap3A_48 = arith.constant 0 : i32
        %swap3A_49 = arith.index_cast %swap3A_48 : i32 to index
        %swap3A_50 = arith.index_cast %scan3A_26 : i32 to index
        %swap3A_51 = arith.constant 48 : index
        %swap3A_52 = tpu.vector_load %arg9[%swap3A_49, %swap3A_50, %swap3A_51] {strides = array<i32>} : memref<2x128x128xf32, #tpu.memory_space<vmem>>, vector<1x1x16xf32>,
        %swap3A_53 = vector.shape_cast %swap3A_52 : vector<1x1x16xf32> to vector<16xf32>
        %swap3A_54 = vector.shape_cast %broadcast_in_dim3A_12 : vector<16xf32> to vector<1x1x16xf32>
        tpu.vector_store %arg9[%swap3A_49, %swap3A_50, %swap3A_51], %swap3A_54 {strides = array<i32>} : memref<2x128x128xf32, #tpu.memory_space<vmem>>, vector<1x1x16xf32>,
        %swap3A_55 = arith.constant 0 : i32
        %swap3A_56 = arith.index_cast %swap3A_55 : i32 to index
        %swap3A_57 = arith.index_cast %scan3A_26 : i32 to index
        %swap3A_58 = arith.constant 64 : index
        %swap3A_59 = tpu.vector_load %arg9[%swap3A_56, %swap3A_57, %swap3A_58] {strides = array<i32>} : memref<2x128x128xf32, #tpu.memory_space<vmem>>, vector<1x1x16xf32>,
        %swap3A_60 = vector.shape_cast %swap3A_59 : vector<1x1x16xf32> to vector<16xf32>
        %swap3A_61 = vector.shape_cast %broadcast_in_dim3A_12 : vector<16xf32> to vector<1x1x16xf32>
        tpu.vector_store %arg9[%swap3A_56, %swap3A_57, %swap3A_58], %swap3A_61 {strides = array<i32>} : memref<2x128x128xf32, #tpu.memory_space<vmem>>, vector<1x1x16xf32>,
        %swap3A_62 = arith.constant 0 : i32
        %swap3A_63 = arith.index_cast %swap3A_62 : i32 to index
        %swap3A_64 = arith.index_cast %scan3A_26 : i32 to index
        %swap3A_65 = arith.constant 80 : index
        %swap3A_66 = tpu.vector_load %arg9[%swap3A_63, %swap3A_64, %swap3A_65] {strides = array<i32>} : memref<2x128x128xf32, #tpu.memory_space<vmem>>, vector<1x1x16xf32>,
        %swap3A_67 = vector.shape_cast %swap3A_66 : vector<1x1x16xf32> to vector<16xf32>
        %swap3A_68 = vector.shape_cast %broadcast_in_dim3A_12 : vector<16xf32> to vector<1x1x16xf32>
        tpu.vector_store %arg9[%swap3A_63, %swap3A_64, %swap3A_65], %swap3A_68 {strides = array<i32>} : memref<2x128x128xf32, #tpu.memory_space<vmem>>, vector<1x1x16xf32>,
        %swap3A_69 = arith.constant 0 : i32
        %swap3A_70 = arith.index_cast %swap3A_69 : i32 to index
        %swap3A_71 = arith.index_cast %scan3A_26 : i32 to index
        %swap3A_72 = arith.constant 96 : index
        %swap3A_73 = tpu.vector_load %arg9[%swap3A_70, %swap3A_71, %swap3A_72] {strides = array<i32>} : memref<2x128x128xf32, #tpu.memory_space<vmem>>, vector<1x1x16xf32>,
        %swap3A_74 = vector.shape_cast %swap3A_73 : vector<1x1x16xf32> to vector<16xf32>
        %swap3A_75 = vector.shape_cast %broadcast_in_dim3A_12 : vector<16xf32> to vector<1x1x16xf32>
        tpu.vector_store %arg9[%swap3A_70, %swap3A_71, %swap3A_72], %swap3A_75 {strides = array<i32>} : memref<2x128x128xf32, #tpu.memory_space<vmem>>, vector<1x1x16xf32>,
        %swap3A_76 = arith.constant 0 : i32
        %swap3A_77 = arith.index_cast %swap3A_76 : i32 to index
        %swap3A_78 = arith.index_cast %scan3A_26 : i32 to index
        %swap3A_79 = arith.constant 112 : index
        %swap3A_80 = tpu.vector_load %arg9[%swap3A_77, %swap3A_78, %swap3A_79] {strides = array<i32>} : memref<2x128x128xf32, #tpu.memory_space<vmem>>, vector<1x1x16xf32>,
        %swap3A_81 = vector.shape_cast %swap3A_80 : vector<1x1x16xf32> to vector<16xf32>
        %swap3A_82 = vector.shape_cast %broadcast_in_dim3A_12 : vector<16xf32> to vector<1x1x16xf32>
        tpu.vector_store %arg9[%swap3A_77, %swap3A_78, %swap3A_79], %swap3A_82 {strides = array<i32>} : memref<2x128x128xf32, #tpu.memory_space<vmem>>, vector<1x1x16xf32>,
        %scan3A_83 = arith.constant 0 : i32
        scf.yield %scan3A_83 : i32
      }
      %scan3A_18 = arith.constant 128 : i32
      %scan3A_19 = arith.constant 0 : i32
      %scan3A_20 = arith.constant 0 : i32
      %scan3A_21 = arith.constant 5 : i32
      %scan3A_22 = arith.addi %scan3A_20, %scan3A_21 : i32
      %scan3A_23 = arith.constant 1 : i32
      %scan3A_24 = scf.for %scan3A_26 = %scan3A_20 to %scan3A_22 step %scan3A_23 iter_args(%scan3A_27 = %scan3A_19) -> (i32)  : i32 {
        %mul3A_28 = arith.constant 128 : i32
        %mul3A_29 = arith.muli %scan3A_26, %mul3A_28 : i32
        %add3A_30 = arith.addi %mul3A_2, %mul3A_29 : i32
        %run_scoped3A = arith.constant 0 : i32
        "tpu.region"() ({
          %run_scoped3A_32 = tpu.sem_alloc : memref<!tpu.dma_semaphore, #tpu.memory_space<semaphore_mem>>
          %dma_start3A = arith.constant 0 : i32
          %dma_start3A_33 = arith.constant 0 : i32
          %dma_start3A_34 = tpu.memref_slice %arg9[%run_scoped3A, %dma_start3A, %dma_start3A_33] : memref<2x128x128xf32, #tpu.memory_space<vmem>> -> memref<1x128x128xf32, #tpu.memory_space<vmem>>
          %dma_start3A_35 = tpu.memref_squeeze %dma_start3A_34 : memref<1x128x128xf32, #tpu.memory_space<vmem>> -> memref<128x128xf32, #tpu.memory_space<vmem>>
          %dma_start3A_36 = arith.constant 0 : i32
          %dma_start3A_37 = tpu.memref_slice %arg6[%add3A_30, %dma_start3A_36] : memref<10240x128xf32, #tpu.memory_space<vmem_shared>> -> memref<128x128xf32, #tpu.memory_space<vmem_shared>>
          %dma_start3A_38 = arith.constant 0 : i32
          %dma_start3A_39 = tpu.memref_slice %arg6[%add3A_30, %dma_start3A_38] : memref<10240x128xf32, #tpu.memory_space<vmem_shared>> -> memref<128x128xf32, #tpu.memory_space<vmem_shared>>
          %dma_start3A_40 = arith.constant 0 : i32
          %dma_start3A_41 = arith.constant 0 : i32
          %dma_start3A_42 = tpu.memref_slice %arg9[%run_scoped3A, %dma_start3A_40, %dma_start3A_41] : memref<2x128x128xf32, #tpu.memory_space<vmem>> -> memref<1x128x128xf32, #tpu.memory_space<vmem>>
          %dma_start3A_43 = tpu.memref_squeeze %dma_start3A_42 : memref<1x128x128xf32, #tpu.memory_space<vmem>> -> memref<128x128xf32, #tpu.memory_space<vmem>>
          tpu.enqueue_dma source(%dma_start3A_43 : memref<128x128xf32, #tpu.memory_space<vmem>>) target(%dma_start3A_39 : memref<128x128xf32, #tpu.memory_space<vmem_shared>>) target_semaphore(%run_scoped3A_32 : memref<!tpu.dma_semaphore, #tpu.memory_space<semaphore_mem>>)
          %dma_wait3A = arith.constant 0 : i32
          %dma_wait3A_44 = arith.constant 0 : i32
          %dma_wait3A_45 = tpu.memref_slice %arg9[%run_scoped3A, %dma_wait3A, %dma_wait3A_44] : memref<2x128x128xf32, #tpu.memory_space<vmem>> -> memref<1x128x128xf32, #tpu.memory_space<vmem>>
          %dma_wait3A_46 = tpu.memref_squeeze %dma_wait3A_45 : memref<1x128x128xf32, #tpu.memory_space<vmem>> -> memref<128x128xf32, #tpu.memory_space<vmem>>
          %dma_wait3A_47 = arith.constant 0 : i32
          %dma_wait3A_48 = tpu.memref_slice %arg6[%add3A_30, %dma_wait3A_47] : memref<10240x128xf32, #tpu.memory_space<vmem_shared>> -> memref<128x128xf32, #tpu.memory_space<vmem_shared>>
          %dma_wait3A_49 = arith.constant 0 : i32
          %dma_wait3A_50 = tpu.memref_slice %arg6[%add3A_30, %dma_wait3A_49] : memref<10240x128xf32, #tpu.memory_space<vmem_shared>> -> memref<128x128xf32, #tpu.memory_space<vmem_shared>>
          %dma_wait3A_51 = arith.constant 0 : i32
          %dma_wait3A_52 = arith.constant 0 : i32
          %dma_wait3A_53 = tpu.memref_slice %arg9[%run_scoped3A, %dma_wait3A_51, %dma_wait3A_52] : memref<2x128x128xf32, #tpu.memory_space<vmem>> -> memref<1x128x128xf32, #tpu.memory_space<vmem>>
          %dma_wait3A_54 = tpu.memref_squeeze %dma_wait3A_53 : memref<1x128x128xf32, #tpu.memory_space<vmem>> -> memref<128x128xf32, #tpu.memory_space<vmem>>
          tpu.wait_dma2 semaphore(%run_scoped3A_32 : memref<!tpu.dma_semaphore, #tpu.memory_space<semaphore_mem>>) src(%dma_wait3A_54 : memref<128x128xf32, #tpu.memory_space<vmem>>) dst(%dma_wait3A_50 : memref<128x128xf32, #tpu.memory_space<vmem_shared>>)
          tpu.yield
        }) : () -> ()
        %scan3A_31 = arith.constant 0 : i32
        scf.yield %scan3A_31 : i32
      }
      %scan3A_25 = arith.constant 5 : i32
    } else {
    }
    %barrier3A = arith.constant 0 : index
    tpu.barrier barrier_id(%barrier3A)
    %convert_element_type3A_5 = arith.extui %lt3A_3 : i1 to i32
    %cond3A_6 = arith.constant 0 : i32
    %cond3A_7 = arith.cmpi ne, %convert_element_type3A_5, %cond3A_6 : i32
    scf.if %cond3A_7 {
      %scan3A = arith.constant 0 : i32
      %scan3A_12 = arith.constant 0 : i32
      %scan3A_13 = arith.constant 20 : i32
      %scan3A_14 = arith.addi %scan3A_12, %scan3A_13 : i32
      %scan3A_15 = arith.constant 1 : i32
      %scan3A_16 = scf.for %scan3A_18 = %scan3A_12 to %scan3A_14 step %scan3A_15 iter_args(%scan3A_19 = %scan3A) -> (i32)  : i32 {
        %mul3A_20 = arith.constant 8 : i32
        %mul3A_21 = arith.muli %scan3A_18, %mul3A_20 : i32
        "tpu.region"() ({
          %run_scoped3A_230 = tpu.sem_alloc : memref<!tpu.dma_semaphore, #tpu.memory_space<semaphore_mem>>
          %dma_start3A_231 = arith.constant 0 : i32
          %dma_start3A_232 = tpu.memref_slice %arg3[%add3A, %mul3A_21, %dma_start3A_231] : memref<16x160x128xi32, #tpu.memory_space<hbm>> -> memref<1x8x128xi32, #tpu.memory_space<hbm>>
          %dma_start3A_233 = tpu.memref_squeeze %dma_start3A_232 : memref<1x8x128xi32, #tpu.memory_space<hbm>> -> memref<8x128xi32, #tpu.memory_space<hbm>>
          %dma_start3A_234 = arith.constant 0 : i32
          %dma_start3A_235 = tpu.memref_slice %arg3[%add3A, %mul3A_21, %dma_start3A_234] : memref<16x160x128xi32, #tpu.memory_space<hbm>> -> memref<1x8x128xi32, #tpu.memory_space<hbm>>
          %dma_start3A_236 = tpu.memref_squeeze %dma_start3A_235 : memref<1x8x128xi32, #tpu.memory_space<hbm>> -> memref<8x128xi32, #tpu.memory_space<hbm>>
          tpu.enqueue_dma source(%dma_start3A_236 : memref<8x128xi32, #tpu.memory_space<hbm>>) target(%arg7 : memref<8x128xi32, #tpu.memory_space<vmem>>) target_semaphore(%run_scoped3A_230 : memref<!tpu.dma_semaphore, #tpu.memory_space<semaphore_mem>>)
          %dma_wait3A_237 = arith.constant 0 : i32
          %dma_wait3A_238 = tpu.memref_slice %arg3[%add3A, %mul3A_21, %dma_wait3A_237] : memref<16x160x128xi32, #tpu.memory_space<hbm>> -> memref<1x8x128xi32, #tpu.memory_space<hbm>>
          %dma_wait3A_239 = tpu.memref_squeeze %dma_wait3A_238 : memref<1x8x128xi32, #tpu.memory_space<hbm>> -> memref<8x128xi32, #tpu.memory_space<hbm>>
          %dma_wait3A_240 = arith.constant 0 : i32
          %dma_wait3A_241 = tpu.memref_slice %arg3[%add3A, %mul3A_21, %dma_wait3A_240] : memref<16x160x128xi32, #tpu.memory_space<hbm>> -> memref<1x8x128xi32, #tpu.memory_space<hbm>>
          %dma_wait3A_242 = tpu.memref_squeeze %dma_wait3A_241 : memref<1x8x128xi32, #tpu.memory_space<hbm>> -> memref<8x128xi32, #tpu.memory_space<hbm>>
          tpu.wait_dma2 semaphore(%run_scoped3A_230 : memref<!tpu.dma_semaphore, #tpu.memory_space<semaphore_mem>>) src(%dma_wait3A_242 : memref<8x128xi32, #tpu.memory_space<hbm>>) dst(%arg7 : memref<8x128xi32, #tpu.memory_space<vmem>>)
          tpu.yield
        }) : () -> ()
        %mul3A_22 = arith.constant 8 : i32
        %mul3A_23 = arith.muli %scan3A_18, %mul3A_22 : i32
        "tpu.region"() ({
          %run_scoped3A_230 = tpu.sem_alloc : memref<!tpu.dma_semaphore, #tpu.memory_space<semaphore_mem>>
          %dma_start3A_231 = arith.constant 0 : i32
          %dma_start3A_232 = tpu.memref_slice %arg4[%add3A, %mul3A_23, %dma_start3A_231] : memref<16x160x128xi32, #tpu.memory_space<hbm>> -> memref<1x8x128xi32, #tpu.memory_space<hbm>>
          %dma_start3A_233 = tpu.memref_squeeze %dma_start3A_232 : memref<1x8x128xi32, #tpu.memory_space<hbm>> -> memref<8x128xi32, #tpu.memory_space<hbm>>
          %dma_start3A_234 = arith.constant 0 : i32
          %dma_start3A_235 = tpu.memref_slice %arg4[%add3A, %mul3A_23, %dma_start3A_234] : memref<16x160x128xi32, #tpu.memory_space<hbm>> -> memref<1x8x128xi32, #tpu.memory_space<hbm>>
          %dma_start3A_236 = tpu.memref_squeeze %dma_start3A_235 : memref<1x8x128xi32, #tpu.memory_space<hbm>> -> memref<8x128xi32, #tpu.memory_space<hbm>>
          tpu.enqueue_dma source(%dma_start3A_236 : memref<8x128xi32, #tpu.memory_space<hbm>>) target(%arg8 : memref<8x128xi32, #tpu.memory_space<vmem>>) target_semaphore(%run_scoped3A_230 : memref<!tpu.dma_semaphore, #tpu.memory_space<semaphore_mem>>)
          %dma_wait3A_237 = arith.constant 0 : i32
          %dma_wait3A_238 = tpu.memref_slice %arg4[%add3A, %mul3A_23, %dma_wait3A_237] : memref<16x160x128xi32, #tpu.memory_space<hbm>> -> memref<1x8x128xi32, #tpu.memory_space<hbm>>
          %dma_wait3A_239 = tpu.memref_squeeze %dma_wait3A_238 : memref<1x8x128xi32, #tpu.memory_space<hbm>> -> memref<8x128xi32, #tpu.memory_space<hbm>>
          %dma_wait3A_240 = arith.constant 0 : i32
          %dma_wait3A_241 = tpu.memref_slice %arg4[%add3A, %mul3A_23, %dma_wait3A_240] : memref<16x160x128xi32, #tpu.memory_space<hbm>> -> memref<1x8x128xi32, #tpu.memory_space<hbm>>
          %dma_wait3A_242 = tpu.memref_squeeze %dma_wait3A_241 : memref<1x8x128xi32, #tpu.memory_space<hbm>> -> memref<8x128xi32, #tpu.memory_space<hbm>>
          tpu.wait_dma2 semaphore(%run_scoped3A_230 : memref<!tpu.dma_semaphore, #tpu.memory_space<semaphore_mem>>) src(%dma_wait3A_242 : memref<8x128xi32, #tpu.memory_space<hbm>>) dst(%arg8 : memref<8x128xi32, #tpu.memory_space<vmem>>)
          tpu.yield
        }) : () -> ()
        %dma_start3A = arith.constant 0 : i32
        %dma_start3A_24 = arith.constant 0 : i32
        %dma_start3A_25 = arith.constant 0 : i32
        %dma_start3A_26 = arith.constant 0 : i32
        %dma_start3A_27 = tpu.memref_slice %arg9[%dma_start3A_24, %dma_start3A_25, %dma_start3A_26] : memref<2x128x128xf32, #tpu.memory_space<vmem>> -> memref<1x128x128xf32, #tpu.memory_space<vmem>>
        %dma_start3A_28 = tpu.memref_squeeze %dma_start3A_27 : memref<1x128x128xf32, #tpu.memory_space<vmem>> -> memref<128x128xf32, #tpu.memory_space<vmem>>
        %dma_start3A_29 = arith.constant 0 : i32
        %dma_start3A_30 = tpu.memref_slice %arg7[%dma_start3A, %dma_start3A_29] : memref<8x128xi32, #tpu.memory_space<vmem>> -> memref<1x128xi32, #tpu.memory_space<vmem>>
        %dma_start3A_31 = tpu.memref_squeeze %dma_start3A_30 : memref<1x128xi32, #tpu.memory_space<vmem>> -> memref<128xi32, #tpu.memory_space<vmem>>
        %dma_start3A_32 = arith.constant 0 : i32
        %dma_start3A_33 = arith.constant 0 : i32
        %dma_start3A_34 = tpu.memref_slice %arg2[%dma_start3A_32, %dma_start3A_33] : memref<10240x128xf32, #tpu.memory_space<hbm>> -> memref<10240x128xf32, #tpu.memory_space<hbm>>
        tpu.enqueue_indirect_dma source(%dma_start3A_34 : memref<10240x128xf32, #tpu.memory_space<hbm>>) target(%dma_start3A_28 : memref<128x128xf32, #tpu.memory_space<vmem>>) offsets(%dma_start3A_31 : memref<128xi32, #tpu.memory_space<vmem>>) semaphore(%arg10 : memref<!tpu.dma_semaphore, #tpu.memory_space<semaphore_mem>>)
        %dma_start3A_35 = arith.constant 1 : i32
        %dma_start3A_36 = arith.constant 1 : i32
        %dma_start3A_37 = arith.constant 0 : i32
        %dma_start3A_38 = arith.constant 0 : i32
        %dma_start3A_39 = tpu.memref_slice %arg9[%dma_start3A_36, %dma_start3A_37, %dma_start3A_38] : memref<2x128x128xf32, #tpu.memory_space<vmem>> -> memref<1x128x128xf32, #tpu.memory_space<vmem>>
        %dma_start3A_40 = tpu.memref_squeeze %dma_start3A_39 : memref<1x128x128xf32, #tpu.memory_space<vmem>> -> memref<128x128xf32, #tpu.memory_space<vmem>>
        %dma_start3A_41 = arith.constant 0 : i32
        %dma_start3A_42 = tpu.memref_slice %arg7[%dma_start3A_35, %dma_start3A_41] : memref<8x128xi32, #tpu.memory_space<vmem>> -> memref<1x128xi32, #tpu.memory_space<vmem>>
        %dma_start3A_43 = tpu.memref_squeeze %dma_start3A_42 : memref<1x128xi32, #tpu.memory_space<vmem>> -> memref<128xi32, #tpu.memory_space<vmem>>
        %dma_start3A_44 = arith.constant 0 : i32
        %dma_start3A_45 = arith.constant 0 : i32
        %dma_start3A_46 = tpu.memref_slice %arg2[%dma_start3A_44, %dma_start3A_45] : memref<10240x128xf32, #tpu.memory_space<hbm>> -> memref<10240x128xf32, #tpu.memory_space<hbm>>
        tpu.enqueue_indirect_dma source(%dma_start3A_46 : memref<10240x128xf32, #tpu.memory_space<hbm>>) target(%dma_start3A_40 : memref<128x128xf32, #tpu.memory_space<vmem>>) offsets(%dma_start3A_43 : memref<128xi32, #tpu.memory_space<vmem>>) semaphore(%arg11 : memref<!tpu.dma_semaphore, #tpu.memory_space<semaphore_mem>>)
        %dma_wait3A = arith.constant 0 : i32
        %dma_wait3A_47 = arith.constant 0 : i32
        %dma_wait3A_48 = arith.constant 0 : i32
        %dma_wait3A_49 = arith.constant 0 : i32
        %dma_wait3A_50 = tpu.memref_slice %arg9[%dma_wait3A_47, %dma_wait3A_48, %dma_wait3A_49] : memref<2x128x128xf32, #tpu.memory_space<vmem>> -> memref<1x128x128xf32, #tpu.memory_space<vmem>>
        %dma_wait3A_51 = tpu.memref_squeeze %dma_wait3A_50 : memref<1x128x128xf32, #tpu.memory_space<vmem>> -> memref<128x128xf32, #tpu.memory_space<vmem>>
        %dma_wait3A_52 = arith.constant 0 : i32
        %dma_wait3A_53 = tpu.memref_slice %arg7[%dma_wait3A, %dma_wait3A_52] : memref<8x128xi32, #tpu.memory_space<vmem>> -> memref<1x128xi32, #tpu.memory_space<vmem>>
        %dma_wait3A_54 = tpu.memref_squeeze %dma_wait3A_53 : memref<1x128xi32, #tpu.memory_space<vmem>> -> memref<128xi32, #tpu.memory_space<vmem>>
        %dma_wait3A_55 = arith.constant 0 : i32
        %dma_wait3A_56 = arith.constant 0 : i32
        %dma_wait3A_57 = tpu.memref_slice %arg2[%dma_wait3A_55, %dma_wait3A_56] : memref<10240x128xf32, #tpu.memory_space<hbm>> -> memref<10240x128xf32, #tpu.memory_space<hbm>>
        tpu.wait_indirect_dma semaphore(%arg10 : memref<!tpu.dma_semaphore, #tpu.memory_space<semaphore_mem>>) src(%dma_wait3A_57 : memref<10240x128xf32, #tpu.memory_space<hbm>>) dst(%dma_wait3A_51 : memref<128x128xf32, #tpu.memory_space<vmem>>)
        %run_scoped3A = arith.constant 0 : i32
        %run_scoped3A_58 = arith.constant 0 : i32
        "tpu.region"() ({
          %run_scoped3A_230 = tpu.sem_alloc : memref<!tpu.dma_semaphore, #tpu.memory_space<semaphore_mem>>
          %dma_start3A_231 = arith.constant 0 : i32
          %dma_start3A_232 = arith.constant 0 : i32
          %dma_start3A_233 = tpu.memref_slice %arg9[%run_scoped3A, %dma_start3A_231, %dma_start3A_232] : memref<2x128x128xf32, #tpu.memory_space<vmem>> -> memref<1x128x128xf32, #tpu.memory_space<vmem>>
          %dma_start3A_234 = tpu.memref_squeeze %dma_start3A_233 : memref<1x128x128xf32, #tpu.memory_space<vmem>> -> memref<128x128xf32, #tpu.memory_space<vmem>>
          %dma_start3A_235 = arith.constant 0 : i32
          %dma_start3A_236 = tpu.memref_slice %arg8[%run_scoped3A_58, %dma_start3A_235] : memref<8x128xi32, #tpu.memory_space<vmem>> -> memref<1x128xi32, #tpu.memory_space<vmem>>
          %dma_start3A_237 = tpu.memref_squeeze %dma_start3A_236 : memref<1x128xi32, #tpu.memory_space<vmem>> -> memref<128xi32, #tpu.memory_space<vmem>>
          %dma_start3A_238 = arith.constant 0 : i32
          %dma_start3A_239 = arith.constant 0 : i32
          %dma_start3A_240 = tpu.memref_slice %arg6[%dma_start3A_238, %dma_start3A_239] : memref<10240x128xf32, #tpu.memory_space<vmem_shared>> -> memref<10240x128xf32, #tpu.memory_space<vmem_shared>>
          tpu.enqueue_indirect_dma source(%dma_start3A_234 : memref<128x128xf32, #tpu.memory_space<vmem>>) target(%dma_start3A_240 : memref<10240x128xf32, #tpu.memory_space<vmem_shared>>) offsets(%dma_start3A_237 : memref<128xi32, #tpu.memory_space<vmem>>) semaphore(%run_scoped3A_230 : memref<!tpu.dma_semaphore, #tpu.memory_space<semaphore_mem>>) {add = true}
          %dma_wait3A_241 = arith.constant 0 : i32
          %dma_wait3A_242 = arith.constant 0 : i32
          %dma_wait3A_243 = tpu.memref_slice %arg9[%run_scoped3A, %dma_wait3A_241, %dma_wait3A_242] : memref<2x128x128xf32, #tpu.memory_space<vmem>> -> memref<1x128x128xf32, #tpu.memory_space<vmem>>
          %dma_wait3A_244 = tpu.memref_squeeze %dma_wait3A_243 : memref<1x128x128xf32, #tpu.memory_space<vmem>> -> memref<128x128xf32, #tpu.memory_space<vmem>>
          %dma_wait3A_245 = arith.constant 0 : i32
          %dma_wait3A_246 = tpu.memref_slice %arg8[%run_scoped3A_58, %dma_wait3A_245] : memref<8x128xi32, #tpu.memory_space<vmem>> -> memref<1x128xi32, #tpu.memory_space<vmem>>
          %dma_wait3A_247 = tpu.memref_squeeze %dma_wait3A_246 : memref<1x128xi32, #tpu.memory_space<vmem>> -> memref<128xi32, #tpu.memory_space<vmem>>
          %dma_wait3A_248 = arith.constant 0 : i32
          %dma_wait3A_249 = arith.constant 0 : i32
          %dma_wait3A_250 = tpu.memref_slice %arg6[%dma_wait3A_248, %dma_wait3A_249] : memref<10240x128xf32, #tpu.memory_space<vmem_shared>> -> memref<10240x128xf32, #tpu.memory_space<vmem_shared>>
          tpu.wait_indirect_dma semaphore(%run_scoped3A_230 : memref<!tpu.dma_semaphore, #tpu.memory_space<semaphore_mem>>) src(%dma_wait3A_244 : memref<128x128xf32, #tpu.memory_space<vmem>>) dst(%dma_wait3A_250 : memref<10240x128xf32, #tpu.memory_space<vmem_shared>>)
          tpu.yield
        }) : () -> ()
        %dma_start3A_59 = arith.constant 2 : i32
        %dma_start3A_60 = arith.constant 0 : i32
        %dma_start3A_61 = arith.constant 0 : i32
        %dma_start3A_62 = arith.constant 0 : i32
        %dma_start3A_63 = tpu.memref_slice %arg9[%dma_start3A_60, %dma_start3A_61, %dma_start3A_62] : memref<2x128x128xf32, #tpu.memory_space<vmem>> -> memref<1x128x128xf32, #tpu.memory_space<vmem>>
        %dma_start3A_64 = tpu.memref_squeeze %dma_start3A_63 : memref<1x128x128xf32, #tpu.memory_space<vmem>> -> memref<128x128xf32, #tpu.memory_space<vmem>>
        %dma_start3A_65 = arith.constant 0 : i32
        %dma_start3A_66 = tpu.memref_slice %arg7[%dma_start3A_59, %dma_start3A_65] : memref<8x128xi32, #tpu.memory_space<vmem>> -> memref<1x128xi32, #tpu.memory_space<vmem>>
        %dma_start3A_67 = tpu.memref_squeeze %dma_start3A_66 : memref<1x128xi32, #tpu.memory_space<vmem>> -> memref<128xi32, #tpu.memory_space<vmem>>
        %dma_start3A_68 = arith.constant 0 : i32
        %dma_start3A_69 = arith.constant 0 : i32
        %dma_start3A_70 = tpu.memref_slice %arg2[%dma_start3A_68, %dma_start3A_69] : memref<10240x128xf32, #tpu.memory_space<hbm>> -> memref<10240x128xf32, #tpu.memory_space<hbm>>
        tpu.enqueue_indirect_dma source(%dma_start3A_70 : memref<10240x128xf32, #tpu.memory_space<hbm>>) target(%dma_start3A_64 : memref<128x128xf32, #tpu.memory_space<vmem>>) offsets(%dma_start3A_67 : memref<128xi32, #tpu.memory_space<vmem>>) semaphore(%arg10 : memref<!tpu.dma_semaphore, #tpu.memory_space<semaphore_mem>>)
        %dma_wait3A_71 = arith.constant 1 : i32
        %dma_wait3A_72 = arith.constant 1 : i32
        %dma_wait3A_73 = arith.constant 0 : i32
        %dma_wait3A_74 = arith.constant 0 : i32
        %dma_wait3A_75 = tpu.memref_slice %arg9[%dma_wait3A_72, %dma_wait3A_73, %dma_wait3A_74] : memref<2x128x128xf32, #tpu.memory_space<vmem>> -> memref<1x128x128xf32, #tpu.memory_space<vmem>>
        %dma_wait3A_76 = tpu.memref_squeeze %dma_wait3A_75 : memref<1x128x128xf32, #tpu.memory_space<vmem>> -> memref<128x128xf32, #tpu.memory_space<vmem>>
        %dma_wait3A_77 = arith.constant 0 : i32
        %dma_wait3A_78 = tpu.memref_slice %arg7[%dma_wait3A_71, %dma_wait3A_77] : memref<8x128xi32, #tpu.memory_space<vmem>> -> memref<1x128xi32, #tpu.memory_space<vmem>>
        %dma_wait3A_79 = tpu.memref_squeeze %dma_wait3A_78 : memref<1x128xi32, #tpu.memory_space<vmem>> -> memref<128xi32, #tpu.memory_space<vmem>>
        %dma_wait3A_80 = arith.constant 0 : i32
        %dma_wait3A_81 = arith.constant 0 : i32
        %dma_wait3A_82 = tpu.memref_slice %arg2[%dma_wait3A_80, %dma_wait3A_81] : memref<10240x128xf32, #tpu.memory_space<hbm>> -> memref<10240x128xf32, #tpu.memory_space<hbm>>
        tpu.wait_indirect_dma semaphore(%arg11 : memref<!tpu.dma_semaphore, #tpu.memory_space<semaphore_mem>>) src(%dma_wait3A_82 : memref<10240x128xf32, #tpu.memory_space<hbm>>) dst(%dma_wait3A_76 : memref<128x128xf32, #tpu.memory_space<vmem>>)
        %run_scoped3A_83 = arith.constant 1 : i32
        %run_scoped3A_84 = arith.constant 1 : i32
        "tpu.region"() ({
          %run_scoped3A_230 = tpu.sem_alloc : memref<!tpu.dma_semaphore, #tpu.memory_space<semaphore_mem>>
          %dma_start3A_231 = arith.constant 0 : i32
          %dma_start3A_232 = arith.constant 0 : i32
          %dma_start3A_233 = tpu.memref_slice %arg9[%run_scoped3A_83, %dma_start3A_231, %dma_start3A_232] : memref<2x128x128xf32, #tpu.memory_space<vmem>> -> memref<1x128x128xf32, #tpu.memory_space<vmem>>
          %dma_start3A_234 = tpu.memref_squeeze %dma_start3A_233 : memref<1x128x128xf32, #tpu.memory_space<vmem>> -> memref<128x128xf32, #tpu.memory_space<vmem>>
          %dma_start3A_235 = arith.constant 0 : i32
          %dma_start3A_236 = tpu.memref_slice %arg8[%run_scoped3A_84, %dma_start3A_235] : memref<8x128xi32, #tpu.memory_space<vmem>> -> memref<1x128xi32, #tpu.memory_space<vmem>>
          %dma_start3A_237 = tpu.memref_squeeze %dma_start3A_236 : memref<1x128xi32, #tpu.memory_space<vmem>> -> memref<128xi32, #tpu.memory_space<vmem>>
          %dma_start3A_238 = arith.constant 0 : i32
          %dma_start3A_239 = arith.constant 0 : i32
          %dma_start3A_240 = tpu.memref_slice %arg6[%dma_start3A_238, %dma_start3A_239] : memref<10240x128xf32, #tpu.memory_space<vmem_shared>> -> memref<10240x128xf32, #tpu.memory_space<vmem_shared>>
          tpu.enqueue_indirect_dma source(%dma_start3A_234 : memref<128x128xf32, #tpu.memory_space<vmem>>) target(%dma_start3A_240 : memref<10240x128xf32, #tpu.memory_space<vmem_shared>>) offsets(%dma_start3A_237 : memref<128xi32, #tpu.memory_space<vmem>>) semaphore(%run_scoped3A_230 : memref<!tpu.dma_semaphore, #tpu.memory_space<semaphore_mem>>) {add = true}
          %dma_wait3A_241 = arith.constant 0 : i32
          %dma_wait3A_242 = arith.constant 0 : i32
          %dma_wait3A_243 = tpu.memref_slice %arg9[%run_scoped3A_83, %dma_wait3A_241, %dma_wait3A_242] : memref<2x128x128xf32, #tpu.memory_space<vmem>> -> memref<1x128x128xf32, #tpu.memory_space<vmem>>
          %dma_wait3A_244 = tpu.memref_squeeze %dma_wait3A_243 : memref<1x128x128xf32, #tpu.memory_space<vmem>> -> memref<128x128xf32, #tpu.memory_space<vmem>>
          %dma_wait3A_245 = arith.constant 0 : i32
          %dma_wait3A_246 = tpu.memref_slice %arg8[%run_scoped3A_84, %dma_wait3A_245] : memref<8x128xi32, #tpu.memory_space<vmem>> -> memref<1x128xi32, #tpu.memory_space<vmem>>
          %dma_wait3A_247 = tpu.memref_squeeze %dma_wait3A_246 : memref<1x128xi32, #tpu.memory_space<vmem>> -> memref<128xi32, #tpu.memory_space<vmem>>
          %dma_wait3A_248 = arith.constant 0 : i32
          %dma_wait3A_249 = arith.constant 0 : i32
          %dma_wait3A_250 = tpu.memref_slice %arg6[%dma_wait3A_248, %dma_wait3A_249] : memref<10240x128xf32, #tpu.memory_space<vmem_shared>> -> memref<10240x128xf32, #tpu.memory_space<vmem_shared>>
          tpu.wait_indirect_dma semaphore(%run_scoped3A_230 : memref<!tpu.dma_semaphore, #tpu.memory_space<semaphore_mem>>) src(%dma_wait3A_244 : memref<128x128xf32, #tpu.memory_space<vmem>>) dst(%dma_wait3A_250 : memref<10240x128xf32, #tpu.memory_space<vmem_shared>>)
          tpu.yield
        }) : () -> ()
        %dma_start3A_85 = arith.constant 3 : i32
        %dma_start3A_86 = arith.constant 1 : i32
        %dma_start3A_87 = arith.constant 0 : i32
        %dma_start3A_88 = arith.constant 0 : i32
        %dma_start3A_89 = tpu.memref_slice %arg9[%dma_start3A_86, %dma_start3A_87, %dma_start3A_88] : memref<2x128x128xf32, #tpu.memory_space<vmem>> -> memref<1x128x128xf32, #tpu.memory_space<vmem>>
        %dma_start3A_90 = tpu.memref_squeeze %dma_start3A_89 : memref<1x128x128xf32, #tpu.memory_space<vmem>> -> memref<128x128xf32, #tpu.memory_space<vmem>>
        %dma_start3A_91 = arith.constant 0 : i32
        %dma_start3A_92 = tpu.memref_slice %arg7[%dma_start3A_85, %dma_start3A_91] : memref<8x128xi32, #tpu.memory_space<vmem>> -> memref<1x128xi32, #tpu.memory_space<vmem>>
        %dma_start3A_93 = tpu.memref_squeeze %dma_start3A_92 : memref<1x128xi32, #tpu.memory_space<vmem>> -> memref<128xi32, #tpu.memory_space<vmem>>
        %dma_start3A_94 = arith.constant 0 : i32
        %dma_start3A_95 = arith.constant 0 : i32
        %dma_start3A_96 = tpu.memref_slice %arg2[%dma_start3A_94, %dma_start3A_95] : memref<10240x128xf32, #tpu.memory_space<hbm>> -> memref<10240x128xf32, #tpu.memory_space<hbm>>
        tpu.enqueue_indirect_dma source(%dma_start3A_96 : memref<10240x128xf32, #tpu.memory_space<hbm>>) target(%dma_start3A_90 : memref<128x128xf32, #tpu.memory_space<vmem>>) offsets(%dma_start3A_93 : memref<128xi32, #tpu.memory_space<vmem>>) semaphore(%arg11 : memref<!tpu.dma_semaphore, #tpu.memory_space<semaphore_mem>>)
        %dma_wait3A_97 = arith.constant 2 : i32
        %dma_wait3A_98 = arith.constant 0 : i32
        %dma_wait3A_99 = arith.constant 0 : i32
        %dma_wait3A_100 = arith.constant 0 : i32
        %dma_wait3A_101 = tpu.memref_slice %arg9[%dma_wait3A_98, %dma_wait3A_99, %dma_wait3A_100] : memref<2x128x128xf32, #tpu.memory_space<vmem>> -> memref<1x128x128xf32, #tpu.memory_space<vmem>>
        %dma_wait3A_102 = tpu.memref_squeeze %dma_wait3A_101 : memref<1x128x128xf32, #tpu.memory_space<vmem>> -> memref<128x128xf32, #tpu.memory_space<vmem>>
        %dma_wait3A_103 = arith.constant 0 : i32
        %dma_wait3A_104 = tpu.memref_slice %arg7[%dma_wait3A_97, %dma_wait3A_103] : memref<8x128xi32, #tpu.memory_space<vmem>> -> memref<1x128xi32, #tpu.memory_space<vmem>>
        %dma_wait3A_105 = tpu.memref_squeeze %dma_wait3A_104 : memref<1x128xi32, #tpu.memory_space<vmem>> -> memref<128xi32, #tpu.memory_space<vmem>>
        %dma_wait3A_106 = arith.constant 0 : i32
        %dma_wait3A_107 = arith.constant 0 : i32
        %dma_wait3A_108 = tpu.memref_slice %arg2[%dma_wait3A_106, %dma_wait3A_107] : memref<10240x128xf32, #tpu.memory_space<hbm>> -> memref<10240x128xf32, #tpu.memory_space<hbm>>
        tpu.wait_indirect_dma semaphore(%arg10 : memref<!tpu.dma_semaphore, #tpu.memory_space<semaphore_mem>>) src(%dma_wait3A_108 : memref<10240x128xf32, #tpu.memory_space<hbm>>) dst(%dma_wait3A_102 : memref<128x128xf32, #tpu.memory_space<vmem>>)
        %run_scoped3A_109 = arith.constant 0 : i32
        %run_scoped3A_110 = arith.constant 2 : i32
        "tpu.region"() ({
          %run_scoped3A_230 = tpu.sem_alloc : memref<!tpu.dma_semaphore, #tpu.memory_space<semaphore_mem>>
          %dma_start3A_231 = arith.constant 0 : i32
          %dma_start3A_232 = arith.constant 0 : i32
          %dma_start3A_233 = tpu.memref_slice %arg9[%run_scoped3A_109, %dma_start3A_231, %dma_start3A_232] : memref<2x128x128xf32, #tpu.memory_space<vmem>> -> memref<1x128x128xf32, #tpu.memory_space<vmem>>
          %dma_start3A_234 = tpu.memref_squeeze %dma_start3A_233 : memref<1x128x128xf32, #tpu.memory_space<vmem>> -> memref<128x128xf32, #tpu.memory_space<vmem>>
          %dma_start3A_235 = arith.constant 0 : i32
          %dma_start3A_236 = tpu.memref_slice %arg8[%run_scoped3A_110, %dma_start3A_235] : memref<8x128xi32, #tpu.memory_space<vmem>> -> memref<1x128xi32, #tpu.memory_space<vmem>>
          %dma_start3A_237 = tpu.memref_squeeze %dma_start3A_236 : memref<1x128xi32, #tpu.memory_space<vmem>> -> memref<128xi32, #tpu.memory_space<vmem>>
          %dma_start3A_238 = arith.constant 0 : i32
          %dma_start3A_239 = arith.constant 0 : i32
          %dma_start3A_240 = tpu.memref_slice %arg6[%dma_start3A_238, %dma_start3A_239] : memref<10240x128xf32, #tpu.memory_space<vmem_shared>> -> memref<10240x128xf32, #tpu.memory_space<vmem_shared>>
          tpu.enqueue_indirect_dma source(%dma_start3A_234 : memref<128x128xf32, #tpu.memory_space<vmem>>) target(%dma_start3A_240 : memref<10240x128xf32, #tpu.memory_space<vmem_shared>>) offsets(%dma_start3A_237 : memref<128xi32, #tpu.memory_space<vmem>>) semaphore(%run_scoped3A_230 : memref<!tpu.dma_semaphore, #tpu.memory_space<semaphore_mem>>) {add = true}
          %dma_wait3A_241 = arith.constant 0 : i32
          %dma_wait3A_242 = arith.constant 0 : i32
          %dma_wait3A_243 = tpu.memref_slice %arg9[%run_scoped3A_109, %dma_wait3A_241, %dma_wait3A_242] : memref<2x128x128xf32, #tpu.memory_space<vmem>> -> memref<1x128x128xf32, #tpu.memory_space<vmem>>
          %dma_wait3A_244 = tpu.memref_squeeze %dma_wait3A_243 : memref<1x128x128xf32, #tpu.memory_space<vmem>> -> memref<128x128xf32, #tpu.memory_space<vmem>>
          %dma_wait3A_245 = arith.constant 0 : i32
          %dma_wait3A_246 = tpu.memref_slice %arg8[%run_scoped3A_110, %dma_wait3A_245] : memref<8x128xi32, #tpu.memory_space<vmem>> -> memref<1x128xi32, #tpu.memory_space<vmem>>
          %dma_wait3A_247 = tpu.memref_squeeze %dma_wait3A_246 : memref<1x128xi32, #tpu.memory_space<vmem>> -> memref<128xi32, #tpu.memory_space<vmem>>
          %dma_wait3A_248 = arith.constant 0 : i32
          %dma_wait3A_249 = arith.constant 0 : i32
          %dma_wait3A_250 = tpu.memref_slice %arg6[%dma_wait3A_248, %dma_wait3A_249] : memref<10240x128xf32, #tpu.memory_space<vmem_shared>> -> memref<10240x128xf32, #tpu.memory_space<vmem_shared>>
          tpu.wait_indirect_dma semaphore(%run_scoped3A_230 : memref<!tpu.dma_semaphore, #tpu.memory_space<semaphore_mem>>) src(%dma_wait3A_244 : memref<128x128xf32, #tpu.memory_space<vmem>>) dst(%dma_wait3A_250 : memref<10240x128xf32, #tpu.memory_space<vmem_shared>>)
          tpu.yield
        }) : () -> ()
        %dma_start3A_111 = arith.constant 4 : i32
        %dma_start3A_112 = arith.constant 0 : i32
        %dma_start3A_113 = arith.constant 0 : i32
        %dma_start3A_114 = arith.constant 0 : i32
        %dma_start3A_115 = tpu.memref_slice %arg9[%dma_start3A_112, %dma_start3A_113, %dma_start3A_114] : memref<2x128x128xf32, #tpu.memory_space<vmem>> -> memref<1x128x128xf32, #tpu.memory_space<vmem>>
        %dma_start3A_116 = tpu.memref_squeeze %dma_start3A_115 : memref<1x128x128xf32, #tpu.memory_space<vmem>> -> memref<128x128xf32, #tpu.memory_space<vmem>>
        %dma_start3A_117 = arith.constant 0 : i32
        %dma_start3A_118 = tpu.memref_slice %arg7[%dma_start3A_111, %dma_start3A_117] : memref<8x128xi32, #tpu.memory_space<vmem>> -> memref<1x128xi32, #tpu.memory_space<vmem>>
        %dma_start3A_119 = tpu.memref_squeeze %dma_start3A_118 : memref<1x128xi32, #tpu.memory_space<vmem>> -> memref<128xi32, #tpu.memory_space<vmem>>
        %dma_start3A_120 = arith.constant 0 : i32
        %dma_start3A_121 = arith.constant 0 : i32
        %dma_start3A_122 = tpu.memref_slice %arg2[%dma_start3A_120, %dma_start3A_121] : memref<10240x128xf32, #tpu.memory_space<hbm>> -> memref<10240x128xf32, #tpu.memory_space<hbm>>
        tpu.enqueue_indirect_dma source(%dma_start3A_122 : memref<10240x128xf32, #tpu.memory_space<hbm>>) target(%dma_start3A_116 : memref<128x128xf32, #tpu.memory_space<vmem>>) offsets(%dma_start3A_119 : memref<128xi32, #tpu.memory_space<vmem>>) semaphore(%arg10 : memref<!tpu.dma_semaphore, #tpu.memory_space<semaphore_mem>>)
        %dma_wait3A_123 = arith.constant 3 : i32
        %dma_wait3A_124 = arith.constant 1 : i32
        %dma_wait3A_125 = arith.constant 0 : i32
        %dma_wait3A_126 = arith.constant 0 : i32
        %dma_wait3A_127 = tpu.memref_slice %arg9[%dma_wait3A_124, %dma_wait3A_125, %dma_wait3A_126] : memref<2x128x128xf32, #tpu.memory_space<vmem>> -> memref<1x128x128xf32, #tpu.memory_space<vmem>>
        %dma_wait3A_128 = tpu.memref_squeeze %dma_wait3A_127 : memref<1x128x128xf32, #tpu.memory_space<vmem>> -> memref<128x128xf32, #tpu.memory_space<vmem>>
        %dma_wait3A_129 = arith.constant 0 : i32
        %dma_wait3A_130 = tpu.memref_slice %arg7[%dma_wait3A_123, %dma_wait3A_129] : memref<8x128xi32, #tpu.memory_space<vmem>> -> memref<1x128xi32, #tpu.memory_space<vmem>>
        %dma_wait3A_131 = tpu.memref_squeeze %dma_wait3A_130 : memref<1x128xi32, #tpu.memory_space<vmem>> -> memref<128xi32, #tpu.memory_space<vmem>>
        %dma_wait3A_132 = arith.constant 0 : i32
        %dma_wait3A_133 = arith.constant 0 : i32
        %dma_wait3A_134 = tpu.memref_slice %arg2[%dma_wait3A_132, %dma_wait3A_133] : memref<10240x128xf32, #tpu.memory_space<hbm>> -> memref<10240x128xf32, #tpu.memory_space<hbm>>
        tpu.wait_indirect_dma semaphore(%arg11 : memref<!tpu.dma_semaphore, #tpu.memory_space<semaphore_mem>>) src(%dma_wait3A_134 : memref<10240x128xf32, #tpu.memory_space<hbm>>) dst(%dma_wait3A_128 : memref<128x128xf32, #tpu.memory_space<vmem>>)
        %run_scoped3A_135 = arith.constant 1 : i32
        %run_scoped3A_136 = arith.constant 3 : i32
        "tpu.region"() ({
          %run_scoped3A_230 = tpu.sem_alloc : memref<!tpu.dma_semaphore, #tpu.memory_space<semaphore_mem>>
          %dma_start3A_231 = arith.constant 0 : i32
          %dma_start3A_232 = arith.constant 0 : i32
          %dma_start3A_233 = tpu.memref_slice %arg9[%run_scoped3A_135, %dma_start3A_231, %dma_start3A_232] : memref<2x128x128xf32, #tpu.memory_space<vmem>> -> memref<1x128x128xf32, #tpu.memory_space<vmem>>
          %dma_start3A_234 = tpu.memref_squeeze %dma_start3A_233 : memref<1x128x128xf32, #tpu.memory_space<vmem>> -> memref<128x128xf32, #tpu.memory_space<vmem>>
          %dma_start3A_235 = arith.constant 0 : i32
          %dma_start3A_236 = tpu.memref_slice %arg8[%run_scoped3A_136, %dma_start3A_235] : memref<8x128xi32, #tpu.memory_space<vmem>> -> memref<1x128xi32, #tpu.memory_space<vmem>>
          %dma_start3A_237 = tpu.memref_squeeze %dma_start3A_236 : memref<1x128xi32, #tpu.memory_space<vmem>> -> memref<128xi32, #tpu.memory_space<vmem>>
          %dma_start3A_238 = arith.constant 0 : i32
          %dma_start3A_239 = arith.constant 0 : i32
          %dma_start3A_240 = tpu.memref_slice %arg6[%dma_start3A_238, %dma_start3A_239] : memref<10240x128xf32, #tpu.memory_space<vmem_shared>> -> memref<10240x128xf32, #tpu.memory_space<vmem_shared>>
          tpu.enqueue_indirect_dma source(%dma_start3A_234 : memref<128x128xf32, #tpu.memory_space<vmem>>) target(%dma_start3A_240 : memref<10240x128xf32, #tpu.memory_space<vmem_shared>>) offsets(%dma_start3A_237 : memref<128xi32, #tpu.memory_space<vmem>>) semaphore(%run_scoped3A_230 : memref<!tpu.dma_semaphore, #tpu.memory_space<semaphore_mem>>) {add = true}
          %dma_wait3A_241 = arith.constant 0 : i32
          %dma_wait3A_242 = arith.constant 0 : i32
          %dma_wait3A_243 = tpu.memref_slice %arg9[%run_scoped3A_135, %dma_wait3A_241, %dma_wait3A_242] : memref<2x128x128xf32, #tpu.memory_space<vmem>> -> memref<1x128x128xf32, #tpu.memory_space<vmem>>
          %dma_wait3A_244 = tpu.memref_squeeze %dma_wait3A_243 : memref<1x128x128xf32, #tpu.memory_space<vmem>> -> memref<128x128xf32, #tpu.memory_space<vmem>>
          %dma_wait3A_245 = arith.constant 0 : i32
          %dma_wait3A_246 = tpu.memref_slice %arg8[%run_scoped3A_136, %dma_wait3A_245] : memref<8x128xi32, #tpu.memory_space<vmem>> -> memref<1x128xi32, #tpu.memory_space<vmem>>
          %dma_wait3A_247 = tpu.memref_squeeze %dma_wait3A_246 : memref<1x128xi32, #tpu.memory_space<vmem>> -> memref<128xi32, #tpu.memory_space<vmem>>
          %dma_wait3A_248 = arith.constant 0 : i32
          %dma_wait3A_249 = arith.constant 0 : i32
          %dma_wait3A_250 = tpu.memref_slice %arg6[%dma_wait3A_248, %dma_wait3A_249] : memref<10240x128xf32, #tpu.memory_space<vmem_shared>> -> memref<10240x128xf32, #tpu.memory_space<vmem_shared>>
          tpu.wait_indirect_dma semaphore(%run_scoped3A_230 : memref<!tpu.dma_semaphore, #tpu.memory_space<semaphore_mem>>) src(%dma_wait3A_244 : memref<128x128xf32, #tpu.memory_space<vmem>>) dst(%dma_wait3A_250 : memref<10240x128xf32, #tpu.memory_space<vmem_shared>>)
          tpu.yield
        }) : () -> ()
        %dma_start3A_137 = arith.constant 5 : i32
        %dma_start3A_138 = arith.constant 1 : i32
        %dma_start3A_139 = arith.constant 0 : i32
        %dma_start3A_140 = arith.constant 0 : i32
        %dma_start3A_141 = tpu.memref_slice %arg9[%dma_start3A_138, %dma_start3A_139, %dma_start3A_140] : memref<2x128x128xf32, #tpu.memory_space<vmem>> -> memref<1x128x128xf32, #tpu.memory_space<vmem>>
        %dma_start3A_142 = tpu.memref_squeeze %dma_start3A_141 : memref<1x128x128xf32, #tpu.memory_space<vmem>> -> memref<128x128xf32, #tpu.memory_space<vmem>>
        %dma_start3A_143 = arith.constant 0 : i32
        %dma_start3A_144 = tpu.memref_slice %arg7[%dma_start3A_137, %dma_start3A_143] : memref<8x128xi32, #tpu.memory_space<vmem>> -> memref<1x128xi32, #tpu.memory_space<vmem>>
        %dma_start3A_145 = tpu.memref_squeeze %dma_start3A_144 : memref<1x128xi32, #tpu.memory_space<vmem>> -> memref<128xi32, #tpu.memory_space<vmem>>
        %dma_start3A_146 = arith.constant 0 : i32
        %dma_start3A_147 = arith.constant 0 : i32
        %dma_start3A_148 = tpu.memref_slice %arg2[%dma_start3A_146, %dma_start3A_147] : memref<10240x128xf32, #tpu.memory_space<hbm>> -> memref<10240x128xf32, #tpu.memory_space<hbm>>
        tpu.enqueue_indirect_dma source(%dma_start3A_148 : memref<10240x128xf32, #tpu.memory_space<hbm>>) target(%dma_start3A_142 : memref<128x128xf32, #tpu.memory_space<vmem>>) offsets(%dma_start3A_145 : memref<128xi32, #tpu.memory_space<vmem>>) semaphore(%arg11 : memref<!tpu.dma_semaphore, #tpu.memory_space<semaphore_mem>>)
        %dma_wait3A_149 = arith.constant 4 : i32
        %dma_wait3A_150 = arith.constant 0 : i32
        %dma_wait3A_151 = arith.constant 0 : i32
        %dma_wait3A_152 = arith.constant 0 : i32
        %dma_wait3A_153 = tpu.memref_slice %arg9[%dma_wait3A_150, %dma_wait3A_151, %dma_wait3A_152] : memref<2x128x128xf32, #tpu.memory_space<vmem>> -> memref<1x128x128xf32, #tpu.memory_space<vmem>>
        %dma_wait3A_154 = tpu.memref_squeeze %dma_wait3A_153 : memref<1x128x128xf32, #tpu.memory_space<vmem>> -> memref<128x128xf32, #tpu.memory_space<vmem>>
        %dma_wait3A_155 = arith.constant 0 : i32
        %dma_wait3A_156 = tpu.memref_slice %arg7[%dma_wait3A_149, %dma_wait3A_155] : memref<8x128xi32, #tpu.memory_space<vmem>> -> memref<1x128xi32, #tpu.memory_space<vmem>>
        %dma_wait3A_157 = tpu.memref_squeeze %dma_wait3A_156 : memref<1x128xi32, #tpu.memory_space<vmem>> -> memref<128xi32, #tpu.memory_space<vmem>>
        %dma_wait3A_158 = arith.constant 0 : i32
        %dma_wait3A_159 = arith.constant 0 : i32
        %dma_wait3A_160 = tpu.memref_slice %arg2[%dma_wait3A_158, %dma_wait3A_159] : memref<10240x128xf32, #tpu.memory_space<hbm>> -> memref<10240x128xf32, #tpu.memory_space<hbm>>
        tpu.wait_indirect_dma semaphore(%arg10 : memref<!tpu.dma_semaphore, #tpu.memory_space<semaphore_mem>>) src(%dma_wait3A_160 : memref<10240x128xf32, #tpu.memory_space<hbm>>) dst(%dma_wait3A_154 : memref<128x128xf32, #tpu.memory_space<vmem>>)
        %run_scoped3A_161 = arith.constant 0 : i32
        %run_scoped3A_162 = arith.constant 4 : i32
        "tpu.region"() ({
          %run_scoped3A_230 = tpu.sem_alloc : memref<!tpu.dma_semaphore, #tpu.memory_space<semaphore_mem>>
          %dma_start3A_231 = arith.constant 0 : i32
          %dma_start3A_232 = arith.constant 0 : i32
          %dma_start3A_233 = tpu.memref_slice %arg9[%run_scoped3A_161, %dma_start3A_231, %dma_start3A_232] : memref<2x128x128xf32, #tpu.memory_space<vmem>> -> memref<1x128x128xf32, #tpu.memory_space<vmem>>
          %dma_start3A_234 = tpu.memref_squeeze %dma_start3A_233 : memref<1x128x128xf32, #tpu.memory_space<vmem>> -> memref<128x128xf32, #tpu.memory_space<vmem>>
          %dma_start3A_235 = arith.constant 0 : i32
          %dma_start3A_236 = tpu.memref_slice %arg8[%run_scoped3A_162, %dma_start3A_235] : memref<8x128xi32, #tpu.memory_space<vmem>> -> memref<1x128xi32, #tpu.memory_space<vmem>>
          %dma_start3A_237 = tpu.memref_squeeze %dma_start3A_236 : memref<1x128xi32, #tpu.memory_space<vmem>> -> memref<128xi32, #tpu.memory_space<vmem>>
          %dma_start3A_238 = arith.constant 0 : i32
          %dma_start3A_239 = arith.constant 0 : i32
          %dma_start3A_240 = tpu.memref_slice %arg6[%dma_start3A_238, %dma_start3A_239] : memref<10240x128xf32, #tpu.memory_space<vmem_shared>> -> memref<10240x128xf32, #tpu.memory_space<vmem_shared>>
          tpu.enqueue_indirect_dma source(%dma_start3A_234 : memref<128x128xf32, #tpu.memory_space<vmem>>) target(%dma_start3A_240 : memref<10240x128xf32, #tpu.memory_space<vmem_shared>>) offsets(%dma_start3A_237 : memref<128xi32, #tpu.memory_space<vmem>>) semaphore(%run_scoped3A_230 : memref<!tpu.dma_semaphore, #tpu.memory_space<semaphore_mem>>) {add = true}
          %dma_wait3A_241 = arith.constant 0 : i32
          %dma_wait3A_242 = arith.constant 0 : i32
          %dma_wait3A_243 = tpu.memref_slice %arg9[%run_scoped3A_161, %dma_wait3A_241, %dma_wait3A_242] : memref<2x128x128xf32, #tpu.memory_space<vmem>> -> memref<1x128x128xf32, #tpu.memory_space<vmem>>
          %dma_wait3A_244 = tpu.memref_squeeze %dma_wait3A_243 : memref<1x128x128xf32, #tpu.memory_space<vmem>> -> memref<128x128xf32, #tpu.memory_space<vmem>>
          %dma_wait3A_245 = arith.constant 0 : i32
          %dma_wait3A_246 = tpu.memref_slice %arg8[%run_scoped3A_162, %dma_wait3A_245] : memref<8x128xi32, #tpu.memory_space<vmem>> -> memref<1x128xi32, #tpu.memory_space<vmem>>
          %dma_wait3A_247 = tpu.memref_squeeze %dma_wait3A_246 : memref<1x128xi32, #tpu.memory_space<vmem>> -> memref<128xi32, #tpu.memory_space<vmem>>
          %dma_wait3A_248 = arith.constant 0 : i32
          %dma_wait3A_249 = arith.constant 0 : i32
          %dma_wait3A_250 = tpu.memref_slice %arg6[%dma_wait3A_248, %dma_wait3A_249] : memref<10240x128xf32, #tpu.memory_space<vmem_shared>> -> memref<10240x128xf32, #tpu.memory_space<vmem_shared>>
          tpu.wait_indirect_dma semaphore(%run_scoped3A_230 : memref<!tpu.dma_semaphore, #tpu.memory_space<semaphore_mem>>) src(%dma_wait3A_244 : memref<128x128xf32, #tpu.memory_space<vmem>>) dst(%dma_wait3A_250 : memref<10240x128xf32, #tpu.memory_space<vmem_shared>>)
          tpu.yield
        }) : () -> ()
        %dma_start3A_163 = arith.constant 6 : i32
        %dma_start3A_164 = arith.constant 0 : i32
        %dma_start3A_165 = arith.constant 0 : i32
        %dma_start3A_166 = arith.constant 0 : i32
        %dma_start3A_167 = tpu.memref_slice %arg9[%dma_start3A_164, %dma_start3A_165, %dma_start3A_166] : memref<2x128x128xf32, #tpu.memory_space<vmem>> -> memref<1x128x128xf32, #tpu.memory_space<vmem>>
        %dma_start3A_168 = tpu.memref_squeeze %dma_start3A_167 : memref<1x128x128xf32, #tpu.memory_space<vmem>> -> memref<128x128xf32, #tpu.memory_space<vmem>>
        %dma_start3A_169 = arith.constant 0 : i32
        %dma_start3A_170 = tpu.memref_slice %arg7[%dma_start3A_163, %dma_start3A_169] : memref<8x128xi32, #tpu.memory_space<vmem>> -> memref<1x128xi32, #tpu.memory_space<vmem>>
        %dma_start3A_171 = tpu.memref_squeeze %dma_start3A_170 : memref<1x128xi32, #tpu.memory_space<vmem>> -> memref<128xi32, #tpu.memory_space<vmem>>
        %dma_start3A_172 = arith.constant 0 : i32
        %dma_start3A_173 = arith.constant 0 : i32
        %dma_start3A_174 = tpu.memref_slice %arg2[%dma_start3A_172, %dma_start3A_173] : memref<10240x128xf32, #tpu.memory_space<hbm>> -> memref<10240x128xf32, #tpu.memory_space<hbm>>
        tpu.enqueue_indirect_dma source(%dma_start3A_174 : memref<10240x128xf32, #tpu.memory_space<hbm>>) target(%dma_start3A_168 : memref<128x128xf32, #tpu.memory_space<vmem>>) offsets(%dma_start3A_171 : memref<128xi32, #tpu.memory_space<vmem>>) semaphore(%arg10 : memref<!tpu.dma_semaphore, #tpu.memory_space<semaphore_mem>>)
        %dma_wait3A_175 = arith.constant 5 : i32
        %dma_wait3A_176 = arith.constant 1 : i32
        %dma_wait3A_177 = arith.constant 0 : i32
        %dma_wait3A_178 = arith.constant 0 : i32
        %dma_wait3A_179 = tpu.memref_slice %arg9[%dma_wait3A_176, %dma_wait3A_177, %dma_wait3A_178] : memref<2x128x128xf32, #tpu.memory_space<vmem>> -> memref<1x128x128xf32, #tpu.memory_space<vmem>>
        %dma_wait3A_180 = tpu.memref_squeeze %dma_wait3A_179 : memref<1x128x128xf32, #tpu.memory_space<vmem>> -> memref<128x128xf32, #tpu.memory_space<vmem>>
        %dma_wait3A_181 = arith.constant 0 : i32
        %dma_wait3A_182 = tpu.memref_slice %arg7[%dma_wait3A_175, %dma_wait3A_181] : memref<8x128xi32, #tpu.memory_space<vmem>> -> memref<1x128xi32, #tpu.memory_space<vmem>>
        %dma_wait3A_183 = tpu.memref_squeeze %dma_wait3A_182 : memref<1x128xi32, #tpu.memory_space<vmem>> -> memref<128xi32, #tpu.memory_space<vmem>>
        %dma_wait3A_184 = arith.constant 0 : i32
        %dma_wait3A_185 = arith.constant 0 : i32
        %dma_wait3A_186 = tpu.memref_slice %arg2[%dma_wait3A_184, %dma_wait3A_185] : memref<10240x128xf32, #tpu.memory_space<hbm>> -> memref<10240x128xf32, #tpu.memory_space<hbm>>
        tpu.wait_indirect_dma semaphore(%arg11 : memref<!tpu.dma_semaphore, #tpu.memory_space<semaphore_mem>>) src(%dma_wait3A_186 : memref<10240x128xf32, #tpu.memory_space<hbm>>) dst(%dma_wait3A_180 : memref<128x128xf32, #tpu.memory_space<vmem>>)
        %run_scoped3A_187 = arith.constant 1 : i32
        %run_scoped3A_188 = arith.constant 5 : i32
        "tpu.region"() ({
          %run_scoped3A_230 = tpu.sem_alloc : memref<!tpu.dma_semaphore, #tpu.memory_space<semaphore_mem>>
          %dma_start3A_231 = arith.constant 0 : i32
          %dma_start3A_232 = arith.constant 0 : i32
          %dma_start3A_233 = tpu.memref_slice %arg9[%run_scoped3A_187, %dma_start3A_231, %dma_start3A_232] : memref<2x128x128xf32, #tpu.memory_space<vmem>> -> memref<1x128x128xf32, #tpu.memory_space<vmem>>
          %dma_start3A_234 = tpu.memref_squeeze %dma_start3A_233 : memref<1x128x128xf32, #tpu.memory_space<vmem>> -> memref<128x128xf32, #tpu.memory_space<vmem>>
          %dma_start3A_235 = arith.constant 0 : i32
          %dma_start3A_236 = tpu.memref_slice %arg8[%run_scoped3A_188, %dma_start3A_235] : memref<8x128xi32, #tpu.memory_space<vmem>> -> memref<1x128xi32, #tpu.memory_space<vmem>>
          %dma_start3A_237 = tpu.memref_squeeze %dma_start3A_236 : memref<1x128xi32, #tpu.memory_space<vmem>> -> memref<128xi32, #tpu.memory_space<vmem>>
          %dma_start3A_238 = arith.constant 0 : i32
          %dma_start3A_239 = arith.constant 0 : i32
          %dma_start3A_240 = tpu.memref_slice %arg6[%dma_start3A_238, %dma_start3A_239] : memref<10240x128xf32, #tpu.memory_space<vmem_shared>> -> memref<10240x128xf32, #tpu.memory_space<vmem_shared>>
          tpu.enqueue_indirect_dma source(%dma_start3A_234 : memref<128x128xf32, #tpu.memory_space<vmem>>) target(%dma_start3A_240 : memref<10240x128xf32, #tpu.memory_space<vmem_shared>>) offsets(%dma_start3A_237 : memref<128xi32, #tpu.memory_space<vmem>>) semaphore(%run_scoped3A_230 : memref<!tpu.dma_semaphore, #tpu.memory_space<semaphore_mem>>) {add = true}
          %dma_wait3A_241 = arith.constant 0 : i32
          %dma_wait3A_242 = arith.constant 0 : i32
          %dma_wait3A_243 = tpu.memref_slice %arg9[%run_scoped3A_187, %dma_wait3A_241, %dma_wait3A_242] : memref<2x128x128xf32, #tpu.memory_space<vmem>> -> memref<1x128x128xf32, #tpu.memory_space<vmem>>
          %dma_wait3A_244 = tpu.memref_squeeze %dma_wait3A_243 : memref<1x128x128xf32, #tpu.memory_space<vmem>> -> memref<128x128xf32, #tpu.memory_space<vmem>>
          %dma_wait3A_245 = arith.constant 0 : i32
          %dma_wait3A_246 = tpu.memref_slice %arg8[%run_scoped3A_188, %dma_wait3A_245] : memref<8x128xi32, #tpu.memory_space<vmem>> -> memref<1x128xi32, #tpu.memory_space<vmem>>
          %dma_wait3A_247 = tpu.memref_squeeze %dma_wait3A_246 : memref<1x128xi32, #tpu.memory_space<vmem>> -> memref<128xi32, #tpu.memory_space<vmem>>
          %dma_wait3A_248 = arith.constant 0 : i32
          %dma_wait3A_249 = arith.constant 0 : i32
          %dma_wait3A_250 = tpu.memref_slice %arg6[%dma_wait3A_248, %dma_wait3A_249] : memref<10240x128xf32, #tpu.memory_space<vmem_shared>> -> memref<10240x128xf32, #tpu.memory_space<vmem_shared>>
          tpu.wait_indirect_dma semaphore(%run_scoped3A_230 : memref<!tpu.dma_semaphore, #tpu.memory_space<semaphore_mem>>) src(%dma_wait3A_244 : memref<128x128xf32, #tpu.memory_space<vmem>>) dst(%dma_wait3A_250 : memref<10240x128xf32, #tpu.memory_space<vmem_shared>>)
          tpu.yield
        }) : () -> ()
        %dma_start3A_189 = arith.constant 7 : i32
        %dma_start3A_190 = arith.constant 1 : i32
        %dma_start3A_191 = arith.constant 0 : i32
        %dma_start3A_192 = arith.constant 0 : i32
        %dma_start3A_193 = tpu.memref_slice %arg9[%dma_start3A_190, %dma_start3A_191, %dma_start3A_192] : memref<2x128x128xf32, #tpu.memory_space<vmem>> -> memref<1x128x128xf32, #tpu.memory_space<vmem>>
        %dma_start3A_194 = tpu.memref_squeeze %dma_start3A_193 : memref<1x128x128xf32, #tpu.memory_space<vmem>> -> memref<128x128xf32, #tpu.memory_space<vmem>>
        %dma_start3A_195 = arith.constant 0 : i32
        %dma_start3A_196 = tpu.memref_slice %arg7[%dma_start3A_189, %dma_start3A_195] : memref<8x128xi32, #tpu.memory_space<vmem>> -> memref<1x128xi32, #tpu.memory_space<vmem>>
        %dma_start3A_197 = tpu.memref_squeeze %dma_start3A_196 : memref<1x128xi32, #tpu.memory_space<vmem>> -> memref<128xi32, #tpu.memory_space<vmem>>
        %dma_start3A_198 = arith.constant 0 : i32
        %dma_start3A_199 = arith.constant 0 : i32
        %dma_start3A_200 = tpu.memref_slice %arg2[%dma_start3A_198, %dma_start3A_199] : memref<10240x128xf32, #tpu.memory_space<hbm>> -> memref<10240x128xf32, #tpu.memory_space<hbm>>
        tpu.enqueue_indirect_dma source(%dma_start3A_200 : memref<10240x128xf32, #tpu.memory_space<hbm>>) target(%dma_start3A_194 : memref<128x128xf32, #tpu.memory_space<vmem>>) offsets(%dma_start3A_197 : memref<128xi32, #tpu.memory_space<vmem>>) semaphore(%arg11 : memref<!tpu.dma_semaphore, #tpu.memory_space<semaphore_mem>>)
        %dma_wait3A_201 = arith.constant 6 : i32
        %dma_wait3A_202 = arith.constant 0 : i32
        %dma_wait3A_203 = arith.constant 0 : i32
        %dma_wait3A_204 = arith.constant 0 : i32
        %dma_wait3A_205 = tpu.memref_slice %arg9[%dma_wait3A_202, %dma_wait3A_203, %dma_wait3A_204] : memref<2x128x128xf32, #tpu.memory_space<vmem>> -> memref<1x128x128xf32, #tpu.memory_space<vmem>>
        %dma_wait3A_206 = tpu.memref_squeeze %dma_wait3A_205 : memref<1x128x128xf32, #tpu.memory_space<vmem>> -> memref<128x128xf32, #tpu.memory_space<vmem>>
        %dma_wait3A_207 = arith.constant 0 : i32
        %dma_wait3A_208 = tpu.memref_slice %arg7[%dma_wait3A_201, %dma_wait3A_207] : memref<8x128xi32, #tpu.memory_space<vmem>> -> memref<1x128xi32, #tpu.memory_space<vmem>>
        %dma_wait3A_209 = tpu.memref_squeeze %dma_wait3A_208 : memref<1x128xi32, #tpu.memory_space<vmem>> -> memref<128xi32, #tpu.memory_space<vmem>>
        %dma_wait3A_210 = arith.constant 0 : i32
        %dma_wait3A_211 = arith.constant 0 : i32
        %dma_wait3A_212 = tpu.memref_slice %arg2[%dma_wait3A_210, %dma_wait3A_211] : memref<10240x128xf32, #tpu.memory_space<hbm>> -> memref<10240x128xf32, #tpu.memory_space<hbm>>
        tpu.wait_indirect_dma semaphore(%arg10 : memref<!tpu.dma_semaphore, #tpu.memory_space<semaphore_mem>>) src(%dma_wait3A_212 : memref<10240x128xf32, #tpu.memory_space<hbm>>) dst(%dma_wait3A_206 : memref<128x128xf32, #tpu.memory_space<vmem>>)
        %run_scoped3A_213 = arith.constant 0 : i32
        %run_scoped3A_214 = arith.constant 6 : i32
        "tpu.region"() ({
          %run_scoped3A_230 = tpu.sem_alloc : memref<!tpu.dma_semaphore, #tpu.memory_space<semaphore_mem>>
          %dma_start3A_231 = arith.constant 0 : i32
          %dma_start3A_232 = arith.constant 0 : i32
          %dma_start3A_233 = tpu.memref_slice %arg9[%run_scoped3A_213, %dma_start3A_231, %dma_start3A_232] : memref<2x128x128xf32, #tpu.memory_space<vmem>> -> memref<1x128x128xf32, #tpu.memory_space<vmem>>
          %dma_start3A_234 = tpu.memref_squeeze %dma_start3A_233 : memref<1x128x128xf32, #tpu.memory_space<vmem>> -> memref<128x128xf32, #tpu.memory_space<vmem>>
          %dma_start3A_235 = arith.constant 0 : i32
          %dma_start3A_236 = tpu.memref_slice %arg8[%run_scoped3A_214, %dma_start3A_235] : memref<8x128xi32, #tpu.memory_space<vmem>> -> memref<1x128xi32, #tpu.memory_space<vmem>>
          %dma_start3A_237 = tpu.memref_squeeze %dma_start3A_236 : memref<1x128xi32, #tpu.memory_space<vmem>> -> memref<128xi32, #tpu.memory_space<vmem>>
          %dma_start3A_238 = arith.constant 0 : i32
          %dma_start3A_239 = arith.constant 0 : i32
          %dma_start3A_240 = tpu.memref_slice %arg6[%dma_start3A_238, %dma_start3A_239] : memref<10240x128xf32, #tpu.memory_space<vmem_shared>> -> memref<10240x128xf32, #tpu.memory_space<vmem_shared>>
          tpu.enqueue_indirect_dma source(%dma_start3A_234 : memref<128x128xf32, #tpu.memory_space<vmem>>) target(%dma_start3A_240 : memref<10240x128xf32, #tpu.memory_space<vmem_shared>>) offsets(%dma_start3A_237 : memref<128xi32, #tpu.memory_space<vmem>>) semaphore(%run_scoped3A_230 : memref<!tpu.dma_semaphore, #tpu.memory_space<semaphore_mem>>) {add = true}
          %dma_wait3A_241 = arith.constant 0 : i32
          %dma_wait3A_242 = arith.constant 0 : i32
          %dma_wait3A_243 = tpu.memref_slice %arg9[%run_scoped3A_213, %dma_wait3A_241, %dma_wait3A_242] : memref<2x128x128xf32, #tpu.memory_space<vmem>> -> memref<1x128x128xf32, #tpu.memory_space<vmem>>
          %dma_wait3A_244 = tpu.memref_squeeze %dma_wait3A_243 : memref<1x128x128xf32, #tpu.memory_space<vmem>> -> memref<128x128xf32, #tpu.memory_space<vmem>>
          %dma_wait3A_245 = arith.constant 0 : i32
          %dma_wait3A_246 = tpu.memref_slice %arg8[%run_scoped3A_214, %dma_wait3A_245] : memref<8x128xi32, #tpu.memory_space<vmem>> -> memref<1x128xi32, #tpu.memory_space<vmem>>
          %dma_wait3A_247 = tpu.memref_squeeze %dma_wait3A_246 : memref<1x128xi32, #tpu.memory_space<vmem>> -> memref<128xi32, #tpu.memory_space<vmem>>
          %dma_wait3A_248 = arith.constant 0 : i32
          %dma_wait3A_249 = arith.constant 0 : i32
          %dma_wait3A_250 = tpu.memref_slice %arg6[%dma_wait3A_248, %dma_wait3A_249] : memref<10240x128xf32, #tpu.memory_space<vmem_shared>> -> memref<10240x128xf32, #tpu.memory_space<vmem_shared>>
          tpu.wait_indirect_dma semaphore(%run_scoped3A_230 : memref<!tpu.dma_semaphore, #tpu.memory_space<semaphore_mem>>) src(%dma_wait3A_244 : memref<128x128xf32, #tpu.memory_space<vmem>>) dst(%dma_wait3A_250 : memref<10240x128xf32, #tpu.memory_space<vmem_shared>>)
          tpu.yield
        }) : () -> ()
        %dma_wait3A_215 = arith.constant 7 : i32
        %dma_wait3A_216 = arith.constant 1 : i32
        %dma_wait3A_217 = arith.constant 0 : i32
        %dma_wait3A_218 = arith.constant 0 : i32
        %dma_wait3A_219 = tpu.memref_slice %arg9[%dma_wait3A_216, %dma_wait3A_217, %dma_wait3A_218] : memref<2x128x128xf32, #tpu.memory_space<vmem>> -> memref<1x128x128xf32, #tpu.memory_space<vmem>>
        %dma_wait3A_220 = tpu.memref_squeeze %dma_wait3A_219 : memref<1x128x128xf32, #tpu.memory_space<vmem>> -> memref<128x128xf32, #tpu.memory_space<vmem>>
        %dma_wait3A_221 = arith.constant 0 : i32
        %dma_wait3A_222 = tpu.memref_slice %arg7[%dma_wait3A_215, %dma_wait3A_221] : memref<8x128xi32, #tpu.memory_space<vmem>> -> memref<1x128xi32, #tpu.memory_space<vmem>>
        %dma_wait3A_223 = tpu.memref_squeeze %dma_wait3A_222 : memref<1x128xi32, #tpu.memory_space<vmem>> -> memref<128xi32, #tpu.memory_space<vmem>>
        %dma_wait3A_224 = arith.constant 0 : i32
        %dma_wait3A_225 = arith.constant 0 : i32
        %dma_wait3A_226 = tpu.memref_slice %arg2[%dma_wait3A_224, %dma_wait3A_225] : memref<10240x128xf32, #tpu.memory_space<hbm>> -> memref<10240x128xf32, #tpu.memory_space<hbm>>
        tpu.wait_indirect_dma semaphore(%arg11 : memref<!tpu.dma_semaphore, #tpu.memory_space<semaphore_mem>>) src(%dma_wait3A_226 : memref<10240x128xf32, #tpu.memory_space<hbm>>) dst(%dma_wait3A_220 : memref<128x128xf32, #tpu.memory_space<vmem>>)
        %run_scoped3A_227 = arith.constant 1 : i32
        %run_scoped3A_228 = arith.constant 7 : i32
        "tpu.region"() ({
          %run_scoped3A_230 = tpu.sem_alloc : memref<!tpu.dma_semaphore, #tpu.memory_space<semaphore_mem>>
          %dma_start3A_231 = arith.constant 0 : i32
          %dma_start3A_232 = arith.constant 0 : i32
          %dma_start3A_233 = tpu.memref_slice %arg9[%run_scoped3A_227, %dma_start3A_231, %dma_start3A_232] : memref<2x128x128xf32, #tpu.memory_space<vmem>> -> memref<1x128x128xf32, #tpu.memory_space<vmem>>
          %dma_start3A_234 = tpu.memref_squeeze %dma_start3A_233 : memref<1x128x128xf32, #tpu.memory_space<vmem>> -> memref<128x128xf32, #tpu.memory_space<vmem>>
          %dma_start3A_235 = arith.constant 0 : i32
          %dma_start3A_236 = tpu.memref_slice %arg8[%run_scoped3A_228, %dma_start3A_235] : memref<8x128xi32, #tpu.memory_space<vmem>> -> memref<1x128xi32, #tpu.memory_space<vmem>>
          %dma_start3A_237 = tpu.memref_squeeze %dma_start3A_236 : memref<1x128xi32, #tpu.memory_space<vmem>> -> memref<128xi32, #tpu.memory_space<vmem>>
          %dma_start3A_238 = arith.constant 0 : i32
          %dma_start3A_239 = arith.constant 0 : i32
          %dma_start3A_240 = tpu.memref_slice %arg6[%dma_start3A_238, %dma_start3A_239] : memref<10240x128xf32, #tpu.memory_space<vmem_shared>> -> memref<10240x128xf32, #tpu.memory_space<vmem_shared>>
          tpu.enqueue_indirect_dma source(%dma_start3A_234 : memref<128x128xf32, #tpu.memory_space<vmem>>) target(%dma_start3A_240 : memref<10240x128xf32, #tpu.memory_space<vmem_shared>>) offsets(%dma_start3A_237 : memref<128xi32, #tpu.memory_space<vmem>>) semaphore(%run_scoped3A_230 : memref<!tpu.dma_semaphore, #tpu.memory_space<semaphore_mem>>) {add = true}
          %dma_wait3A_241 = arith.constant 0 : i32
          %dma_wait3A_242 = arith.constant 0 : i32
          %dma_wait3A_243 = tpu.memref_slice %arg9[%run_scoped3A_227, %dma_wait3A_241, %dma_wait3A_242] : memref<2x128x128xf32, #tpu.memory_space<vmem>> -> memref<1x128x128xf32, #tpu.memory_space<vmem>>
          %dma_wait3A_244 = tpu.memref_squeeze %dma_wait3A_243 : memref<1x128x128xf32, #tpu.memory_space<vmem>> -> memref<128x128xf32, #tpu.memory_space<vmem>>
          %dma_wait3A_245 = arith.constant 0 : i32
          %dma_wait3A_246 = tpu.memref_slice %arg8[%run_scoped3A_228, %dma_wait3A_245] : memref<8x128xi32, #tpu.memory_space<vmem>> -> memref<1x128xi32, #tpu.memory_space<vmem>>
          %dma_wait3A_247 = tpu.memref_squeeze %dma_wait3A_246 : memref<1x128xi32, #tpu.memory_space<vmem>> -> memref<128xi32, #tpu.memory_space<vmem>>
          %dma_wait3A_248 = arith.constant 0 : i32
          %dma_wait3A_249 = arith.constant 0 : i32
          %dma_wait3A_250 = tpu.memref_slice %arg6[%dma_wait3A_248, %dma_wait3A_249] : memref<10240x128xf32, #tpu.memory_space<vmem_shared>> -> memref<10240x128xf32, #tpu.memory_space<vmem_shared>>
          tpu.wait_indirect_dma semaphore(%run_scoped3A_230 : memref<!tpu.dma_semaphore, #tpu.memory_space<semaphore_mem>>) src(%dma_wait3A_244 : memref<128x128xf32, #tpu.memory_space<vmem>>) dst(%dma_wait3A_250 : memref<10240x128xf32, #tpu.memory_space<vmem_shared>>)
          tpu.yield
        }) : () -> ()
        %scan3A_229 = arith.constant 0 : i32
        scf.yield %scan3A_229 : i32
      }
      %scan3A_17 = arith.constant 20 : i32
    } else {
    }
    %barrier3A_8 = arith.constant 0 : index
    tpu.barrier barrier_id(%barrier3A_8)
    %convert_element_type3A_9 = arith.extui %lt3A_3 : i1 to i32
    %cond3A_10 = arith.constant 0 : i32
    %cond3A_11 = arith.cmpi ne, %convert_element_type3A_9, %cond3A_10 : i32
    scf.if %cond3A_11 {
      "tpu.region"() ({
        %run_scoped3A = tpu.sem_alloc : memref<!tpu.dma_semaphore, #tpu.memory_space<semaphore_mem>>
        %dma_start3A = arith.constant 0 : i32
        %dma_start3A_12 = tpu.memref_slice %arg5[%arg0, %mul3A_2, %dma_start3A] : memref<1x10240x128xf32, #tpu.memory_space<hbm>> -> memref<1x640x128xf32, #tpu.memory_space<hbm>>
        %dma_start3A_13 = tpu.memref_squeeze %dma_start3A_12 : memref<1x640x128xf32, #tpu.memory_space<hbm>> -> memref<640x128xf32, #tpu.memory_space<hbm>>
        %dma_start3A_14 = arith.constant 0 : i32
        %dma_start3A_15 = tpu.memref_slice %arg6[%mul3A_2, %dma_start3A_14] : memref<10240x128xf32, #tpu.memory_space<vmem_shared>> -> memref<640x128xf32, #tpu.memory_space<vmem_shared>>
        tpu.enqueue_dma source(%dma_start3A_15 : memref<640x128xf32, #tpu.memory_space<vmem_shared>>) target(%dma_start3A_13 : memref<640x128xf32, #tpu.memory_space<hbm>>) target_semaphore(%run_scoped3A : memref<!tpu.dma_semaphore, #tpu.memory_space<semaphore_mem>>)
        %dma_wait3A = arith.constant 0 : i32
        %dma_wait3A_16 = tpu.memref_slice %arg5[%arg0, %mul3A_2, %dma_wait3A] : memref<1x10240x128xf32, #tpu.memory_space<hbm>> -> memref<1x640x128xf32, #tpu.memory_space<hbm>>
        %dma_wait3A_17 = tpu.memref_squeeze %dma_wait3A_16 : memref<1x640x128xf32, #tpu.memory_space<hbm>> -> memref<640x128xf32, #tpu.memory_space<hbm>>
        %dma_wait3A_18 = arith.constant 0 : i32
        %dma_wait3A_19 = tpu.memref_slice %arg6[%mul3A_2, %dma_wait3A_18] : memref<10240x128xf32, #tpu.memory_space<vmem_shared>> -> memref<640x128xf32, #tpu.memory_space<vmem_shared>>
        tpu.wait_dma2 semaphore(%run_scoped3A : memref<!tpu.dma_semaphore, #tpu.memory_space<semaphore_mem>>) src(%dma_wait3A_19 : memref<640x128xf32, #tpu.memory_space<vmem_shared>>) dst(%dma_wait3A_17 : memref<640x128xf32, #tpu.memory_space<hbm>>)
        tpu.yield
      }) : () -> ()
    } else {
    }
    return
  }
}

#map = affine_map<(d0, d1) -> (0, 0)>
#map1 = affine_map<(d0, d1) -> (0, 0, 0)>
module attributes {stable_mosaic.version = 14 : i64} {
  func.func @_res_body(%arg0: i32, %arg1: i32, %arg2: memref<10240x128xf32, #tpu.memory_space<hbm>>, %arg3: memref<16x5x128xi32, #tpu.memory_space<hbm>>, %arg4: memref<1024x128xf32, #tpu.memory_space<hbm>>, %arg5: memref<1024x128xf32, #tpu.memory_space<vmem_shared>>, %arg6: memref<640x128xf32, #tpu.memory_space<vmem>>, %arg7: memref<5x128xi32, #tpu.memory_space<vmem>>, %arg8: memref<64x128xf32, #tpu.memory_space<vmem>>) attributes {dimension_semantics = [#tpu.dimension_semantics<core_parallel>, #tpu.dimension_semantics<subcore_parallel>], iteration_bounds = array<i64: 2, 16>, scalar_prefetch = 0 : i64, scratch_operands = 4 : i64, tpu.core_type = #tpu.core_type<sc_vector_subcore>, window_params = [{transform_indices = #map}, {transform_indices = #map1}, {transform_indices = #map}]} {
    %eq3A = arith.constant 0 : i32
    %eq3A_0 = arith.cmpi eq, %arg0, %eq3A : i32
    %convert_element_type3A = arith.extui %eq3A_0 : i1 to i32
    %cond3A = arith.constant 0 : i32
    %cond3A_1 = arith.cmpi ne, %convert_element_type3A, %cond3A : i32
    scf.if %cond3A_1 {
      %broadcast_in_dim3A = arith.constant 0.000000e+00 : f32
      %broadcast_in_dim3A_13 = vector.broadcast %broadcast_in_dim3A : f32 to vector<16xf32>
      %scan3A = arith.constant 0 : i32
      %scan3A_14 = arith.constant 0 : i32
      %scan3A_15 = arith.constant 64 : i32
      %scan3A_16 = arith.addi %scan3A_14, %scan3A_15 : i32
      %scan3A_17 = arith.constant 1 : i32
      %scan3A_18 = scf.for %scan3A_23 = %scan3A_14 to %scan3A_16 step %scan3A_17 iter_args(%scan3A_24 = %scan3A) -> (i32)  : i32 {
        %swap3A = arith.index_cast %scan3A_23 : i32 to index
        %swap3A_25 = arith.constant 0 : index
        %swap3A_26 = tpu.vector_load %arg8[%swap3A, %swap3A_25] {strides = array<i32>} : memref<64x128xf32, #tpu.memory_space<vmem>>, vector<1x16xf32>,
        %swap3A_27 = vector.shape_cast %swap3A_26 : vector<1x16xf32> to vector<16xf32>
        %swap3A_28 = vector.shape_cast %broadcast_in_dim3A_13 : vector<16xf32> to vector<1x16xf32>
        tpu.vector_store %arg8[%swap3A, %swap3A_25], %swap3A_28 {strides = array<i32>} : memref<64x128xf32, #tpu.memory_space<vmem>>, vector<1x16xf32>,
        %swap3A_29 = arith.index_cast %scan3A_23 : i32 to index
        %swap3A_30 = arith.constant 16 : index
        %swap3A_31 = tpu.vector_load %arg8[%swap3A_29, %swap3A_30] {strides = array<i32>} : memref<64x128xf32, #tpu.memory_space<vmem>>, vector<1x16xf32>,
        %swap3A_32 = vector.shape_cast %swap3A_31 : vector<1x16xf32> to vector<16xf32>
        %swap3A_33 = vector.shape_cast %broadcast_in_dim3A_13 : vector<16xf32> to vector<1x16xf32>
        tpu.vector_store %arg8[%swap3A_29, %swap3A_30], %swap3A_33 {strides = array<i32>} : memref<64x128xf32, #tpu.memory_space<vmem>>, vector<1x16xf32>,
        %swap3A_34 = arith.index_cast %scan3A_23 : i32 to index
        %swap3A_35 = arith.constant 32 : index
        %swap3A_36 = tpu.vector_load %arg8[%swap3A_34, %swap3A_35] {strides = array<i32>} : memref<64x128xf32, #tpu.memory_space<vmem>>, vector<1x16xf32>,
        %swap3A_37 = vector.shape_cast %swap3A_36 : vector<1x16xf32> to vector<16xf32>
        %swap3A_38 = vector.shape_cast %broadcast_in_dim3A_13 : vector<16xf32> to vector<1x16xf32>
        tpu.vector_store %arg8[%swap3A_34, %swap3A_35], %swap3A_38 {strides = array<i32>} : memref<64x128xf32, #tpu.memory_space<vmem>>, vector<1x16xf32>,
        %swap3A_39 = arith.index_cast %scan3A_23 : i32 to index
        %swap3A_40 = arith.constant 48 : index
        %swap3A_41 = tpu.vector_load %arg8[%swap3A_39, %swap3A_40] {strides = array<i32>} : memref<64x128xf32, #tpu.memory_space<vmem>>, vector<1x16xf32>,
        %swap3A_42 = vector.shape_cast %swap3A_41 : vector<1x16xf32> to vector<16xf32>
        %swap3A_43 = vector.shape_cast %broadcast_in_dim3A_13 : vector<16xf32> to vector<1x16xf32>
        tpu.vector_store %arg8[%swap3A_39, %swap3A_40], %swap3A_43 {strides = array<i32>} : memref<64x128xf32, #tpu.memory_space<vmem>>, vector<1x16xf32>,
        %swap3A_44 = arith.index_cast %scan3A_23 : i32 to index
        %swap3A_45 = arith.constant 64 : index
        %swap3A_46 = tpu.vector_load %arg8[%swap3A_44, %swap3A_45] {strides = array<i32>} : memref<64x128xf32, #tpu.memory_space<vmem>>, vector<1x16xf32>,
        %swap3A_47 = vector.shape_cast %swap3A_46 : vector<1x16xf32> to vector<16xf32>
        %swap3A_48 = vector.shape_cast %broadcast_in_dim3A_13 : vector<16xf32> to vector<1x16xf32>
        tpu.vector_store %arg8[%swap3A_44, %swap3A_45], %swap3A_48 {strides = array<i32>} : memref<64x128xf32, #tpu.memory_space<vmem>>, vector<1x16xf32>,
        %swap3A_49 = arith.index_cast %scan3A_23 : i32 to index
        %swap3A_50 = arith.constant 80 : index
        %swap3A_51 = tpu.vector_load %arg8[%swap3A_49, %swap3A_50] {strides = array<i32>} : memref<64x128xf32, #tpu.memory_space<vmem>>, vector<1x16xf32>,
        %swap3A_52 = vector.shape_cast %swap3A_51 : vector<1x16xf32> to vector<16xf32>
        %swap3A_53 = vector.shape_cast %broadcast_in_dim3A_13 : vector<16xf32> to vector<1x16xf32>
        tpu.vector_store %arg8[%swap3A_49, %swap3A_50], %swap3A_53 {strides = array<i32>} : memref<64x128xf32, #tpu.memory_space<vmem>>, vector<1x16xf32>,
        %swap3A_54 = arith.index_cast %scan3A_23 : i32 to index
        %swap3A_55 = arith.constant 96 : index
        %swap3A_56 = tpu.vector_load %arg8[%swap3A_54, %swap3A_55] {strides = array<i32>} : memref<64x128xf32, #tpu.memory_space<vmem>>, vector<1x16xf32>,
        %swap3A_57 = vector.shape_cast %swap3A_56 : vector<1x16xf32> to vector<16xf32>
        %swap3A_58 = vector.shape_cast %broadcast_in_dim3A_13 : vector<16xf32> to vector<1x16xf32>
        tpu.vector_store %arg8[%swap3A_54, %swap3A_55], %swap3A_58 {strides = array<i32>} : memref<64x128xf32, #tpu.memory_space<vmem>>, vector<1x16xf32>,
        %swap3A_59 = arith.index_cast %scan3A_23 : i32 to index
        %swap3A_60 = arith.constant 112 : index
        %swap3A_61 = tpu.vector_load %arg8[%swap3A_59, %swap3A_60] {strides = array<i32>} : memref<64x128xf32, #tpu.memory_space<vmem>>, vector<1x16xf32>,
        %swap3A_62 = vector.shape_cast %swap3A_61 : vector<1x16xf32> to vector<16xf32>
        %swap3A_63 = vector.shape_cast %broadcast_in_dim3A_13 : vector<16xf32> to vector<1x16xf32>
        tpu.vector_store %arg8[%swap3A_59, %swap3A_60], %swap3A_63 {strides = array<i32>} : memref<64x128xf32, #tpu.memory_space<vmem>>, vector<1x16xf32>,
        %scan3A_64 = arith.constant 0 : i32
        scf.yield %scan3A_64 : i32
      }
      %scan3A_19 = arith.constant 64 : i32
      %mul3A = arith.constant 64 : i32
      %mul3A_20 = arith.muli %arg1, %mul3A : i32
      "tpu.region"() ({
        %run_scoped3A = tpu.sem_alloc : memref<!tpu.dma_semaphore, #tpu.memory_space<semaphore_mem>>
        %dma_start3A = arith.constant 0 : i32
        %dma_start3A_23 = tpu.memref_slice %arg5[%mul3A_20, %dma_start3A] : memref<1024x128xf32, #tpu.memory_space<vmem_shared>> -> memref<64x128xf32, #tpu.memory_space<vmem_shared>>
        %dma_start3A_24 = arith.constant 0 : i32
        %dma_start3A_25 = tpu.memref_slice %arg5[%mul3A_20, %dma_start3A_24] : memref<1024x128xf32, #tpu.memory_space<vmem_shared>> -> memref<64x128xf32, #tpu.memory_space<vmem_shared>>
        tpu.enqueue_dma source(%arg8 : memref<64x128xf32, #tpu.memory_space<vmem>>) target(%dma_start3A_25 : memref<64x128xf32, #tpu.memory_space<vmem_shared>>) target_semaphore(%run_scoped3A : memref<!tpu.dma_semaphore, #tpu.memory_space<semaphore_mem>>)
        %dma_wait3A = arith.constant 0 : i32
        %dma_wait3A_26 = tpu.memref_slice %arg5[%mul3A_20, %dma_wait3A] : memref<1024x128xf32, #tpu.memory_space<vmem_shared>> -> memref<64x128xf32, #tpu.memory_space<vmem_shared>>
        %dma_wait3A_27 = arith.constant 0 : i32
        %dma_wait3A_28 = tpu.memref_slice %arg5[%mul3A_20, %dma_wait3A_27] : memref<1024x128xf32, #tpu.memory_space<vmem_shared>> -> memref<64x128xf32, #tpu.memory_space<vmem_shared>>
        tpu.wait_dma2 semaphore(%run_scoped3A : memref<!tpu.dma_semaphore, #tpu.memory_space<semaphore_mem>>) src(%arg8 : memref<64x128xf32, #tpu.memory_space<vmem>>) dst(%dma_wait3A_28 : memref<64x128xf32, #tpu.memory_space<vmem_shared>>)
        tpu.yield
      }) : () -> ()
      "tpu.region"() ({
        %run_scoped3A = tpu.sem_alloc : memref<!tpu.dma_semaphore, #tpu.memory_space<semaphore_mem>>
        %dma_start3A = arith.constant 0 : i32
        %dma_start3A_23 = arith.constant 0 : i32
        %dma_start3A_24 = tpu.memref_slice %arg3[%arg1, %dma_start3A, %dma_start3A_23] : memref<16x5x128xi32, #tpu.memory_space<hbm>> -> memref<1x5x128xi32, #tpu.memory_space<hbm>>
        %dma_start3A_25 = tpu.memref_squeeze %dma_start3A_24 : memref<1x5x128xi32, #tpu.memory_space<hbm>> -> memref<5x128xi32, #tpu.memory_space<hbm>>
        %dma_start3A_26 = arith.constant 0 : i32
        %dma_start3A_27 = arith.constant 0 : i32
        %dma_start3A_28 = tpu.memref_slice %arg3[%arg1, %dma_start3A_26, %dma_start3A_27] : memref<16x5x128xi32, #tpu.memory_space<hbm>> -> memref<1x5x128xi32, #tpu.memory_space<hbm>>
        %dma_start3A_29 = tpu.memref_squeeze %dma_start3A_28 : memref<1x5x128xi32, #tpu.memory_space<hbm>> -> memref<5x128xi32, #tpu.memory_space<hbm>>
        tpu.enqueue_dma source(%dma_start3A_29 : memref<5x128xi32, #tpu.memory_space<hbm>>) target(%arg7 : memref<5x128xi32, #tpu.memory_space<vmem>>) target_semaphore(%run_scoped3A : memref<!tpu.dma_semaphore, #tpu.memory_space<semaphore_mem>>)
        %dma_wait3A = arith.constant 0 : i32
        %dma_wait3A_30 = arith.constant 0 : i32
        %dma_wait3A_31 = tpu.memref_slice %arg3[%arg1, %dma_wait3A, %dma_wait3A_30] : memref<16x5x128xi32, #tpu.memory_space<hbm>> -> memref<1x5x128xi32, #tpu.memory_space<hbm>>
        %dma_wait3A_32 = tpu.memref_squeeze %dma_wait3A_31 : memref<1x5x128xi32, #tpu.memory_space<hbm>> -> memref<5x128xi32, #tpu.memory_space<hbm>>
        %dma_wait3A_33 = arith.constant 0 : i32
        %dma_wait3A_34 = arith.constant 0 : i32
        %dma_wait3A_35 = tpu.memref_slice %arg3[%arg1, %dma_wait3A_33, %dma_wait3A_34] : memref<16x5x128xi32, #tpu.memory_space<hbm>> -> memref<1x5x128xi32, #tpu.memory_space<hbm>>
        %dma_wait3A_36 = tpu.memref_squeeze %dma_wait3A_35 : memref<1x5x128xi32, #tpu.memory_space<hbm>> -> memref<5x128xi32, #tpu.memory_space<hbm>>
        tpu.wait_dma2 semaphore(%run_scoped3A : memref<!tpu.dma_semaphore, #tpu.memory_space<semaphore_mem>>) src(%dma_wait3A_36 : memref<5x128xi32, #tpu.memory_space<hbm>>) dst(%arg7 : memref<5x128xi32, #tpu.memory_space<vmem>>)
        tpu.yield
      }) : () -> ()
      %mul3A_21 = arith.constant 640 : i32
      %mul3A_22 = arith.muli %arg1, %mul3A_21 : i32
      "tpu.region"() ({
        %run_scoped3A = tpu.sem_alloc : memref<!tpu.dma_semaphore, #tpu.memory_space<semaphore_mem>>
        %dma_start3A = arith.constant 0 : i32
        %dma_start3A_23 = tpu.memref_slice %arg2[%mul3A_22, %dma_start3A] : memref<10240x128xf32, #tpu.memory_space<hbm>> -> memref<640x128xf32, #tpu.memory_space<hbm>>
        %dma_start3A_24 = arith.constant 0 : i32
        %dma_start3A_25 = tpu.memref_slice %arg2[%mul3A_22, %dma_start3A_24] : memref<10240x128xf32, #tpu.memory_space<hbm>> -> memref<640x128xf32, #tpu.memory_space<hbm>>
        tpu.enqueue_dma source(%dma_start3A_25 : memref<640x128xf32, #tpu.memory_space<hbm>>) target(%arg6 : memref<640x128xf32, #tpu.memory_space<vmem>>) target_semaphore(%run_scoped3A : memref<!tpu.dma_semaphore, #tpu.memory_space<semaphore_mem>>)
        %dma_wait3A = arith.constant 0 : i32
        %dma_wait3A_26 = tpu.memref_slice %arg2[%mul3A_22, %dma_wait3A] : memref<10240x128xf32, #tpu.memory_space<hbm>> -> memref<640x128xf32, #tpu.memory_space<hbm>>
        %dma_wait3A_27 = arith.constant 0 : i32
        %dma_wait3A_28 = tpu.memref_slice %arg2[%mul3A_22, %dma_wait3A_27] : memref<10240x128xf32, #tpu.memory_space<hbm>> -> memref<640x128xf32, #tpu.memory_space<hbm>>
        tpu.wait_dma2 semaphore(%run_scoped3A : memref<!tpu.dma_semaphore, #tpu.memory_space<semaphore_mem>>) src(%dma_wait3A_28 : memref<640x128xf32, #tpu.memory_space<hbm>>) dst(%arg6 : memref<640x128xf32, #tpu.memory_space<vmem>>)
        tpu.yield
      }) : () -> ()
    } else {
    }
    %barrier3A = arith.constant 0 : index
    tpu.barrier barrier_id(%barrier3A)
    %eq3A_2 = arith.constant 0 : i32
    %eq3A_3 = arith.cmpi eq, %arg0, %eq3A_2 : i32
    %convert_element_type3A_4 = arith.extui %eq3A_3 : i1 to i32
    %cond3A_5 = arith.constant 0 : i32
    %cond3A_6 = arith.cmpi ne, %convert_element_type3A_4, %cond3A_5 : i32
    scf.if %cond3A_6 {
      %scan3A = arith.constant 0 : i32
      %scan3A_13 = arith.constant 0 : i32
      %scan3A_14 = arith.constant 5 : i32
      %scan3A_15 = arith.addi %scan3A_13, %scan3A_14 : i32
      %scan3A_16 = arith.constant 1 : i32
      %scan3A_17 = scf.for %scan3A_19 = %scan3A_13 to %scan3A_15 step %scan3A_16 iter_args(%scan3A_20 = %scan3A) -> (i32)  : i32 {
        %mul3A = arith.constant 128 : i32
        %mul3A_21 = arith.muli %scan3A_19, %mul3A : i32
        "tpu.region"() ({
          %run_scoped3A = tpu.sem_alloc : memref<!tpu.dma_semaphore, #tpu.memory_space<semaphore_mem>>
          %dma_start3A = arith.constant 0 : i32
          %dma_start3A_23 = tpu.memref_slice %arg6[%mul3A_21, %dma_start3A] : memref<640x128xf32, #tpu.memory_space<vmem>> -> memref<128x128xf32, #tpu.memory_space<vmem>>
          %dma_start3A_24 = arith.constant 0 : i32
          %dma_start3A_25 = tpu.memref_slice %arg7[%scan3A_19, %dma_start3A_24] : memref<5x128xi32, #tpu.memory_space<vmem>> -> memref<1x128xi32, #tpu.memory_space<vmem>>
          %dma_start3A_26 = tpu.memref_squeeze %dma_start3A_25 : memref<1x128xi32, #tpu.memory_space<vmem>> -> memref<128xi32, #tpu.memory_space<vmem>>
          %dma_start3A_27 = arith.constant 0 : i32
          %dma_start3A_28 = arith.constant 0 : i32
          %dma_start3A_29 = tpu.memref_slice %arg5[%dma_start3A_27, %dma_start3A_28] : memref<1024x128xf32, #tpu.memory_space<vmem_shared>> -> memref<1024x128xf32, #tpu.memory_space<vmem_shared>>
          tpu.enqueue_indirect_dma source(%dma_start3A_23 : memref<128x128xf32, #tpu.memory_space<vmem>>) target(%dma_start3A_29 : memref<1024x128xf32, #tpu.memory_space<vmem_shared>>) offsets(%dma_start3A_26 : memref<128xi32, #tpu.memory_space<vmem>>) semaphore(%run_scoped3A : memref<!tpu.dma_semaphore, #tpu.memory_space<semaphore_mem>>) {add = true}
          %dma_wait3A = arith.constant 0 : i32
          %dma_wait3A_30 = tpu.memref_slice %arg6[%mul3A_21, %dma_wait3A] : memref<640x128xf32, #tpu.memory_space<vmem>> -> memref<128x128xf32, #tpu.memory_space<vmem>>
          %dma_wait3A_31 = arith.constant 0 : i32
          %dma_wait3A_32 = tpu.memref_slice %arg7[%scan3A_19, %dma_wait3A_31] : memref<5x128xi32, #tpu.memory_space<vmem>> -> memref<1x128xi32, #tpu.memory_space<vmem>>
          %dma_wait3A_33 = tpu.memref_squeeze %dma_wait3A_32 : memref<1x128xi32, #tpu.memory_space<vmem>> -> memref<128xi32, #tpu.memory_space<vmem>>
          %dma_wait3A_34 = arith.constant 0 : i32
          %dma_wait3A_35 = arith.constant 0 : i32
          %dma_wait3A_36 = tpu.memref_slice %arg5[%dma_wait3A_34, %dma_wait3A_35] : memref<1024x128xf32, #tpu.memory_space<vmem_shared>> -> memref<1024x128xf32, #tpu.memory_space<vmem_shared>>
          tpu.wait_indirect_dma semaphore(%run_scoped3A : memref<!tpu.dma_semaphore, #tpu.memory_space<semaphore_mem>>) src(%dma_wait3A_30 : memref<128x128xf32, #tpu.memory_space<vmem>>) dst(%dma_wait3A_36 : memref<1024x128xf32, #tpu.memory_space<vmem_shared>>)
          tpu.yield
        }) : () -> ()
        %scan3A_22 = arith.constant 0 : i32
        scf.yield %scan3A_22 : i32
      }
      %scan3A_18 = arith.constant 5 : i32
    } else {
    }
    %barrier3A_7 = arith.constant 0 : index
    tpu.barrier barrier_id(%barrier3A_7)
    %eq3A_8 = arith.constant 0 : i32
    %eq3A_9 = arith.cmpi eq, %arg0, %eq3A_8 : i32
    %convert_element_type3A_10 = arith.extui %eq3A_9 : i1 to i32
    %cond3A_11 = arith.constant 0 : i32
    %cond3A_12 = arith.cmpi ne, %convert_element_type3A_10, %cond3A_11 : i32
    scf.if %cond3A_12 {
      %mul3A = arith.constant 64 : i32
      %mul3A_13 = arith.muli %arg1, %mul3A : i32
      %mul3A_14 = arith.constant 64 : i32
      %mul3A_15 = arith.muli %arg1, %mul3A_14 : i32
      "tpu.region"() ({
        %run_scoped3A = tpu.sem_alloc : memref<!tpu.dma_semaphore, #tpu.memory_space<semaphore_mem>>
        %dma_start3A = arith.constant 0 : i32
        %dma_start3A_16 = tpu.memref_slice %arg4[%mul3A_15, %dma_start3A] : memref<1024x128xf32, #tpu.memory_space<hbm>> -> memref<64x128xf32, #tpu.memory_space<hbm>>
        %dma_start3A_17 = arith.constant 0 : i32
        %dma_start3A_18 = tpu.memref_slice %arg5[%mul3A_13, %dma_start3A_17] : memref<1024x128xf32, #tpu.memory_space<vmem_shared>> -> memref<64x128xf32, #tpu.memory_space<vmem_shared>>
        tpu.enqueue_dma source(%dma_start3A_18 : memref<64x128xf32, #tpu.memory_space<vmem_shared>>) target(%dma_start3A_16 : memref<64x128xf32, #tpu.memory_space<hbm>>) target_semaphore(%run_scoped3A : memref<!tpu.dma_semaphore, #tpu.memory_space<semaphore_mem>>)
        %dma_wait3A = arith.constant 0 : i32
        %dma_wait3A_19 = tpu.memref_slice %arg4[%mul3A_15, %dma_wait3A] : memref<1024x128xf32, #tpu.memory_space<hbm>> -> memref<64x128xf32, #tpu.memory_space<hbm>>
        %dma_wait3A_20 = arith.constant 0 : i32
        %dma_wait3A_21 = tpu.memref_slice %arg5[%mul3A_13, %dma_wait3A_20] : memref<1024x128xf32, #tpu.memory_space<vmem_shared>> -> memref<64x128xf32, #tpu.memory_space<vmem_shared>>
        tpu.wait_dma2 semaphore(%run_scoped3A : memref<!tpu.dma_semaphore, #tpu.memory_space<semaphore_mem>>) src(%dma_wait3A_21 : memref<64x128xf32, #tpu.memory_space<vmem_shared>>) dst(%dma_wait3A_19 : memref<64x128xf32, #tpu.memory_space<hbm>>)
        tpu.yield
      }) : () -> ()
    } else {
    }
    return
  }
}

module attributes {stable_mosaic.version = 14 : i64} {
  func.func @_linear_body(%arg0: i32, %arg1: memref<1024x128xf32, #tpu.memory_space<vmem>>, %arg2: memref<128x128xf32, #tpu.memory_space<vmem>>, %arg3: memref<1x128xf32, #tpu.memory_space<vmem>>, %arg4: memref<1024x128xf32, #tpu.memory_space<vmem>>) attributes {dimension_semantics = [#tpu.dimension_semantics<arbitrary>], iteration_bounds = array<i64: 10>, scalar_prefetch = 0 : i64, scratch_operands = 0 : i64, tpu.core_type = #tpu.core_type<tc>, window_params = [{transform_indices = @transform_0, window_bounds = array<i64: 1024, 128>}, {pipeline_mode = #tpu.pipeline_mode<synchronous>, transform_indices = @transform_1, window_bounds = array<i64: 128, 128>}, {pipeline_mode = #tpu.pipeline_mode<synchronous>, transform_indices = @transform_2, window_bounds = array<i64: 1, 128>}, {transform_indices = @transform_3, window_bounds = array<i64: 1024, 128>}]} {
    %get3A = arith.constant 0 : index
    %get3A_0 = arith.constant 0 : index
    %get3A_1 = vector.load %arg1[%get3A, %get3A_0] : memref<1024x128xf32, #tpu.memory_space<vmem>>, vector<1024x128xf32>
    %get3A_2 = arith.constant 0 : index
    %get3A_3 = arith.constant 0 : index
    %get3A_4 = vector.load %arg2[%get3A_2, %get3A_3] : memref<128x128xf32, #tpu.memory_space<vmem>>, vector<128x128xf32>
    %dot_general3A = arith.constant dense<0.000000e+00> : vector<1024x128xf32>
    %dot_general3A_5 = tpu.matmul %get3A_1, %get3A_4, %dot_general3A {dimension_numbers = #tpu.dot_dimension_numbers<[1], [0], [0], [1], [0, 0, 1, 1], [], []>, transpose_lhs_hint = false} : vector<1024x128xf32>, vector<128x128xf32>, vector<1024x128xf32> -> vector<1024x128xf32>
    %get3A_6 = arith.constant 0 : index
    %get3A_7 = arith.constant 0 : index
    %get3A_8 = vector.load %arg3[%get3A_6, %get3A_7] : memref<1x128xf32, #tpu.memory_space<vmem>>, vector<1x128xf32>
    %add3A = vector.broadcast %get3A_8 : vector<1x128xf32> to vector<1024x128xf32>
    %add3A_9 = arith.addf %dot_general3A_5, %add3A : vector<1024x128xf32>
    %swap3A = arith.constant 0 : index
    %swap3A_10 = arith.constant 0 : index
    %swap3A_11 = vector.load %arg4[%swap3A, %swap3A_10] : memref<1024x128xf32, #tpu.memory_space<vmem>>, vector<1024x128xf32>
    tpu.vector_store %arg4[%swap3A, %swap3A_10], %add3A_9 {strides = array<i32>} : memref<1024x128xf32, #tpu.memory_space<vmem>>, vector<1024x128xf32>,
    return
  }
  func.func @transform_0(%arg0: i32) -> (i32, i32) {
    %c0_i32 = arith.constant 0 : i32
    %c0_i32_0 = arith.constant 0 : i32
    return %arg0, %c0_i32 : i32, i32
  }
  func.func @transform_1(%arg0: i32) -> (i32, i32) {
    %c0_i32 = arith.constant 0 : i32
    %c0_i32_0 = arith.constant 0 : i32
    %c0_i32_1 = arith.constant 0 : i32
    return %c0_i32, %c0_i32_0 : i32, i32
  }
  func.func @transform_2(%arg0: i32) -> (i32, i32) {
    %c0_i32 = arith.constant 0 : i32
    %c0_i32_0 = arith.constant 0 : i32
    %c0_i32_1 = arith.constant 0 : i32
    return %c0_i32, %c0_i32_0 : i32, i32
  }
  func.func @transform_3(%arg0: i32) -> (i32, i32) {
    %c0_i32 = arith.constant 0 : i32
    %c0_i32_0 = arith.constant 0 : i32
    return %arg0, %c0_i32 : i32, i32
  }
}

module attributes {stable_mosaic.version = 14 : i64} {
  func.func @_combine_body(%arg0: i32, %arg1: memref<1x1024x128xf32, #tpu.memory_space<vmem>>, %arg2: memref<1x1024x1xf32, #tpu.memory_space<vmem>>, %arg3: memref<1024x128xf32, #tpu.memory_space<vmem>>, %arg4: memref<128x128xf32, #tpu.memory_space<vmem>>, %arg5: memref<128x128xf32, #tpu.memory_space<vmem>>, %arg6: memref<1x128xf32, #tpu.memory_space<vmem>>, %arg7: memref<1024x128xf32, #tpu.memory_space<vmem>>) attributes {dimension_semantics = [#tpu.dimension_semantics<arbitrary>], iteration_bounds = array<i64: 10>, scalar_prefetch = 0 : i64, scratch_operands = 0 : i64, tpu.core_type = #tpu.core_type<tc>, window_params = [{transform_indices = @transform_0, window_bounds = array<i64: 1, 1024, 128>}, {transform_indices = @transform_1, window_bounds = array<i64: 1, 1024, 1>}, {transform_indices = @transform_2, window_bounds = array<i64: 1024, 128>}, {pipeline_mode = #tpu.pipeline_mode<synchronous>, transform_indices = @transform_3, window_bounds = array<i64: 128, 128>}, {pipeline_mode = #tpu.pipeline_mode<synchronous>, transform_indices = @transform_4, window_bounds = array<i64: 128, 128>}, {pipeline_mode = #tpu.pipeline_mode<synchronous>, transform_indices = @transform_5, window_bounds = array<i64: 1, 128>}, {transform_indices = @transform_6, window_bounds = array<i64: 1024, 128>}]} {
    %get3A = arith.constant 0 : index
    %get3A_0 = arith.constant 0 : index
    %get3A_1 = arith.constant 0 : index
    %get3A_2 = vector.load %arg1[%get3A, %get3A_0, %get3A_1] : memref<1x1024x128xf32, #tpu.memory_space<vmem>>, vector<1x1024x128xf32>
    %get3A_3 = vector.shape_cast %get3A_2 : vector<1x1024x128xf32> to vector<1024x128xf32>
    %get3A_4 = arith.constant 0 : index
    %get3A_5 = arith.constant 0 : index
    %get3A_6 = arith.constant 0 : index
    %get3A_7 = vector.load %arg2[%get3A_4, %get3A_5, %get3A_6] : memref<1x1024x1xf32, #tpu.memory_space<vmem>>, vector<1x1024x1xf32>
    %get3A_8 = vector.shape_cast %get3A_7 : vector<1x1024x1xf32> to vector<1024x1xf32>
    %max3A = arith.constant 1.000000e+00 : f32
    %max3A_9 = vector.broadcast %max3A : f32 to vector<1024x1xf32>
    %max3A_10 = arith.maximumf %get3A_8, %max3A_9 : vector<1024x1xf32>
    %div3A = arith.constant 1.000000e+00 : f32
    %div3A_11 = vector.broadcast %div3A : f32 to vector<1024x1xf32>
    %div3A_12 = arith.divf %div3A_11, %max3A_10 : vector<1024x1xf32>
    %mul3A = vector.broadcast %div3A_12 : vector<1024x1xf32> to vector<1024x128xf32>
    %mul3A_13 = arith.mulf %get3A_3, %mul3A : vector<1024x128xf32>
    %get3A_14 = arith.constant 0 : index
    %get3A_15 = arith.constant 0 : index
    %get3A_16 = vector.load %arg4[%get3A_14, %get3A_15] : memref<128x128xf32, #tpu.memory_space<vmem>>, vector<128x128xf32>
    %dot_general3A = arith.constant dense<0.000000e+00> : vector<1024x128xf32>
    %dot_general3A_17 = tpu.matmul %mul3A_13, %get3A_16, %dot_general3A {dimension_numbers = #tpu.dot_dimension_numbers<[1], [0], [0], [1], [0, 0, 1, 1], [], []>, transpose_lhs_hint = false} : vector<1024x128xf32>, vector<128x128xf32>, vector<1024x128xf32> -> vector<1024x128xf32>
    %get3A_18 = arith.constant 0 : index
    %get3A_19 = arith.constant 0 : index
    %get3A_20 = vector.load %arg3[%get3A_18, %get3A_19] : memref<1024x128xf32, #tpu.memory_space<vmem>>, vector<1024x128xf32>
    %get3A_21 = arith.constant 0 : index
    %get3A_22 = arith.constant 0 : index
    %get3A_23 = vector.load %arg5[%get3A_21, %get3A_22] : memref<128x128xf32, #tpu.memory_space<vmem>>, vector<128x128xf32>
    %dot_general3A_24 = arith.constant dense<0.000000e+00> : vector<1024x128xf32>
    %dot_general3A_25 = tpu.matmul %get3A_20, %get3A_23, %dot_general3A_24 {dimension_numbers = #tpu.dot_dimension_numbers<[1], [0], [0], [1], [0, 0, 1, 1], [], []>, transpose_lhs_hint = false} : vector<1024x128xf32>, vector<128x128xf32>, vector<1024x128xf32> -> vector<1024x128xf32>
    %add3A = arith.addf %dot_general3A_17, %dot_general3A_25 : vector<1024x128xf32>
    %get3A_26 = arith.constant 0 : index
    %get3A_27 = arith.constant 0 : index
    %get3A_28 = vector.load %arg6[%get3A_26, %get3A_27] : memref<1x128xf32, #tpu.memory_space<vmem>>, vector<1x128xf32>
    %add3A_29 = vector.broadcast %get3A_28 : vector<1x128xf32> to vector<1024x128xf32>
    %add3A_30 = arith.addf %add3A, %add3A_29 : vector<1024x128xf32>
    %swap3A = arith.constant 0 : index
    %swap3A_31 = arith.constant 0 : index
    %swap3A_32 = vector.load %arg7[%swap3A, %swap3A_31] : memref<1024x128xf32, #tpu.memory_space<vmem>>, vector<1024x128xf32>
    tpu.vector_store %arg7[%swap3A, %swap3A_31], %add3A_30 {strides = array<i32>} : memref<1024x128xf32, #tpu.memory_space<vmem>>, vector<1024x128xf32>,
    return
  }
  func.func @transform_0(%arg0: i32) -> (i32, i32, i32) {
    %c0_i32 = arith.constant 0 : i32
    %c0_i32_0 = arith.constant 0 : i32
    %c0_i32_1 = arith.constant 0 : i32
    return %c0_i32, %arg0, %c0_i32_0 : i32, i32, i32
  }
  func.func @transform_1(%arg0: i32) -> (i32, i32, i32) {
    %c0_i32 = arith.constant 0 : i32
    %c0_i32_0 = arith.constant 0 : i32
    %c0_i32_1 = arith.constant 0 : i32
    return %c0_i32, %arg0, %c0_i32_0 : i32, i32, i32
  }
  func.func @transform_2(%arg0: i32) -> (i32, i32) {
    %c0_i32 = arith.constant 0 : i32
    %c0_i32_0 = arith.constant 0 : i32
    return %arg0, %c0_i32 : i32, i32
  }
  func.func @transform_3(%arg0: i32) -> (i32, i32) {
    %c0_i32 = arith.constant 0 : i32
    %c0_i32_0 = arith.constant 0 : i32
    %c0_i32_1 = arith.constant 0 : i32
    return %c0_i32, %c0_i32_0 : i32, i32
  }
  func.func @transform_4(%arg0: i32) -> (i32, i32) {
    %c0_i32 = arith.constant 0 : i32
    %c0_i32_0 = arith.constant 0 : i32
    %c0_i32_1 = arith.constant 0 : i32
    return %c0_i32, %c0_i32_0 : i32, i32
  }
  func.func @transform_5(%arg0: i32) -> (i32, i32) {
    %c0_i32 = arith.constant 0 : i32
    %c0_i32_0 = arith.constant 0 : i32
    %c0_i32_1 = arith.constant 0 : i32
    return %c0_i32, %c0_i32_0 : i32, i32
  }
  func.func @transform_6(%arg0: i32) -> (i32, i32) {
    %c0_i32 = arith.constant 0 : i32
    %c0_i32_0 = arith.constant 0 : i32
    return %arg0, %c0_i32 : i32, i32
  }
}

</mosaic_0001>

<sc_bundles>
// kernel: kernel.12.cloned.1.call-start
scs
__scs_entry_jumppad:
0x0: {  	(pc) =	sbr.rel $0x88, $3  }
0x1: {  	(tag) =	ssettag $0x0;
	lr =	simm.s32 $0x1  }
0x2: {  	[smem:$0x3F90] =	sst lr;
	_ =	strace $0xD0000000  }
0x3: {  	_ = 	snop  }
0x4: {  	_ = 	snop  }
0x5: {  	_ = 	snop  }
0x6: {  	_ = 	snop  }
0x7: {  	_ = 	snop  }
__scs_overlays_trampoline_lowered:
0x8: {  	[smem:$0x3F9F] =	sst s0  }
0x9: {  	[smem:$0x3FA0] =	sst s1  }
0xa: {  	[smem:$0x3FA1] =	sst s2  }
0xb: {  	[smem:$0x3FA2] =	sst s3  }
0xc: {  	[smem:$0x3FA3] =	sst s4  }
0xd: {  	[smem:$0x3FA4] =	sst s5  }
0xe: {  	[smem:$0x3FA5] =	sst s6  }
0xf: {  	[smem:$0x3FA6] =	sst s7  }
0x10: {  	[smem:$0x3FA7] =	sst s8  }
0x11: {  	[smem:$0x3FA8] =	sst s9;
	s0 =	simm.s32 @!p0 $0x0  }
0x12: {  	s1 =	sld [smem:$0x3F8E];
	s0 =	simm.s32 @p0 $0x1  }
0x13: {  	[smem:$0x3FA9] =	sst s0;
	s0 =	simm.s32 @!p1 $0x0  }
0x14: {  	s2 =	sld [smem:$0x3F8D];
	s0 =	simm.s32 @p1 $0x1  }
0x15: {  	[smem:$0x3FAA] =	sst s0;
	s0 =	simm.s32 @!p2 $0x0  }
0x16: {  	s3 =	sld [smem:$0x3FDB];
	s0 =	simm.s32 @p2 $0x1  }
0x17: {  	s4 =	simm.s32 $0x1BF5;
	[smem:$0x3FAC] =	sst s0  }
0x18: {  	s0 =	sld [smem:$0x3F8F];
	_ =	swait.ge [sflag:s4], $0x0  }
0x19: {  	s7 =	sld [smem:$0x3F90]  }
0x1a: {  	s8 =	sadd.s32 $0xFFFFE003, lr  }
0x1b: {  	s9 =	sadd.s32 $0xFFFFFEF7, lr;
	s5 =	simm.s32 $0xFFFFFFFF;
	p2 =	slt.u32 s8, $0xFFFFF086  }
0x1c: {  	p1 =	slt.u32 s9, $0xF7A;
	s5 =	simm.s32 @!p2 $0x0  }
0x1d: {  	s5 =	simm.s32 @p1 $0x1;
	p0 =	seq.s32 s7, s2  }
0x1e: {  	s7 =	smul.u32 @!p0 $0xF7A, s2;
	p2 =	seq.s32 @!p0 s5, $0x0  }
0x1f: {  	s9 =	smul.u32 $0xF7A, s1;
	s8 =	simm.s32 @!p0 $0x1BF5;
	p2 =	por !p2, p0  }
0x20: {  	[sflag:s8] =	ssyncset.s32 @!p0 $0xFFFFF086;
	s6 =	sadd.s32 @!p0 s3, s7;
	s7 =	simm.s32 @!p0 $0x108  }
0x21: {  	s3 =	sadd.s32 s3, s9;
	s6 =	sadd.s32 @!p0 $0x88, s6;
	s7 =	simm.s32 @p2 $0x1082  }
0x22: {  	[simem:s7], [sflag:s8] =	dma.local @!p0 [hbm:s6], $0xF7A  }
0x23: {  	s9 =	sor.u32 $0xD0000000, s2;
	s6 =	simm.s32 $0x108;
	_ =	swait.ge @!p0 [sflag:s8], $0x0  }
0x24: {  	s3 =	sadd.s32 $0x88, s3;
	s6 =	simm.s32 @!p1 $0x1082;
	[sflag:s4] =	ssyncset.s32 $0xFFFFF086  }
0x25: {  	[simem:s6], [sflag:s4] =	dma.local [hbm:s3], $0xF7A  }
0x26: {  	[smem:$0x3F90] =	sst s1;
	(tag) =	ssettag s2;
	_ =	strace s9  }
0x27: {  	s1 =	sld [smem:$0x3FA0]  }
0x28: {  	s2 =	sld [smem:$0x3FA1]  }
0x29: {  	s4 =	sld [smem:$0x3FA3]  }
0x2a: {  	p0 =	seq.s32 s5, $0x0;
	s5 =	sld [smem:$0x3FA4]  }
0x2b: {  	s6 =	sld [smem:$0x3FA5]  }
0x2c: {  	s7 =	sld [smem:$0x3FA6]  }
0x2d: {  	s3 =	simm.s32 $0x108;
	s8 =	sld [smem:$0x3FA7]  }
0x2e: {  	s3 =	simm.s32 @!p0 $0x1082;
	s9 =	sld [smem:$0x3FA8]  }
0x2f: {  	lr =	sadd.s32 s0, s3;
	s0 =	sld [smem:$0x3F9F]  }
0x30: {  	s3 =	sld [smem:$0x3FA2]  }
0x31: {  	[smem:$0x3FAB] =	sst s10  }
0x32: {  	s10 =	sld [smem:$0x3FA9];
	_ =	sdelay $0x3  }
0x33: {  	p0 =	seq.s32 s10, $0x1;
	s10 =	sld [smem:$0x3FAB];
	_ =	sdelay $0x3  }
0x34: {  	[smem:$0x3FAB] =	sst s10  }
0x35: {  	s10 =	sld [smem:$0x3FAA];
	_ =	sdelay $0x3  }
0x36: {  	p1 =	seq.s32 s10, $0x1;
	s10 =	sld [smem:$0x3FAB];
	_ =	sdelay $0x3  }
0x37: {  	[smem:$0x3FAB] =	sst s10  }
0x38: {  	s10 =	sld [smem:$0x3FAC]  }
0x39: {  	_ = 	snop;
	(pc) =	sbr.ind lr, $3  }
0x3a: {  	_ = 	snop  }
0x3b: {  	_ = 	snop  }
0x3c: {  	p2 =	seq.s32 s10, $0x1;
	s10 =	sld [smem:$0x3FAB]  }
0x3d: {  	_ =	shalt  }
0x3e: {  	_ =	shalt  }
0x3f: {  	_ =	shalt  }
0x40: {  	_ =	shalt  }
0x41: {  	_ =	shalt  }
0x42: {  	_ =	shalt  }
0x43: {  	_ =	shalt  }
0x44: {  	_ =	shalt  }
0x45: {  	_ =	shalt  }
0x46: {  	_ =	shalt  }
0x47: {  	_ =	shalt  }
0x48: {  	_ =	shalt  }
0x49: {  	_ =	shalt  }
0x4a: {  	_ =	shalt  }
0x4b: {  	_ =	shalt  }
0x4c: {  	_ =	shalt  }
0x4d: {  	_ =	shalt  }
0x4e: {  	_ =	shalt  }
0x4f: {  	_ =	shalt  }
0x50: {  	_ =	shalt  }
0x51: {  	_ =	shalt  }
0x52: {  	_ =	shalt  }
0x53: {  	_ =	shalt  }
0x54: {  	_ =	shalt  }
0x55: {  	_ =	shalt  }
0x56: {  	_ =	shalt  }
0x57: {  	_ =	shalt  }
0x58: {  	_ =	shalt  }
0x59: {  	_ =	shalt  }
0x5a: {  	_ =	shalt  }
0x5b: {  	_ =	shalt  }
0x5c: {  	_ =	shalt  }
0x5d: {  	_ =	shalt  }
0x5e: {  	_ =	shalt  }
0x5f: {  	_ =	shalt  }
0x60: {  	_ =	shalt  }
0x61: {  	_ =	shalt  }
0x62: {  	_ =	shalt  }
0x63: {  	_ =	shalt  }
0x64: {  	_ =	shalt  }
0x65: {  	_ =	shalt  }
0x66: {  	_ =	shalt  }
0x67: {  	_ =	shalt  }
0x68: {  	_ =	shalt  }
0x69: {  	_ =	shalt  }
0x6a: {  	_ =	shalt  }
0x6b: {  	_ =	shalt  }
0x6c: {  	_ =	shalt  }
0x6d: {  	_ =	shalt  }
0x6e: {  	_ =	shalt  }
0x6f: {  	_ =	shalt  }
0x70: {  	_ =	shalt  }
0x71: {  	_ =	shalt  }
0x72: {  	_ =	shalt  }
0x73: {  	_ =	shalt  }
0x74: {  	_ =	shalt  }
0x75: {  	_ =	shalt  }
0x76: {  	_ =	shalt  }
0x77: {  	_ =	shalt  }
0x78: {  	_ =	shalt  }
0x79: {  	_ =	shalt  }
0x7a: {  	_ =	shalt  }
0x7b: {  	_ =	shalt  }
0x7c: {  	_ =	shalt  }
0x7d: {  	_ =	shalt  }
0x7e: {  	_ =	shalt  }
0x7f: {  	_ =	shalt  }
0x80: {  	_ =	shalt  }
0x81: {  	_ =	shalt  }
0x82: {  	_ =	shalt  }
0x83: {  	_ =	shalt  }
0x84: {  	_ =	shalt  }
0x85: {  	_ =	shalt  }
0x86: {  	_ =	shalt  }
0x87: {  	_ =	shalt  }
.Lfunc_end0:
.L_simem_size_0:
called_computation_lowered:
.L_overlay_start_0:
0x88: {  	s2 =	sld [smem:$0x3FD9]  }
0x89: {  	s3 =	sld [smem:$0x3FFE];
	_ =	sdelay $0x1  }
0x8a: {  	s1 =	srdreg.scid  }
0x8b: {  	s0 =	sand.u32 $0x1, s1  }
0x8c: {  	s17 =	sshll.u32 s0, $0xA;
	s2 =	sadd.s32 s3, s2  }
0x8d: {  	s2 =	sadd.s32 s2, s17  }
0x8e: {  	[smem:$0x3FB7] =	sst s2  }
0x8f: {  	_ = 	snop  }
0x90: {  	s2 =	sld [smem:$0x3FD0];
	(tm) =	ssettm $0x1  }
0x91: {  	s18 =	sld [smem:$0x3FFB];
	_ =	sdelay $0x3  }
0x92: {  	_ =	strace s18  }
0x93: {  	s3 =	sld [smem:$0x3FFC];
	_ =	sdelay $0x3  }
0x94: {  	_ =	strace s3  }
0x95: {  	s3 =	sld [smem:$0x3FFD];
	_ =	sdelay $0x3  }
0x96: {  	_ =	strace s3  }
0x97: {  	_ =	strace $0x8FFFFFFF  }
0x98: {  	s19 =	sld [smem:$0x3FDB];
	_ =	sdelay $0x1  }
0x99: {  	s4 =	simm.s32 $_scs_section_size  }
0x9a: {  	s5 =	simm.s32 $_size__tile_overlayer_lowered;
	s6 =	simm.s32 $_tile_overlayer_lowered  }
0x9b: {  	s22 =	simm.s32 $0x1BFF;
	s21 =	sshll.u32 s6, $0x1;
	s3 =	sadd.s32 s4, s19  }
0x9c: {  	s7 =	simm.s32 $0x0;
	s20 =	sshll.u32 s5, $0x1;
	s5 =	sadd.s32 s21, s3  }
0x9d: {  	[timem:s7], [sflag:s22] =	dma.local [hbm:s5], s20  }
0x9e: {  	_ =	swait.ge [sflag:s22], s20  }
0x9f: {  	s4 =	ssub.s32 $0x0, s20;
	[sflag:s22] =	ssyncset.done $0x0  }
0xa0: {  	[sflag:s22] =	ssyncadd.s32 s4;
	_ =	sdelay $0x1  }
0xa1: {  	s23 =	simm.s32 $0x1B8B  }
0xa2: {  	_ =	swait.ge [sflag:s23], $0x1  }
0xa3: {  	[sflag:s23] =	ssyncset.done $0x0  }
0xa4: {  	s25 =	simm.s32 $0x1B8E;
	s24 =	sld [smem:$0x3FFE];
	[sflag:s23] =	ssyncadd.s32 $0xFFFFFFFF  }
0xa5: {  	s26 =	simm.s32 $execute0_lowered;
	[smem:$0x3FD2] =	sst s25  }
0xa6: {  	s5 =	sshll.u32 s26, $0x1;
	_ =	strace $0x80000046;
	[dreg:$0x1] =	wrdreg $0xFFFFFFFF  }
0xa7: {  	s28 =	simm.s32 $_size_execute0_lowered;
	s3 =	sadd.s32 s3, s5;
	[dreg:$0x0] =	wrdreg $0x0  }
0xa8: {  	s5 =	sshll.u32 s28, $0x1;
	[dreg:$0x2] =	wrdreg s3  }
0xa9: {  	[dreg:$0x3] =	wrdreg s5  }
0xaa: {  	[dreg:$0x4] =	wrdreg $0xC0  }
0xab: {  	_ =	task [dreg:s7], $0x5FFFF  }
0xac: {  	[dreg:$0x1] =	wrdreg $0xFFFFFFFF  }
0xad: {  	[dreg:$0x0] =	wrdreg $0x60  }
0xae: {  	[dreg:$0x2] =	wrdreg s24  }
0xaf: {  	[dreg:$0x3] =	wrdreg s2  }
0xb0: {  	[dreg:$0x4] =	wrdreg $0x0  }
0xb1: {  	[dreg:$0x5] =	wrdreg $0x1C8000  }
0xb2: {  	[dreg:$0x6] =	wrdreg $0x9  }
0xb3: {  	_ =	task.clear_ibuf [dreg:s7], $0x7FFFF;
	_ =	strace $0x90000046  }
0xb4: {  	s29 =	simm.s32 $0x9;
	_ =	strace $0x80000048  }
0xb5: {  	_ =	swait.ge [sflag:s29], $0x1  }
0xb6: {  	[sflag:s29] =	ssyncadd.s32 $0xFFFFFFFF  }
0xb7: {  	_ =	strace $0x90000048  }
0xb8: {  	_ =	sfence  }
0xb9: {  	s30 =	sld [smem:$0x0];
	_ =	sdelay $0x2  }
0xba: {  	s31 =	sshll.u32 s1, $0xD;
	s1 =	sshrl.u32 s1, $0x2  }
0xbb: {  	s3 =	sand.u32 $0x4000, s31;
	s1 =	sadd.s32 s1, s30  }
0xbc: {  	s0 =	sor.u32 s3, s0;
	s1 =	sshll.u32 s1, $0x11  }
0xbd: {  	s0 =	sor.u32 s1, s0  }
0xbe: {  	s0 =	sadd.s32 $0x8F2B, s0  }
0xbf: {  	[sflag:s0] =	ssyncadd.remote.s32 $0x1  }
0xc0: {  	_ =	sfence.sel $0xFFFF  }
0xc1: {  	[dreg:$0x0] =	wrdreg $0xFFFFFFFF;
	(pc) =	sbr.abs _section_cstart, $3  }
0xc2: {  	[dreg:$0x1] =	wrdreg $0xFFFFFFFF  }
0xc3: {  	_ =	task.clear_ibuf [dreg:s7], $0x2FFFF;
	_ =	strace $0x9FFFFFFF  }
0xc4: {  	(tm) =	ssettm $0x7FFFFFFF  }
0xc5: {  	_ =	shalt  }
tec
execute0_lowered:
.L_overlay_start_1:
0x0: {  	(tag) =	ssettag $0x1  }
0x1: {  	s0 =	rddreg [dreg:$0x0]  }
0x2: {  	s2 =	rddreg [dreg:$0x1]  }
0x3: {  	s1 =	rddreg [dreg:$0x2]  }
0x4: {  	s3 =	rddreg [dreg:$0x3]  }
0x5: {  	s4 =	simm.s32 $0x0;
	s12 =	stileid.u32;
	s7 =	srdreg.scid  }
0x6: {  	s15 =	simm.s32 $0x14800;
	s16 =	simm.s32 $0x3;
	s28 =	simm.s32 $0x14480  }
0x7: {  	s29 =	simm.s32 $0x14180;
	s30 =	simm.s32 $0x14500;
	s6 =	smul.u32 $0xA00, s12  }
0x8: {  	s31 =	simm.s32 $0x14200;
	s13 =	simm.s32 $0x14780;
	s8 =	smul.u32 $0x50000, s12  }
0x9: {  	s14 =	simm.s32 $0x0;
	[smem:$0x7FF] =	sst s4;
	s17 =	smul.u32 $0x2800, s12  }
0xa: {  	s5 =	sadd.s32 $0x19000, s0;
	s7 =	sand.u32 $0x1, s7;
	s12 =	smul.u32 $0x280, s12  }
0xb: {  	_ =	strace $0x80000047;
	s10 =	ssub.s32 $0x2, s7;
	p0 =	seq.s32 s7, $0x0  }
0xc: {  	s9 =	sadd.s32 s6, s0;
	s11 =	sshrl.u32 s10, $0x1;
	s8 =	sshrl.u32 s8, $0x2  }
0xd: {  	s0 =	sadd.s32 s17, s0;
	s19 =	sadd.s32 s12, s3;
	s20 =	sshrl.u32 s12, $0x3  }
0xe: {  	s17 =	simm.s32 $0x14280;
	s12 =	simm.s32 $0x14700;
	s10 =	ssub.s32 s10, s11  }
0xf: {  	s18 =	sadd.s32 s8, s1;
	[dreg:$0x8] =	wrdreg s19;
	s0 =	sadd.s32 $0x41000, s0  }
0x10: {  	s24 =	sadd.s32 $0xF000, s9;
	s26 =	sadd.s32 $0x5000, s9;
	[dreg:$0x9] =	wrdreg s0  }
0x11: {  	s19 =	simm.s32 $0x14400;
	s8 =	simm.s32 $0x14300;
	[dreg:$0x7] =	wrdreg s18  }
0x12: {  	s9 =	simm.s32 $0x14680;
	s11 =	simm.s32 $0x14380;
	[dreg:$0x5] =	wrdreg s24  }
0x13: {  	s0 =	sadd.s32 s2, s20;
	s10 =	smax.u32 s10, $0x1;
	[dreg:$0x6] =	wrdreg s26  }
0x14: {  	s21 =	sadd.s32 $0x4000, s18;
	s22 =	sadd.s32 $0x8000, s18;
	[dreg:$0xa] =	wrdreg s0  }
0x15: {  	s23 =	sadd.s32 $0xC000, s18;
	s25 =	sadd.s32 $0x10000, s18;
	[dreg:$0xc] =	wrdreg s21  }
.Ltmp0:
0x16: {  	s18 =	simm.s32 $0x14000;
	[dreg:$0xd] =	wrdreg s22;
	(pc) =	sbr.rel .LBB2_1-.Ltmp0, $4  }
0x17: {  	s20 =	simm.s32 $0x80;
	s24 =	simm.s32 $0x1CA80;
	[dreg:$0xe] =	wrdreg s23  }
0x18: {  	s26 =	simm.s32 $0x2;
	s2 =	simm.s32 $0x14600;
	[dreg:$0xf] =	wrdreg s25  }
0x19: {  	s21 =	simm.s32 $0x14080;
	s22 =	simm.s32 $0x18800;
	s23 =	simm.s32 $0x1  }
0x1a: {  	v0 =	vimm.f32 $0.0e+00;
	v1 =	vimm.f32 $1.000000000e+00;
	s25 =	simm.s32 $0x14100;
	s0 =	simm.s32 $0x14580;
	[dreg:$0xb] =	wrdreg s10  }
.LBB2_9:
0x1b: {  	[bflag:$0x0] =	sbarrier.arrive $0xFFFF  }
0x1c: {  	[bflag:$0x0] =	sbarrier.arrive $0xFFFF  }
.LBB2_7:
0x1d: {  	s14 =	sadd.s32 $0x1, s14  }
0x1e: {  	p1 =	sne.s32 s14, s10  }
.Ltmp1:
0x1f: {  	_ = 	snop;
	(pc) =	sbr.rel @!p1 .LBB2_8-.Ltmp1, $1  }
0x20: {  	_ =	sdelay $0x3  }
.LBB2_1:
.Ltmp2:
0x21: {  	(pc) =	sbr.rel @!p0 .LBB2_9-.Ltmp2, $1  }
0x22: {  	_ =	sdelay $0x3  }
0x23: {  	s7 =	sshra.s32 s4, $0x2;
	s10 =	sadd.s32 $0x200, s4  }
.LBB2_3:
0x24: {  	p1 =	seq.s32 s10, $0xFE00;
	[tilespmem:s7+$0x14870] =	vst v0  }
0x25: {  	[tilespmem:s7+$0x14800] =	vst v0  }
0x26: {  	[tilespmem:s7+$0x14810] =	vst v0  }
.Ltmp3:
0x27: {  	[tilespmem:s7+$0x14820] =	vst v0;
	(pc) =	sbr.rel @!p1 .LBB2_3-.Ltmp3, $4  }
0x28: {  	[tilespmem:s7+$0x14830] =	vst v0  }
0x29: {  	[tilespmem:s7+$0x14840] =	vst v0  }
0x2a: {  	[tilespmem:s7+$0x14850] =	vst v0  }
0x2b: {  	[tilespmem:s7+$0x14860] =	vst v0;
	s7 =	sshra.s32 s10, $0x2;
	s10 =	sadd.s32 $0x200, s10  }
0x2c: {  	[tilespmem:s7+$0x14870] =	vst v0  }
0x2d: {  	[tilespmem:s7+$0x14800] =	vst v0  }
0x2e: {  	[tilespmem:s7+$0x14810] =	vst v0  }
0x2f: {  	[tilespmem:s7+$0x14820] =	vst v0  }
0x30: {  	[tilespmem:s7+$0x14830] =	vst v0  }
0x31: {  	[tilespmem:s7+$0x14840] =	vst v0  }
0x32: {  	[tilespmem:s7+$0x14850] =	vst v0  }
0x33: {  	[tilespmem:s7+$0x14860] =	vst v0;
	s6 =	rddreg [dreg:$0x7]  }
0x34: {  	[spmem:s6] =	stream.linear.scatter [tilespmem:s15], [sflag:$0x3], $0x4000, $0x38;
	[tilespmem:$0x1CD80] =	vst v63  }
0x35: {  	_ =	swait.ge [sflag:s16], $0x4000  }
0x36: {  	[sflag:s16] =	ssyncset.done $0x0  }
0x37: {  	s7 =	rddreg [dreg:$0xc];
	[sflag:s16] =	ssyncadd.s32 $0xFFFFC000  }
0x38: {  	[spmem:s7] =	stream.linear.scatter [tilespmem:s15], [sflag:$0x3], $0x4000, $0x38;
	[tilespmem:$0x1CD80] =	vst v63  }
0x39: {  	_ =	swait.ge [sflag:s16], $0x4000  }
0x3a: {  	[sflag:s16] =	ssyncset.done $0x0  }
0x3b: {  	s10 =	rddreg [dreg:$0xd];
	[sflag:s16] =	ssyncadd.s32 $0xFFFFC000  }
0x3c: {  	[spmem:s10] =	stream.linear.scatter [tilespmem:s15], [sflag:$0x3], $0x4000, $0x38;
	[tilespmem:$0x1CD80] =	vst v63  }
0x3d: {  	_ =	swait.ge [sflag:s16], $0x4000  }
0x3e: {  	[sflag:s16] =	ssyncset.done $0x0  }
0x3f: {  	s7 =	rddreg [dreg:$0xe];
	[sflag:s16] =	ssyncadd.s32 $0xFFFFC000  }
0x40: {  	[spmem:s7] =	stream.linear.scatter [tilespmem:s15], [sflag:$0x3], $0x4000, $0x38;
	[tilespmem:$0x1CD80] =	vst v63  }
0x41: {  	_ =	swait.ge [sflag:s16], $0x4000  }
0x42: {  	[sflag:s16] =	ssyncset.done $0x0  }
0x43: {  	s10 =	rddreg [dreg:$0xf];
	[sflag:s16] =	ssyncadd.s32 $0xFFFFC000  }
0x44: {  	[spmem:s10] =	stream.linear.scatter [tilespmem:s15], [sflag:$0x3], $0x4000, $0x38;
	[tilespmem:$0x1CD80] =	vst v63  }
0x45: {  	_ =	swait.ge [sflag:s16], $0x4000  }
0x46: {  	[sflag:s16] =	ssyncset.done $0x0  }
0x47: {  	[sflag:s16] =	ssyncadd.s32 $0xFFFFC000  }
0x48: {  	[tilespmem:$0x1CB00] =	vst v0  }
0x49: {  	[tilespmem:$0x1CB10] =	vst v0  }
0x4a: {  	[tilespmem:$0x1CB20] =	vst v0  }
0x4b: {  	[tilespmem:$0x1CB30] =	vst v0  }
0x4c: {  	[tilespmem:$0x1CB40] =	vst v0  }
0x4d: {  	[tilespmem:$0x1CB50] =	vst v0  }
0x4e: {  	[tilespmem:$0x1CB60] =	vst v0  }
0x4f: {  	[tilespmem:$0x1CB70] =	vst v0  }
0x50: {  	[tilespmem:$0x1CB80] =	vst v0  }
0x51: {  	[tilespmem:$0x1CB90] =	vst v0  }
0x52: {  	[tilespmem:$0x1CBA0] =	vst v0  }
0x53: {  	[tilespmem:$0x1CBB0] =	vst v0  }
0x54: {  	[tilespmem:$0x1CBC0] =	vst v0  }
0x55: {  	[tilespmem:$0x1CBD0] =	vst v0  }
0x56: {  	[tilespmem:$0x1CBE0] =	vst v0  }
0x57: {  	[tilespmem:$0x1CBF0] =	vst v0  }
0x58: {  	[tilespmem:$0x1CC00] =	vst v0  }
0x59: {  	[tilespmem:$0x1CC10] =	vst v0  }
0x5a: {  	[tilespmem:$0x1CC20] =	vst v0  }
0x5b: {  	[tilespmem:$0x1CC30] =	vst v0  }
0x5c: {  	[tilespmem:$0x1CC40] =	vst v0  }
0x5d: {  	[tilespmem:$0x1CC50] =	vst v0  }
0x5e: {  	[tilespmem:$0x1CC60] =	vst v0  }
0x5f: {  	[tilespmem:$0x1CC70] =	vst v0  }
0x60: {  	[tilespmem:$0x1CC80] =	vst v0  }
0x61: {  	[tilespmem:$0x1CC90] =	vst v0  }
0x62: {  	[tilespmem:$0x1CCA0] =	vst v0  }
0x63: {  	[tilespmem:$0x1CCB0] =	vst v0  }
0x64: {  	[tilespmem:$0x1CCC0] =	vst v0  }
0x65: {  	[tilespmem:$0x1CCD0] =	vst v0  }
0x66: {  	[tilespmem:$0x1CCE0] =	vst v0  }
0x67: {  	[tilespmem:$0x1CCF0] =	vst v0  }
0x68: {  	[tilespmem:$0x1CD00] =	vst v0  }
0x69: {  	[tilespmem:$0x1CD10] =	vst v0  }
0x6a: {  	[tilespmem:$0x1CD20] =	vst v0  }
0x6b: {  	[tilespmem:$0x1CD30] =	vst v0  }
0x6c: {  	[tilespmem:$0x1CD40] =	vst v0  }
0x6d: {  	[tilespmem:$0x1CD50] =	vst v0  }
0x6e: {  	[tilespmem:$0x1CD60] =	vst v0  }
0x6f: {  	s10 =	simm.s32 $0x1CB00;
	s7 =	rddreg [dreg:$0x8];
	[tilespmem:$0x1CD70] =	vst v0  }
0x70: {  	[spmem:s7] =	stream.linear.scatter [tilespmem:s10], [sflag:$0x3], $0x280, $0x38;
	[tilespmem:$0x1CD80] =	vst v63  }
0x71: {  	_ =	swait.ge [sflag:s16], $0x280  }
0x72: {  	[sflag:s16] =	ssyncset.done $0x0  }
0x73: {  	[sflag:s16] =	ssyncadd.s32 $0xFFFFFD80  }
0x74: {  	[tilespmem:$0x1CA80] =	vst v1  }
0x75: {  	[tilespmem:$0x1CA90] =	vst v1  }
0x76: {  	[tilespmem:$0x1CAA0] =	vst v1  }
0x77: {  	[tilespmem:$0x1CAB0] =	vst v1  }
0x78: {  	[tilespmem:$0x1CAC0] =	vst v1  }
0x79: {  	[tilespmem:$0x1CAD0] =	vst v1  }
0x7a: {  	[tilespmem:$0x1CAE0] =	vst v1  }
0x7b: {  	[tilespmem:$0x1CAF0] =	vst v1  }
0x7c: {  	[bflag:$0x0] =	sbarrier.arrive $0xFFFF  }
0x7d: {  	s6 =	rddreg [dreg:$0x6]  }
0x7e: {  	s7 =	sadd.s32 $0x0, s6  }
0x7f: {  	[tilespmem:s18], [sflag:$0x3] =	stream.linear.gather [hbm4b:s7+s4], $0x400, $0x38;
	[tilespmem:$0x1CD80] =	vst v63  }
0x80: {  	_ =	swait.ge [sflag:s16], $0x400  }
0x81: {  	s10 =	rddreg [dreg:$0x5];
	[sflag:s16] =	ssyncset.done $0x0  }
0x82: {  	[sflag:s16] =	ssyncadd.s32 $0xFFFFFC00;
	s7 =	sadd.s32 $0x0, s10  }
0x83: {  	[tilespmem:s19], [sflag:$0x3] =	stream.linear.gather [hbm4b:s7+s4], $0x400, $0x38;
	[tilespmem:$0x1CD80] =	vst v63  }
0x84: {  	_ =	swait.ge [sflag:s16], $0x400  }
0x85: {  	[sflag:s16] =	ssyncset.done $0x0  }
0x86: {  	[sflag:s16] =	ssyncadd.s32 $0xFFFFFC00  }
0x87: {  	[tilespmem:s15], [sflag:$0x1] =	stream.indirect.gather [hbm4b:s5+s20], $0x80, s18, s20, $0xb8;
	[tilespmem:$0x1CD80] =	vst v63  }
0x88: {  	_ = 	snop  }
0x89: {  	[tilespmem:s22], [sflag:$0x2] =	stream.indirect.gather [hbm4b:s5+s20], $0x80, s21, s20, $0xb8;
	[tilespmem:$0x1CD80] =	vst v63  }
0x8a: {  	_ =	swait.ge [sflag:s23], $0x4000  }
0x8b: {  	[sflag:s23] =	ssyncset.done $0x0  }
0x8c: {  	[sflag:s23] =	ssyncadd.s32 $0xFFFFC000  }
0x8d: {  	[spmem:s1] =	stream.indirect.scatter.add.f32 [tilespmem:s15], [sflag:$0x3], $0x80, s19, s20, $0xb8;
	[tilespmem:$0x1CD80] =	vst v63  }
0x8e: {  	_ =	swait.ge [sflag:s16], $0x4000  }
0x8f: {  	[sflag:s16] =	ssyncset.done $0x0  }
0x90: {  	[sflag:s16] =	ssyncadd.s32 $0xFFFFC000  }
0x91: {  	[spmem:s3] =	stream.indirect.scatter.add.f32 [tilespmem:s24], [sflag:$0x3], $0x1, s19, s20, $0xb8;
	[tilespmem:$0x1CD80] =	vst v63  }
0x92: {  	_ =	swait.ge [sflag:s16], $0x80  }
0x93: {  	[sflag:s16] =	ssyncset.done $0x0  }
0x94: {  	[sflag:s16] =	ssyncadd.s32 $0xFFFFFF80  }
0x95: {  	[tilespmem:s15], [sflag:$0x1] =	stream.indirect.gather [hbm4b:s5+s20], $0x80, s25, s20, $0xb8;
	[tilespmem:$0x1CD80] =	vst v63  }
0x96: {  	_ =	swait.ge [sflag:s26], $0x4000  }
0x97: {  	[sflag:s26] =	ssyncset.done $0x0  }
0x98: {  	[sflag:s26] =	ssyncadd.s32 $0xFFFFC000  }
0x99: {  	[spmem:s1] =	stream.indirect.scatter.add.f32 [tilespmem:s22], [sflag:$0x3], $0x80, s28, s20, $0xb8;
	[tilespmem:$0x1CD80] =	vst v63  }
0x9a: {  	_ =	swait.ge [sflag:s16], $0x4000  }
0x9b: {  	[sflag:s16] =	ssyncset.done $0x0  }
0x9c: {  	[sflag:s16] =	ssyncadd.s32 $0xFFFFC000  }
0x9d: {  	[spmem:s3] =	stream.indirect.scatter.add.f32 [tilespmem:s24], [sflag:$0x3], $0x1, s28, s20, $0xb8;
	[tilespmem:$0x1CD80] =	vst v63  }
0x9e: {  	_ =	swait.ge [sflag:s16], $0x80  }
0x9f: {  	[sflag:s16] =	ssyncset.done $0x0  }
0xa0: {  	[sflag:s16] =	ssyncadd.s32 $0xFFFFFF80  }
0xa1: {  	[tilespmem:s22], [sflag:$0x2] =	stream.indirect.gather [hbm4b:s5+s20], $0x80, s29, s20, $0xb8;
	[tilespmem:$0x1CD80] =	vst v63  }
0xa2: {  	_ =	swait.ge [sflag:s23], $0x4000  }
0xa3: {  	[sflag:s23] =	ssyncset.done $0x0  }
0xa4: {  	[sflag:s23] =	ssyncadd.s32 $0xFFFFC000  }
0xa5: {  	[spmem:s1] =	stream.indirect.scatter.add.f32 [tilespmem:s15], [sflag:$0x3], $0x80, s30, s20, $0xb8;
	[tilespmem:$0x1CD80] =	vst v63  }
0xa6: {  	_ =	swait.ge [sflag:s16], $0x4000  }
0xa7: {  	[sflag:s16] =	ssyncset.done $0x0  }
0xa8: {  	[sflag:s16] =	ssyncadd.s32 $0xFFFFC000  }
0xa9: {  	[spmem:s3] =	stream.indirect.scatter.add.f32 [tilespmem:s24], [sflag:$0x3], $0x1, s30, s20, $0xb8;
	[tilespmem:$0x1CD80] =	vst v63  }
0xaa: {  	_ =	swait.ge [sflag:s16], $0x80  }
0xab: {  	[sflag:s16] =	ssyncset.done $0x0  }
0xac: {  	[sflag:s16] =	ssyncadd.s32 $0xFFFFFF80  }
0xad: {  	[tilespmem:s15], [sflag:$0x1] =	stream.indirect.gather [hbm4b:s5+s20], $0x80, s31, s20, $0xb8;
	[tilespmem:$0x1CD80] =	vst v63  }
0xae: {  	_ =	swait.ge [sflag:s26], $0x4000  }
0xaf: {  	[sflag:s26] =	ssyncset.done $0x0  }
0xb0: {  	[sflag:s26] =	ssyncadd.s32 $0xFFFFC000  }
0xb1: {  	[spmem:s1] =	stream.indirect.scatter.add.f32 [tilespmem:s22], [sflag:$0x3], $0x80, s0, s20, $0xb8;
	[tilespmem:$0x1CD80] =	vst v63  }
0xb2: {  	_ =	swait.ge [sflag:s16], $0x4000  }
0xb3: {  	[sflag:s16] =	ssyncset.done $0x0  }
0xb4: {  	[sflag:s16] =	ssyncadd.s32 $0xFFFFC000  }
0xb5: {  	[spmem:s3] =	stream.indirect.scatter.add.f32 [tilespmem:s24], [sflag:$0x3], $0x1, s0, s20, $0xb8;
	[tilespmem:$0x1CD80] =	vst v63  }
0xb6: {  	_ =	swait.ge [sflag:s16], $0x80  }
0xb7: {  	[sflag:s16] =	ssyncset.done $0x0  }
0xb8: {  	[sflag:s16] =	ssyncadd.s32 $0xFFFFFF80  }
0xb9: {  	[tilespmem:s22], [sflag:$0x2] =	stream.indirect.gather [hbm4b:s5+s20], $0x80, s17, s20, $0xb8;
	[tilespmem:$0x1CD80] =	vst v63  }
0xba: {  	_ =	swait.ge [sflag:s23], $0x4000  }
0xbb: {  	[sflag:s23] =	ssyncset.done $0x0  }
0xbc: {  	[sflag:s23] =	ssyncadd.s32 $0xFFFFC000  }
0xbd: {  	[spmem:s1] =	stream.indirect.scatter.add.f32 [tilespmem:s15], [sflag:$0x3], $0x80, s2, s20, $0xb8;
	[tilespmem:$0x1CD80] =	vst v63  }
0xbe: {  	_ =	swait.ge [sflag:s16], $0x4000  }
0xbf: {  	[sflag:s16] =	ssyncset.done $0x0  }
0xc0: {  	[sflag:s16] =	ssyncadd.s32 $0xFFFFC000  }
0xc1: {  	[spmem:s3] =	stream.indirect.scatter.add.f32 [tilespmem:s24], [sflag:$0x3], $0x1, s2, s20, $0xb8;
	[tilespmem:$0x1CD80] =	vst v63  }
0xc2: {  	_ =	swait.ge [sflag:s16], $0x80  }
0xc3: {  	[sflag:s16] =	ssyncset.done $0x0  }
0xc4: {  	[sflag:s16] =	ssyncadd.s32 $0xFFFFFF80  }
0xc5: {  	[tilespmem:s15], [sflag:$0x1] =	stream.indirect.gather [hbm4b:s5+s20], $0x80, s8, s20, $0xb8;
	[tilespmem:$0x1CD80] =	vst v63  }
0xc6: {  	_ =	swait.ge [sflag:s26], $0x4000  }
0xc7: {  	[sflag:s26] =	ssyncset.done $0x0  }
0xc8: {  	[sflag:s26] =	ssyncadd.s32 $0xFFFFC000  }
0xc9: {  	[spmem:s1] =	stream.indirect.scatter.add.f32 [tilespmem:s22], [sflag:$0x3], $0x80, s9, s20, $0xb8;
	[tilespmem:$0x1CD80] =	vst v63  }
0xca: {  	_ =	swait.ge [sflag:s16], $0x4000  }
0xcb: {  	[sflag:s16] =	ssyncset.done $0x0  }
0xcc: {  	[sflag:s16] =	ssyncadd.s32 $0xFFFFC000  }
0xcd: {  	[spmem:s3] =	stream.indirect.scatter.add.f32 [tilespmem:s24], [sflag:$0x3], $0x1, s9, s20, $0xb8;
	[tilespmem:$0x1CD80] =	vst v63  }
0xce: {  	_ =	swait.ge [sflag:s16], $0x80  }
0xcf: {  	[sflag:s16] =	ssyncset.done $0x0  }
0xd0: {  	[sflag:s16] =	ssyncadd.s32 $0xFFFFFF80  }
0xd1: {  	[tilespmem:s22], [sflag:$0x2] =	stream.indirect.gather [hbm4b:s5+s20], $0x80, s11, s20, $0xb8;
	[tilespmem:$0x1CD80] =	vst v63  }
0xd2: {  	_ =	swait.ge [sflag:s23], $0x4000  }
0xd3: {  	[sflag:s23] =	ssyncset.done $0x0  }
0xd4: {  	[sflag:s23] =	ssyncadd.s32 $0xFFFFC000  }
0xd5: {  	[spmem:s1] =	stream.indirect.scatter.add.f32 [tilespmem:s15], [sflag:$0x3], $0x80, s12, s20, $0xb8;
	[tilespmem:$0x1CD80] =	vst v63  }
0xd6: {  	_ =	swait.ge [sflag:s16], $0x4000  }
0xd7: {  	[sflag:s16] =	ssyncset.done $0x0  }
0xd8: {  	[sflag:s16] =	ssyncadd.s32 $0xFFFFC000  }
0xd9: {  	[spmem:s3] =	stream.indirect.scatter.add.f32 [tilespmem:s24], [sflag:$0x3], $0x1, s12, s20, $0xb8;
	[tilespmem:$0x1CD80] =	vst v63  }
0xda: {  	_ =	swait.ge [sflag:s16], $0x80  }
0xdb: {  	[sflag:s16] =	ssyncset.done $0x0  }
0xdc: {  	[sflag:s16] =	ssyncadd.s32 $0xFFFFFF80  }
0xdd: {  	_ =	swait.ge [sflag:s26], $0x4000  }
0xde: {  	[sflag:s26] =	ssyncset.done $0x0  }
0xdf: {  	[sflag:s26] =	ssyncadd.s32 $0xFFFFC000  }
0xe0: {  	[spmem:s1] =	stream.indirect.scatter.add.f32 [tilespmem:s22], [sflag:$0x3], $0x80, s13, s20, $0xb8;
	[tilespmem:$0x1CD80] =	vst v63  }
0xe1: {  	_ =	swait.ge [sflag:s16], $0x4000  }
0xe2: {  	[sflag:s16] =	ssyncset.done $0x0  }
0xe3: {  	[sflag:s16] =	ssyncadd.s32 $0xFFFFC000  }
0xe4: {  	[spmem:s3] =	stream.indirect.scatter.add.f32 [tilespmem:s24], [sflag:$0x3], $0x1, s13, s20, $0xb8;
	[tilespmem:$0x1CD80] =	vst v63  }
0xe5: {  	s7 =	simm.s32 $0x80;
	_ =	swait.ge [sflag:s16], $0x80  }
.LBB2_5:
0xe6: {  	s10 =	rddreg [dreg:$0x6];
	s6 =	smov.u32 s7;
	[sflag:s16] =	ssyncset.done $0x0  }
0xe7: {  	s10 =	sadd.s32 s6, s10;
	[sflag:s16] =	ssyncadd.s32 $0xFFFFFF80  }
0xe8: {  	[tilespmem:s18], [sflag:$0x3] =	stream.linear.gather [hbm4b:s10+s4], $0x400, $0x38;
	[tilespmem:$0x1CD80] =	vst v63  }
0xe9: {  	_ =	swait.ge [sflag:s16], $0x400  }
0xea: {  	s10 =	rddreg [dreg:$0x5];
	[sflag:s16] =	ssyncset.done $0x0  }
0xeb: {  	[sflag:s16] =	ssyncadd.s32 $0xFFFFFC00;
	s6 =	sadd.s32 s6, s10  }
0xec: {  	[tilespmem:s19], [sflag:$0x3] =	stream.linear.gather [hbm4b:s6+s4], $0x400, $0x38;
	[tilespmem:$0x1CD80] =	vst v63  }
0xed: {  	_ =	swait.ge [sflag:s16], $0x400  }
0xee: {  	[sflag:s16] =	ssyncset.done $0x0  }
0xef: {  	[sflag:s16] =	ssyncadd.s32 $0xFFFFFC00  }
0xf0: {  	[tilespmem:s15], [sflag:$0x1] =	stream.indirect.gather [hbm4b:s5+s20], $0x80, s18, s20, $0xb8;
	[tilespmem:$0x1CD80] =	vst v63  }
0xf1: {  	_ = 	snop  }
0xf2: {  	[tilespmem:s22], [sflag:$0x2] =	stream.indirect.gather [hbm4b:s5+s20], $0x80, s21, s20, $0xb8;
	[tilespmem:$0x1CD80] =	vst v63  }
0xf3: {  	_ =	swait.ge [sflag:s23], $0x4000  }
0xf4: {  	[sflag:s23] =	ssyncset.done $0x0  }
0xf5: {  	[sflag:s23] =	ssyncadd.s32 $0xFFFFC000  }
0xf6: {  	[spmem:s1] =	stream.indirect.scatter.add.f32 [tilespmem:s15], [sflag:$0x3], $0x80, s19, s20, $0xb8;
	[tilespmem:$0x1CD80] =	vst v63  }
0xf7: {  	_ =	swait.ge [sflag:s16], $0x4000  }
0xf8: {  	[sflag:s16] =	ssyncset.done $0x0  }
0xf9: {  	[sflag:s16] =	ssyncadd.s32 $0xFFFFC000  }
0xfa: {  	[spmem:s3] =	stream.indirect.scatter.add.f32 [tilespmem:s24], [sflag:$0x3], $0x1, s19, s20, $0xb8;
	[tilespmem:$0x1CD80] =	vst v63  }
0xfb: {  	_ =	swait.ge [sflag:s16], $0x80  }
0xfc: {  	[sflag:s16] =	ssyncset.done $0x0  }
0xfd: {  	[sflag:s16] =	ssyncadd.s32 $0xFFFFFF80  }
0xfe: {  	[tilespmem:s15], [sflag:$0x1] =	stream.indirect.gather [hbm4b:s5+s20], $0x80, s25, s20, $0xb8;
	[tilespmem:$0x1CD80] =	vst v63  }
0xff: {  	_ =	swait.ge [sflag:s26], $0x4000  }
0x100: {  	[sflag:s26] =	ssyncset.done $0x0  }
0x101: {  	[sflag:s26] =	ssyncadd.s32 $0xFFFFC000  }
0x102: {  	[spmem:s1] =	stream.indirect.scatter.add.f32 [tilespmem:s22], [sflag:$0x3], $0x80, s28, s20, $0xb8;
	[tilespmem:$0x1CD80] =	vst v63  }
0x103: {  	_ =	swait.ge [sflag:s16], $0x4000  }
0x104: {  	[sflag:s16] =	ssyncset.done $0x0  }
0x105: {  	[sflag:s16] =	ssyncadd.s32 $0xFFFFC000  }
0x106: {  	[spmem:s3] =	stream.indirect.scatter.add.f32 [tilespmem:s24], [sflag:$0x3], $0x1, s28, s20, $0xb8;
	[tilespmem:$0x1CD80] =	vst v63  }
0x107: {  	_ =	swait.ge [sflag:s16], $0x80  }
0x108: {  	[sflag:s16] =	ssyncset.done $0x0  }
0x109: {  	[sflag:s16] =	ssyncadd.s32 $0xFFFFFF80  }
0x10a: {  	[tilespmem:s22], [sflag:$0x2] =	stream.indirect.gather [hbm4b:s5+s20], $0x80, s29, s20, $0xb8;
	[tilespmem:$0x1CD80] =	vst v63  }
0x10b: {  	_ =	swait.ge [sflag:s23], $0x4000  }
0x10c: {  	[sflag:s23] =	ssyncset.done $0x0  }
0x10d: {  	[sflag:s23] =	ssyncadd.s32 $0xFFFFC000  }
0x10e: {  	[spmem:s1] =	stream.indirect.scatter.add.f32 [tilespmem:s15], [sflag:$0x3], $0x80, s30, s20, $0xb8;
	[tilespmem:$0x1CD80] =	vst v63  }
0x10f: {  	_ =	swait.ge [sflag:s16], $0x4000  }
0x110: {  	[sflag:s16] =	ssyncset.done $0x0  }
0x111: {  	[sflag:s16] =	ssyncadd.s32 $0xFFFFC000  }
0x112: {  	[spmem:s3] =	stream.indirect.scatter.add.f32 [tilespmem:s24], [sflag:$0x3], $0x1, s30, s20, $0xb8;
	[tilespmem:$0x1CD80] =	vst v63  }
0x113: {  	_ =	swait.ge [sflag:s16], $0x80  }
0x114: {  	[sflag:s16] =	ssyncset.done $0x0  }
0x115: {  	[sflag:s16] =	ssyncadd.s32 $0xFFFFFF80  }
0x116: {  	[tilespmem:s15], [sflag:$0x1] =	stream.indirect.gather [hbm4b:s5+s20], $0x80, s31, s20, $0xb8;
	[tilespmem:$0x1CD80] =	vst v63  }
0x117: {  	_ =	swait.ge [sflag:s26], $0x4000  }
0x118: {  	[sflag:s26] =	ssyncset.done $0x0  }
0x119: {  	[sflag:s26] =	ssyncadd.s32 $0xFFFFC000  }
0x11a: {  	[spmem:s1] =	stream.indirect.scatter.add.f32 [tilespmem:s22], [sflag:$0x3], $0x80, s0, s20, $0xb8;
	[tilespmem:$0x1CD80] =	vst v63  }
0x11b: {  	_ =	swait.ge [sflag:s16], $0x4000  }
0x11c: {  	[sflag:s16] =	ssyncset.done $0x0  }
0x11d: {  	[sflag:s16] =	ssyncadd.s32 $0xFFFFC000  }
0x11e: {  	[spmem:s3] =	stream.indirect.scatter.add.f32 [tilespmem:s24], [sflag:$0x3], $0x1, s0, s20, $0xb8;
	[tilespmem:$0x1CD80] =	vst v63  }
0x11f: {  	_ =	swait.ge [sflag:s16], $0x80  }
0x120: {  	[sflag:s16] =	ssyncset.done $0x0  }
0x121: {  	[sflag:s16] =	ssyncadd.s32 $0xFFFFFF80  }
0x122: {  	[tilespmem:s22], [sflag:$0x2] =	stream.indirect.gather [hbm4b:s5+s20], $0x80, s17, s20, $0xb8;
	[tilespmem:$0x1CD80] =	vst v63  }
0x123: {  	_ =	swait.ge [sflag:s23], $0x4000  }
0x124: {  	[sflag:s23] =	ssyncset.done $0x0  }
0x125: {  	[sflag:s23] =	ssyncadd.s32 $0xFFFFC000  }
0x126: {  	[spmem:s1] =	stream.indirect.scatter.add.f32 [tilespmem:s15], [sflag:$0x3], $0x80, s2, s20, $0xb8;
	[tilespmem:$0x1CD80] =	vst v63  }
0x127: {  	_ =	swait.ge [sflag:s16], $0x4000  }
0x128: {  	[sflag:s16] =	ssyncset.done $0x0  }
0x129: {  	[sflag:s16] =	ssyncadd.s32 $0xFFFFC000  }
0x12a: {  	[spmem:s3] =	stream.indirect.scatter.add.f32 [tilespmem:s24], [sflag:$0x3], $0x1, s2, s20, $0xb8;
	[tilespmem:$0x1CD80] =	vst v63  }
0x12b: {  	_ =	swait.ge [sflag:s16], $0x80  }
0x12c: {  	[sflag:s16] =	ssyncset.done $0x0  }
0x12d: {  	[sflag:s16] =	ssyncadd.s32 $0xFFFFFF80  }
0x12e: {  	[tilespmem:s15], [sflag:$0x1] =	stream.indirect.gather [hbm4b:s5+s20], $0x80, s8, s20, $0xb8;
	[tilespmem:$0x1CD80] =	vst v63  }
0x12f: {  	_ =	swait.ge [sflag:s26], $0x4000  }
0x130: {  	[sflag:s26] =	ssyncset.done $0x0  }
0x131: {  	[sflag:s26] =	ssyncadd.s32 $0xFFFFC000  }
0x132: {  	[spmem:s1] =	stream.indirect.scatter.add.f32 [tilespmem:s22], [sflag:$0x3], $0x80, s9, s20, $0xb8;
	[tilespmem:$0x1CD80] =	vst v63  }
0x133: {  	_ =	swait.ge [sflag:s16], $0x4000  }
0x134: {  	[sflag:s16] =	ssyncset.done $0x0  }
0x135: {  	[sflag:s16] =	ssyncadd.s32 $0xFFFFC000  }
0x136: {  	[spmem:s3] =	stream.indirect.scatter.add.f32 [tilespmem:s24], [sflag:$0x3], $0x1, s9, s20, $0xb8;
	[tilespmem:$0x1CD80] =	vst v63  }
0x137: {  	_ =	swait.ge [sflag:s16], $0x80  }
0x138: {  	[sflag:s16] =	ssyncset.done $0x0  }
0x139: {  	[sflag:s16] =	ssyncadd.s32 $0xFFFFFF80  }
0x13a: {  	[tilespmem:s22], [sflag:$0x2] =	stream.indirect.gather [hbm4b:s5+s20], $0x80, s11, s20, $0xb8;
	[tilespmem:$0x1CD80] =	vst v63  }
0x13b: {  	_ =	swait.ge [sflag:s23], $0x4000  }
0x13c: {  	[sflag:s23] =	ssyncset.done $0x0  }
0x13d: {  	[sflag:s23] =	ssyncadd.s32 $0xFFFFC000  }
0x13e: {  	[spmem:s1] =	stream.indirect.scatter.add.f32 [tilespmem:s15], [sflag:$0x3], $0x80, s12, s20, $0xb8;
	[tilespmem:$0x1CD80] =	vst v63  }
0x13f: {  	_ =	swait.ge [sflag:s16], $0x4000  }
0x140: {  	[sflag:s16] =	ssyncset.done $0x0  }
0x141: {  	[sflag:s16] =	ssyncadd.s32 $0xFFFFC000  }
0x142: {  	[spmem:s3] =	stream.indirect.scatter.add.f32 [tilespmem:s24], [sflag:$0x3], $0x1, s12, s20, $0xb8;
	[tilespmem:$0x1CD80] =	vst v63  }
0x143: {  	_ =	swait.ge [sflag:s16], $0x80  }
0x144: {  	[sflag:s16] =	ssyncset.done $0x0  }
0x145: {  	[sflag:s16] =	ssyncadd.s32 $0xFFFFFF80  }
0x146: {  	_ =	swait.ge [sflag:s26], $0x4000  }
0x147: {  	[sflag:s26] =	ssyncset.done $0x0  }
0x148: {  	p1 =	seq.s32 s7, $0x980;
	[sflag:s26] =	ssyncadd.s32 $0xFFFFC000  }
0x149: {  	[spmem:s1] =	stream.indirect.scatter.add.f32 [tilespmem:s22], [sflag:$0x3], $0x80, s13, s20, $0xb8;
	[tilespmem:$0x1CD80] =	vst v63  }
.Ltmp4:
0x14a: {  	_ =	swait.ge [sflag:s16], $0x4000;
	(pc) =	sbr.rel @!p1 .LBB2_5-.Ltmp4, $4  }
0x14b: {  	[sflag:s16] =	ssyncset.done $0x0  }
0x14c: {  	[sflag:s16] =	ssyncadd.s32 $0xFFFFC000  }
0x14d: {  	[spmem:s3] =	stream.indirect.scatter.add.f32 [tilespmem:s24], [sflag:$0x3], $0x1, s13, s20, $0xb8;
	[tilespmem:$0x1CD80] =	vst v63  }
0x14e: {  	s7 =	sadd.s32 $0x80, s7;
	_ =	swait.ge [sflag:s16], $0x80  }
0x14f: {  	[sflag:s16] =	ssyncset.done $0x0  }
0x150: {  	[sflag:s16] =	ssyncadd.s32 $0xFFFFFF80  }
0x151: {  	s6 =	stileid.u32;
	[bflag:$0x0] =	sbarrier.arrive $0xFFFF  }
0x152: {  	s6 =	sshll.u32 s6, $0x6;
	s7 =	rddreg [dreg:$0x7]  }
0x153: {  	s6 =	sor.u32 $0x1C03, s6;
	s10 =	rddreg [dreg:$0x9];
	s7 =	sshrl.u32 s7, $0x3  }
0x154: {  	[hbm:s10], [sflag:s6] =	dma.local [spmem:s7], $0x2800  }
0x155: {  	_ =	swait.ge [sflag:s16], $0x2800  }
0x156: {  	[sflag:s16] =	ssyncset.done $0x0  }
0x157: {  	s10 =	rddreg [dreg:$0x8];
	[sflag:s16] =	ssyncadd.s32 $0xFFFFD800  }
.Ltmp5:
0x158: {  	s7 =	sshrl.u32 s10, $0x3;
	s10 =	rddreg [dreg:$0xa];
	(pc) =	sbr.rel .LBB2_7-.Ltmp5, $4  }
0x159: {  	[hbm:s10], [sflag:s6] =	dma.local [spmem:s7], $0x50  }
0x15a: {  	_ =	swait.ge [sflag:s16], $0x50  }
0x15b: {  	[sflag:s16] =	ssyncset.done $0x0  }
0x15c: {  	s10 =	rddreg [dreg:$0xb];
	[sflag:s16] =	ssyncadd.s32 $0xFFFFFFB0  }
.LBB2_8:
0x15d: {  	_ =	sfence.sel $0x180000  }
0x15e: {  	[bflag:$0x0] =	sbarrier.arrive $0xFFFF  }
0x15f: {  	_ =	strace $0x90000047  }
0x160: {  	s0 =	stileid.u32;
	[bflag:$0x2] =	sbarrier.arrive $0xFFFF  }
0x161: {  	p0 =	sne.s32 s0, $0x0;
	s0 =	rddreg [dreg:$0x4]  }
0x162: {  	s0 =	sadd.s32 @!p0 $0x100000, s0  }
0x163: {  	[sflag:s0] =	ssyncadd.tile.s32 @!p0 $0x1;
	_ =	shalt  }
.Lfunc_end2:
_tile_overlayer_lowered:
.L_overlay_start_2:
0x164: {  	(tag) =	ssettag $0x2  }
0x165: {  	s0 =	rddreg [dreg:$0x0];
	s2 =	stileid.u32  }
0x166: {  	s1 =	rddreg [dreg:$0x1];
	p0 =	sne.s32 s2, $0x0  }
0x167: {  	s3 =	rddreg [dreg:$0x2];
	[bflag:$0x3] =	sbarrier.arrive $0xFFFF;
	s2 =	simm.s32 @!p0 $0x1C03  }
0x168: {  	[timem:s3], [sflag:s2] =	dma.local @!p0 [hbm:s0], s1  }
0x169: {  	s0 =	simm.s32 @!p0 $0x3  }
0x16a: {  	_ =	swait.ge @!p0 [sflag:s0], s1  }
0x16b: {  	s1 =	ssub.s32 @!p0 $0x0, s1;
	[sflag:s0] =	ssyncset.done @!p0 $0x0  }
0x16c: {  	[sflag:s0] =	ssyncadd.s32 @!p0 s1  }
0x16d: {  	[bflag:$0x3] =	sbarrier.arrive $0xFFFF  }
0x16e: {  	_ =	shalt  }

// kernel: kernel.15.cloned.1.call-start
scs
__scs_entry_jumppad:
0x0: {  	(pc) =	sbr.rel $0x88, $3  }
0x1: {  	(tag) =	ssettag $0x0;
	lr =	simm.s32 $0x1  }
0x2: {  	[smem:$0x3F90] =	sst lr;
	_ =	strace $0xD0000000  }
0x3: {  	_ = 	snop  }
0x4: {  	_ = 	snop  }
0x5: {  	_ = 	snop  }
0x6: {  	_ = 	snop  }
0x7: {  	_ = 	snop  }
__scs_overlays_trampoline_lowered:
0x8: {  	[smem:$0x3F9F] =	sst s0  }
0x9: {  	[smem:$0x3FA0] =	sst s1  }
0xa: {  	[smem:$0x3FA1] =	sst s2  }
0xb: {  	[smem:$0x3FA2] =	sst s3  }
0xc: {  	[smem:$0x3FA3] =	sst s4  }
0xd: {  	[smem:$0x3FA4] =	sst s5  }
0xe: {  	[smem:$0x3FA5] =	sst s6  }
0xf: {  	[smem:$0x3FA6] =	sst s7  }
0x10: {  	[smem:$0x3FA7] =	sst s8  }
0x11: {  	[smem:$0x3FA8] =	sst s9;
	s0 =	simm.s32 @!p0 $0x0  }
0x12: {  	s1 =	sld [smem:$0x3F8E];
	s0 =	simm.s32 @p0 $0x1  }
0x13: {  	[smem:$0x3FA9] =	sst s0;
	s0 =	simm.s32 @!p1 $0x0  }
0x14: {  	s2 =	sld [smem:$0x3F8D];
	s0 =	simm.s32 @p1 $0x1  }
0x15: {  	[smem:$0x3FAA] =	sst s0;
	s0 =	simm.s32 @!p2 $0x0  }
0x16: {  	s3 =	sld [smem:$0x3FDB];
	s0 =	simm.s32 @p2 $0x1  }
0x17: {  	s4 =	simm.s32 $0x1BF5;
	[smem:$0x3FAC] =	sst s0  }
0x18: {  	s0 =	sld [smem:$0x3F8F];
	_ =	swait.ge [sflag:s4], $0x0  }
0x19: {  	s7 =	sld [smem:$0x3F90]  }
0x1a: {  	s8 =	sadd.s32 $0xFFFFE003, lr  }
0x1b: {  	s9 =	sadd.s32 $0xFFFFFEF7, lr;
	s5 =	simm.s32 $0xFFFFFFFF;
	p2 =	slt.u32 s8, $0xFFFFF086  }
0x1c: {  	p1 =	slt.u32 s9, $0xF7A;
	s5 =	simm.s32 @!p2 $0x0  }
0x1d: {  	s5 =	simm.s32 @p1 $0x1;
	p0 =	seq.s32 s7, s2  }
0x1e: {  	s7 =	smul.u32 @!p0 $0xF7A, s2;
	p2 =	seq.s32 @!p0 s5, $0x0  }
0x1f: {  	s9 =	smul.u32 $0xF7A, s1;
	s8 =	simm.s32 @!p0 $0x1BF5;
	p2 =	por !p2, p0  }
0x20: {  	[sflag:s8] =	ssyncset.s32 @!p0 $0xFFFFF086;
	s6 =	sadd.s32 @!p0 s3, s7;
	s7 =	simm.s32 @!p0 $0x108  }
0x21: {  	s3 =	sadd.s32 s3, s9;
	s6 =	sadd.s32 @!p0 $0x88, s6;
	s7 =	simm.s32 @p2 $0x1082  }
0x22: {  	[simem:s7], [sflag:s8] =	dma.local @!p0 [hbm:s6], $0xF7A  }
0x23: {  	s9 =	sor.u32 $0xD0000000, s2;
	s6 =	simm.s32 $0x108;
	_ =	swait.ge @!p0 [sflag:s8], $0x0  }
0x24: {  	s3 =	sadd.s32 $0x88, s3;
	s6 =	simm.s32 @!p1 $0x1082;
	[sflag:s4] =	ssyncset.s32 $0xFFFFF086  }
0x25: {  	[simem:s6], [sflag:s4] =	dma.local [hbm:s3], $0xF7A  }
0x26: {  	[smem:$0x3F90] =	sst s1;
	(tag) =	ssettag s2;
	_ =	strace s9  }
0x27: {  	s1 =	sld [smem:$0x3FA0]  }
0x28: {  	s2 =	sld [smem:$0x3FA1]  }
0x29: {  	s4 =	sld [smem:$0x3FA3]  }
0x2a: {  	p0 =	seq.s32 s5, $0x0;
	s5 =	sld [smem:$0x3FA4]  }
0x2b: {  	s6 =	sld [smem:$0x3FA5]  }
0x2c: {  	s7 =	sld [smem:$0x3FA6]  }
0x2d: {  	s3 =	simm.s32 $0x108;
	s8 =	sld [smem:$0x3FA7]  }
0x2e: {  	s3 =	simm.s32 @!p0 $0x1082;
	s9 =	sld [smem:$0x3FA8]  }
0x2f: {  	lr =	sadd.s32 s0, s3;
	s0 =	sld [smem:$0x3F9F]  }
0x30: {  	s3 =	sld [smem:$0x3FA2]  }
0x31: {  	[smem:$0x3FAB] =	sst s10  }
0x32: {  	s10 =	sld [smem:$0x3FA9];
	_ =	sdelay $0x3  }
0x33: {  	p0 =	seq.s32 s10, $0x1;
	s10 =	sld [smem:$0x3FAB];
	_ =	sdelay $0x3  }
0x34: {  	[smem:$0x3FAB] =	sst s10  }
0x35: {  	s10 =	sld [smem:$0x3FAA];
	_ =	sdelay $0x3  }
0x36: {  	p1 =	seq.s32 s10, $0x1;
	s10 =	sld [smem:$0x3FAB];
	_ =	sdelay $0x3  }
0x37: {  	[smem:$0x3FAB] =	sst s10  }
0x38: {  	s10 =	sld [smem:$0x3FAC]  }
0x39: {  	_ = 	snop;
	(pc) =	sbr.ind lr, $3  }
0x3a: {  	_ = 	snop  }
0x3b: {  	_ = 	snop  }
0x3c: {  	p2 =	seq.s32 s10, $0x1;
	s10 =	sld [smem:$0x3FAB]  }
0x3d: {  	_ =	shalt  }
0x3e: {  	_ =	shalt  }
0x3f: {  	_ =	shalt  }
0x40: {  	_ =	shalt  }
0x41: {  	_ =	shalt  }
0x42: {  	_ =	shalt  }
0x43: {  	_ =	shalt  }
0x44: {  	_ =	shalt  }
0x45: {  	_ =	shalt  }
0x46: {  	_ =	shalt  }
0x47: {  	_ =	shalt  }
0x48: {  	_ =	shalt  }
0x49: {  	_ =	shalt  }
0x4a: {  	_ =	shalt  }
0x4b: {  	_ =	shalt  }
0x4c: {  	_ =	shalt  }
0x4d: {  	_ =	shalt  }
0x4e: {  	_ =	shalt  }
0x4f: {  	_ =	shalt  }
0x50: {  	_ =	shalt  }
0x51: {  	_ =	shalt  }
0x52: {  	_ =	shalt  }
0x53: {  	_ =	shalt  }
0x54: {  	_ =	shalt  }
0x55: {  	_ =	shalt  }
0x56: {  	_ =	shalt  }
0x57: {  	_ =	shalt  }
0x58: {  	_ =	shalt  }
0x59: {  	_ =	shalt  }
0x5a: {  	_ =	shalt  }
0x5b: {  	_ =	shalt  }
0x5c: {  	_ =	shalt  }
0x5d: {  	_ =	shalt  }
0x5e: {  	_ =	shalt  }
0x5f: {  	_ =	shalt  }
0x60: {  	_ =	shalt  }
0x61: {  	_ =	shalt  }
0x62: {  	_ =	shalt  }
0x63: {  	_ =	shalt  }
0x64: {  	_ =	shalt  }
0x65: {  	_ =	shalt  }
0x66: {  	_ =	shalt  }
0x67: {  	_ =	shalt  }
0x68: {  	_ =	shalt  }
0x69: {  	_ =	shalt  }
0x6a: {  	_ =	shalt  }
0x6b: {  	_ =	shalt  }
0x6c: {  	_ =	shalt  }
0x6d: {  	_ =	shalt  }
0x6e: {  	_ =	shalt  }
0x6f: {  	_ =	shalt  }
0x70: {  	_ =	shalt  }
0x71: {  	_ =	shalt  }
0x72: {  	_ =	shalt  }
0x73: {  	_ =	shalt  }
0x74: {  	_ =	shalt  }
0x75: {  	_ =	shalt  }
0x76: {  	_ =	shalt  }
0x77: {  	_ =	shalt  }
0x78: {  	_ =	shalt  }
0x79: {  	_ =	shalt  }
0x7a: {  	_ =	shalt  }
0x7b: {  	_ =	shalt  }
0x7c: {  	_ =	shalt  }
0x7d: {  	_ =	shalt  }
0x7e: {  	_ =	shalt  }
0x7f: {  	_ =	shalt  }
0x80: {  	_ =	shalt  }
0x81: {  	_ =	shalt  }
0x82: {  	_ =	shalt  }
0x83: {  	_ =	shalt  }
0x84: {  	_ =	shalt  }
0x85: {  	_ =	shalt  }
0x86: {  	_ =	shalt  }
0x87: {  	_ =	shalt  }
.Lfunc_end0:
.L_simem_size_0:
called_computation.1_lowered:
.L_overlay_start_0:
0x88: {  	s2 =	sld [smem:$0x3FD9]  }
0x89: {  	s3 =	sld [smem:$0x3FFE];
	_ =	sdelay $0x1  }
0x8a: {  	s1 =	srdreg.scid  }
0x8b: {  	s0 =	sand.u32 $0x1, s1  }
0x8c: {  	s16 =	sshll.u32 s0, $0xA;
	s2 =	sadd.s32 s3, s2  }
0x8d: {  	s2 =	sadd.s32 s2, s16  }
0x8e: {  	[smem:$0x3FB7] =	sst s2  }
0x8f: {  	_ = 	snop  }
0x90: {  	(tm) =	ssettm $0x1  }
0x91: {  	s17 =	sld [smem:$0x3FFB];
	_ =	sdelay $0x3  }
0x92: {  	_ =	strace s17  }
0x93: {  	s2 =	sld [smem:$0x3FFC];
	_ =	sdelay $0x3  }
0x94: {  	_ =	strace s2  }
0x95: {  	s2 =	sld [smem:$0x3FFD];
	_ =	sdelay $0x3  }
0x96: {  	_ =	strace s2  }
0x97: {  	_ =	strace $0x8FFFFFFF  }
0x98: {  	s18 =	sld [smem:$0x3FDB];
	_ =	sdelay $0x1  }
0x99: {  	s19 =	simm.s32 $_scs_section_size  }
0x9a: {  	s4 =	simm.s32 $_size__tile_overlayer_lowered;
	s5 =	simm.s32 $_tile_overlayer_lowered  }
0x9b: {  	s22 =	simm.s32 $0x1BFF;
	s21 =	sshll.u32 s5, $0x1;
	s2 =	sadd.s32 s19, s18  }
0x9c: {  	s6 =	simm.s32 $0x0;
	s20 =	sshll.u32 s4, $0x1;
	s4 =	sadd.s32 s21, s2  }
0x9d: {  	[timem:s6], [sflag:s22] =	dma.local [hbm:s4], s20  }
0x9e: {  	_ =	swait.ge [sflag:s22], s20  }
0x9f: {  	s3 =	ssub.s32 $0x0, s20;
	[sflag:s22] =	ssyncset.done $0x0  }
0xa0: {  	[sflag:s22] =	ssyncadd.s32 s3;
	_ =	sdelay $0x1  }
0xa1: {  	s23 =	simm.s32 $0x1B8B  }
0xa2: {  	_ =	swait.ge [sflag:s23], $0x1  }
0xa3: {  	[sflag:s23] =	ssyncset.done $0x0  }
0xa4: {  	s25 =	simm.s32 $0x1B8E;
	s24 =	sld [smem:$0x3FFE];
	[sflag:s23] =	ssyncadd.s32 $0xFFFFFFFF  }
0xa5: {  	s26 =	simm.s32 $execute0_lowered;
	[smem:$0x3FD2] =	sst s25  }
0xa6: {  	s4 =	sshll.u32 s26, $0x1;
	_ =	strace $0x80000049;
	[dreg:$0x1] =	wrdreg $0xFFFFFFFF  }
0xa7: {  	s28 =	simm.s32 $_size_execute0_lowered;
	s2 =	sadd.s32 s2, s4;
	[dreg:$0x0] =	wrdreg $0x0  }
0xa8: {  	s4 =	sshll.u32 s28, $0x1;
	[dreg:$0x2] =	wrdreg s2  }
0xa9: {  	[dreg:$0x3] =	wrdreg s4  }
0xaa: {  	[dreg:$0x4] =	wrdreg $0xC0  }
0xab: {  	_ =	task [dreg:s6], $0x5FFFF  }
0xac: {  	[dreg:$0x1] =	wrdreg $0xFFFFFFFF  }
0xad: {  	[dreg:$0x0] =	wrdreg $0x60  }
0xae: {  	[dreg:$0x2] =	wrdreg s24  }
0xaf: {  	[dreg:$0x3] =	wrdreg $0x0  }
0xb0: {  	[dreg:$0x4] =	wrdreg $0x9  }
0xb1: {  	_ =	task.clear_ibuf [dreg:s6], $0x5FFFF;
	_ =	strace $0x90000049  }
0xb2: {  	s29 =	simm.s32 $0x9;
	_ =	strace $0x8000004B  }
0xb3: {  	_ =	swait.ge [sflag:s29], $0x1  }
0xb4: {  	[sflag:s29] =	ssyncadd.s32 $0xFFFFFFFF  }
0xb5: {  	_ =	strace $0x9000004B  }
0xb6: {  	_ =	sfence  }
0xb7: {  	s30 =	sld [smem:$0x0];
	_ =	sdelay $0x2  }
0xb8: {  	s31 =	sshll.u32 s1, $0xD;
	s1 =	sshrl.u32 s1, $0x2  }
0xb9: {  	s3 =	sand.u32 $0x4000, s31;
	s1 =	sadd.s32 s1, s30  }
0xba: {  	s0 =	sor.u32 s3, s0;
	s1 =	sshll.u32 s1, $0x11  }
0xbb: {  	s0 =	sor.u32 s1, s0  }
0xbc: {  	s0 =	sadd.s32 $0x8F2B, s0  }
0xbd: {  	[sflag:s0] =	ssyncadd.remote.s32 $0x1  }
0xbe: {  	_ =	sfence.sel $0xFFFF  }
0xbf: {  	[dreg:$0x0] =	wrdreg $0xFFFFFFFF;
	(pc) =	sbr.abs _section_cstart, $3  }
0xc0: {  	[dreg:$0x1] =	wrdreg $0xFFFFFFFF  }
0xc1: {  	_ =	task.clear_ibuf [dreg:s6], $0x2FFFF;
	_ =	strace $0x9FFFFFFF  }
0xc2: {  	(tm) =	ssettm $0x7FFFFFFF  }
0xc3: {  	_ =	shalt  }
tec
execute0_lowered:
.L_overlay_start_1:
0x0: {  	(tag) =	ssettag $0x1  }
0x1: {  	s0 =	rddreg [dreg:$0x0]  }
0x2: {  	s2 =	rddreg [dreg:$0x1];
	s3 =	simm.s32 $0x0  }
0x3: {  	s7 =	stileid.u32;
	s4 =	srdreg.scid;
	s13 =	simm.s32 $0x14800  }
0x4: {  	s14 =	simm.s32 $0x3;
	s15 =	simm.s32 $0x14000;
	s16 =	simm.s32 $0x14400  }
0x5: {  	s17 =	simm.s32 $0x80;
	s18 =	simm.s32 $0x14080;
	s19 =	simm.s32 $0x18800  }
0x6: {  	s20 =	simm.s32 $0x1;
	s28 =	simm.s32 $0x14580;
	s29 =	simm.s32 $0x14280  }
0x7: {  	s30 =	simm.s32 $0x14600;
	s31 =	simm.s32 $0x14300;
	s1 =	smul.u32 $0xA00, s7  }
0x8: {  	[smem:$0x7FF] =	sst s3;
	s6 =	sand.u32 $0x1, s4;
	s5 =	smul.u32 $0x50000, s7  }
0x9: {  	s4 =	sadd.s32 $0x19000, s0;
	s7 =	smul.u32 $0x2800, s7;
	_ =	strace $0x8000004A  }
0xa: {  	s8 =	ssub.s32 $0x2, s6;
	p0 =	seq.s32 s6, $0x0;
	s6 =	simm.s32 $0x14700  }
0xb: {  	s1 =	sadd.s32 s1, s0;
	s9 =	sshrl.u32 s8, $0x1;
	s5 =	sshrl.u32 s5, $0x2  }
0xc: {  	s0 =	sadd.s32 s7, s0;
	s7 =	simm.s32 $0x0;
	s21 =	ssub.s32 s8, s9  }
0xd: {  	s9 =	sadd.s32 s5, s2;
	s0 =	sadd.s32 $0x41000, s0;
	s25 =	sadd.s32 $0xF000, s1  }
0xe: {  	s12 =	sadd.s32 $0x5000, s1;
	s1 =	simm.s32 $0x14380;
	[dreg:$0x5] =	wrdreg s0  }
0xf: {  	s8 =	simm.s32 $0x14780;
	s5 =	smax.u32 s21, $0x1;
	[dreg:$0x3] =	wrdreg s25  }
0x10: {  	s22 =	sadd.s32 $0x4000, s9;
	s23 =	sadd.s32 $0x8000, s9;
	[dreg:$0x4] =	wrdreg s9  }
.Ltmp0:
0x11: {  	s24 =	sadd.s32 $0xC000, s9;
	[dreg:$0x7] =	wrdreg s22;
	(pc) =	sbr.rel .LBB2_1-.Ltmp0, $4  }
0x12: {  	s26 =	sadd.s32 $0x10000, s9;
	s21 =	simm.s32 $0x14100;
	[dreg:$0x8] =	wrdreg s23  }
0x13: {  	s25 =	simm.s32 $0x14500;
	s0 =	simm.s32 $0x14680;
	[dreg:$0x9] =	wrdreg s24  }
0x14: {  	[dreg:$0xa] =	wrdreg s26;
	s22 =	simm.s32 $0x2;
	s23 =	simm.s32 $0x14480  }
0x15: {  	v0 =	vimm.f32 $0.0e+00;
	s24 =	simm.s32 $0x14180;
	s26 =	simm.s32 $0x14200;
	[dreg:$0x6] =	wrdreg s5  }
.LBB2_9:
0x16: {  	[bflag:$0x0] =	sbarrier.arrive $0xFFFF  }
0x17: {  	[bflag:$0x0] =	sbarrier.arrive $0xFFFF  }
.LBB2_7:
0x18: {  	s7 =	sadd.s32 $0x1, s7  }
0x19: {  	p1 =	sne.s32 s7, s5  }
.Ltmp1:
0x1a: {  	_ = 	snop;
	(pc) =	sbr.rel @!p1 .LBB2_8-.Ltmp1, $1  }
0x1b: {  	_ =	sdelay $0x3  }
.LBB2_1:
.Ltmp2:
0x1c: {  	(pc) =	sbr.rel @!p0 .LBB2_9-.Ltmp2, $1  }
0x1d: {  	_ =	sdelay $0x3  }
0x1e: {  	s10 =	sshra.s32 s3, $0x2;
	s11 =	sadd.s32 $0x200, s3  }
.LBB2_3:
0x1f: {  	p1 =	seq.s32 s11, $0xFE00;
	[tilespmem:s10+$0x14870] =	vst v0  }
0x20: {  	[tilespmem:s10+$0x14800] =	vst v0  }
0x21: {  	[tilespmem:s10+$0x14810] =	vst v0  }
.Ltmp3:
0x22: {  	[tilespmem:s10+$0x14820] =	vst v0;
	(pc) =	sbr.rel @!p1 .LBB2_3-.Ltmp3, $4  }
0x23: {  	[tilespmem:s10+$0x14830] =	vst v0  }
0x24: {  	[tilespmem:s10+$0x14840] =	vst v0  }
0x25: {  	[tilespmem:s10+$0x14850] =	vst v0  }
0x26: {  	[tilespmem:s10+$0x14860] =	vst v0;
	s10 =	sshra.s32 s11, $0x2;
	s11 =	sadd.s32 $0x200, s11  }
0x27: {  	[tilespmem:s10+$0x14870] =	vst v0  }
0x28: {  	[tilespmem:s10+$0x14800] =	vst v0  }
0x29: {  	[tilespmem:s10+$0x14810] =	vst v0  }
0x2a: {  	[tilespmem:s10+$0x14820] =	vst v0  }
0x2b: {  	[tilespmem:s10+$0x14830] =	vst v0  }
0x2c: {  	[tilespmem:s10+$0x14840] =	vst v0  }
0x2d: {  	[tilespmem:s10+$0x14850] =	vst v0  }
0x2e: {  	[tilespmem:s10+$0x14860] =	vst v0;
	[dreg:$0xb] =	wrdreg s7  }
0x2f: {  	[spmem:s9] =	stream.linear.scatter [tilespmem:s13], [sflag:$0x3], $0x4000, $0x38;
	[tilespmem:$0x1C800] =	vst v63  }
0x30: {  	_ =	swait.ge [sflag:s14], $0x4000  }
0x31: {  	[sflag:s14] =	ssyncset.done $0x0  }
0x32: {  	s5 =	rddreg [dreg:$0x7];
	[sflag:s14] =	ssyncadd.s32 $0xFFFFC000  }
0x33: {  	[spmem:s5] =	stream.linear.scatter [tilespmem:s13], [sflag:$0x3], $0x4000, $0x38;
	[tilespmem:$0x1C800] =	vst v63  }
0x34: {  	_ =	swait.ge [sflag:s14], $0x4000  }
0x35: {  	[sflag:s14] =	ssyncset.done $0x0  }
0x36: {  	s11 =	rddreg [dreg:$0x8];
	[sflag:s14] =	ssyncadd.s32 $0xFFFFC000  }
0x37: {  	[spmem:s11] =	stream.linear.scatter [tilespmem:s13], [sflag:$0x3], $0x4000, $0x38;
	[tilespmem:$0x1C800] =	vst v63  }
0x38: {  	_ =	swait.ge [sflag:s14], $0x4000  }
0x39: {  	[sflag:s14] =	ssyncset.done $0x0  }
0x3a: {  	s7 =	rddreg [dreg:$0x9];
	[sflag:s14] =	ssyncadd.s32 $0xFFFFC000  }
0x3b: {  	[spmem:s7] =	stream.linear.scatter [tilespmem:s13], [sflag:$0x3], $0x4000, $0x38;
	[tilespmem:$0x1C800] =	vst v63  }
0x3c: {  	_ =	swait.ge [sflag:s14], $0x4000  }
0x3d: {  	[sflag:s14] =	ssyncset.done $0x0  }
0x3e: {  	s9 =	rddreg [dreg:$0xa];
	[sflag:s14] =	ssyncadd.s32 $0xFFFFC000  }
0x3f: {  	[spmem:s9] =	stream.linear.scatter [tilespmem:s13], [sflag:$0x3], $0x4000, $0x38;
	[tilespmem:$0x1C800] =	vst v63  }
0x40: {  	_ =	swait.ge [sflag:s14], $0x4000  }
0x41: {  	[sflag:s14] =	ssyncset.done $0x0  }
0x42: {  	[sflag:s14] =	ssyncadd.s32 $0xFFFFC000  }
0x43: {  	s10 =	sadd.s32 $0x0, s12;
	[bflag:$0x0] =	sbarrier.arrive $0xFFFF  }
0x44: {  	[tilespmem:s15], [sflag:$0x3] =	stream.linear.gather [hbm4b:s10+s3], $0x400, $0x38;
	[tilespmem:$0x1C800] =	vst v63  }
0x45: {  	_ =	swait.ge [sflag:s14], $0x400  }
0x46: {  	s11 =	rddreg [dreg:$0x3];
	[sflag:s14] =	ssyncset.done $0x0  }
0x47: {  	[sflag:s14] =	ssyncadd.s32 $0xFFFFFC00;
	s7 =	sadd.s32 $0x0, s11  }
0x48: {  	[tilespmem:s16], [sflag:$0x3] =	stream.linear.gather [hbm4b:s7+s3], $0x400, $0x38;
	[tilespmem:$0x1C800] =	vst v63  }
0x49: {  	_ =	swait.ge [sflag:s14], $0x400  }
0x4a: {  	[sflag:s14] =	ssyncset.done $0x0  }
0x4b: {  	[sflag:s14] =	ssyncadd.s32 $0xFFFFFC00  }
0x4c: {  	[tilespmem:s13], [sflag:$0x1] =	stream.indirect.gather [hbm4b:s4+s17], $0x80, s15, s17, $0xb8;
	[tilespmem:$0x1C800] =	vst v63  }
0x4d: {  	_ = 	snop  }
0x4e: {  	[tilespmem:s19], [sflag:$0x2] =	stream.indirect.gather [hbm4b:s4+s17], $0x80, s18, s17, $0xb8;
	[tilespmem:$0x1C800] =	vst v63  }
0x4f: {  	_ =	swait.ge [sflag:s20], $0x4000  }
0x50: {  	[sflag:s20] =	ssyncset.done $0x0  }
0x51: {  	[sflag:s20] =	ssyncadd.s32 $0xFFFFC000  }
0x52: {  	[spmem:s2] =	stream.indirect.scatter.add.f32 [tilespmem:s13], [sflag:$0x3], $0x80, s16, s17, $0xb8;
	[tilespmem:$0x1C800] =	vst v63  }
0x53: {  	_ =	swait.ge [sflag:s14], $0x4000  }
0x54: {  	[sflag:s14] =	ssyncset.done $0x0  }
0x55: {  	[sflag:s14] =	ssyncadd.s32 $0xFFFFC000  }
0x56: {  	[tilespmem:s13], [sflag:$0x1] =	stream.indirect.gather [hbm4b:s4+s17], $0x80, s21, s17, $0xb8;
	[tilespmem:$0x1C800] =	vst v63  }
0x57: {  	_ =	swait.ge [sflag:s22], $0x4000  }
0x58: {  	[sflag:s22] =	ssyncset.done $0x0  }
0x59: {  	[sflag:s22] =	ssyncadd.s32 $0xFFFFC000  }
0x5a: {  	[spmem:s2] =	stream.indirect.scatter.add.f32 [tilespmem:s19], [sflag:$0x3], $0x80, s23, s17, $0xb8;
	[tilespmem:$0x1C800] =	vst v63  }
0x5b: {  	_ =	swait.ge [sflag:s14], $0x4000  }
0x5c: {  	[sflag:s14] =	ssyncset.done $0x0  }
0x5d: {  	[sflag:s14] =	ssyncadd.s32 $0xFFFFC000  }
0x5e: {  	[tilespmem:s19], [sflag:$0x2] =	stream.indirect.gather [hbm4b:s4+s17], $0x80, s24, s17, $0xb8;
	[tilespmem:$0x1C800] =	vst v63  }
0x5f: {  	_ =	swait.ge [sflag:s20], $0x4000  }
0x60: {  	[sflag:s20] =	ssyncset.done $0x0  }
0x61: {  	[sflag:s20] =	ssyncadd.s32 $0xFFFFC000  }
0x62: {  	[spmem:s2] =	stream.indirect.scatter.add.f32 [tilespmem:s13], [sflag:$0x3], $0x80, s25, s17, $0xb8;
	[tilespmem:$0x1C800] =	vst v63  }
0x63: {  	_ =	swait.ge [sflag:s14], $0x4000  }
0x64: {  	[sflag:s14] =	ssyncset.done $0x0  }
0x65: {  	[sflag:s14] =	ssyncadd.s32 $0xFFFFC000  }
0x66: {  	[tilespmem:s13], [sflag:$0x1] =	stream.indirect.gather [hbm4b:s4+s17], $0x80, s26, s17, $0xb8;
	[tilespmem:$0x1C800] =	vst v63  }
0x67: {  	_ =	swait.ge [sflag:s22], $0x4000  }
0x68: {  	[sflag:s22] =	ssyncset.done $0x0  }
0x69: {  	[sflag:s22] =	ssyncadd.s32 $0xFFFFC000  }
0x6a: {  	[spmem:s2] =	stream.indirect.scatter.add.f32 [tilespmem:s19], [sflag:$0x3], $0x80, s28, s17, $0xb8;
	[tilespmem:$0x1C800] =	vst v63  }
0x6b: {  	_ =	swait.ge [sflag:s14], $0x4000  }
0x6c: {  	[sflag:s14] =	ssyncset.done $0x0  }
0x6d: {  	[sflag:s14] =	ssyncadd.s32 $0xFFFFC000  }
0x6e: {  	[tilespmem:s19], [sflag:$0x2] =	stream.indirect.gather [hbm4b:s4+s17], $0x80, s29, s17, $0xb8;
	[tilespmem:$0x1C800] =	vst v63  }
0x6f: {  	_ =	swait.ge [sflag:s20], $0x4000  }
0x70: {  	[sflag:s20] =	ssyncset.done $0x0  }
0x71: {  	[sflag:s20] =	ssyncadd.s32 $0xFFFFC000  }
0x72: {  	[spmem:s2] =	stream.indirect.scatter.add.f32 [tilespmem:s13], [sflag:$0x3], $0x80, s30, s17, $0xb8;
	[tilespmem:$0x1C800] =	vst v63  }
0x73: {  	_ =	swait.ge [sflag:s14], $0x4000  }
0x74: {  	[sflag:s14] =	ssyncset.done $0x0  }
0x75: {  	[sflag:s14] =	ssyncadd.s32 $0xFFFFC000  }
0x76: {  	[tilespmem:s13], [sflag:$0x1] =	stream.indirect.gather [hbm4b:s4+s17], $0x80, s31, s17, $0xb8;
	[tilespmem:$0x1C800] =	vst v63  }
0x77: {  	_ =	swait.ge [sflag:s22], $0x4000  }
0x78: {  	[sflag:s22] =	ssyncset.done $0x0  }
0x79: {  	[sflag:s22] =	ssyncadd.s32 $0xFFFFC000  }
0x7a: {  	[spmem:s2] =	stream.indirect.scatter.add.f32 [tilespmem:s19], [sflag:$0x3], $0x80, s0, s17, $0xb8;
	[tilespmem:$0x1C800] =	vst v63  }
0x7b: {  	_ =	swait.ge [sflag:s14], $0x4000  }
0x7c: {  	[sflag:s14] =	ssyncset.done $0x0  }
0x7d: {  	[sflag:s14] =	ssyncadd.s32 $0xFFFFC000  }
0x7e: {  	[tilespmem:s19], [sflag:$0x2] =	stream.indirect.gather [hbm4b:s4+s17], $0x80, s1, s17, $0xb8;
	[tilespmem:$0x1C800] =	vst v63  }
0x7f: {  	_ =	swait.ge [sflag:s20], $0x4000  }
0x80: {  	[sflag:s20] =	ssyncset.done $0x0  }
0x81: {  	[sflag:s20] =	ssyncadd.s32 $0xFFFFC000  }
0x82: {  	[spmem:s2] =	stream.indirect.scatter.add.f32 [tilespmem:s13], [sflag:$0x3], $0x80, s6, s17, $0xb8;
	[tilespmem:$0x1C800] =	vst v63  }
0x83: {  	_ =	swait.ge [sflag:s14], $0x4000  }
0x84: {  	[sflag:s14] =	ssyncset.done $0x0  }
0x85: {  	[sflag:s14] =	ssyncadd.s32 $0xFFFFC000  }
0x86: {  	_ =	swait.ge [sflag:s22], $0x4000  }
0x87: {  	[sflag:s22] =	ssyncset.done $0x0  }
0x88: {  	[sflag:s22] =	ssyncadd.s32 $0xFFFFC000  }
0x89: {  	[spmem:s2] =	stream.indirect.scatter.add.f32 [tilespmem:s19], [sflag:$0x3], $0x80, s8, s17, $0xb8;
	[tilespmem:$0x1C800] =	vst v63  }
0x8a: {  	_ =	swait.ge [sflag:s14], $0x4000  }
0x8b: {  	s10 =	simm.s32 $0x80;
	s11 =	simm.s32 $0x100;
	[sflag:s14] =	ssyncset.done $0x0  }
.LBB2_5:
0x8c: {  	s5 =	sadd.s32 s10, s12;
	[sflag:s14] =	ssyncadd.s32 $0xFFFFC000  }
0x8d: {  	[tilespmem:s15], [sflag:$0x3] =	stream.linear.gather [hbm4b:s5+s3], $0x400, $0x38;
	[tilespmem:$0x1C800] =	vst v63  }
0x8e: {  	s9 =	smov.u32 s11;
	s7 =	sadd.s32 $0x80, s11;
	_ =	swait.ge [sflag:s14], $0x400  }
0x8f: {  	p1 =	seq.s32 s11, $0x980;
	s11 =	rddreg [dreg:$0x3];
	[sflag:s14] =	ssyncset.done $0x0  }
0x90: {  	[sflag:s14] =	ssyncadd.s32 $0xFFFFFC00;
	s5 =	sadd.s32 s10, s11  }
0x91: {  	[tilespmem:s16], [sflag:$0x3] =	stream.linear.gather [hbm4b:s5+s3], $0x400, $0x38;
	[tilespmem:$0x1C800] =	vst v63  }
0x92: {  	_ =	swait.ge [sflag:s14], $0x400  }
0x93: {  	[sflag:s14] =	ssyncset.done $0x0  }
0x94: {  	[sflag:s14] =	ssyncadd.s32 $0xFFFFFC00  }
0x95: {  	[tilespmem:s13], [sflag:$0x1] =	stream.indirect.gather [hbm4b:s4+s17], $0x80, s15, s17, $0xb8;
	[tilespmem:$0x1C800] =	vst v63  }
0x96: {  	_ = 	snop  }
0x97: {  	[tilespmem:s19], [sflag:$0x2] =	stream.indirect.gather [hbm4b:s4+s17], $0x80, s18, s17, $0xb8;
	[tilespmem:$0x1C800] =	vst v63  }
0x98: {  	_ =	swait.ge [sflag:s20], $0x4000  }
0x99: {  	[sflag:s20] =	ssyncset.done $0x0  }
0x9a: {  	[sflag:s20] =	ssyncadd.s32 $0xFFFFC000  }
0x9b: {  	[spmem:s2] =	stream.indirect.scatter.add.f32 [tilespmem:s13], [sflag:$0x3], $0x80, s16, s17, $0xb8;
	[tilespmem:$0x1C800] =	vst v63  }
0x9c: {  	_ =	swait.ge [sflag:s14], $0x4000  }
0x9d: {  	[sflag:s14] =	ssyncset.done $0x0  }
0x9e: {  	[sflag:s14] =	ssyncadd.s32 $0xFFFFC000  }
0x9f: {  	[tilespmem:s13], [sflag:$0x1] =	stream.indirect.gather [hbm4b:s4+s17], $0x80, s21, s17, $0xb8;
	[tilespmem:$0x1C800] =	vst v63  }
0xa0: {  	_ =	swait.ge [sflag:s22], $0x4000  }
0xa1: {  	[sflag:s22] =	ssyncset.done $0x0  }
0xa2: {  	[sflag:s22] =	ssyncadd.s32 $0xFFFFC000  }
0xa3: {  	[spmem:s2] =	stream.indirect.scatter.add.f32 [tilespmem:s19], [sflag:$0x3], $0x80, s23, s17, $0xb8;
	[tilespmem:$0x1C800] =	vst v63  }
0xa4: {  	_ =	swait.ge [sflag:s14], $0x4000  }
0xa5: {  	[sflag:s14] =	ssyncset.done $0x0  }
0xa6: {  	[sflag:s14] =	ssyncadd.s32 $0xFFFFC000  }
0xa7: {  	[tilespmem:s19], [sflag:$0x2] =	stream.indirect.gather [hbm4b:s4+s17], $0x80, s24, s17, $0xb8;
	[tilespmem:$0x1C800] =	vst v63  }
0xa8: {  	_ =	swait.ge [sflag:s20], $0x4000  }
0xa9: {  	[sflag:s20] =	ssyncset.done $0x0  }
0xaa: {  	[sflag:s20] =	ssyncadd.s32 $0xFFFFC000  }
0xab: {  	[spmem:s2] =	stream.indirect.scatter.add.f32 [tilespmem:s13], [sflag:$0x3], $0x80, s25, s17, $0xb8;
	[tilespmem:$0x1C800] =	vst v63  }
0xac: {  	_ =	swait.ge [sflag:s14], $0x4000  }
0xad: {  	[sflag:s14] =	ssyncset.done $0x0  }
0xae: {  	[sflag:s14] =	ssyncadd.s32 $0xFFFFC000  }
0xaf: {  	[tilespmem:s13], [sflag:$0x1] =	stream.indirect.gather [hbm4b:s4+s17], $0x80, s26, s17, $0xb8;
	[tilespmem:$0x1C800] =	vst v63  }
0xb0: {  	_ =	swait.ge [sflag:s22], $0x4000  }
0xb1: {  	[sflag:s22] =	ssyncset.done $0x0  }
0xb2: {  	[sflag:s22] =	ssyncadd.s32 $0xFFFFC000  }
0xb3: {  	[spmem:s2] =	stream.indirect.scatter.add.f32 [tilespmem:s19], [sflag:$0x3], $0x80, s28, s17, $0xb8;
	[tilespmem:$0x1C800] =	vst v63  }
0xb4: {  	_ =	swait.ge [sflag:s14], $0x4000  }
0xb5: {  	[sflag:s14] =	ssyncset.done $0x0  }
0xb6: {  	[sflag:s14] =	ssyncadd.s32 $0xFFFFC000  }
0xb7: {  	[tilespmem:s19], [sflag:$0x2] =	stream.indirect.gather [hbm4b:s4+s17], $0x80, s29, s17, $0xb8;
	[tilespmem:$0x1C800] =	vst v63  }
0xb8: {  	_ =	swait.ge [sflag:s20], $0x4000  }
0xb9: {  	[sflag:s20] =	ssyncset.done $0x0  }
0xba: {  	[sflag:s20] =	ssyncadd.s32 $0xFFFFC000  }
0xbb: {  	[spmem:s2] =	stream.indirect.scatter.add.f32 [tilespmem:s13], [sflag:$0x3], $0x80, s30, s17, $0xb8;
	[tilespmem:$0x1C800] =	vst v63  }
0xbc: {  	_ =	swait.ge [sflag:s14], $0x4000  }
0xbd: {  	[sflag:s14] =	ssyncset.done $0x0  }
0xbe: {  	[sflag:s14] =	ssyncadd.s32 $0xFFFFC000  }
0xbf: {  	[tilespmem:s13], [sflag:$0x1] =	stream.indirect.gather [hbm4b:s4+s17], $0x80, s31, s17, $0xb8;
	[tilespmem:$0x1C800] =	vst v63  }
0xc0: {  	_ =	swait.ge [sflag:s22], $0x4000  }
0xc1: {  	[sflag:s22] =	ssyncset.done $0x0  }
0xc2: {  	[sflag:s22] =	ssyncadd.s32 $0xFFFFC000  }
0xc3: {  	[spmem:s2] =	stream.indirect.scatter.add.f32 [tilespmem:s19], [sflag:$0x3], $0x80, s0, s17, $0xb8;
	[tilespmem:$0x1C800] =	vst v63  }
0xc4: {  	_ =	swait.ge [sflag:s14], $0x4000  }
0xc5: {  	[sflag:s14] =	ssyncset.done $0x0  }
0xc6: {  	[sflag:s14] =	ssyncadd.s32 $0xFFFFC000  }
0xc7: {  	[tilespmem:s19], [sflag:$0x2] =	stream.indirect.gather [hbm4b:s4+s17], $0x80, s1, s17, $0xb8;
	[tilespmem:$0x1C800] =	vst v63  }
0xc8: {  	_ =	swait.ge [sflag:s20], $0x4000  }
0xc9: {  	[sflag:s20] =	ssyncset.done $0x0  }
0xca: {  	[sflag:s20] =	ssyncadd.s32 $0xFFFFC000  }
0xcb: {  	[spmem:s2] =	stream.indirect.scatter.add.f32 [tilespmem:s13], [sflag:$0x3], $0x80, s6, s17, $0xb8;
	[tilespmem:$0x1C800] =	vst v63  }
0xcc: {  	_ =	swait.ge [sflag:s14], $0x4000  }
0xcd: {  	[sflag:s14] =	ssyncset.done $0x0  }
0xce: {  	[sflag:s14] =	ssyncadd.s32 $0xFFFFC000  }
0xcf: {  	_ =	swait.ge [sflag:s22], $0x4000  }
.Ltmp4:
0xd0: {  	[sflag:s22] =	ssyncset.done $0x0;
	(pc) =	sbr.rel @!p1 .LBB2_5-.Ltmp4, $4  }
0xd1: {  	[sflag:s22] =	ssyncadd.s32 $0xFFFFC000  }
0xd2: {  	[spmem:s2] =	stream.indirect.scatter.add.f32 [tilespmem:s19], [sflag:$0x3], $0x80, s8, s17, $0xb8;
	[tilespmem:$0x1C800] =	vst v63  }
0xd3: {  	_ =	swait.ge [sflag:s14], $0x4000  }
0xd4: {  	s10 =	smov.u32 s9;
	s11 =	smov.u32 s7;
	[sflag:s14] =	ssyncset.done $0x0  }
0xd5: {  	s5 =	sadd.s32 s10, s12;
	[sflag:s14] =	ssyncadd.s32 $0xFFFFC000  }
0xd6: {  	[tilespmem:s15], [sflag:$0x3] =	stream.linear.gather [hbm4b:s5+s3], $0x400, $0x38;
	[tilespmem:$0x1C800] =	vst v63  }
0xd7: {  	_ =	swait.ge [sflag:s14], $0x400  }
0xd8: {  	s9 =	rddreg [dreg:$0x3];
	[sflag:s14] =	ssyncset.done $0x0  }
0xd9: {  	s5 =	sadd.s32 s10, s9;
	[sflag:s14] =	ssyncadd.s32 $0xFFFFFC00  }
0xda: {  	[tilespmem:s16], [sflag:$0x3] =	stream.linear.gather [hbm4b:s5+s3], $0x400, $0x38;
	[tilespmem:$0x1C800] =	vst v63  }
0xdb: {  	_ =	swait.ge [sflag:s14], $0x400  }
0xdc: {  	[sflag:s14] =	ssyncset.done $0x0  }
0xdd: {  	[sflag:s14] =	ssyncadd.s32 $0xFFFFFC00  }
0xde: {  	[tilespmem:s13], [sflag:$0x1] =	stream.indirect.gather [hbm4b:s4+s17], $0x80, s15, s17, $0xb8;
	[tilespmem:$0x1C800] =	vst v63  }
0xdf: {  	_ = 	snop  }
0xe0: {  	[tilespmem:s19], [sflag:$0x2] =	stream.indirect.gather [hbm4b:s4+s17], $0x80, s18, s17, $0xb8;
	[tilespmem:$0x1C800] =	vst v63  }
0xe1: {  	_ =	swait.ge [sflag:s20], $0x4000  }
0xe2: {  	[sflag:s20] =	ssyncset.done $0x0  }
0xe3: {  	[sflag:s20] =	ssyncadd.s32 $0xFFFFC000  }
0xe4: {  	[spmem:s2] =	stream.indirect.scatter.add.f32 [tilespmem:s13], [sflag:$0x3], $0x80, s16, s17, $0xb8;
	[tilespmem:$0x1C800] =	vst v63  }
0xe5: {  	_ =	swait.ge [sflag:s14], $0x4000  }
0xe6: {  	[sflag:s14] =	ssyncset.done $0x0  }
0xe7: {  	[sflag:s14] =	ssyncadd.s32 $0xFFFFC000  }
0xe8: {  	[tilespmem:s13], [sflag:$0x1] =	stream.indirect.gather [hbm4b:s4+s17], $0x80, s21, s17, $0xb8;
	[tilespmem:$0x1C800] =	vst v63  }
0xe9: {  	_ =	swait.ge [sflag:s22], $0x4000  }
0xea: {  	[sflag:s22] =	ssyncset.done $0x0  }
0xeb: {  	[sflag:s22] =	ssyncadd.s32 $0xFFFFC000  }
0xec: {  	[spmem:s2] =	stream.indirect.scatter.add.f32 [tilespmem:s19], [sflag:$0x3], $0x80, s23, s17, $0xb8;
	[tilespmem:$0x1C800] =	vst v63  }
0xed: {  	_ =	swait.ge [sflag:s14], $0x4000  }
0xee: {  	[sflag:s14] =	ssyncset.done $0x0  }
0xef: {  	[sflag:s14] =	ssyncadd.s32 $0xFFFFC000  }
0xf0: {  	[tilespmem:s19], [sflag:$0x2] =	stream.indirect.gather [hbm4b:s4+s17], $0x80, s24, s17, $0xb8;
	[tilespmem:$0x1C800] =	vst v63  }
0xf1: {  	_ =	swait.ge [sflag:s20], $0x4000  }
0xf2: {  	[sflag:s20] =	ssyncset.done $0x0  }
0xf3: {  	[sflag:s20] =	ssyncadd.s32 $0xFFFFC000  }
0xf4: {  	[spmem:s2] =	stream.indirect.scatter.add.f32 [tilespmem:s13], [sflag:$0x3], $0x80, s25, s17, $0xb8;
	[tilespmem:$0x1C800] =	vst v63  }
0xf5: {  	_ =	swait.ge [sflag:s14], $0x4000  }
0xf6: {  	[sflag:s14] =	ssyncset.done $0x0  }
0xf7: {  	[sflag:s14] =	ssyncadd.s32 $0xFFFFC000  }
0xf8: {  	[tilespmem:s13], [sflag:$0x1] =	stream.indirect.gather [hbm4b:s4+s17], $0x80, s26, s17, $0xb8;
	[tilespmem:$0x1C800] =	vst v63  }
0xf9: {  	_ =	swait.ge [sflag:s22], $0x4000  }
0xfa: {  	[sflag:s22] =	ssyncset.done $0x0  }
0xfb: {  	[sflag:s22] =	ssyncadd.s32 $0xFFFFC000  }
0xfc: {  	[spmem:s2] =	stream.indirect.scatter.add.f32 [tilespmem:s19], [sflag:$0x3], $0x80, s28, s17, $0xb8;
	[tilespmem:$0x1C800] =	vst v63  }
0xfd: {  	_ =	swait.ge [sflag:s14], $0x4000  }
0xfe: {  	[sflag:s14] =	ssyncset.done $0x0  }
0xff: {  	[sflag:s14] =	ssyncadd.s32 $0xFFFFC000  }
0x100: {  	[tilespmem:s19], [sflag:$0x2] =	stream.indirect.gather [hbm4b:s4+s17], $0x80, s29, s17, $0xb8;
	[tilespmem:$0x1C800] =	vst v63  }
0x101: {  	_ =	swait.ge [sflag:s20], $0x4000  }
0x102: {  	[sflag:s20] =	ssyncset.done $0x0  }
0x103: {  	[sflag:s20] =	ssyncadd.s32 $0xFFFFC000  }
0x104: {  	[spmem:s2] =	stream.indirect.scatter.add.f32 [tilespmem:s13], [sflag:$0x3], $0x80, s30, s17, $0xb8;
	[tilespmem:$0x1C800] =	vst v63  }
0x105: {  	_ =	swait.ge [sflag:s14], $0x4000  }
0x106: {  	[sflag:s14] =	ssyncset.done $0x0  }
0x107: {  	[sflag:s14] =	ssyncadd.s32 $0xFFFFC000  }
0x108: {  	[tilespmem:s13], [sflag:$0x1] =	stream.indirect.gather [hbm4b:s4+s17], $0x80, s31, s17, $0xb8;
	[tilespmem:$0x1C800] =	vst v63  }
0x109: {  	_ =	swait.ge [sflag:s22], $0x4000  }
0x10a: {  	[sflag:s22] =	ssyncset.done $0x0  }
0x10b: {  	[sflag:s22] =	ssyncadd.s32 $0xFFFFC000  }
0x10c: {  	[spmem:s2] =	stream.indirect.scatter.add.f32 [tilespmem:s19], [sflag:$0x3], $0x80, s0, s17, $0xb8;
	[tilespmem:$0x1C800] =	vst v63  }
0x10d: {  	_ =	swait.ge [sflag:s14], $0x4000  }
0x10e: {  	[sflag:s14] =	ssyncset.done $0x0  }
0x10f: {  	[sflag:s14] =	ssyncadd.s32 $0xFFFFC000  }
0x110: {  	[tilespmem:s19], [sflag:$0x2] =	stream.indirect.gather [hbm4b:s4+s17], $0x80, s1, s17, $0xb8;
	[tilespmem:$0x1C800] =	vst v63  }
0x111: {  	_ =	swait.ge [sflag:s20], $0x4000  }
0x112: {  	[sflag:s20] =	ssyncset.done $0x0  }
0x113: {  	[sflag:s20] =	ssyncadd.s32 $0xFFFFC000  }
0x114: {  	[spmem:s2] =	stream.indirect.scatter.add.f32 [tilespmem:s13], [sflag:$0x3], $0x80, s6, s17, $0xb8;
	[tilespmem:$0x1C800] =	vst v63  }
0x115: {  	_ =	swait.ge [sflag:s14], $0x4000  }
0x116: {  	[sflag:s14] =	ssyncset.done $0x0  }
0x117: {  	[sflag:s14] =	ssyncadd.s32 $0xFFFFC000  }
0x118: {  	_ =	swait.ge [sflag:s22], $0x4000  }
0x119: {  	[sflag:s22] =	ssyncset.done $0x0  }
0x11a: {  	[sflag:s22] =	ssyncadd.s32 $0xFFFFC000  }
0x11b: {  	[spmem:s2] =	stream.indirect.scatter.add.f32 [tilespmem:s19], [sflag:$0x3], $0x80, s8, s17, $0xb8;
	[tilespmem:$0x1C800] =	vst v63  }
0x11c: {  	_ =	swait.ge [sflag:s14], $0x4000  }
0x11d: {  	[sflag:s14] =	ssyncset.done $0x0  }
0x11e: {  	s10 =	stileid.u32;
	[sflag:s14] =	ssyncadd.s32 $0xFFFFC000  }
0x11f: {  	s5 =	sshll.u32 s10, $0x6;
	[bflag:$0x0] =	sbarrier.arrive $0xFFFF  }
0x120: {  	s5 =	sor.u32 $0x1C03, s5;
	s9 =	rddreg [dreg:$0x4]  }
.Ltmp5:
0x121: {  	s11 =	rddreg [dreg:$0x5];
	s7 =	sshrl.u32 s9, $0x3;
	(pc) =	sbr.rel .LBB2_7-.Ltmp5, $4  }
0x122: {  	[hbm:s11], [sflag:s5] =	dma.local [spmem:s7], $0x2800  }
0x123: {  	_ =	swait.ge [sflag:s14], $0x2800  }
0x124: {  	[sflag:s14] =	ssyncset.done $0x0;
	s5 =	rddreg [dreg:$0x6]  }
0x125: {  	s7 =	rddreg [dreg:$0xb];
	[sflag:s14] =	ssyncadd.s32 $0xFFFFD800  }
.LBB2_8:
0x126: {  	_ =	sfence.sel $0x180000  }
0x127: {  	[bflag:$0x0] =	sbarrier.arrive $0xFFFF  }
0x128: {  	_ =	strace $0x9000004A  }
0x129: {  	s0 =	stileid.u32;
	[bflag:$0x2] =	sbarrier.arrive $0xFFFF  }
0x12a: {  	p0 =	sne.s32 s0, $0x0;
	s0 =	rddreg [dreg:$0x2]  }
0x12b: {  	s0 =	sadd.s32 @!p0 $0x100000, s0  }
0x12c: {  	[sflag:s0] =	ssyncadd.tile.s32 @!p0 $0x1;
	_ =	shalt  }
.Lfunc_end2:
_tile_overlayer_lowered:
.L_overlay_start_2:
0x12d: {  	(tag) =	ssettag $0x2  }
0x12e: {  	s0 =	rddreg [dreg:$0x0];
	s2 =	stileid.u32  }
0x12f: {  	s1 =	rddreg [dreg:$0x1];
	p0 =	sne.s32 s2, $0x0  }
0x130: {  	s3 =	rddreg [dreg:$0x2];
	[bflag:$0x3] =	sbarrier.arrive $0xFFFF;
	s2 =	simm.s32 @!p0 $0x1C03  }
0x131: {  	[timem:s3], [sflag:s2] =	dma.local @!p0 [hbm:s0], s1  }
0x132: {  	s0 =	simm.s32 @!p0 $0x3  }
0x133: {  	_ =	swait.ge @!p0 [sflag:s0], s1  }
0x134: {  	s1 =	ssub.s32 @!p0 $0x0, s1;
	[sflag:s0] =	ssyncset.done @!p0 $0x0  }
0x135: {  	[sflag:s0] =	ssyncadd.s32 @!p0 s1  }
0x136: {  	[bflag:$0x3] =	sbarrier.arrive $0xFFFF  }
0x137: {  	_ =	shalt  }

// kernel: kernel.18.cloned.1.call-start
scs
__scs_entry_jumppad:
0x0: {  	(pc) =	sbr.rel $0x88, $3  }
0x1: {  	(tag) =	ssettag $0x0;
	lr =	simm.s32 $0x1  }
0x2: {  	[smem:$0x3F90] =	sst lr;
	_ =	strace $0xD0000000  }
0x3: {  	_ = 	snop  }
0x4: {  	_ = 	snop  }
0x5: {  	_ = 	snop  }
0x6: {  	_ = 	snop  }
0x7: {  	_ = 	snop  }
__scs_overlays_trampoline_lowered:
0x8: {  	[smem:$0x3F9F] =	sst s0  }
0x9: {  	[smem:$0x3FA0] =	sst s1  }
0xa: {  	[smem:$0x3FA1] =	sst s2  }
0xb: {  	[smem:$0x3FA2] =	sst s3  }
0xc: {  	[smem:$0x3FA3] =	sst s4  }
0xd: {  	[smem:$0x3FA4] =	sst s5  }
0xe: {  	[smem:$0x3FA5] =	sst s6  }
0xf: {  	[smem:$0x3FA6] =	sst s7  }
0x10: {  	[smem:$0x3FA7] =	sst s8  }
0x11: {  	[smem:$0x3FA8] =	sst s9;
	s0 =	simm.s32 @!p0 $0x0  }
0x12: {  	s1 =	sld [smem:$0x3F8E];
	s0 =	simm.s32 @p0 $0x1  }
0x13: {  	[smem:$0x3FA9] =	sst s0;
	s0 =	simm.s32 @!p1 $0x0  }
0x14: {  	s2 =	sld [smem:$0x3F8D];
	s0 =	simm.s32 @p1 $0x1  }
0x15: {  	[smem:$0x3FAA] =	sst s0;
	s0 =	simm.s32 @!p2 $0x0  }
0x16: {  	s3 =	sld [smem:$0x3FDB];
	s0 =	simm.s32 @p2 $0x1  }
0x17: {  	s4 =	simm.s32 $0x1BF5;
	[smem:$0x3FAC] =	sst s0  }
0x18: {  	s0 =	sld [smem:$0x3F8F];
	_ =	swait.ge [sflag:s4], $0x0  }
0x19: {  	s7 =	sld [smem:$0x3F90]  }
0x1a: {  	s8 =	sadd.s32 $0xFFFFE003, lr  }
0x1b: {  	s9 =	sadd.s32 $0xFFFFFEF7, lr;
	s5 =	simm.s32 $0xFFFFFFFF;
	p2 =	slt.u32 s8, $0xFFFFF086  }
0x1c: {  	p1 =	slt.u32 s9, $0xF7A;
	s5 =	simm.s32 @!p2 $0x0  }
0x1d: {  	s5 =	simm.s32 @p1 $0x1;
	p0 =	seq.s32 s7, s2  }
0x1e: {  	s7 =	smul.u32 @!p0 $0xF7A, s2;
	p2 =	seq.s32 @!p0 s5, $0x0  }
0x1f: {  	s9 =	smul.u32 $0xF7A, s1;
	s8 =	simm.s32 @!p0 $0x1BF5;
	p2 =	por !p2, p0  }
0x20: {  	[sflag:s8] =	ssyncset.s32 @!p0 $0xFFFFF086;
	s6 =	sadd.s32 @!p0 s3, s7;
	s7 =	simm.s32 @!p0 $0x108  }
0x21: {  	s3 =	sadd.s32 s3, s9;
	s6 =	sadd.s32 @!p0 $0x88, s6;
	s7 =	simm.s32 @p2 $0x1082  }
0x22: {  	[simem:s7], [sflag:s8] =	dma.local @!p0 [hbm:s6], $0xF7A  }
0x23: {  	s9 =	sor.u32 $0xD0000000, s2;
	s6 =	simm.s32 $0x108;
	_ =	swait.ge @!p0 [sflag:s8], $0x0  }
0x24: {  	s3 =	sadd.s32 $0x88, s3;
	s6 =	simm.s32 @!p1 $0x1082;
	[sflag:s4] =	ssyncset.s32 $0xFFFFF086  }
0x25: {  	[simem:s6], [sflag:s4] =	dma.local [hbm:s3], $0xF7A  }
0x26: {  	[smem:$0x3F90] =	sst s1;
	(tag) =	ssettag s2;
	_ =	strace s9  }
0x27: {  	s1 =	sld [smem:$0x3FA0]  }
0x28: {  	s2 =	sld [smem:$0x3FA1]  }
0x29: {  	s4 =	sld [smem:$0x3FA3]  }
0x2a: {  	p0 =	seq.s32 s5, $0x0;
	s5 =	sld [smem:$0x3FA4]  }
0x2b: {  	s6 =	sld [smem:$0x3FA5]  }
0x2c: {  	s7 =	sld [smem:$0x3FA6]  }
0x2d: {  	s3 =	simm.s32 $0x108;
	s8 =	sld [smem:$0x3FA7]  }
0x2e: {  	s3 =	simm.s32 @!p0 $0x1082;
	s9 =	sld [smem:$0x3FA8]  }
0x2f: {  	lr =	sadd.s32 s0, s3;
	s0 =	sld [smem:$0x3F9F]  }
0x30: {  	s3 =	sld [smem:$0x3FA2]  }
0x31: {  	[smem:$0x3FAB] =	sst s10  }
0x32: {  	s10 =	sld [smem:$0x3FA9];
	_ =	sdelay $0x3  }
0x33: {  	p0 =	seq.s32 s10, $0x1;
	s10 =	sld [smem:$0x3FAB];
	_ =	sdelay $0x3  }
0x34: {  	[smem:$0x3FAB] =	sst s10  }
0x35: {  	s10 =	sld [smem:$0x3FAA];
	_ =	sdelay $0x3  }
0x36: {  	p1 =	seq.s32 s10, $0x1;
	s10 =	sld [smem:$0x3FAB];
	_ =	sdelay $0x3  }
0x37: {  	[smem:$0x3FAB] =	sst s10  }
0x38: {  	s10 =	sld [smem:$0x3FAC]  }
0x39: {  	_ = 	snop;
	(pc) =	sbr.ind lr, $3  }
0x3a: {  	_ = 	snop  }
0x3b: {  	_ = 	snop  }
0x3c: {  	p2 =	seq.s32 s10, $0x1;
	s10 =	sld [smem:$0x3FAB]  }
0x3d: {  	_ =	shalt  }
0x3e: {  	_ =	shalt  }
0x3f: {  	_ =	shalt  }
0x40: {  	_ =	shalt  }
0x41: {  	_ =	shalt  }
0x42: {  	_ =	shalt  }
0x43: {  	_ =	shalt  }
0x44: {  	_ =	shalt  }
0x45: {  	_ =	shalt  }
0x46: {  	_ =	shalt  }
0x47: {  	_ =	shalt  }
0x48: {  	_ =	shalt  }
0x49: {  	_ =	shalt  }
0x4a: {  	_ =	shalt  }
0x4b: {  	_ =	shalt  }
0x4c: {  	_ =	shalt  }
0x4d: {  	_ =	shalt  }
0x4e: {  	_ =	shalt  }
0x4f: {  	_ =	shalt  }
0x50: {  	_ =	shalt  }
0x51: {  	_ =	shalt  }
0x52: {  	_ =	shalt  }
0x53: {  	_ =	shalt  }
0x54: {  	_ =	shalt  }
0x55: {  	_ =	shalt  }
0x56: {  	_ =	shalt  }
0x57: {  	_ =	shalt  }
0x58: {  	_ =	shalt  }
0x59: {  	_ =	shalt  }
0x5a: {  	_ =	shalt  }
0x5b: {  	_ =	shalt  }
0x5c: {  	_ =	shalt  }
0x5d: {  	_ =	shalt  }
0x5e: {  	_ =	shalt  }
0x5f: {  	_ =	shalt  }
0x60: {  	_ =	shalt  }
0x61: {  	_ =	shalt  }
0x62: {  	_ =	shalt  }
0x63: {  	_ =	shalt  }
0x64: {  	_ =	shalt  }
0x65: {  	_ =	shalt  }
0x66: {  	_ =	shalt  }
0x67: {  	_ =	shalt  }
0x68: {  	_ =	shalt  }
0x69: {  	_ =	shalt  }
0x6a: {  	_ =	shalt  }
0x6b: {  	_ =	shalt  }
0x6c: {  	_ =	shalt  }
0x6d: {  	_ =	shalt  }
0x6e: {  	_ =	shalt  }
0x6f: {  	_ =	shalt  }
0x70: {  	_ =	shalt  }
0x71: {  	_ =	shalt  }
0x72: {  	_ =	shalt  }
0x73: {  	_ =	shalt  }
0x74: {  	_ =	shalt  }
0x75: {  	_ =	shalt  }
0x76: {  	_ =	shalt  }
0x77: {  	_ =	shalt  }
0x78: {  	_ =	shalt  }
0x79: {  	_ =	shalt  }
0x7a: {  	_ =	shalt  }
0x7b: {  	_ =	shalt  }
0x7c: {  	_ =	shalt  }
0x7d: {  	_ =	shalt  }
0x7e: {  	_ =	shalt  }
0x7f: {  	_ =	shalt  }
0x80: {  	_ =	shalt  }
0x81: {  	_ =	shalt  }
0x82: {  	_ =	shalt  }
0x83: {  	_ =	shalt  }
0x84: {  	_ =	shalt  }
0x85: {  	_ =	shalt  }
0x86: {  	_ =	shalt  }
0x87: {  	_ =	shalt  }
.Lfunc_end0:
.L_simem_size_0:
called_computation.2_lowered:
.L_overlay_start_0:
0x88: {  	s2 =	sld [smem:$0x3FD9]  }
0x89: {  	s3 =	sld [smem:$0x3FFE];
	_ =	sdelay $0x1  }
0x8a: {  	s1 =	srdreg.scid  }
0x8b: {  	s0 =	sand.u32 $0x1, s1  }
0x8c: {  	s16 =	sshll.u32 s0, $0xA;
	s2 =	sadd.s32 s3, s2  }
0x8d: {  	s2 =	sadd.s32 s2, s16  }
0x8e: {  	[smem:$0x3FB7] =	sst s2  }
0x8f: {  	_ = 	snop  }
0x90: {  	(tm) =	ssettm $0x1  }
0x91: {  	s17 =	sld [smem:$0x3FFB];
	_ =	sdelay $0x3  }
0x92: {  	_ =	strace s17  }
0x93: {  	s2 =	sld [smem:$0x3FFC];
	_ =	sdelay $0x3  }
0x94: {  	_ =	strace s2  }
0x95: {  	s2 =	sld [smem:$0x3FFD];
	_ =	sdelay $0x3  }
0x96: {  	_ =	strace s2  }
0x97: {  	_ =	strace $0x8FFFFFFF  }
0x98: {  	s18 =	sld [smem:$0x3FDB];
	_ =	sdelay $0x1  }
0x99: {  	s19 =	simm.s32 $_scs_section_size  }
0x9a: {  	s4 =	simm.s32 $_size__tile_overlayer_lowered;
	s5 =	simm.s32 $_tile_overlayer_lowered  }
0x9b: {  	s22 =	simm.s32 $0x1BFF;
	s21 =	sshll.u32 s5, $0x1;
	s2 =	sadd.s32 s19, s18  }
0x9c: {  	s6 =	simm.s32 $0x0;
	s20 =	sshll.u32 s4, $0x1;
	s4 =	sadd.s32 s21, s2  }
0x9d: {  	[timem:s6], [sflag:s22] =	dma.local [hbm:s4], s20  }
0x9e: {  	_ =	swait.ge [sflag:s22], s20  }
0x9f: {  	s3 =	ssub.s32 $0x0, s20;
	[sflag:s22] =	ssyncset.done $0x0  }
0xa0: {  	[sflag:s22] =	ssyncadd.s32 s3;
	_ =	sdelay $0x1  }
0xa1: {  	s23 =	simm.s32 $0x1B8B  }
0xa2: {  	_ =	swait.ge [sflag:s23], $0x1  }
0xa3: {  	[sflag:s23] =	ssyncset.done $0x0  }
0xa4: {  	s25 =	simm.s32 $0x1B8E;
	s24 =	sld [smem:$0x3FFE];
	[sflag:s23] =	ssyncadd.s32 $0xFFFFFFFF  }
0xa5: {  	s26 =	simm.s32 $execute0_lowered;
	[smem:$0x3FD2] =	sst s25  }
0xa6: {  	s4 =	sshll.u32 s26, $0x1;
	_ =	strace $0x8000004C;
	[dreg:$0x1] =	wrdreg $0xFFFFFFFF  }
0xa7: {  	s28 =	simm.s32 $_size_execute0_lowered;
	s2 =	sadd.s32 s2, s4;
	[dreg:$0x0] =	wrdreg $0x0  }
0xa8: {  	s4 =	sshll.u32 s28, $0x1;
	[dreg:$0x2] =	wrdreg s2  }
0xa9: {  	[dreg:$0x3] =	wrdreg s4  }
0xaa: {  	[dreg:$0x4] =	wrdreg $0xC0  }
0xab: {  	_ =	task [dreg:s6], $0x5FFFF  }
0xac: {  	[dreg:$0x1] =	wrdreg $0xFFFFFFFF  }
0xad: {  	[dreg:$0x0] =	wrdreg $0x60  }
0xae: {  	[dreg:$0x2] =	wrdreg s24  }
0xaf: {  	[dreg:$0x3] =	wrdreg $0x0  }
0xb0: {  	[dreg:$0x4] =	wrdreg $0x9  }
0xb1: {  	_ =	task.clear_ibuf [dreg:s6], $0x5FFFF;
	_ =	strace $0x9000004C  }
0xb2: {  	s29 =	simm.s32 $0x9;
	_ =	strace $0x8000004E  }
0xb3: {  	_ =	swait.ge [sflag:s29], $0x1  }
0xb4: {  	[sflag:s29] =	ssyncadd.s32 $0xFFFFFFFF  }
0xb5: {  	_ =	strace $0x9000004E  }
0xb6: {  	_ =	sfence  }
0xb7: {  	s30 =	sld [smem:$0x0];
	_ =	sdelay $0x2  }
0xb8: {  	s31 =	sshll.u32 s1, $0xD;
	s1 =	sshrl.u32 s1, $0x2  }
0xb9: {  	s3 =	sand.u32 $0x4000, s31;
	s1 =	sadd.s32 s1, s30  }
0xba: {  	s0 =	sor.u32 s3, s0;
	s1 =	sshll.u32 s1, $0x11  }
0xbb: {  	s0 =	sor.u32 s1, s0  }
0xbc: {  	s0 =	sadd.s32 $0x8F2B, s0  }
0xbd: {  	[sflag:s0] =	ssyncadd.remote.s32 $0x1  }
0xbe: {  	_ =	sfence.sel $0xFFFF  }
0xbf: {  	[dreg:$0x0] =	wrdreg $0xFFFFFFFF;
	(pc) =	sbr.abs _section_cstart, $3  }
0xc0: {  	[dreg:$0x1] =	wrdreg $0xFFFFFFFF  }
0xc1: {  	_ =	task.clear_ibuf [dreg:s6], $0x2FFFF;
	_ =	strace $0x9FFFFFFF  }
0xc2: {  	(tm) =	ssettm $0x7FFFFFFF  }
0xc3: {  	_ =	shalt  }
tec
execute0_lowered:
.L_overlay_start_1:
0x0: {  	(tag) =	ssettag $0x1  }
0x1: {  	s0 =	rddreg [dreg:$0x0]  }
0x2: {  	s2 =	rddreg [dreg:$0x1];
	s3 =	simm.s32 $0x0  }
0x3: {  	s7 =	stileid.u32;
	s4 =	srdreg.scid;
	s13 =	simm.s32 $0x14800  }
0x4: {  	s14 =	simm.s32 $0x3;
	s15 =	simm.s32 $0x14000;
	s16 =	simm.s32 $0x14400  }
0x5: {  	s17 =	simm.s32 $0x80;
	s18 =	simm.s32 $0x14080;
	s19 =	simm.s32 $0x18800  }
0x6: {  	s20 =	simm.s32 $0x1;
	s28 =	simm.s32 $0x14580;
	s29 =	simm.s32 $0x14280  }
0x7: {  	s30 =	simm.s32 $0x14600;
	s31 =	simm.s32 $0x14300;
	s1 =	smul.u32 $0xA00, s7  }
0x8: {  	[smem:$0x7FF] =	sst s3;
	s6 =	sand.u32 $0x1, s4;
	s5 =	smul.u32 $0x50000, s7  }
0x9: {  	s4 =	sadd.s32 $0x19000, s0;
	s7 =	smul.u32 $0x2800, s7;
	_ =	strace $0x8000004D  }
0xa: {  	s8 =	ssub.s32 $0x2, s6;
	p0 =	seq.s32 s6, $0x0;
	s6 =	simm.s32 $0x14700  }
0xb: {  	s1 =	sadd.s32 s1, s0;
	s9 =	sshrl.u32 s8, $0x1;
	s5 =	sshrl.u32 s5, $0x2  }
0xc: {  	s0 =	sadd.s32 s7, s0;
	s7 =	simm.s32 $0x0;
	s21 =	ssub.s32 s8, s9  }
0xd: {  	s9 =	sadd.s32 s5, s2;
	s0 =	sadd.s32 $0x41000, s0;
	s25 =	sadd.s32 $0xF000, s1  }
0xe: {  	s12 =	sadd.s32 $0x5000, s1;
	s1 =	simm.s32 $0x14380;
	[dreg:$0x5] =	wrdreg s0  }
0xf: {  	s8 =	simm.s32 $0x14780;
	s5 =	smax.u32 s21, $0x1;
	[dreg:$0x3] =	wrdreg s25  }
0x10: {  	s22 =	sadd.s32 $0x4000, s9;
	s23 =	sadd.s32 $0x8000, s9;
	[dreg:$0x4] =	wrdreg s9  }
.Ltmp0:
0x11: {  	s24 =	sadd.s32 $0xC000, s9;
	[dreg:$0x7] =	wrdreg s22;
	(pc) =	sbr.rel .LBB2_1-.Ltmp0, $4  }
0x12: {  	s26 =	sadd.s32 $0x10000, s9;
	s21 =	simm.s32 $0x14100;
	[dreg:$0x8] =	wrdreg s23  }
0x13: {  	s25 =	simm.s32 $0x14500;
	s0 =	simm.s32 $0x14680;
	[dreg:$0x9] =	wrdreg s24  }
0x14: {  	[dreg:$0xa] =	wrdreg s26;
	s22 =	simm.s32 $0x2;
	s23 =	simm.s32 $0x14480  }
0x15: {  	v0 =	vimm.f32 $0.0e+00;
	s24 =	simm.s32 $0x14180;
	s26 =	simm.s32 $0x14200;
	[dreg:$0x6] =	wrdreg s5  }
.LBB2_9:
0x16: {  	[bflag:$0x0] =	sbarrier.arrive $0xFFFF  }
0x17: {  	[bflag:$0x0] =	sbarrier.arrive $0xFFFF  }
.LBB2_7:
0x18: {  	s7 =	sadd.s32 $0x1, s7  }
0x19: {  	p1 =	sne.s32 s7, s5  }
.Ltmp1:
0x1a: {  	_ = 	snop;
	(pc) =	sbr.rel @!p1 .LBB2_8-.Ltmp1, $1  }
0x1b: {  	_ =	sdelay $0x3  }
.LBB2_1:
.Ltmp2:
0x1c: {  	(pc) =	sbr.rel @!p0 .LBB2_9-.Ltmp2, $1  }
0x1d: {  	_ =	sdelay $0x3  }
0x1e: {  	s10 =	sshra.s32 s3, $0x2;
	s11 =	sadd.s32 $0x200, s3  }
.LBB2_3:
0x1f: {  	p1 =	seq.s32 s11, $0xFE00;
	[tilespmem:s10+$0x14870] =	vst v0  }
0x20: {  	[tilespmem:s10+$0x14800] =	vst v0  }
0x21: {  	[tilespmem:s10+$0x14810] =	vst v0  }
.Ltmp3:
0x22: {  	[tilespmem:s10+$0x14820] =	vst v0;
	(pc) =	sbr.rel @!p1 .LBB2_3-.Ltmp3, $4  }
0x23: {  	[tilespmem:s10+$0x14830] =	vst v0  }
0x24: {  	[tilespmem:s10+$0x14840] =	vst v0  }
0x25: {  	[tilespmem:s10+$0x14850] =	vst v0  }
0x26: {  	[tilespmem:s10+$0x14860] =	vst v0;
	s10 =	sshra.s32 s11, $0x2;
	s11 =	sadd.s32 $0x200, s11  }
0x27: {  	[tilespmem:s10+$0x14870] =	vst v0  }
0x28: {  	[tilespmem:s10+$0x14800] =	vst v0  }
0x29: {  	[tilespmem:s10+$0x14810] =	vst v0  }
0x2a: {  	[tilespmem:s10+$0x14820] =	vst v0  }
0x2b: {  	[tilespmem:s10+$0x14830] =	vst v0  }
0x2c: {  	[tilespmem:s10+$0x14840] =	vst v0  }
0x2d: {  	[tilespmem:s10+$0x14850] =	vst v0  }
0x2e: {  	[tilespmem:s10+$0x14860] =	vst v0;
	[dreg:$0xb] =	wrdreg s7  }
0x2f: {  	[spmem:s9] =	stream.linear.scatter [tilespmem:s13], [sflag:$0x3], $0x4000, $0x38;
	[tilespmem:$0x1C800] =	vst v63  }
0x30: {  	_ =	swait.ge [sflag:s14], $0x4000  }
0x31: {  	[sflag:s14] =	ssyncset.done $0x0  }
0x32: {  	s5 =	rddreg [dreg:$0x7];
	[sflag:s14] =	ssyncadd.s32 $0xFFFFC000  }
0x33: {  	[spmem:s5] =	stream.linear.scatter [tilespmem:s13], [sflag:$0x3], $0x4000, $0x38;
	[tilespmem:$0x1C800] =	vst v63  }
0x34: {  	_ =	swait.ge [sflag:s14], $0x4000  }
0x35: {  	[sflag:s14] =	ssyncset.done $0x0  }
0x36: {  	s11 =	rddreg [dreg:$0x8];
	[sflag:s14] =	ssyncadd.s32 $0xFFFFC000  }
0x37: {  	[spmem:s11] =	stream.linear.scatter [tilespmem:s13], [sflag:$0x3], $0x4000, $0x38;
	[tilespmem:$0x1C800] =	vst v63  }
0x38: {  	_ =	swait.ge [sflag:s14], $0x4000  }
0x39: {  	[sflag:s14] =	ssyncset.done $0x0  }
0x3a: {  	s7 =	rddreg [dreg:$0x9];
	[sflag:s14] =	ssyncadd.s32 $0xFFFFC000  }
0x3b: {  	[spmem:s7] =	stream.linear.scatter [tilespmem:s13], [sflag:$0x3], $0x4000, $0x38;
	[tilespmem:$0x1C800] =	vst v63  }
0x3c: {  	_ =	swait.ge [sflag:s14], $0x4000  }
0x3d: {  	[sflag:s14] =	ssyncset.done $0x0  }
0x3e: {  	s9 =	rddreg [dreg:$0xa];
	[sflag:s14] =	ssyncadd.s32 $0xFFFFC000  }
0x3f: {  	[spmem:s9] =	stream.linear.scatter [tilespmem:s13], [sflag:$0x3], $0x4000, $0x38;
	[tilespmem:$0x1C800] =	vst v63  }
0x40: {  	_ =	swait.ge [sflag:s14], $0x4000  }
0x41: {  	[sflag:s14] =	ssyncset.done $0x0  }
0x42: {  	[sflag:s14] =	ssyncadd.s32 $0xFFFFC000  }
0x43: {  	s10 =	sadd.s32 $0x0, s12;
	[bflag:$0x0] =	sbarrier.arrive $0xFFFF  }
0x44: {  	[tilespmem:s15], [sflag:$0x3] =	stream.linear.gather [hbm4b:s10+s3], $0x400, $0x38;
	[tilespmem:$0x1C800] =	vst v63  }
0x45: {  	_ =	swait.ge [sflag:s14], $0x400  }
0x46: {  	s11 =	rddreg [dreg:$0x3];
	[sflag:s14] =	ssyncset.done $0x0  }
0x47: {  	[sflag:s14] =	ssyncadd.s32 $0xFFFFFC00;
	s7 =	sadd.s32 $0x0, s11  }
0x48: {  	[tilespmem:s16], [sflag:$0x3] =	stream.linear.gather [hbm4b:s7+s3], $0x400, $0x38;
	[tilespmem:$0x1C800] =	vst v63  }
0x49: {  	_ =	swait.ge [sflag:s14], $0x400  }
0x4a: {  	[sflag:s14] =	ssyncset.done $0x0  }
0x4b: {  	[sflag:s14] =	ssyncadd.s32 $0xFFFFFC00  }
0x4c: {  	[tilespmem:s13], [sflag:$0x1] =	stream.indirect.gather [hbm4b:s4+s17], $0x80, s15, s17, $0xb8;
	[tilespmem:$0x1C800] =	vst v63  }
0x4d: {  	_ = 	snop  }
0x4e: {  	[tilespmem:s19], [sflag:$0x2] =	stream.indirect.gather [hbm4b:s4+s17], $0x80, s18, s17, $0xb8;
	[tilespmem:$0x1C800] =	vst v63  }
0x4f: {  	_ =	swait.ge [sflag:s20], $0x4000  }
0x50: {  	[sflag:s20] =	ssyncset.done $0x0  }
0x51: {  	[sflag:s20] =	ssyncadd.s32 $0xFFFFC000  }
0x52: {  	[spmem:s2] =	stream.indirect.scatter.add.f32 [tilespmem:s13], [sflag:$0x3], $0x80, s16, s17, $0xb8;
	[tilespmem:$0x1C800] =	vst v63  }
0x53: {  	_ =	swait.ge [sflag:s14], $0x4000  }
0x54: {  	[sflag:s14] =	ssyncset.done $0x0  }
0x55: {  	[sflag:s14] =	ssyncadd.s32 $0xFFFFC000  }
0x56: {  	[tilespmem:s13], [sflag:$0x1] =	stream.indirect.gather [hbm4b:s4+s17], $0x80, s21, s17, $0xb8;
	[tilespmem:$0x1C800] =	vst v63  }
0x57: {  	_ =	swait.ge [sflag:s22], $0x4000  }
0x58: {  	[sflag:s22] =	ssyncset.done $0x0  }
0x59: {  	[sflag:s22] =	ssyncadd.s32 $0xFFFFC000  }
0x5a: {  	[spmem:s2] =	stream.indirect.scatter.add.f32 [tilespmem:s19], [sflag:$0x3], $0x80, s23, s17, $0xb8;
	[tilespmem:$0x1C800] =	vst v63  }
0x5b: {  	_ =	swait.ge [sflag:s14], $0x4000  }
0x5c: {  	[sflag:s14] =	ssyncset.done $0x0  }
0x5d: {  	[sflag:s14] =	ssyncadd.s32 $0xFFFFC000  }
0x5e: {  	[tilespmem:s19], [sflag:$0x2] =	stream.indirect.gather [hbm4b:s4+s17], $0x80, s24, s17, $0xb8;
	[tilespmem:$0x1C800] =	vst v63  }
0x5f: {  	_ =	swait.ge [sflag:s20], $0x4000  }
0x60: {  	[sflag:s20] =	ssyncset.done $0x0  }
0x61: {  	[sflag:s20] =	ssyncadd.s32 $0xFFFFC000  }
0x62: {  	[spmem:s2] =	stream.indirect.scatter.add.f32 [tilespmem:s13], [sflag:$0x3], $0x80, s25, s17, $0xb8;
	[tilespmem:$0x1C800] =	vst v63  }
0x63: {  	_ =	swait.ge [sflag:s14], $0x4000  }
0x64: {  	[sflag:s14] =	ssyncset.done $0x0  }
0x65: {  	[sflag:s14] =	ssyncadd.s32 $0xFFFFC000  }
0x66: {  	[tilespmem:s13], [sflag:$0x1] =	stream.indirect.gather [hbm4b:s4+s17], $0x80, s26, s17, $0xb8;
	[tilespmem:$0x1C800] =	vst v63  }
0x67: {  	_ =	swait.ge [sflag:s22], $0x4000  }
0x68: {  	[sflag:s22] =	ssyncset.done $0x0  }
0x69: {  	[sflag:s22] =	ssyncadd.s32 $0xFFFFC000  }
0x6a: {  	[spmem:s2] =	stream.indirect.scatter.add.f32 [tilespmem:s19], [sflag:$0x3], $0x80, s28, s17, $0xb8;
	[tilespmem:$0x1C800] =	vst v63  }
0x6b: {  	_ =	swait.ge [sflag:s14], $0x4000  }
0x6c: {  	[sflag:s14] =	ssyncset.done $0x0  }
0x6d: {  	[sflag:s14] =	ssyncadd.s32 $0xFFFFC000  }
0x6e: {  	[tilespmem:s19], [sflag:$0x2] =	stream.indirect.gather [hbm4b:s4+s17], $0x80, s29, s17, $0xb8;
	[tilespmem:$0x1C800] =	vst v63  }
0x6f: {  	_ =	swait.ge [sflag:s20], $0x4000  }
0x70: {  	[sflag:s20] =	ssyncset.done $0x0  }
0x71: {  	[sflag:s20] =	ssyncadd.s32 $0xFFFFC000  }
0x72: {  	[spmem:s2] =	stream.indirect.scatter.add.f32 [tilespmem:s13], [sflag:$0x3], $0x80, s30, s17, $0xb8;
	[tilespmem:$0x1C800] =	vst v63  }
0x73: {  	_ =	swait.ge [sflag:s14], $0x4000  }
0x74: {  	[sflag:s14] =	ssyncset.done $0x0  }
0x75: {  	[sflag:s14] =	ssyncadd.s32 $0xFFFFC000  }
0x76: {  	[tilespmem:s13], [sflag:$0x1] =	stream.indirect.gather [hbm4b:s4+s17], $0x80, s31, s17, $0xb8;
	[tilespmem:$0x1C800] =	vst v63  }
0x77: {  	_ =	swait.ge [sflag:s22], $0x4000  }
0x78: {  	[sflag:s22] =	ssyncset.done $0x0  }
0x79: {  	[sflag:s22] =	ssyncadd.s32 $0xFFFFC000  }
0x7a: {  	[spmem:s2] =	stream.indirect.scatter.add.f32 [tilespmem:s19], [sflag:$0x3], $0x80, s0, s17, $0xb8;
	[tilespmem:$0x1C800] =	vst v63  }
0x7b: {  	_ =	swait.ge [sflag:s14], $0x4000  }
0x7c: {  	[sflag:s14] =	ssyncset.done $0x0  }
0x7d: {  	[sflag:s14] =	ssyncadd.s32 $0xFFFFC000  }
0x7e: {  	[tilespmem:s19], [sflag:$0x2] =	stream.indirect.gather [hbm4b:s4+s17], $0x80, s1, s17, $0xb8;
	[tilespmem:$0x1C800] =	vst v63  }
0x7f: {  	_ =	swait.ge [sflag:s20], $0x4000  }
0x80: {  	[sflag:s20] =	ssyncset.done $0x0  }
0x81: {  	[sflag:s20] =	ssyncadd.s32 $0xFFFFC000  }
0x82: {  	[spmem:s2] =	stream.indirect.scatter.add.f32 [tilespmem:s13], [sflag:$0x3], $0x80, s6, s17, $0xb8;
	[tilespmem:$0x1C800] =	vst v63  }
0x83: {  	_ =	swait.ge [sflag:s14], $0x4000  }
0x84: {  	[sflag:s14] =	ssyncset.done $0x0  }
0x85: {  	[sflag:s14] =	ssyncadd.s32 $0xFFFFC000  }
0x86: {  	_ =	swait.ge [sflag:s22], $0x4000  }
0x87: {  	[sflag:s22] =	ssyncset.done $0x0  }
0x88: {  	[sflag:s22] =	ssyncadd.s32 $0xFFFFC000  }
0x89: {  	[spmem:s2] =	stream.indirect.scatter.add.f32 [tilespmem:s19], [sflag:$0x3], $0x80, s8, s17, $0xb8;
	[tilespmem:$0x1C800] =	vst v63  }
0x8a: {  	_ =	swait.ge [sflag:s14], $0x4000  }
0x8b: {  	s10 =	simm.s32 $0x80;
	s11 =	simm.s32 $0x100;
	[sflag:s14] =	ssyncset.done $0x0  }
.LBB2_5:
0x8c: {  	s5 =	sadd.s32 s10, s12;
	[sflag:s14] =	ssyncadd.s32 $0xFFFFC000  }
0x8d: {  	[tilespmem:s15], [sflag:$0x3] =	stream.linear.gather [hbm4b:s5+s3], $0x400, $0x38;
	[tilespmem:$0x1C800] =	vst v63  }
0x8e: {  	s9 =	smov.u32 s11;
	s7 =	sadd.s32 $0x80, s11;
	_ =	swait.ge [sflag:s14], $0x400  }
0x8f: {  	p1 =	seq.s32 s11, $0x980;
	s11 =	rddreg [dreg:$0x3];
	[sflag:s14] =	ssyncset.done $0x0  }
0x90: {  	[sflag:s14] =	ssyncadd.s32 $0xFFFFFC00;
	s5 =	sadd.s32 s10, s11  }
0x91: {  	[tilespmem:s16], [sflag:$0x3] =	stream.linear.gather [hbm4b:s5+s3], $0x400, $0x38;
	[tilespmem:$0x1C800] =	vst v63  }
0x92: {  	_ =	swait.ge [sflag:s14], $0x400  }
0x93: {  	[sflag:s14] =	ssyncset.done $0x0  }
0x94: {  	[sflag:s14] =	ssyncadd.s32 $0xFFFFFC00  }
0x95: {  	[tilespmem:s13], [sflag:$0x1] =	stream.indirect.gather [hbm4b:s4+s17], $0x80, s15, s17, $0xb8;
	[tilespmem:$0x1C800] =	vst v63  }
0x96: {  	_ = 	snop  }
0x97: {  	[tilespmem:s19], [sflag:$0x2] =	stream.indirect.gather [hbm4b:s4+s17], $0x80, s18, s17, $0xb8;
	[tilespmem:$0x1C800] =	vst v63  }
0x98: {  	_ =	swait.ge [sflag:s20], $0x4000  }
0x99: {  	[sflag:s20] =	ssyncset.done $0x0  }
0x9a: {  	[sflag:s20] =	ssyncadd.s32 $0xFFFFC000  }
0x9b: {  	[spmem:s2] =	stream.indirect.scatter.add.f32 [tilespmem:s13], [sflag:$0x3], $0x80, s16, s17, $0xb8;
	[tilespmem:$0x1C800] =	vst v63  }
0x9c: {  	_ =	swait.ge [sflag:s14], $0x4000  }
0x9d: {  	[sflag:s14] =	ssyncset.done $0x0  }
0x9e: {  	[sflag:s14] =	ssyncadd.s32 $0xFFFFC000  }
0x9f: {  	[tilespmem:s13], [sflag:$0x1] =	stream.indirect.gather [hbm4b:s4+s17], $0x80, s21, s17, $0xb8;
	[tilespmem:$0x1C800] =	vst v63  }
0xa0: {  	_ =	swait.ge [sflag:s22], $0x4000  }
0xa1: {  	[sflag:s22] =	ssyncset.done $0x0  }
0xa2: {  	[sflag:s22] =	ssyncadd.s32 $0xFFFFC000  }
0xa3: {  	[spmem:s2] =	stream.indirect.scatter.add.f32 [tilespmem:s19], [sflag:$0x3], $0x80, s23, s17, $0xb8;
	[tilespmem:$0x1C800] =	vst v63  }
0xa4: {  	_ =	swait.ge [sflag:s14], $0x4000  }
0xa5: {  	[sflag:s14] =	ssyncset.done $0x0  }
0xa6: {  	[sflag:s14] =	ssyncadd.s32 $0xFFFFC000  }
0xa7: {  	[tilespmem:s19], [sflag:$0x2] =	stream.indirect.gather [hbm4b:s4+s17], $0x80, s24, s17, $0xb8;
	[tilespmem:$0x1C800] =	vst v63  }
0xa8: {  	_ =	swait.ge [sflag:s20], $0x4000  }
0xa9: {  	[sflag:s20] =	ssyncset.done $0x0  }
0xaa: {  	[sflag:s20] =	ssyncadd.s32 $0xFFFFC000  }
0xab: {  	[spmem:s2] =	stream.indirect.scatter.add.f32 [tilespmem:s13], [sflag:$0x3], $0x80, s25, s17, $0xb8;
	[tilespmem:$0x1C800] =	vst v63  }
0xac: {  	_ =	swait.ge [sflag:s14], $0x4000  }
0xad: {  	[sflag:s14] =	ssyncset.done $0x0  }
0xae: {  	[sflag:s14] =	ssyncadd.s32 $0xFFFFC000  }
0xaf: {  	[tilespmem:s13], [sflag:$0x1] =	stream.indirect.gather [hbm4b:s4+s17], $0x80, s26, s17, $0xb8;
	[tilespmem:$0x1C800] =	vst v63  }
0xb0: {  	_ =	swait.ge [sflag:s22], $0x4000  }
0xb1: {  	[sflag:s22] =	ssyncset.done $0x0  }
0xb2: {  	[sflag:s22] =	ssyncadd.s32 $0xFFFFC000  }
0xb3: {  	[spmem:s2] =	stream.indirect.scatter.add.f32 [tilespmem:s19], [sflag:$0x3], $0x80, s28, s17, $0xb8;
	[tilespmem:$0x1C800] =	vst v63  }
0xb4: {  	_ =	swait.ge [sflag:s14], $0x4000  }
0xb5: {  	[sflag:s14] =	ssyncset.done $0x0  }
0xb6: {  	[sflag:s14] =	ssyncadd.s32 $0xFFFFC000  }
0xb7: {  	[tilespmem:s19], [sflag:$0x2] =	stream.indirect.gather [hbm4b:s4+s17], $0x80, s29, s17, $0xb8;
	[tilespmem:$0x1C800] =	vst v63  }
0xb8: {  	_ =	swait.ge [sflag:s20], $0x4000  }
0xb9: {  	[sflag:s20] =	ssyncset.done $0x0  }
0xba: {  	[sflag:s20] =	ssyncadd.s32 $0xFFFFC000  }
0xbb: {  	[spmem:s2] =	stream.indirect.scatter.add.f32 [tilespmem:s13], [sflag:$0x3], $0x80, s30, s17, $0xb8;
	[tilespmem:$0x1C800] =	vst v63  }
0xbc: {  	_ =	swait.ge [sflag:s14], $0x4000  }
0xbd: {  	[sflag:s14] =	ssyncset.done $0x0  }
0xbe: {  	[sflag:s14] =	ssyncadd.s32 $0xFFFFC000  }
0xbf: {  	[tilespmem:s13], [sflag:$0x1] =	stream.indirect.gather [hbm4b:s4+s17], $0x80, s31, s17, $0xb8;
	[tilespmem:$0x1C800] =	vst v63  }
0xc0: {  	_ =	swait.ge [sflag:s22], $0x4000  }
0xc1: {  	[sflag:s22] =	ssyncset.done $0x0  }
0xc2: {  	[sflag:s22] =	ssyncadd.s32 $0xFFFFC000  }
0xc3: {  	[spmem:s2] =	stream.indirect.scatter.add.f32 [tilespmem:s19], [sflag:$0x3], $0x80, s0, s17, $0xb8;
	[tilespmem:$0x1C800] =	vst v63  }
0xc4: {  	_ =	swait.ge [sflag:s14], $0x4000  }
0xc5: {  	[sflag:s14] =	ssyncset.done $0x0  }
0xc6: {  	[sflag:s14] =	ssyncadd.s32 $0xFFFFC000  }
0xc7: {  	[tilespmem:s19], [sflag:$0x2] =	stream.indirect.gather [hbm4b:s4+s17], $0x80, s1, s17, $0xb8;
	[tilespmem:$0x1C800] =	vst v63  }
0xc8: {  	_ =	swait.ge [sflag:s20], $0x4000  }
0xc9: {  	[sflag:s20] =	ssyncset.done $0x0  }
0xca: {  	[sflag:s20] =	ssyncadd.s32 $0xFFFFC000  }
0xcb: {  	[spmem:s2] =	stream.indirect.scatter.add.f32 [tilespmem:s13], [sflag:$0x3], $0x80, s6, s17, $0xb8;
	[tilespmem:$0x1C800] =	vst v63  }
0xcc: {  	_ =	swait.ge [sflag:s14], $0x4000  }
0xcd: {  	[sflag:s14] =	ssyncset.done $0x0  }
0xce: {  	[sflag:s14] =	ssyncadd.s32 $0xFFFFC000  }
0xcf: {  	_ =	swait.ge [sflag:s22], $0x4000  }
.Ltmp4:
0xd0: {  	[sflag:s22] =	ssyncset.done $0x0;
	(pc) =	sbr.rel @!p1 .LBB2_5-.Ltmp4, $4  }
0xd1: {  	[sflag:s22] =	ssyncadd.s32 $0xFFFFC000  }
0xd2: {  	[spmem:s2] =	stream.indirect.scatter.add.f32 [tilespmem:s19], [sflag:$0x3], $0x80, s8, s17, $0xb8;
	[tilespmem:$0x1C800] =	vst v63  }
0xd3: {  	_ =	swait.ge [sflag:s14], $0x4000  }
0xd4: {  	s10 =	smov.u32 s9;
	s11 =	smov.u32 s7;
	[sflag:s14] =	ssyncset.done $0x0  }
0xd5: {  	s5 =	sadd.s32 s10, s12;
	[sflag:s14] =	ssyncadd.s32 $0xFFFFC000  }
0xd6: {  	[tilespmem:s15], [sflag:$0x3] =	stream.linear.gather [hbm4b:s5+s3], $0x400, $0x38;
	[tilespmem:$0x1C800] =	vst v63  }
0xd7: {  	_ =	swait.ge [sflag:s14], $0x400  }
0xd8: {  	s9 =	rddreg [dreg:$0x3];
	[sflag:s14] =	ssyncset.done $0x0  }
0xd9: {  	s5 =	sadd.s32 s10, s9;
	[sflag:s14] =	ssyncadd.s32 $0xFFFFFC00  }
0xda: {  	[tilespmem:s16], [sflag:$0x3] =	stream.linear.gather [hbm4b:s5+s3], $0x400, $0x38;
	[tilespmem:$0x1C800] =	vst v63  }
0xdb: {  	_ =	swait.ge [sflag:s14], $0x400  }
0xdc: {  	[sflag:s14] =	ssyncset.done $0x0  }
0xdd: {  	[sflag:s14] =	ssyncadd.s32 $0xFFFFFC00  }
0xde: {  	[tilespmem:s13], [sflag:$0x1] =	stream.indirect.gather [hbm4b:s4+s17], $0x80, s15, s17, $0xb8;
	[tilespmem:$0x1C800] =	vst v63  }
0xdf: {  	_ = 	snop  }
0xe0: {  	[tilespmem:s19], [sflag:$0x2] =	stream.indirect.gather [hbm4b:s4+s17], $0x80, s18, s17, $0xb8;
	[tilespmem:$0x1C800] =	vst v63  }
0xe1: {  	_ =	swait.ge [sflag:s20], $0x4000  }
0xe2: {  	[sflag:s20] =	ssyncset.done $0x0  }
0xe3: {  	[sflag:s20] =	ssyncadd.s32 $0xFFFFC000  }
0xe4: {  	[spmem:s2] =	stream.indirect.scatter.add.f32 [tilespmem:s13], [sflag:$0x3], $0x80, s16, s17, $0xb8;
	[tilespmem:$0x1C800] =	vst v63  }
0xe5: {  	_ =	swait.ge [sflag:s14], $0x4000  }
0xe6: {  	[sflag:s14] =	ssyncset.done $0x0  }
0xe7: {  	[sflag:s14] =	ssyncadd.s32 $0xFFFFC000  }
0xe8: {  	[tilespmem:s13], [sflag:$0x1] =	stream.indirect.gather [hbm4b:s4+s17], $0x80, s21, s17, $0xb8;
	[tilespmem:$0x1C800] =	vst v63  }
0xe9: {  	_ =	swait.ge [sflag:s22], $0x4000  }
0xea: {  	[sflag:s22] =	ssyncset.done $0x0  }
0xeb: {  	[sflag:s22] =	ssyncadd.s32 $0xFFFFC000  }
0xec: {  	[spmem:s2] =	stream.indirect.scatter.add.f32 [tilespmem:s19], [sflag:$0x3], $0x80, s23, s17, $0xb8;
	[tilespmem:$0x1C800] =	vst v63  }
0xed: {  	_ =	swait.ge [sflag:s14], $0x4000  }
0xee: {  	[sflag:s14] =	ssyncset.done $0x0  }
0xef: {  	[sflag:s14] =	ssyncadd.s32 $0xFFFFC000  }
0xf0: {  	[tilespmem:s19], [sflag:$0x2] =	stream.indirect.gather [hbm4b:s4+s17], $0x80, s24, s17, $0xb8;
	[tilespmem:$0x1C800] =	vst v63  }
0xf1: {  	_ =	swait.ge [sflag:s20], $0x4000  }
0xf2: {  	[sflag:s20] =	ssyncset.done $0x0  }
0xf3: {  	[sflag:s20] =	ssyncadd.s32 $0xFFFFC000  }
0xf4: {  	[spmem:s2] =	stream.indirect.scatter.add.f32 [tilespmem:s13], [sflag:$0x3], $0x80, s25, s17, $0xb8;
	[tilespmem:$0x1C800] =	vst v63  }
0xf5: {  	_ =	swait.ge [sflag:s14], $0x4000  }
0xf6: {  	[sflag:s14] =	ssyncset.done $0x0  }
0xf7: {  	[sflag:s14] =	ssyncadd.s32 $0xFFFFC000  }
0xf8: {  	[tilespmem:s13], [sflag:$0x1] =	stream.indirect.gather [hbm4b:s4+s17], $0x80, s26, s17, $0xb8;
	[tilespmem:$0x1C800] =	vst v63  }
0xf9: {  	_ =	swait.ge [sflag:s22], $0x4000  }
0xfa: {  	[sflag:s22] =	ssyncset.done $0x0  }
0xfb: {  	[sflag:s22] =	ssyncadd.s32 $0xFFFFC000  }
0xfc: {  	[spmem:s2] =	stream.indirect.scatter.add.f32 [tilespmem:s19], [sflag:$0x3], $0x80, s28, s17, $0xb8;
	[tilespmem:$0x1C800] =	vst v63  }
0xfd: {  	_ =	swait.ge [sflag:s14], $0x4000  }
0xfe: {  	[sflag:s14] =	ssyncset.done $0x0  }
0xff: {  	[sflag:s14] =	ssyncadd.s32 $0xFFFFC000  }
0x100: {  	[tilespmem:s19], [sflag:$0x2] =	stream.indirect.gather [hbm4b:s4+s17], $0x80, s29, s17, $0xb8;
	[tilespmem:$0x1C800] =	vst v63  }
0x101: {  	_ =	swait.ge [sflag:s20], $0x4000  }
0x102: {  	[sflag:s20] =	ssyncset.done $0x0  }
0x103: {  	[sflag:s20] =	ssyncadd.s32 $0xFFFFC000  }
0x104: {  	[spmem:s2] =	stream.indirect.scatter.add.f32 [tilespmem:s13], [sflag:$0x3], $0x80, s30, s17, $0xb8;
	[tilespmem:$0x1C800] =	vst v63  }
0x105: {  	_ =	swait.ge [sflag:s14], $0x4000  }
0x106: {  	[sflag:s14] =	ssyncset.done $0x0  }
0x107: {  	[sflag:s14] =	ssyncadd.s32 $0xFFFFC000  }
0x108: {  	[tilespmem:s13], [sflag:$0x1] =	stream.indirect.gather [hbm4b:s4+s17], $0x80, s31, s17, $0xb8;
	[tilespmem:$0x1C800] =	vst v63  }
0x109: {  	_ =	swait.ge [sflag:s22], $0x4000  }
0x10a: {  	[sflag:s22] =	ssyncset.done $0x0  }
0x10b: {  	[sflag:s22] =	ssyncadd.s32 $0xFFFFC000  }
0x10c: {  	[spmem:s2] =	stream.indirect.scatter.add.f32 [tilespmem:s19], [sflag:$0x3], $0x80, s0, s17, $0xb8;
	[tilespmem:$0x1C800] =	vst v63  }
0x10d: {  	_ =	swait.ge [sflag:s14], $0x4000  }
0x10e: {  	[sflag:s14] =	ssyncset.done $0x0  }
0x10f: {  	[sflag:s14] =	ssyncadd.s32 $0xFFFFC000  }
0x110: {  	[tilespmem:s19], [sflag:$0x2] =	stream.indirect.gather [hbm4b:s4+s17], $0x80, s1, s17, $0xb8;
	[tilespmem:$0x1C800] =	vst v63  }
0x111: {  	_ =	swait.ge [sflag:s20], $0x4000  }
0x112: {  	[sflag:s20] =	ssyncset.done $0x0  }
0x113: {  	[sflag:s20] =	ssyncadd.s32 $0xFFFFC000  }
0x114: {  	[spmem:s2] =	stream.indirect.scatter.add.f32 [tilespmem:s13], [sflag:$0x3], $0x80, s6, s17, $0xb8;
	[tilespmem:$0x1C800] =	vst v63  }
0x115: {  	_ =	swait.ge [sflag:s14], $0x4000  }
0x116: {  	[sflag:s14] =	ssyncset.done $0x0  }
0x117: {  	[sflag:s14] =	ssyncadd.s32 $0xFFFFC000  }
0x118: {  	_ =	swait.ge [sflag:s22], $0x4000  }
0x119: {  	[sflag:s22] =	ssyncset.done $0x0  }
0x11a: {  	[sflag:s22] =	ssyncadd.s32 $0xFFFFC000  }
0x11b: {  	[spmem:s2] =	stream.indirect.scatter.add.f32 [tilespmem:s19], [sflag:$0x3], $0x80, s8, s17, $0xb8;
	[tilespmem:$0x1C800] =	vst v63  }
0x11c: {  	_ =	swait.ge [sflag:s14], $0x4000  }
0x11d: {  	[sflag:s14] =	ssyncset.done $0x0  }
0x11e: {  	s10 =	stileid.u32;
	[sflag:s14] =	ssyncadd.s32 $0xFFFFC000  }
0x11f: {  	s5 =	sshll.u32 s10, $0x6;
	[bflag:$0x0] =	sbarrier.arrive $0xFFFF  }
0x120: {  	s5 =	sor.u32 $0x1C03, s5;
	s9 =	rddreg [dreg:$0x4]  }
.Ltmp5:
0x121: {  	s11 =	rddreg [dreg:$0x5];
	s7 =	sshrl.u32 s9, $0x3;
	(pc) =	sbr.rel .LBB2_7-.Ltmp5, $4  }
0x122: {  	[hbm:s11], [sflag:s5] =	dma.local [spmem:s7], $0x2800  }
0x123: {  	_ =	swait.ge [sflag:s14], $0x2800  }
0x124: {  	[sflag:s14] =	ssyncset.done $0x0;
	s5 =	rddreg [dreg:$0x6]  }
0x125: {  	s7 =	rddreg [dreg:$0xb];
	[sflag:s14] =	ssyncadd.s32 $0xFFFFD800  }
.LBB2_8:
0x126: {  	_ =	sfence.sel $0x180000  }
0x127: {  	[bflag:$0x0] =	sbarrier.arrive $0xFFFF  }
0x128: {  	_ =	strace $0x9000004D  }
0x129: {  	s0 =	stileid.u32;
	[bflag:$0x2] =	sbarrier.arrive $0xFFFF  }
0x12a: {  	p0 =	sne.s32 s0, $0x0;
	s0 =	rddreg [dreg:$0x2]  }
0x12b: {  	s0 =	sadd.s32 @!p0 $0x100000, s0  }
0x12c: {  	[sflag:s0] =	ssyncadd.tile.s32 @!p0 $0x1;
	_ =	shalt  }
.Lfunc_end2:
_tile_overlayer_lowered:
.L_overlay_start_2:
0x12d: {  	(tag) =	ssettag $0x2  }
0x12e: {  	s0 =	rddreg [dreg:$0x0];
	s2 =	stileid.u32  }
0x12f: {  	s1 =	rddreg [dreg:$0x1];
	p0 =	sne.s32 s2, $0x0  }
0x130: {  	s3 =	rddreg [dreg:$0x2];
	[bflag:$0x3] =	sbarrier.arrive $0xFFFF;
	s2 =	simm.s32 @!p0 $0x1C03  }
0x131: {  	[timem:s3], [sflag:s2] =	dma.local @!p0 [hbm:s0], s1  }
0x132: {  	s0 =	simm.s32 @!p0 $0x3  }
0x133: {  	_ =	swait.ge @!p0 [sflag:s0], s1  }
0x134: {  	s1 =	ssub.s32 @!p0 $0x0, s1;
	[sflag:s0] =	ssyncset.done @!p0 $0x0  }
0x135: {  	[sflag:s0] =	ssyncadd.s32 @!p0 s1  }
0x136: {  	[bflag:$0x3] =	sbarrier.arrive $0xFFFF  }
0x137: {  	_ =	shalt  }

// kernel: kernel.21.cloned.1.call-start
scs
__scs_entry_jumppad:
0x0: {  	(pc) =	sbr.rel $0x88, $3  }
0x1: {  	(tag) =	ssettag $0x0;
	lr =	simm.s32 $0x1  }
0x2: {  	[smem:$0x3F90] =	sst lr;
	_ =	strace $0xD0000000  }
0x3: {  	_ = 	snop  }
0x4: {  	_ = 	snop  }
0x5: {  	_ = 	snop  }
0x6: {  	_ = 	snop  }
0x7: {  	_ = 	snop  }
__scs_overlays_trampoline_lowered:
0x8: {  	[smem:$0x3F9F] =	sst s0  }
0x9: {  	[smem:$0x3FA0] =	sst s1  }
0xa: {  	[smem:$0x3FA1] =	sst s2  }
0xb: {  	[smem:$0x3FA2] =	sst s3  }
0xc: {  	[smem:$0x3FA3] =	sst s4  }
0xd: {  	[smem:$0x3FA4] =	sst s5  }
0xe: {  	[smem:$0x3FA5] =	sst s6  }
0xf: {  	[smem:$0x3FA6] =	sst s7  }
0x10: {  	[smem:$0x3FA7] =	sst s8  }
0x11: {  	[smem:$0x3FA8] =	sst s9;
	s0 =	simm.s32 @!p0 $0x0  }
0x12: {  	s1 =	sld [smem:$0x3F8E];
	s0 =	simm.s32 @p0 $0x1  }
0x13: {  	[smem:$0x3FA9] =	sst s0;
	s0 =	simm.s32 @!p1 $0x0  }
0x14: {  	s2 =	sld [smem:$0x3F8D];
	s0 =	simm.s32 @p1 $0x1  }
0x15: {  	[smem:$0x3FAA] =	sst s0;
	s0 =	simm.s32 @!p2 $0x0  }
0x16: {  	s3 =	sld [smem:$0x3FDB];
	s0 =	simm.s32 @p2 $0x1  }
0x17: {  	s4 =	simm.s32 $0x1BF5;
	[smem:$0x3FAC] =	sst s0  }
0x18: {  	s0 =	sld [smem:$0x3F8F];
	_ =	swait.ge [sflag:s4], $0x0  }
0x19: {  	s7 =	sld [smem:$0x3F90]  }
0x1a: {  	s8 =	sadd.s32 $0xFFFFE003, lr  }
0x1b: {  	s9 =	sadd.s32 $0xFFFFFEF7, lr;
	s5 =	simm.s32 $0xFFFFFFFF;
	p2 =	slt.u32 s8, $0xFFFFF086  }
0x1c: {  	p1 =	slt.u32 s9, $0xF7A;
	s5 =	simm.s32 @!p2 $0x0  }
0x1d: {  	s5 =	simm.s32 @p1 $0x1;
	p0 =	seq.s32 s7, s2  }
0x1e: {  	s7 =	smul.u32 @!p0 $0xF7A, s2;
	p2 =	seq.s32 @!p0 s5, $0x0  }
0x1f: {  	s9 =	smul.u32 $0xF7A, s1;
	s8 =	simm.s32 @!p0 $0x1BF5;
	p2 =	por !p2, p0  }
0x20: {  	[sflag:s8] =	ssyncset.s32 @!p0 $0xFFFFF086;
	s6 =	sadd.s32 @!p0 s3, s7;
	s7 =	simm.s32 @!p0 $0x108  }
0x21: {  	s3 =	sadd.s32 s3, s9;
	s6 =	sadd.s32 @!p0 $0x88, s6;
	s7 =	simm.s32 @p2 $0x1082  }
0x22: {  	[simem:s7], [sflag:s8] =	dma.local @!p0 [hbm:s6], $0xF7A  }
0x23: {  	s9 =	sor.u32 $0xD0000000, s2;
	s6 =	simm.s32 $0x108;
	_ =	swait.ge @!p0 [sflag:s8], $0x0  }
0x24: {  	s3 =	sadd.s32 $0x88, s3;
	s6 =	simm.s32 @!p1 $0x1082;
	[sflag:s4] =	ssyncset.s32 $0xFFFFF086  }
0x25: {  	[simem:s6], [sflag:s4] =	dma.local [hbm:s3], $0xF7A  }
0x26: {  	[smem:$0x3F90] =	sst s1;
	(tag) =	ssettag s2;
	_ =	strace s9  }
0x27: {  	s1 =	sld [smem:$0x3FA0]  }
0x28: {  	s2 =	sld [smem:$0x3FA1]  }
0x29: {  	s4 =	sld [smem:$0x3FA3]  }
0x2a: {  	p0 =	seq.s32 s5, $0x0;
	s5 =	sld [smem:$0x3FA4]  }
0x2b: {  	s6 =	sld [smem:$0x3FA5]  }
0x2c: {  	s7 =	sld [smem:$0x3FA6]  }
0x2d: {  	s3 =	simm.s32 $0x108;
	s8 =	sld [smem:$0x3FA7]  }
0x2e: {  	s3 =	simm.s32 @!p0 $0x1082;
	s9 =	sld [smem:$0x3FA8]  }
0x2f: {  	lr =	sadd.s32 s0, s3;
	s0 =	sld [smem:$0x3F9F]  }
0x30: {  	s3 =	sld [smem:$0x3FA2]  }
0x31: {  	[smem:$0x3FAB] =	sst s10  }
0x32: {  	s10 =	sld [smem:$0x3FA9];
	_ =	sdelay $0x3  }
0x33: {  	p0 =	seq.s32 s10, $0x1;
	s10 =	sld [smem:$0x3FAB];
	_ =	sdelay $0x3  }
0x34: {  	[smem:$0x3FAB] =	sst s10  }
0x35: {  	s10 =	sld [smem:$0x3FAA];
	_ =	sdelay $0x3  }
0x36: {  	p1 =	seq.s32 s10, $0x1;
	s10 =	sld [smem:$0x3FAB];
	_ =	sdelay $0x3  }
0x37: {  	[smem:$0x3FAB] =	sst s10  }
0x38: {  	s10 =	sld [smem:$0x3FAC]  }
0x39: {  	_ = 	snop;
	(pc) =	sbr.ind lr, $3  }
0x3a: {  	_ = 	snop  }
0x3b: {  	_ = 	snop  }
0x3c: {  	p2 =	seq.s32 s10, $0x1;
	s10 =	sld [smem:$0x3FAB]  }
0x3d: {  	_ =	shalt  }
0x3e: {  	_ =	shalt  }
0x3f: {  	_ =	shalt  }
0x40: {  	_ =	shalt  }
0x41: {  	_ =	shalt  }
0x42: {  	_ =	shalt  }
0x43: {  	_ =	shalt  }
0x44: {  	_ =	shalt  }
0x45: {  	_ =	shalt  }
0x46: {  	_ =	shalt  }
0x47: {  	_ =	shalt  }
0x48: {  	_ =	shalt  }
0x49: {  	_ =	shalt  }
0x4a: {  	_ =	shalt  }
0x4b: {  	_ =	shalt  }
0x4c: {  	_ =	shalt  }
0x4d: {  	_ =	shalt  }
0x4e: {  	_ =	shalt  }
0x4f: {  	_ =	shalt  }
0x50: {  	_ =	shalt  }
0x51: {  	_ =	shalt  }
0x52: {  	_ =	shalt  }
0x53: {  	_ =	shalt  }
0x54: {  	_ =	shalt  }
0x55: {  	_ =	shalt  }
0x56: {  	_ =	shalt  }
0x57: {  	_ =	shalt  }
0x58: {  	_ =	shalt  }
0x59: {  	_ =	shalt  }
0x5a: {  	_ =	shalt  }
0x5b: {  	_ =	shalt  }
0x5c: {  	_ =	shalt  }
0x5d: {  	_ =	shalt  }
0x5e: {  	_ =	shalt  }
0x5f: {  	_ =	shalt  }
0x60: {  	_ =	shalt  }
0x61: {  	_ =	shalt  }
0x62: {  	_ =	shalt  }
0x63: {  	_ =	shalt  }
0x64: {  	_ =	shalt  }
0x65: {  	_ =	shalt  }
0x66: {  	_ =	shalt  }
0x67: {  	_ =	shalt  }
0x68: {  	_ =	shalt  }
0x69: {  	_ =	shalt  }
0x6a: {  	_ =	shalt  }
0x6b: {  	_ =	shalt  }
0x6c: {  	_ =	shalt  }
0x6d: {  	_ =	shalt  }
0x6e: {  	_ =	shalt  }
0x6f: {  	_ =	shalt  }
0x70: {  	_ =	shalt  }
0x71: {  	_ =	shalt  }
0x72: {  	_ =	shalt  }
0x73: {  	_ =	shalt  }
0x74: {  	_ =	shalt  }
0x75: {  	_ =	shalt  }
0x76: {  	_ =	shalt  }
0x77: {  	_ =	shalt  }
0x78: {  	_ =	shalt  }
0x79: {  	_ =	shalt  }
0x7a: {  	_ =	shalt  }
0x7b: {  	_ =	shalt  }
0x7c: {  	_ =	shalt  }
0x7d: {  	_ =	shalt  }
0x7e: {  	_ =	shalt  }
0x7f: {  	_ =	shalt  }
0x80: {  	_ =	shalt  }
0x81: {  	_ =	shalt  }
0x82: {  	_ =	shalt  }
0x83: {  	_ =	shalt  }
0x84: {  	_ =	shalt  }
0x85: {  	_ =	shalt  }
0x86: {  	_ =	shalt  }
0x87: {  	_ =	shalt  }
.Lfunc_end0:
.L_simem_size_0:
called_computation.3_lowered:
.L_overlay_start_0:
0x88: {  	s2 =	sld [smem:$0x3FD9]  }
0x89: {  	s3 =	sld [smem:$0x3FFE];
	_ =	sdelay $0x1  }
0x8a: {  	s1 =	srdreg.scid  }
0x8b: {  	s0 =	sand.u32 $0x1, s1  }
0x8c: {  	s16 =	sshll.u32 s0, $0xA;
	s2 =	sadd.s32 s3, s2  }
0x8d: {  	s2 =	sadd.s32 s2, s16  }
0x8e: {  	[smem:$0x3FB7] =	sst s2  }
0x8f: {  	_ = 	snop  }
0x90: {  	(tm) =	ssettm $0x1  }
0x91: {  	s17 =	sld [smem:$0x3FFB];
	_ =	sdelay $0x3  }
0x92: {  	_ =	strace s17  }
0x93: {  	s2 =	sld [smem:$0x3FFC];
	_ =	sdelay $0x3  }
0x94: {  	_ =	strace s2  }
0x95: {  	s2 =	sld [smem:$0x3FFD];
	_ =	sdelay $0x3  }
0x96: {  	_ =	strace s2  }
0x97: {  	_ =	strace $0x8FFFFFFF  }
0x98: {  	s18 =	sld [smem:$0x3FDB];
	_ =	sdelay $0x1  }
0x99: {  	s19 =	simm.s32 $_scs_section_size  }
0x9a: {  	s4 =	simm.s32 $_size__tile_overlayer_lowered;
	s5 =	simm.s32 $_tile_overlayer_lowered  }
0x9b: {  	s22 =	simm.s32 $0x1BFF;
	s21 =	sshll.u32 s5, $0x1;
	s2 =	sadd.s32 s19, s18  }
0x9c: {  	s6 =	simm.s32 $0x0;
	s20 =	sshll.u32 s4, $0x1;
	s4 =	sadd.s32 s21, s2  }
0x9d: {  	[timem:s6], [sflag:s22] =	dma.local [hbm:s4], s20  }
0x9e: {  	_ =	swait.ge [sflag:s22], s20  }
0x9f: {  	s3 =	ssub.s32 $0x0, s20;
	[sflag:s22] =	ssyncset.done $0x0  }
0xa0: {  	[sflag:s22] =	ssyncadd.s32 s3;
	_ =	sdelay $0x1  }
0xa1: {  	s23 =	simm.s32 $0x1B8B  }
0xa2: {  	_ =	swait.ge [sflag:s23], $0x1  }
0xa3: {  	[sflag:s23] =	ssyncset.done $0x0  }
0xa4: {  	s25 =	simm.s32 $0x1B8E;
	s24 =	sld [smem:$0x3FFE];
	[sflag:s23] =	ssyncadd.s32 $0xFFFFFFFF  }
0xa5: {  	s26 =	simm.s32 $execute0_lowered;
	[smem:$0x3FD2] =	sst s25  }
0xa6: {  	s4 =	sshll.u32 s26, $0x1;
	_ =	strace $0x8000004F;
	[dreg:$0x1] =	wrdreg $0xFFFFFFFF  }
0xa7: {  	s28 =	simm.s32 $_size_execute0_lowered;
	s2 =	sadd.s32 s2, s4;
	[dreg:$0x0] =	wrdreg $0x0  }
0xa8: {  	s4 =	sshll.u32 s28, $0x1;
	[dreg:$0x2] =	wrdreg s2  }
0xa9: {  	[dreg:$0x3] =	wrdreg s4  }
0xaa: {  	[dreg:$0x4] =	wrdreg $0xC0  }
0xab: {  	_ =	task [dreg:s6], $0x5FFFF  }
0xac: {  	[dreg:$0x1] =	wrdreg $0xFFFFFFFF  }
0xad: {  	[dreg:$0x0] =	wrdreg $0x60  }
0xae: {  	[dreg:$0x2] =	wrdreg s24  }
0xaf: {  	[dreg:$0x3] =	wrdreg $0x0  }
0xb0: {  	[dreg:$0x4] =	wrdreg $0x9  }
0xb1: {  	_ =	task.clear_ibuf [dreg:s6], $0x5FFFF;
	_ =	strace $0x9000004F  }
0xb2: {  	s29 =	simm.s32 $0x9;
	_ =	strace $0x80000051  }
0xb3: {  	_ =	swait.ge [sflag:s29], $0x1  }
0xb4: {  	[sflag:s29] =	ssyncadd.s32 $0xFFFFFFFF  }
0xb5: {  	_ =	strace $0x90000051  }
0xb6: {  	_ =	sfence  }
0xb7: {  	s30 =	sld [smem:$0x0];
	_ =	sdelay $0x2  }
0xb8: {  	s31 =	sshll.u32 s1, $0xD;
	s1 =	sshrl.u32 s1, $0x2  }
0xb9: {  	s3 =	sand.u32 $0x4000, s31;
	s1 =	sadd.s32 s1, s30  }
0xba: {  	s0 =	sor.u32 s3, s0;
	s1 =	sshll.u32 s1, $0x11  }
0xbb: {  	s0 =	sor.u32 s1, s0  }
0xbc: {  	s0 =	sadd.s32 $0x8F2B, s0  }
0xbd: {  	[sflag:s0] =	ssyncadd.remote.s32 $0x1  }
0xbe: {  	_ =	sfence.sel $0xFFFF  }
0xbf: {  	[dreg:$0x0] =	wrdreg $0xFFFFFFFF;
	(pc) =	sbr.abs _section_cstart, $3  }
0xc0: {  	[dreg:$0x1] =	wrdreg $0xFFFFFFFF  }
0xc1: {  	_ =	task.clear_ibuf [dreg:s6], $0x2FFFF;
	_ =	strace $0x9FFFFFFF  }
0xc2: {  	(tm) =	ssettm $0x7FFFFFFF  }
0xc3: {  	_ =	shalt  }
tec
execute0_lowered:
.L_overlay_start_1:
0x0: {  	(tag) =	ssettag $0x1  }
0x1: {  	s0 =	rddreg [dreg:$0x0]  }
0x2: {  	s2 =	rddreg [dreg:$0x1];
	s3 =	simm.s32 $0x0  }
0x3: {  	s7 =	stileid.u32;
	s4 =	srdreg.scid;
	s13 =	simm.s32 $0x14800  }
0x4: {  	s14 =	simm.s32 $0x3;
	s15 =	simm.s32 $0x14000;
	s16 =	simm.s32 $0x14400  }
0x5: {  	s17 =	simm.s32 $0x80;
	s18 =	simm.s32 $0x14080;
	s19 =	simm.s32 $0x18800  }
0x6: {  	s20 =	simm.s32 $0x1;
	s28 =	simm.s32 $0x14580;
	s29 =	simm.s32 $0x14280  }
0x7: {  	s30 =	simm.s32 $0x14600;
	s31 =	simm.s32 $0x14300;
	s1 =	smul.u32 $0xA00, s7  }
0x8: {  	[smem:$0x7FF] =	sst s3;
	s6 =	sand.u32 $0x1, s4;
	s5 =	smul.u32 $0x50000, s7  }
0x9: {  	s4 =	sadd.s32 $0x19000, s0;
	s7 =	smul.u32 $0x2800, s7;
	_ =	strace $0x80000050  }
0xa: {  	s8 =	ssub.s32 $0x2, s6;
	p0 =	seq.s32 s6, $0x0;
	s6 =	simm.s32 $0x14700  }
0xb: {  	s1 =	sadd.s32 s1, s0;
	s9 =	sshrl.u32 s8, $0x1;
	s5 =	sshrl.u32 s5, $0x2  }
0xc: {  	s0 =	sadd.s32 s7, s0;
	s7 =	simm.s32 $0x0;
	s21 =	ssub.s32 s8, s9  }
0xd: {  	s9 =	sadd.s32 s5, s2;
	s0 =	sadd.s32 $0x41000, s0;
	s25 =	sadd.s32 $0xF000, s1  }
0xe: {  	s12 =	sadd.s32 $0x5000, s1;
	s1 =	simm.s32 $0x14380;
	[dreg:$0x5] =	wrdreg s0  }
0xf: {  	s8 =	simm.s32 $0x14780;
	s5 =	smax.u32 s21, $0x1;
	[dreg:$0x3] =	wrdreg s25  }
0x10: {  	s22 =	sadd.s32 $0x4000, s9;
	s23 =	sadd.s32 $0x8000, s9;
	[dreg:$0x4] =	wrdreg s9  }
.Ltmp0:
0x11: {  	s24 =	sadd.s32 $0xC000, s9;
	[dreg:$0x7] =	wrdreg s22;
	(pc) =	sbr.rel .LBB2_1-.Ltmp0, $4  }
0x12: {  	s26 =	sadd.s32 $0x10000, s9;
	s21 =	simm.s32 $0x14100;
	[dreg:$0x8] =	wrdreg s23  }
0x13: {  	s25 =	simm.s32 $0x14500;
	s0 =	simm.s32 $0x14680;
	[dreg:$0x9] =	wrdreg s24  }
0x14: {  	[dreg:$0xa] =	wrdreg s26;
	s22 =	simm.s32 $0x2;
	s23 =	simm.s32 $0x14480  }
0x15: {  	v0 =	vimm.f32 $0.0e+00;
	s24 =	simm.s32 $0x14180;
	s26 =	simm.s32 $0x14200;
	[dreg:$0x6] =	wrdreg s5  }
.LBB2_9:
0x16: {  	[bflag:$0x0] =	sbarrier.arrive $0xFFFF  }
0x17: {  	[bflag:$0x0] =	sbarrier.arrive $0xFFFF  }
.LBB2_7:
0x18: {  	s7 =	sadd.s32 $0x1, s7  }
0x19: {  	p1 =	sne.s32 s7, s5  }
.Ltmp1:
0x1a: {  	_ = 	snop;
	(pc) =	sbr.rel @!p1 .LBB2_8-.Ltmp1, $1  }
0x1b: {  	_ =	sdelay $0x3  }
.LBB2_1:
.Ltmp2:
0x1c: {  	(pc) =	sbr.rel @!p0 .LBB2_9-.Ltmp2, $1  }
0x1d: {  	_ =	sdelay $0x3  }
0x1e: {  	s10 =	sshra.s32 s3, $0x2;
	s11 =	sadd.s32 $0x200, s3  }
.LBB2_3:
0x1f: {  	p1 =	seq.s32 s11, $0xFE00;
	[tilespmem:s10+$0x14870] =	vst v0  }
0x20: {  	[tilespmem:s10+$0x14800] =	vst v0  }
0x21: {  	[tilespmem:s10+$0x14810] =	vst v0  }
.Ltmp3:
0x22: {  	[tilespmem:s10+$0x14820] =	vst v0;
	(pc) =	sbr.rel @!p1 .LBB2_3-.Ltmp3, $4  }
0x23: {  	[tilespmem:s10+$0x14830] =	vst v0  }
0x24: {  	[tilespmem:s10+$0x14840] =	vst v0  }
0x25: {  	[tilespmem:s10+$0x14850] =	vst v0  }
0x26: {  	[tilespmem:s10+$0x14860] =	vst v0;
	s10 =	sshra.s32 s11, $0x2;
	s11 =	sadd.s32 $0x200, s11  }
0x27: {  	[tilespmem:s10+$0x14870] =	vst v0  }
0x28: {  	[tilespmem:s10+$0x14800] =	vst v0  }
0x29: {  	[tilespmem:s10+$0x14810] =	vst v0  }
0x2a: {  	[tilespmem:s10+$0x14820] =	vst v0  }
0x2b: {  	[tilespmem:s10+$0x14830] =	vst v0  }
0x2c: {  	[tilespmem:s10+$0x14840] =	vst v0  }
0x2d: {  	[tilespmem:s10+$0x14850] =	vst v0  }
0x2e: {  	[tilespmem:s10+$0x14860] =	vst v0;
	[dreg:$0xb] =	wrdreg s7  }
0x2f: {  	[spmem:s9] =	stream.linear.scatter [tilespmem:s13], [sflag:$0x3], $0x4000, $0x38;
	[tilespmem:$0x1C800] =	vst v63  }
0x30: {  	_ =	swait.ge [sflag:s14], $0x4000  }
0x31: {  	[sflag:s14] =	ssyncset.done $0x0  }
0x32: {  	s5 =	rddreg [dreg:$0x7];
	[sflag:s14] =	ssyncadd.s32 $0xFFFFC000  }
0x33: {  	[spmem:s5] =	stream.linear.scatter [tilespmem:s13], [sflag:$0x3], $0x4000, $0x38;
	[tilespmem:$0x1C800] =	vst v63  }
0x34: {  	_ =	swait.ge [sflag:s14], $0x4000  }
0x35: {  	[sflag:s14] =	ssyncset.done $0x0  }
0x36: {  	s11 =	rddreg [dreg:$0x8];
	[sflag:s14] =	ssyncadd.s32 $0xFFFFC000  }
0x37: {  	[spmem:s11] =	stream.linear.scatter [tilespmem:s13], [sflag:$0x3], $0x4000, $0x38;
	[tilespmem:$0x1C800] =	vst v63  }
0x38: {  	_ =	swait.ge [sflag:s14], $0x4000  }
0x39: {  	[sflag:s14] =	ssyncset.done $0x0  }
0x3a: {  	s7 =	rddreg [dreg:$0x9];
	[sflag:s14] =	ssyncadd.s32 $0xFFFFC000  }
0x3b: {  	[spmem:s7] =	stream.linear.scatter [tilespmem:s13], [sflag:$0x3], $0x4000, $0x38;
	[tilespmem:$0x1C800] =	vst v63  }
0x3c: {  	_ =	swait.ge [sflag:s14], $0x4000  }
0x3d: {  	[sflag:s14] =	ssyncset.done $0x0  }
0x3e: {  	s9 =	rddreg [dreg:$0xa];
	[sflag:s14] =	ssyncadd.s32 $0xFFFFC000  }
0x3f: {  	[spmem:s9] =	stream.linear.scatter [tilespmem:s13], [sflag:$0x3], $0x4000, $0x38;
	[tilespmem:$0x1C800] =	vst v63  }
0x40: {  	_ =	swait.ge [sflag:s14], $0x4000  }
0x41: {  	[sflag:s14] =	ssyncset.done $0x0  }
0x42: {  	[sflag:s14] =	ssyncadd.s32 $0xFFFFC000  }
0x43: {  	s10 =	sadd.s32 $0x0, s12;
	[bflag:$0x0] =	sbarrier.arrive $0xFFFF  }
0x44: {  	[tilespmem:s15], [sflag:$0x3] =	stream.linear.gather [hbm4b:s10+s3], $0x400, $0x38;
	[tilespmem:$0x1C800] =	vst v63  }
0x45: {  	_ =	swait.ge [sflag:s14], $0x400  }
0x46: {  	s11 =	rddreg [dreg:$0x3];
	[sflag:s14] =	ssyncset.done $0x0  }
0x47: {  	[sflag:s14] =	ssyncadd.s32 $0xFFFFFC00;
	s7 =	sadd.s32 $0x0, s11  }
0x48: {  	[tilespmem:s16], [sflag:$0x3] =	stream.linear.gather [hbm4b:s7+s3], $0x400, $0x38;
	[tilespmem:$0x1C800] =	vst v63  }
0x49: {  	_ =	swait.ge [sflag:s14], $0x400  }
0x4a: {  	[sflag:s14] =	ssyncset.done $0x0  }
0x4b: {  	[sflag:s14] =	ssyncadd.s32 $0xFFFFFC00  }
0x4c: {  	[tilespmem:s13], [sflag:$0x1] =	stream.indirect.gather [hbm4b:s4+s17], $0x80, s15, s17, $0xb8;
	[tilespmem:$0x1C800] =	vst v63  }
0x4d: {  	_ = 	snop  }
0x4e: {  	[tilespmem:s19], [sflag:$0x2] =	stream.indirect.gather [hbm4b:s4+s17], $0x80, s18, s17, $0xb8;
	[tilespmem:$0x1C800] =	vst v63  }
0x4f: {  	_ =	swait.ge [sflag:s20], $0x4000  }
0x50: {  	[sflag:s20] =	ssyncset.done $0x0  }
0x51: {  	[sflag:s20] =	ssyncadd.s32 $0xFFFFC000  }
0x52: {  	[spmem:s2] =	stream.indirect.scatter.add.f32 [tilespmem:s13], [sflag:$0x3], $0x80, s16, s17, $0xb8;
	[tilespmem:$0x1C800] =	vst v63  }
0x53: {  	_ =	swait.ge [sflag:s14], $0x4000  }
0x54: {  	[sflag:s14] =	ssyncset.done $0x0  }
0x55: {  	[sflag:s14] =	ssyncadd.s32 $0xFFFFC000  }
0x56: {  	[tilespmem:s13], [sflag:$0x1] =	stream.indirect.gather [hbm4b:s4+s17], $0x80, s21, s17, $0xb8;
	[tilespmem:$0x1C800] =	vst v63  }
0x57: {  	_ =	swait.ge [sflag:s22], $0x4000  }
0x58: {  	[sflag:s22] =	ssyncset.done $0x0  }
0x59: {  	[sflag:s22] =	ssyncadd.s32 $0xFFFFC000  }
0x5a: {  	[spmem:s2] =	stream.indirect.scatter.add.f32 [tilespmem:s19], [sflag:$0x3], $0x80, s23, s17, $0xb8;
	[tilespmem:$0x1C800] =	vst v63  }
0x5b: {  	_ =	swait.ge [sflag:s14], $0x4000  }
0x5c: {  	[sflag:s14] =	ssyncset.done $0x0  }
0x5d: {  	[sflag:s14] =	ssyncadd.s32 $0xFFFFC000  }
0x5e: {  	[tilespmem:s19], [sflag:$0x2] =	stream.indirect.gather [hbm4b:s4+s17], $0x80, s24, s17, $0xb8;
	[tilespmem:$0x1C800] =	vst v63  }
0x5f: {  	_ =	swait.ge [sflag:s20], $0x4000  }
0x60: {  	[sflag:s20] =	ssyncset.done $0x0  }
0x61: {  	[sflag:s20] =	ssyncadd.s32 $0xFFFFC000  }
0x62: {  	[spmem:s2] =	stream.indirect.scatter.add.f32 [tilespmem:s13], [sflag:$0x3], $0x80, s25, s17, $0xb8;
	[tilespmem:$0x1C800] =	vst v63  }
0x63: {  	_ =	swait.ge [sflag:s14], $0x4000  }
0x64: {  	[sflag:s14] =	ssyncset.done $0x0  }
0x65: {  	[sflag:s14] =	ssyncadd.s32 $0xFFFFC000  }
0x66: {  	[tilespmem:s13], [sflag:$0x1] =	stream.indirect.gather [hbm4b:s4+s17], $0x80, s26, s17, $0xb8;
	[tilespmem:$0x1C800] =	vst v63  }
0x67: {  	_ =	swait.ge [sflag:s22], $0x4000  }
0x68: {  	[sflag:s22] =	ssyncset.done $0x0  }
0x69: {  	[sflag:s22] =	ssyncadd.s32 $0xFFFFC000  }
0x6a: {  	[spmem:s2] =	stream.indirect.scatter.add.f32 [tilespmem:s19], [sflag:$0x3], $0x80, s28, s17, $0xb8;
	[tilespmem:$0x1C800] =	vst v63  }
0x6b: {  	_ =	swait.ge [sflag:s14], $0x4000  }
0x6c: {  	[sflag:s14] =	ssyncset.done $0x0  }
0x6d: {  	[sflag:s14] =	ssyncadd.s32 $0xFFFFC000  }
0x6e: {  	[tilespmem:s19], [sflag:$0x2] =	stream.indirect.gather [hbm4b:s4+s17], $0x80, s29, s17, $0xb8;
	[tilespmem:$0x1C800] =	vst v63  }
0x6f: {  	_ =	swait.ge [sflag:s20], $0x4000  }
0x70: {  	[sflag:s20] =	ssyncset.done $0x0  }
0x71: {  	[sflag:s20] =	ssyncadd.s32 $0xFFFFC000  }
0x72: {  	[spmem:s2] =	stream.indirect.scatter.add.f32 [tilespmem:s13], [sflag:$0x3], $0x80, s30, s17, $0xb8;
	[tilespmem:$0x1C800] =	vst v63  }
0x73: {  	_ =	swait.ge [sflag:s14], $0x4000  }
0x74: {  	[sflag:s14] =	ssyncset.done $0x0  }
0x75: {  	[sflag:s14] =	ssyncadd.s32 $0xFFFFC000  }
0x76: {  	[tilespmem:s13], [sflag:$0x1] =	stream.indirect.gather [hbm4b:s4+s17], $0x80, s31, s17, $0xb8;
	[tilespmem:$0x1C800] =	vst v63  }
0x77: {  	_ =	swait.ge [sflag:s22], $0x4000  }
0x78: {  	[sflag:s22] =	ssyncset.done $0x0  }
0x79: {  	[sflag:s22] =	ssyncadd.s32 $0xFFFFC000  }
0x7a: {  	[spmem:s2] =	stream.indirect.scatter.add.f32 [tilespmem:s19], [sflag:$0x3], $0x80, s0, s17, $0xb8;
	[tilespmem:$0x1C800] =	vst v63  }
0x7b: {  	_ =	swait.ge [sflag:s14], $0x4000  }
0x7c: {  	[sflag:s14] =	ssyncset.done $0x0  }
0x7d: {  	[sflag:s14] =	ssyncadd.s32 $0xFFFFC000  }
0x7e: {  	[tilespmem:s19], [sflag:$0x2] =	stream.indirect.gather [hbm4b:s4+s17], $0x80, s1, s17, $0xb8;
	[tilespmem:$0x1C800] =	vst v63  }
0x7f: {  	_ =	swait.ge [sflag:s20], $0x4000  }
0x80: {  	[sflag:s20] =	ssyncset.done $0x0  }
0x81: {  	[sflag:s20] =	ssyncadd.s32 $0xFFFFC000  }
0x82: {  	[spmem:s2] =	stream.indirect.scatter.add.f32 [tilespmem:s13], [sflag:$0x3], $0x80, s6, s17, $0xb8;
	[tilespmem:$0x1C800] =	vst v63  }
0x83: {  	_ =	swait.ge [sflag:s14], $0x4000  }
0x84: {  	[sflag:s14] =	ssyncset.done $0x0  }
0x85: {  	[sflag:s14] =	ssyncadd.s32 $0xFFFFC000  }
0x86: {  	_ =	swait.ge [sflag:s22], $0x4000  }
0x87: {  	[sflag:s22] =	ssyncset.done $0x0  }
0x88: {  	[sflag:s22] =	ssyncadd.s32 $0xFFFFC000  }
0x89: {  	[spmem:s2] =	stream.indirect.scatter.add.f32 [tilespmem:s19], [sflag:$0x3], $0x80, s8, s17, $0xb8;
	[tilespmem:$0x1C800] =	vst v63  }
0x8a: {  	_ =	swait.ge [sflag:s14], $0x4000  }
0x8b: {  	s10 =	simm.s32 $0x80;
	s11 =	simm.s32 $0x100;
	[sflag:s14] =	ssyncset.done $0x0  }
.LBB2_5:
0x8c: {  	s5 =	sadd.s32 s10, s12;
	[sflag:s14] =	ssyncadd.s32 $0xFFFFC000  }
0x8d: {  	[tilespmem:s15], [sflag:$0x3] =	stream.linear.gather [hbm4b:s5+s3], $0x400, $0x38;
	[tilespmem:$0x1C800] =	vst v63  }
0x8e: {  	s9 =	smov.u32 s11;
	s7 =	sadd.s32 $0x80, s11;
	_ =	swait.ge [sflag:s14], $0x400  }
0x8f: {  	p1 =	seq.s32 s11, $0x980;
	s11 =	rddreg [dreg:$0x3];
	[sflag:s14] =	ssyncset.done $0x0  }
0x90: {  	[sflag:s14] =	ssyncadd.s32 $0xFFFFFC00;
	s5 =	sadd.s32 s10, s11  }
0x91: {  	[tilespmem:s16], [sflag:$0x3] =	stream.linear.gather [hbm4b:s5+s3], $0x400, $0x38;
	[tilespmem:$0x1C800] =	vst v63  }
0x92: {  	_ =	swait.ge [sflag:s14], $0x400  }
0x93: {  	[sflag:s14] =	ssyncset.done $0x0  }
0x94: {  	[sflag:s14] =	ssyncadd.s32 $0xFFFFFC00  }
0x95: {  	[tilespmem:s13], [sflag:$0x1] =	stream.indirect.gather [hbm4b:s4+s17], $0x80, s15, s17, $0xb8;
	[tilespmem:$0x1C800] =	vst v63  }
0x96: {  	_ = 	snop  }
0x97: {  	[tilespmem:s19], [sflag:$0x2] =	stream.indirect.gather [hbm4b:s4+s17], $0x80, s18, s17, $0xb8;
	[tilespmem:$0x1C800] =	vst v63  }
0x98: {  	_ =	swait.ge [sflag:s20], $0x4000  }
0x99: {  	[sflag:s20] =	ssyncset.done $0x0  }
0x9a: {  	[sflag:s20] =	ssyncadd.s32 $0xFFFFC000  }
0x9b: {  	[spmem:s2] =	stream.indirect.scatter.add.f32 [tilespmem:s13], [sflag:$0x3], $0x80, s16, s17, $0xb8;
	[tilespmem:$0x1C800] =	vst v63  }
0x9c: {  	_ =	swait.ge [sflag:s14], $0x4000  }
0x9d: {  	[sflag:s14] =	ssyncset.done $0x0  }
0x9e: {  	[sflag:s14] =	ssyncadd.s32 $0xFFFFC000  }
0x9f: {  	[tilespmem:s13], [sflag:$0x1] =	stream.indirect.gather [hbm4b:s4+s17], $0x80, s21, s17, $0xb8;
	[tilespmem:$0x1C800] =	vst v63  }
0xa0: {  	_ =	swait.ge [sflag:s22], $0x4000  }
0xa1: {  	[sflag:s22] =	ssyncset.done $0x0  }
0xa2: {  	[sflag:s22] =	ssyncadd.s32 $0xFFFFC000  }
0xa3: {  	[spmem:s2] =	stream.indirect.scatter.add.f32 [tilespmem:s19], [sflag:$0x3], $0x80, s23, s17, $0xb8;
	[tilespmem:$0x1C800] =	vst v63  }
0xa4: {  	_ =	swait.ge [sflag:s14], $0x4000  }
0xa5: {  	[sflag:s14] =	ssyncset.done $0x0  }
0xa6: {  	[sflag:s14] =	ssyncadd.s32 $0xFFFFC000  }
0xa7: {  	[tilespmem:s19], [sflag:$0x2] =	stream.indirect.gather [hbm4b:s4+s17], $0x80, s24, s17, $0xb8;
	[tilespmem:$0x1C800] =	vst v63  }
0xa8: {  	_ =	swait.ge [sflag:s20], $0x4000  }
0xa9: {  	[sflag:s20] =	ssyncset.done $0x0  }
0xaa: {  	[sflag:s20] =	ssyncadd.s32 $0xFFFFC000  }
0xab: {  	[spmem:s2] =	stream.indirect.scatter.add.f32 [tilespmem:s13], [sflag:$0x3], $0x80, s25, s17, $0xb8;
	[tilespmem:$0x1C800] =	vst v63  }
0xac: {  	_ =	swait.ge [sflag:s14], $0x4000  }
0xad: {  	[sflag:s14] =	ssyncset.done $0x0  }
0xae: {  	[sflag:s14] =	ssyncadd.s32 $0xFFFFC000  }
0xaf: {  	[tilespmem:s13], [sflag:$0x1] =	stream.indirect.gather [hbm4b:s4+s17], $0x80, s26, s17, $0xb8;
	[tilespmem:$0x1C800] =	vst v63  }
0xb0: {  	_ =	swait.ge [sflag:s22], $0x4000  }
0xb1: {  	[sflag:s22] =	ssyncset.done $0x0  }
0xb2: {  	[sflag:s22] =	ssyncadd.s32 $0xFFFFC000  }
0xb3: {  	[spmem:s2] =	stream.indirect.scatter.add.f32 [tilespmem:s19], [sflag:$0x3], $0x80, s28, s17, $0xb8;
	[tilespmem:$0x1C800] =	vst v63  }
0xb4: {  	_ =	swait.ge [sflag:s14], $0x4000  }
0xb5: {  	[sflag:s14] =	ssyncset.done $0x0  }
0xb6: {  	[sflag:s14] =	ssyncadd.s32 $0xFFFFC000  }
0xb7: {  	[tilespmem:s19], [sflag:$0x2] =	stream.indirect.gather [hbm4b:s4+s17], $0x80, s29, s17, $0xb8;
	[tilespmem:$0x1C800] =	vst v63  }
0xb8: {  	_ =	swait.ge [sflag:s20], $0x4000  }
0xb9: {  	[sflag:s20] =	ssyncset.done $0x0  }
0xba: {  	[sflag:s20] =	ssyncadd.s32 $0xFFFFC000  }
0xbb: {  	[spmem:s2] =	stream.indirect.scatter.add.f32 [tilespmem:s13], [sflag:$0x3], $0x80, s30, s17, $0xb8;
	[tilespmem:$0x1C800] =	vst v63  }
0xbc: {  	_ =	swait.ge [sflag:s14], $0x4000  }
0xbd: {  	[sflag:s14] =	ssyncset.done $0x0  }
0xbe: {  	[sflag:s14] =	ssyncadd.s32 $0xFFFFC000  }
0xbf: {  	[tilespmem:s13], [sflag:$0x1] =	stream.indirect.gather [hbm4b:s4+s17], $0x80, s31, s17, $0xb8;
	[tilespmem:$0x1C800] =	vst v63  }
0xc0: {  	_ =	swait.ge [sflag:s22], $0x4000  }
0xc1: {  	[sflag:s22] =	ssyncset.done $0x0  }
0xc2: {  	[sflag:s22] =	ssyncadd.s32 $0xFFFFC000  }
0xc3: {  	[spmem:s2] =	stream.indirect.scatter.add.f32 [tilespmem:s19], [sflag:$0x3], $0x80, s0, s17, $0xb8;
	[tilespmem:$0x1C800] =	vst v63  }
0xc4: {  	_ =	swait.ge [sflag:s14], $0x4000  }
0xc5: {  	[sflag:s14] =	ssyncset.done $0x0  }
0xc6: {  	[sflag:s14] =	ssyncadd.s32 $0xFFFFC000  }
0xc7: {  	[tilespmem:s19], [sflag:$0x2] =	stream.indirect.gather [hbm4b:s4+s17], $0x80, s1, s17, $0xb8;
	[tilespmem:$0x1C800] =	vst v63  }
0xc8: {  	_ =	swait.ge [sflag:s20], $0x4000  }
0xc9: {  	[sflag:s20] =	ssyncset.done $0x0  }
0xca: {  	[sflag:s20] =	ssyncadd.s32 $0xFFFFC000  }
0xcb: {  	[spmem:s2] =	stream.indirect.scatter.add.f32 [tilespmem:s13], [sflag:$0x3], $0x80, s6, s17, $0xb8;
	[tilespmem:$0x1C800] =	vst v63  }
0xcc: {  	_ =	swait.ge [sflag:s14], $0x4000  }
0xcd: {  	[sflag:s14] =	ssyncset.done $0x0  }
0xce: {  	[sflag:s14] =	ssyncadd.s32 $0xFFFFC000  }
0xcf: {  	_ =	swait.ge [sflag:s22], $0x4000  }
.Ltmp4:
0xd0: {  	[sflag:s22] =	ssyncset.done $0x0;
	(pc) =	sbr.rel @!p1 .LBB2_5-.Ltmp4, $4  }
0xd1: {  	[sflag:s22] =	ssyncadd.s32 $0xFFFFC000  }
0xd2: {  	[spmem:s2] =	stream.indirect.scatter.add.f32 [tilespmem:s19], [sflag:$0x3], $0x80, s8, s17, $0xb8;
	[tilespmem:$0x1C800] =	vst v63  }
0xd3: {  	_ =	swait.ge [sflag:s14], $0x4000  }
0xd4: {  	s10 =	smov.u32 s9;
	s11 =	smov.u32 s7;
	[sflag:s14] =	ssyncset.done $0x0  }
0xd5: {  	s5 =	sadd.s32 s10, s12;
	[sflag:s14] =	ssyncadd.s32 $0xFFFFC000  }
0xd6: {  	[tilespmem:s15], [sflag:$0x3] =	stream.linear.gather [hbm4b:s5+s3], $0x400, $0x38;
	[tilespmem:$0x1C800] =	vst v63  }
0xd7: {  	_ =	swait.ge [sflag:s14], $0x400  }
0xd8: {  	s9 =	rddreg [dreg:$0x3];
	[sflag:s14] =	ssyncset.done $0x0  }
0xd9: {  	s5 =	sadd.s32 s10, s9;
	[sflag:s14] =	ssyncadd.s32 $0xFFFFFC00  }
0xda: {  	[tilespmem:s16], [sflag:$0x3] =	stream.linear.gather [hbm4b:s5+s3], $0x400, $0x38;
	[tilespmem:$0x1C800] =	vst v63  }
0xdb: {  	_ =	swait.ge [sflag:s14], $0x400  }
0xdc: {  	[sflag:s14] =	ssyncset.done $0x0  }
0xdd: {  	[sflag:s14] =	ssyncadd.s32 $0xFFFFFC00  }
0xde: {  	[tilespmem:s13], [sflag:$0x1] =	stream.indirect.gather [hbm4b:s4+s17], $0x80, s15, s17, $0xb8;
	[tilespmem:$0x1C800] =	vst v63  }
0xdf: {  	_ = 	snop  }
0xe0: {  	[tilespmem:s19], [sflag:$0x2] =	stream.indirect.gather [hbm4b:s4+s17], $0x80, s18, s17, $0xb8;
	[tilespmem:$0x1C800] =	vst v63  }
0xe1: {  	_ =	swait.ge [sflag:s20], $0x4000  }
0xe2: {  	[sflag:s20] =	ssyncset.done $0x0  }
0xe3: {  	[sflag:s20] =	ssyncadd.s32 $0xFFFFC000  }
0xe4: {  	[spmem:s2] =	stream.indirect.scatter.add.f32 [tilespmem:s13], [sflag:$0x3], $0x80, s16, s17, $0xb8;
	[tilespmem:$0x1C800] =	vst v63  }
0xe5: {  	_ =	swait.ge [sflag:s14], $0x4000  }
0xe6: {  	[sflag:s14] =	ssyncset.done $0x0  }
0xe7: {  	[sflag:s14] =	ssyncadd.s32 $0xFFFFC000  }
0xe8: {  	[tilespmem:s13], [sflag:$0x1] =	stream.indirect.gather [hbm4b:s4+s17], $0x80, s21, s17, $0xb8;
	[tilespmem:$0x1C800] =	vst v63  }
0xe9: {  	_ =	swait.ge [sflag:s22], $0x4000  }
0xea: {  	[sflag:s22] =	ssyncset.done $0x0  }
0xeb: {  	[sflag:s22] =	ssyncadd.s32 $0xFFFFC000  }
0xec: {  	[spmem:s2] =	stream.indirect.scatter.add.f32 [tilespmem:s19], [sflag:$0x3], $0x80, s23, s17, $0xb8;
	[tilespmem:$0x1C800] =	vst v63  }
0xed: {  	_ =	swait.ge [sflag:s14], $0x4000  }
0xee: {  	[sflag:s14] =	ssyncset.done $0x0  }
0xef: {  	[sflag:s14] =	ssyncadd.s32 $0xFFFFC000  }
0xf0: {  	[tilespmem:s19], [sflag:$0x2] =	stream.indirect.gather [hbm4b:s4+s17], $0x80, s24, s17, $0xb8;
	[tilespmem:$0x1C800] =	vst v63  }
0xf1: {  	_ =	swait.ge [sflag:s20], $0x4000  }
0xf2: {  	[sflag:s20] =	ssyncset.done $0x0  }
0xf3: {  	[sflag:s20] =	ssyncadd.s32 $0xFFFFC000  }
0xf4: {  	[spmem:s2] =	stream.indirect.scatter.add.f32 [tilespmem:s13], [sflag:$0x3], $0x80, s25, s17, $0xb8;
	[tilespmem:$0x1C800] =	vst v63  }
0xf5: {  	_ =	swait.ge [sflag:s14], $0x4000  }
0xf6: {  	[sflag:s14] =	ssyncset.done $0x0  }
0xf7: {  	[sflag:s14] =	ssyncadd.s32 $0xFFFFC000  }
0xf8: {  	[tilespmem:s13], [sflag:$0x1] =	stream.indirect.gather [hbm4b:s4+s17], $0x80, s26, s17, $0xb8;
	[tilespmem:$0x1C800] =	vst v63  }
0xf9: {  	_ =	swait.ge [sflag:s22], $0x4000  }
0xfa: {  	[sflag:s22] =	ssyncset.done $0x0  }
0xfb: {  	[sflag:s22] =	ssyncadd.s32 $0xFFFFC000  }
0xfc: {  	[spmem:s2] =	stream.indirect.scatter.add.f32 [tilespmem:s19], [sflag:$0x3], $0x80, s28, s17, $0xb8;
	[tilespmem:$0x1C800] =	vst v63  }
0xfd: {  	_ =	swait.ge [sflag:s14], $0x4000  }
0xfe: {  	[sflag:s14] =	ssyncset.done $0x0  }
0xff: {  	[sflag:s14] =	ssyncadd.s32 $0xFFFFC000  }
0x100: {  	[tilespmem:s19], [sflag:$0x2] =	stream.indirect.gather [hbm4b:s4+s17], $0x80, s29, s17, $0xb8;
	[tilespmem:$0x1C800] =	vst v63  }
0x101: {  	_ =	swait.ge [sflag:s20], $0x4000  }
0x102: {  	[sflag:s20] =	ssyncset.done $0x0  }
0x103: {  	[sflag:s20] =	ssyncadd.s32 $0xFFFFC000  }
0x104: {  	[spmem:s2] =	stream.indirect.scatter.add.f32 [tilespmem:s13], [sflag:$0x3], $0x80, s30, s17, $0xb8;
	[tilespmem:$0x1C800] =	vst v63  }
0x105: {  	_ =	swait.ge [sflag:s14], $0x4000  }
0x106: {  	[sflag:s14] =	ssyncset.done $0x0  }
0x107: {  	[sflag:s14] =	ssyncadd.s32 $0xFFFFC000  }
0x108: {  	[tilespmem:s13], [sflag:$0x1] =	stream.indirect.gather [hbm4b:s4+s17], $0x80, s31, s17, $0xb8;
	[tilespmem:$0x1C800] =	vst v63  }
0x109: {  	_ =	swait.ge [sflag:s22], $0x4000  }
0x10a: {  	[sflag:s22] =	ssyncset.done $0x0  }
0x10b: {  	[sflag:s22] =	ssyncadd.s32 $0xFFFFC000  }
0x10c: {  	[spmem:s2] =	stream.indirect.scatter.add.f32 [tilespmem:s19], [sflag:$0x3], $0x80, s0, s17, $0xb8;
	[tilespmem:$0x1C800] =	vst v63  }
0x10d: {  	_ =	swait.ge [sflag:s14], $0x4000  }
0x10e: {  	[sflag:s14] =	ssyncset.done $0x0  }
0x10f: {  	[sflag:s14] =	ssyncadd.s32 $0xFFFFC000  }
0x110: {  	[tilespmem:s19], [sflag:$0x2] =	stream.indirect.gather [hbm4b:s4+s17], $0x80, s1, s17, $0xb8;
	[tilespmem:$0x1C800] =	vst v63  }
0x111: {  	_ =	swait.ge [sflag:s20], $0x4000  }
0x112: {  	[sflag:s20] =	ssyncset.done $0x0  }
0x113: {  	[sflag:s20] =	ssyncadd.s32 $0xFFFFC000  }
0x114: {  	[spmem:s2] =	stream.indirect.scatter.add.f32 [tilespmem:s13], [sflag:$0x3], $0x80, s6, s17, $0xb8;
	[tilespmem:$0x1C800] =	vst v63  }
0x115: {  	_ =	swait.ge [sflag:s14], $0x4000  }
0x116: {  	[sflag:s14] =	ssyncset.done $0x0  }
0x117: {  	[sflag:s14] =	ssyncadd.s32 $0xFFFFC000  }
0x118: {  	_ =	swait.ge [sflag:s22], $0x4000  }
0x119: {  	[sflag:s22] =	ssyncset.done $0x0  }
0x11a: {  	[sflag:s22] =	ssyncadd.s32 $0xFFFFC000  }
0x11b: {  	[spmem:s2] =	stream.indirect.scatter.add.f32 [tilespmem:s19], [sflag:$0x3], $0x80, s8, s17, $0xb8;
	[tilespmem:$0x1C800] =	vst v63  }
0x11c: {  	_ =	swait.ge [sflag:s14], $0x4000  }
0x11d: {  	[sflag:s14] =	ssyncset.done $0x0  }
0x11e: {  	s10 =	stileid.u32;
	[sflag:s14] =	ssyncadd.s32 $0xFFFFC000  }
0x11f: {  	s5 =	sshll.u32 s10, $0x6;
	[bflag:$0x0] =	sbarrier.arrive $0xFFFF  }
0x120: {  	s5 =	sor.u32 $0x1C03, s5;
	s9 =	rddreg [dreg:$0x4]  }
.Ltmp5:
0x121: {  	s11 =	rddreg [dreg:$0x5];
	s7 =	sshrl.u32 s9, $0x3;
	(pc) =	sbr.rel .LBB2_7-.Ltmp5, $4  }
0x122: {  	[hbm:s11], [sflag:s5] =	dma.local [spmem:s7], $0x2800  }
0x123: {  	_ =	swait.ge [sflag:s14], $0x2800  }
0x124: {  	[sflag:s14] =	ssyncset.done $0x0;
	s5 =	rddreg [dreg:$0x6]  }
0x125: {  	s7 =	rddreg [dreg:$0xb];
	[sflag:s14] =	ssyncadd.s32 $0xFFFFD800  }
.LBB2_8:
0x126: {  	_ =	sfence.sel $0x180000  }
0x127: {  	[bflag:$0x0] =	sbarrier.arrive $0xFFFF  }
0x128: {  	_ =	strace $0x90000050  }
0x129: {  	s0 =	stileid.u32;
	[bflag:$0x2] =	sbarrier.arrive $0xFFFF  }
0x12a: {  	p0 =	sne.s32 s0, $0x0;
	s0 =	rddreg [dreg:$0x2]  }
0x12b: {  	s0 =	sadd.s32 @!p0 $0x100000, s0  }
0x12c: {  	[sflag:s0] =	ssyncadd.tile.s32 @!p0 $0x1;
	_ =	shalt  }
.Lfunc_end2:
_tile_overlayer_lowered:
.L_overlay_start_2:
0x12d: {  	(tag) =	ssettag $0x2  }
0x12e: {  	s0 =	rddreg [dreg:$0x0];
	s2 =	stileid.u32  }
0x12f: {  	s1 =	rddreg [dreg:$0x1];
	p0 =	sne.s32 s2, $0x0  }
0x130: {  	s3 =	rddreg [dreg:$0x2];
	[bflag:$0x3] =	sbarrier.arrive $0xFFFF;
	s2 =	simm.s32 @!p0 $0x1C03  }
0x131: {  	[timem:s3], [sflag:s2] =	dma.local @!p0 [hbm:s0], s1  }
0x132: {  	s0 =	simm.s32 @!p0 $0x3  }
0x133: {  	_ =	swait.ge @!p0 [sflag:s0], s1  }
0x134: {  	s1 =	ssub.s32 @!p0 $0x0, s1;
	[sflag:s0] =	ssyncset.done @!p0 $0x0  }
0x135: {  	[sflag:s0] =	ssyncadd.s32 @!p0 s1  }
0x136: {  	[bflag:$0x3] =	sbarrier.arrive $0xFFFF  }
0x137: {  	_ =	shalt  }

// kernel: kernel.24.cloned.1.call-start
scs
__scs_entry_jumppad:
0x0: {  	(pc) =	sbr.rel $0x88, $3  }
0x1: {  	(tag) =	ssettag $0x0;
	lr =	simm.s32 $0x1  }
0x2: {  	[smem:$0x3F90] =	sst lr;
	_ =	strace $0xD0000000  }
0x3: {  	_ = 	snop  }
0x4: {  	_ = 	snop  }
0x5: {  	_ = 	snop  }
0x6: {  	_ = 	snop  }
0x7: {  	_ = 	snop  }
__scs_overlays_trampoline_lowered:
0x8: {  	[smem:$0x3F9F] =	sst s0  }
0x9: {  	[smem:$0x3FA0] =	sst s1  }
0xa: {  	[smem:$0x3FA1] =	sst s2  }
0xb: {  	[smem:$0x3FA2] =	sst s3  }
0xc: {  	[smem:$0x3FA3] =	sst s4  }
0xd: {  	[smem:$0x3FA4] =	sst s5  }
0xe: {  	[smem:$0x3FA5] =	sst s6  }
0xf: {  	[smem:$0x3FA6] =	sst s7  }
0x10: {  	[smem:$0x3FA7] =	sst s8  }
0x11: {  	[smem:$0x3FA8] =	sst s9;
	s0 =	simm.s32 @!p0 $0x0  }
0x12: {  	s1 =	sld [smem:$0x3F8E];
	s0 =	simm.s32 @p0 $0x1  }
0x13: {  	[smem:$0x3FA9] =	sst s0;
	s0 =	simm.s32 @!p1 $0x0  }
0x14: {  	s2 =	sld [smem:$0x3F8D];
	s0 =	simm.s32 @p1 $0x1  }
0x15: {  	[smem:$0x3FAA] =	sst s0;
	s0 =	simm.s32 @!p2 $0x0  }
0x16: {  	s3 =	sld [smem:$0x3FDB];
	s0 =	simm.s32 @p2 $0x1  }
0x17: {  	s4 =	simm.s32 $0x1BF5;
	[smem:$0x3FAC] =	sst s0  }
0x18: {  	s0 =	sld [smem:$0x3F8F];
	_ =	swait.ge [sflag:s4], $0x0  }
0x19: {  	s7 =	sld [smem:$0x3F90]  }
0x1a: {  	s8 =	sadd.s32 $0xFFFFE003, lr  }
0x1b: {  	s9 =	sadd.s32 $0xFFFFFEF7, lr;
	s5 =	simm.s32 $0xFFFFFFFF;
	p2 =	slt.u32 s8, $0xFFFFF086  }
0x1c: {  	p1 =	slt.u32 s9, $0xF7A;
	s5 =	simm.s32 @!p2 $0x0  }
0x1d: {  	s5 =	simm.s32 @p1 $0x1;
	p0 =	seq.s32 s7, s2  }
0x1e: {  	s7 =	smul.u32 @!p0 $0xF7A, s2;
	p2 =	seq.s32 @!p0 s5, $0x0  }
0x1f: {  	s9 =	smul.u32 $0xF7A, s1;
	s8 =	simm.s32 @!p0 $0x1BF5;
	p2 =	por !p2, p0  }
0x20: {  	[sflag:s8] =	ssyncset.s32 @!p0 $0xFFFFF086;
	s6 =	sadd.s32 @!p0 s3, s7;
	s7 =	simm.s32 @!p0 $0x108  }
0x21: {  	s3 =	sadd.s32 s3, s9;
	s6 =	sadd.s32 @!p0 $0x88, s6;
	s7 =	simm.s32 @p2 $0x1082  }
0x22: {  	[simem:s7], [sflag:s8] =	dma.local @!p0 [hbm:s6], $0xF7A  }
0x23: {  	s9 =	sor.u32 $0xD0000000, s2;
	s6 =	simm.s32 $0x108;
	_ =	swait.ge @!p0 [sflag:s8], $0x0  }
0x24: {  	s3 =	sadd.s32 $0x88, s3;
	s6 =	simm.s32 @!p1 $0x1082;
	[sflag:s4] =	ssyncset.s32 $0xFFFFF086  }
0x25: {  	[simem:s6], [sflag:s4] =	dma.local [hbm:s3], $0xF7A  }
0x26: {  	[smem:$0x3F90] =	sst s1;
	(tag) =	ssettag s2;
	_ =	strace s9  }
0x27: {  	s1 =	sld [smem:$0x3FA0]  }
0x28: {  	s2 =	sld [smem:$0x3FA1]  }
0x29: {  	s4 =	sld [smem:$0x3FA3]  }
0x2a: {  	p0 =	seq.s32 s5, $0x0;
	s5 =	sld [smem:$0x3FA4]  }
0x2b: {  	s6 =	sld [smem:$0x3FA5]  }
0x2c: {  	s7 =	sld [smem:$0x3FA6]  }
0x2d: {  	s3 =	simm.s32 $0x108;
	s8 =	sld [smem:$0x3FA7]  }
0x2e: {  	s3 =	simm.s32 @!p0 $0x1082;
	s9 =	sld [smem:$0x3FA8]  }
0x2f: {  	lr =	sadd.s32 s0, s3;
	s0 =	sld [smem:$0x3F9F]  }
0x30: {  	s3 =	sld [smem:$0x3FA2]  }
0x31: {  	[smem:$0x3FAB] =	sst s10  }
0x32: {  	s10 =	sld [smem:$0x3FA9];
	_ =	sdelay $0x3  }
0x33: {  	p0 =	seq.s32 s10, $0x1;
	s10 =	sld [smem:$0x3FAB];
	_ =	sdelay $0x3  }
0x34: {  	[smem:$0x3FAB] =	sst s10  }
0x35: {  	s10 =	sld [smem:$0x3FAA];
	_ =	sdelay $0x3  }
0x36: {  	p1 =	seq.s32 s10, $0x1;
	s10 =	sld [smem:$0x3FAB];
	_ =	sdelay $0x3  }
0x37: {  	[smem:$0x3FAB] =	sst s10  }
0x38: {  	s10 =	sld [smem:$0x3FAC]  }
0x39: {  	_ = 	snop;
	(pc) =	sbr.ind lr, $3  }
0x3a: {  	_ = 	snop  }
0x3b: {  	_ = 	snop  }
0x3c: {  	p2 =	seq.s32 s10, $0x1;
	s10 =	sld [smem:$0x3FAB]  }
0x3d: {  	_ =	shalt  }
0x3e: {  	_ =	shalt  }
0x3f: {  	_ =	shalt  }
0x40: {  	_ =	shalt  }
0x41: {  	_ =	shalt  }
0x42: {  	_ =	shalt  }
0x43: {  	_ =	shalt  }
0x44: {  	_ =	shalt  }
0x45: {  	_ =	shalt  }
0x46: {  	_ =	shalt  }
0x47: {  	_ =	shalt  }
0x48: {  	_ =	shalt  }
0x49: {  	_ =	shalt  }
0x4a: {  	_ =	shalt  }
0x4b: {  	_ =	shalt  }
0x4c: {  	_ =	shalt  }
0x4d: {  	_ =	shalt  }
0x4e: {  	_ =	shalt  }
0x4f: {  	_ =	shalt  }
0x50: {  	_ =	shalt  }
0x51: {  	_ =	shalt  }
0x52: {  	_ =	shalt  }
0x53: {  	_ =	shalt  }
0x54: {  	_ =	shalt  }
0x55: {  	_ =	shalt  }
0x56: {  	_ =	shalt  }
0x57: {  	_ =	shalt  }
0x58: {  	_ =	shalt  }
0x59: {  	_ =	shalt  }
0x5a: {  	_ =	shalt  }
0x5b: {  	_ =	shalt  }
0x5c: {  	_ =	shalt  }
0x5d: {  	_ =	shalt  }
0x5e: {  	_ =	shalt  }
0x5f: {  	_ =	shalt  }
0x60: {  	_ =	shalt  }
0x61: {  	_ =	shalt  }
0x62: {  	_ =	shalt  }
0x63: {  	_ =	shalt  }
0x64: {  	_ =	shalt  }
0x65: {  	_ =	shalt  }
0x66: {  	_ =	shalt  }
0x67: {  	_ =	shalt  }
0x68: {  	_ =	shalt  }
0x69: {  	_ =	shalt  }
0x6a: {  	_ =	shalt  }
0x6b: {  	_ =	shalt  }
0x6c: {  	_ =	shalt  }
0x6d: {  	_ =	shalt  }
0x6e: {  	_ =	shalt  }
0x6f: {  	_ =	shalt  }
0x70: {  	_ =	shalt  }
0x71: {  	_ =	shalt  }
0x72: {  	_ =	shalt  }
0x73: {  	_ =	shalt  }
0x74: {  	_ =	shalt  }
0x75: {  	_ =	shalt  }
0x76: {  	_ =	shalt  }
0x77: {  	_ =	shalt  }
0x78: {  	_ =	shalt  }
0x79: {  	_ =	shalt  }
0x7a: {  	_ =	shalt  }
0x7b: {  	_ =	shalt  }
0x7c: {  	_ =	shalt  }
0x7d: {  	_ =	shalt  }
0x7e: {  	_ =	shalt  }
0x7f: {  	_ =	shalt  }
0x80: {  	_ =	shalt  }
0x81: {  	_ =	shalt  }
0x82: {  	_ =	shalt  }
0x83: {  	_ =	shalt  }
0x84: {  	_ =	shalt  }
0x85: {  	_ =	shalt  }
0x86: {  	_ =	shalt  }
0x87: {  	_ =	shalt  }
.Lfunc_end0:
.L_simem_size_0:
called_computation.4_lowered:
.L_overlay_start_0:
0x88: {  	s2 =	sld [smem:$0x3FD9]  }
0x89: {  	s3 =	sld [smem:$0x3FFE];
	_ =	sdelay $0x1  }
0x8a: {  	s1 =	srdreg.scid  }
0x8b: {  	s0 =	sand.u32 $0x1, s1  }
0x8c: {  	s17 =	sshll.u32 s0, $0xA;
	s2 =	sadd.s32 s3, s2  }
0x8d: {  	s2 =	sadd.s32 s2, s17  }
0x8e: {  	[smem:$0x3FB7] =	sst s2  }
0x8f: {  	_ = 	snop  }
0x90: {  	s2 =	sld [smem:$0x3FD0];
	(tm) =	ssettm $0x1  }
0x91: {  	s18 =	sld [smem:$0x3FFB];
	_ =	sdelay $0x3  }
0x92: {  	_ =	strace s18  }
0x93: {  	s3 =	sld [smem:$0x3FFC];
	_ =	sdelay $0x3  }
0x94: {  	_ =	strace s3  }
0x95: {  	s3 =	sld [smem:$0x3FFD];
	_ =	sdelay $0x3  }
0x96: {  	_ =	strace s3  }
0x97: {  	_ =	strace $0x8FFFFFFF  }
0x98: {  	s19 =	sld [smem:$0x3FDB];
	_ =	sdelay $0x1  }
0x99: {  	s4 =	simm.s32 $_scs_section_size  }
0x9a: {  	s5 =	simm.s32 $_size__tile_overlayer_lowered;
	s6 =	simm.s32 $_tile_overlayer_lowered  }
0x9b: {  	s22 =	simm.s32 $0x1BFF;
	s21 =	sshll.u32 s6, $0x1;
	s3 =	sadd.s32 s4, s19  }
0x9c: {  	s7 =	simm.s32 $0x0;
	s20 =	sshll.u32 s5, $0x1;
	s5 =	sadd.s32 s21, s3  }
0x9d: {  	[timem:s7], [sflag:s22] =	dma.local [hbm:s5], s20  }
0x9e: {  	_ =	swait.ge [sflag:s22], s20  }
0x9f: {  	s4 =	ssub.s32 $0x0, s20;
	[sflag:s22] =	ssyncset.done $0x0  }
0xa0: {  	[sflag:s22] =	ssyncadd.s32 s4;
	_ =	sdelay $0x1  }
0xa1: {  	s23 =	simm.s32 $0x1B8B  }
0xa2: {  	_ =	swait.ge [sflag:s23], $0x1  }
0xa3: {  	[sflag:s23] =	ssyncset.done $0x0  }
0xa4: {  	s25 =	simm.s32 $0x1B8E;
	s24 =	sld [smem:$0x3FFE];
	[sflag:s23] =	ssyncadd.s32 $0xFFFFFFFF  }
0xa5: {  	s26 =	simm.s32 $execute0_lowered;
	[smem:$0x3FD2] =	sst s25  }
0xa6: {  	s5 =	sshll.u32 s26, $0x1;
	_ =	strace $0x80000052;
	[dreg:$0x1] =	wrdreg $0xFFFFFFFF  }
0xa7: {  	s28 =	simm.s32 $_size_execute0_lowered;
	s3 =	sadd.s32 s3, s5;
	[dreg:$0x0] =	wrdreg $0x0  }
0xa8: {  	s5 =	sshll.u32 s28, $0x1;
	[dreg:$0x2] =	wrdreg s3  }
0xa9: {  	[dreg:$0x3] =	wrdreg s5  }
0xaa: {  	[dreg:$0x4] =	wrdreg $0xC0  }
0xab: {  	_ =	task [dreg:s7], $0x5FFFF  }
0xac: {  	[dreg:$0x1] =	wrdreg $0xFFFFFFFF  }
0xad: {  	[dreg:$0x0] =	wrdreg $0x60  }
0xae: {  	[dreg:$0x2] =	wrdreg s24  }
0xaf: {  	[dreg:$0x3] =	wrdreg s2  }
0xb0: {  	[dreg:$0x4] =	wrdreg $0x0  }
0xb1: {  	[dreg:$0x5] =	wrdreg $0x9  }
0xb2: {  	_ =	task.clear_ibuf [dreg:s7], $0x6FFFF;
	_ =	strace $0x90000052  }
0xb3: {  	s29 =	simm.s32 $0x9;
	_ =	strace $0x80000054  }
0xb4: {  	_ =	swait.ge [sflag:s29], $0x1  }
0xb5: {  	[sflag:s29] =	ssyncadd.s32 $0xFFFFFFFF  }
0xb6: {  	_ =	strace $0x90000054  }
0xb7: {  	_ =	sfence  }
0xb8: {  	s30 =	sld [smem:$0x0];
	_ =	sdelay $0x2  }
0xb9: {  	s31 =	sshll.u32 s1, $0xD;
	s1 =	sshrl.u32 s1, $0x2  }
0xba: {  	s3 =	sand.u32 $0x4000, s31;
	s1 =	sadd.s32 s1, s30  }
0xbb: {  	s0 =	sor.u32 s3, s0;
	s1 =	sshll.u32 s1, $0x11  }
0xbc: {  	s0 =	sor.u32 s1, s0  }
0xbd: {  	s0 =	sadd.s32 $0x8F2B, s0  }
0xbe: {  	[sflag:s0] =	ssyncadd.remote.s32 $0x1  }
0xbf: {  	_ =	sfence.sel $0xFFFF  }
0xc0: {  	[dreg:$0x0] =	wrdreg $0xFFFFFFFF;
	(pc) =	sbr.abs _section_cstart, $3  }
0xc1: {  	[dreg:$0x1] =	wrdreg $0xFFFFFFFF  }
0xc2: {  	_ =	task.clear_ibuf [dreg:s7], $0x2FFFF;
	_ =	strace $0x9FFFFFFF  }
0xc3: {  	(tm) =	ssettm $0x7FFFFFFF  }
tec
execute0_lowered:
.L_overlay_start_1:
0x0: {  	(tag) =	ssettag $0x1  }
0x1: {  	s4 =	rddreg [dreg:$0x0]  }
0x2: {  	s5 =	rddreg [dreg:$0x1]  }
0x3: {  	s2 =	rddreg [dreg:$0x2]  }
0x4: {  	s0 =	rddreg [dreg:$0x3];
	s3 =	simm.s32 $0x0;
	s1 =	stileid.u32  }
0x5: {  	s7 =	srdreg.scid;
	s11 =	simm.s32 $0x16000;
	s12 =	simm.s32 $0x2000  }
0x6: {  	s13 =	simm.s32 $0x80;
	s14 =	simm.s32 $0x16080;
	s15 =	simm.s32 $0x6000  }
0x7: {  	s16 =	simm.s32 $0x16100;
	s17 =	simm.s32 $0xA000;
	s18 =	simm.s32 $0x16180  }
0x8: {  	s19 =	simm.s32 $0xE000;
	s20 =	simm.s32 $0x16200;
	s21 =	simm.s32 $0x12000  }
0x9: {  	s23 =	simm.s32 $0x0;
	[smem:$0x7FF] =	sst s3;
	s6 =	smul.u32 $0x2800, s1  }
0xa: {  	s9 =	sand.u32 $0x1, s7;
	s29 =	sshll.u32 s1, $0xA;
	s10 =	sshll.u32 s1, $0xD  }
0xb: {  	s31 =	sshll.u32 s1, $0x7;
	s22 =	sshll.u32 s1, $0x6;
	_ =	strace $0x80000053  }
.Ltmp0:
0xc: {  	s8 =	ssub.s32 $0x2, s9;
	s7 =	sadd.s32 s29, s4;
	(pc) =	sbr.rel .LBB2_1-.Ltmp0, $4  }
0xd: {  	s5 =	sadd.s32 s5, s31;
	p0 =	sne.s32 s9, $0x0;
	s9 =	simm.s32 $0x16400  }
0xe: {  	s22 =	sor.u32 $0x1C01, s22;
	s6 =	sadd.s32 s6, s4;
	s30 =	sshrl.u32 s8, $0x1  }
0xf: {  	s4 =	sadd.s32 s10, s2;
	s7 =	sadd.s32 $0x2D000, s7;
	s8 =	ssub.s32 s8, s30  }
0x10: {  	v0 =	vimm.f32 $0.0e+00;
	s10 =	simm.s32 $0x1;
	s6 =	sadd.s32 $0x5000, s6;
	s8 =	smax.u32 s8, $0x1  }
.LBB2_5:
0x11: {  	[bflag:$0x0] =	sbarrier.arrive $0xFFFF  }
0x12: {  	[bflag:$0x0] =	sbarrier.arrive $0xFFFF  }
.LBB2_6:
0x13: {  	s23 =	sadd.s32 $0x1, s23  }
0x14: {  	p1 =	sne.s32 s23, s8  }
.Ltmp1:
0x15: {  	_ = 	snop;
	(pc) =	sbr.rel @!p1 .LBB2_7-.Ltmp1, $1  }
0x16: {  	_ =	sdelay $0x3  }
.LBB2_1:
.Ltmp2:
0x17: {  	(pc) =	sbr.rel @p0 .LBB2_5-.Ltmp2, $1  }
0x18: {  	_ =	sdelay $0x3  }
0x19: {  	s24 =	sshra.s32 s3, $0x2;
	s25 =	sadd.s32 $0x200, s3  }
.LBB2_3:
0x1a: {  	p1 =	sne.s32 s25, $0x7E00;
	[tilespmem:s24+$0x16470] =	vst v0  }
0x1b: {  	[tilespmem:s24+$0x16400] =	vst v0  }
0x1c: {  	[tilespmem:s24+$0x16410] =	vst v0  }
.Ltmp3:
0x1d: {  	[tilespmem:s24+$0x16420] =	vst v0;
	(pc) =	sbr.rel @p1 .LBB2_3-.Ltmp3, $4  }
0x1e: {  	[tilespmem:s24+$0x16430] =	vst v0  }
0x1f: {  	[tilespmem:s24+$0x16440] =	vst v0  }
0x20: {  	[tilespmem:s24+$0x16450] =	vst v0  }
0x21: {  	[tilespmem:s24+$0x16460] =	vst v0;
	s24 =	sshra.s32 s25, $0x2;
	s25 =	sadd.s32 $0x200, s25  }
0x22: {  	[tilespmem:s24+$0x16470] =	vst v0  }
0x23: {  	[tilespmem:s24+$0x16400] =	vst v0  }
0x24: {  	[tilespmem:s24+$0x16410] =	vst v0  }
0x25: {  	[tilespmem:s24+$0x16420] =	vst v0  }
0x26: {  	[tilespmem:s24+$0x16430] =	vst v0  }
0x27: {  	[tilespmem:s24+$0x16440] =	vst v0  }
0x28: {  	[tilespmem:s24+$0x16450] =	vst v0  }
0x29: {  	[tilespmem:s24+$0x16460] =	vst v0  }
0x2a: {  	[spmem:s4] =	stream.linear.scatter [tilespmem:s9], [sflag:$0x1], $0x2000, $0x38;
	[tilespmem:$0x18400] =	vst v63  }
0x2b: {  	_ =	swait.ge [sflag:s10], $0x2000  }
0x2c: {  	[sflag:s10] =	ssyncset.done $0x0  }
0x2d: {  	[sflag:s10] =	ssyncadd.s32 $0xFFFFE000  }
0x2e: {  	[tilespmem:s11], [sflag:$0x1] =	stream.linear.gather [hbm4b:s5+s3], $0x280, $0x38;
	[tilespmem:$0x18400] =	vst v63  }
0x2f: {  	_ =	swait.ge [sflag:s10], $0x280  }
0x30: {  	[sflag:s10] =	ssyncset.done $0x0  }
0x31: {  	[sflag:s10] =	ssyncadd.s32 $0xFFFFFD80  }
0x32: {  	[tilespmem:s12], [sflag:$0x1] =	stream.linear.gather [hbm4b:s6+s3], $0x14000, $0x38;
	[tilespmem:$0x18400] =	vst v63  }
0x33: {  	_ =	swait.ge [sflag:s10], $0x14000  }
0x34: {  	[sflag:s10] =	ssyncset.done $0x0  }
0x35: {  	[sflag:s10] =	ssyncadd.s32 $0xFFFEC000  }
0x36: {  	[bflag:$0x0] =	sbarrier.arrive $0xFFFF  }
0x37: {  	[spmem:s2] =	stream.indirect.scatter.add.f32 [tilespmem:s12], [sflag:$0x1], $0x80, s11, s13, $0xb8;
	[tilespmem:$0x18400] =	vst v63  }
0x38: {  	_ =	swait.ge [sflag:s10], $0x4000  }
0x39: {  	[sflag:s10] =	ssyncset.done $0x0  }
0x3a: {  	[sflag:s10] =	ssyncadd.s32 $0xFFFFC000  }
0x3b: {  	[spmem:s2] =	stream.indirect.scatter.add.f32 [tilespmem:s15], [sflag:$0x1], $0x80, s14, s13, $0xb8;
	[tilespmem:$0x18400] =	vst v63  }
0x3c: {  	_ =	swait.ge [sflag:s10], $0x4000  }
0x3d: {  	[sflag:s10] =	ssyncset.done $0x0  }
0x3e: {  	[sflag:s10] =	ssyncadd.s32 $0xFFFFC000  }
0x3f: {  	[spmem:s2] =	stream.indirect.scatter.add.f32 [tilespmem:s17], [sflag:$0x1], $0x80, s16, s13, $0xb8;
	[tilespmem:$0x18400] =	vst v63  }
0x40: {  	_ =	swait.ge [sflag:s10], $0x4000  }
0x41: {  	[sflag:s10] =	ssyncset.done $0x0  }
0x42: {  	[sflag:s10] =	ssyncadd.s32 $0xFFFFC000  }
0x43: {  	[spmem:s2] =	stream.indirect.scatter.add.f32 [tilespmem:s19], [sflag:$0x1], $0x80, s18, s13, $0xb8;
	[tilespmem:$0x18400] =	vst v63  }
0x44: {  	_ =	swait.ge [sflag:s10], $0x4000  }
0x45: {  	[sflag:s10] =	ssyncset.done $0x0  }
0x46: {  	[sflag:s10] =	ssyncadd.s32 $0xFFFFC000  }
0x47: {  	[spmem:s2] =	stream.indirect.scatter.add.f32 [tilespmem:s21], [sflag:$0x1], $0x80, s20, s13, $0xb8;
	[tilespmem:$0x18400] =	vst v63  }
0x48: {  	_ =	swait.ge [sflag:s10], $0x4000  }
0x49: {  	[sflag:s10] =	ssyncset.done $0x0  }
0x4a: {  	[sflag:s10] =	ssyncadd.s32 $0xFFFFC000  }
.Ltmp4:
0x4b: {  	s31 =	sshrl.u32 s4, $0x3;
	[bflag:$0x0] =	sbarrier.arrive $0xFFFF;
	(pc) =	sbr.rel .LBB2_6-.Ltmp4, $4  }
0x4c: {  	[hbm:s7], [sflag:s22] =	dma.local [spmem:s31], $0x400  }
0x4d: {  	_ =	swait.ge [sflag:s10], $0x400  }
0x4e: {  	[sflag:s10] =	ssyncset.done $0x0  }
0x4f: {  	[sflag:s10] =	ssyncadd.s32 $0xFFFFFC00  }
.LBB2_7:
0x50: {  	_ =	sfence.sel $0x180000  }
0x51: {  	[bflag:$0x0] =	sbarrier.arrive $0xFFFF  }
0x52: {  	p0 =	sne.s32 s1, $0x0;
	_ =	strace $0x90000053  }
0x53: {  	s0 =	sadd.s32 @!p0 $0x100000, s0;
	[bflag:$0x2] =	sbarrier.arrive $0xFFFF  }
0x54: {  	[sflag:s0] =	ssyncadd.tile.s32 @!p0 $0x1;
	_ =	shalt  }
.Lfunc_end2:
_tile_overlayer_lowered:
.L_overlay_start_2:
0x55: {  	(tag) =	ssettag $0x2  }
0x56: {  	s0 =	rddreg [dreg:$0x0];
	s2 =	stileid.u32  }
0x57: {  	s1 =	rddreg [dreg:$0x1];
	p0 =	sne.s32 s2, $0x0  }
0x58: {  	s3 =	rddreg [dreg:$0x2];
	[bflag:$0x3] =	sbarrier.arrive $0xFFFF;
	s2 =	simm.s32 @!p0 $0x1C01  }
0x59: {  	[timem:s3], [sflag:s2] =	dma.local @!p0 [hbm:s0], s1  }
0x5a: {  	s0 =	simm.s32 @!p0 $0x1  }
0x5b: {  	_ =	swait.ge @!p0 [sflag:s0], s1  }
0x5c: {  	s1 =	ssub.s32 @!p0 $0x0, s1;
	[sflag:s0] =	ssyncset.done @!p0 $0x0  }
0x5d: {  	[sflag:s0] =	ssyncadd.s32 @!p0 s1  }
0x5e: {  	[bflag:$0x3] =	sbarrier.arrive $0xFFFF  }
0x5f: {  	_ =	shalt  }

</sc_bundles>
